<compile_context>
chip_gen: v7x
topology: tpu7x:2x2x1
jax: 0.10.2.dev20260603
libtpu: 0.0.44.dev20260713+nightly
codegen_flags: <defaults>
</compile_context>

<pallas_src>
import functools

import jax
import jax.numpy as jnp
from jax import lax
from jax.experimental import pallas as pl
from jax.experimental.pallas import tpu as pltpu
from jax.experimental.pallas import tpu_sc as plsc


def _sc_pos_encode(row_embed, col_embed, batch, h, w, nf):
    info = plsc.get_sparse_core_info()
    nc, ns = info.num_cores, info.num_subcores
    nw = nc * ns
    nt = -(-h // nw)
    c2 = 2 * nf
    dt = row_embed.dtype
    mesh = plsc.VectorSubcoreMesh(core_axis_name="c", subcore_axis_name="s")

    @functools.partial(
        pl.kernel,
        mesh=mesh,
        out_type=jax.ShapeDtypeStruct((batch, h, w, c2), dt),
        scratch_types=[
            pltpu.VMEM((2, w, c2), dt),
            pltpu.VMEM((1, nf), dt),
            pltpu.SemaphoreType.DMA((2,)),
        ],
    )
    def k(row_hbm, col_hbm, out_hbm, slab, rowbuf, sem):
        wid = lax.axis_index("s") * nc + lax.axis_index("c")
        for s in range(2):
            pltpu.sync_copy(col_hbm, slab.at[s, :, pl.ds(0, nf)])
        for t in range(nt):
            y = wid + t * nw
            s = t % 2

            @pl.when(y < h)
            def _(y=y, s=s):
                pltpu.sync_copy(row_hbm.at[pl.ds(y, 1), :], rowbuf)
                vecs = [rowbuf.at[0][pl.ds(16 * i, 16)] for i in range(nf // 16)]

                def body(x, carry):
                    r = slab.at[s, x]
                    for i in range(nf // 16):
                        r[pl.ds(nf + 16 * i, 16)] = vecs[i]
                    return carry

                lax.fori_loop(0, w, body, 0)
                cps = [
                    pltpu.async_copy(slab.at[s], out_hbm.at[b, y], sem.at[s])
                    for b in range(batch)
                ]
                for c in cps:
                    c.wait()

    return k(row_embed, col_embed)


def kernel(mask, row_embed, col_embed):
    batch = mask.shape[0]
    h, w = mask.shape[-2], mask.shape[-1]
    nf = row_embed.shape[1]
    p = _sc_pos_encode(row_embed, col_embed, batch, h, w, nf)
    return jnp.transpose(p, (0, 3, 1, 2))

# --- scband reference (transcript-rebuilt; emitter-appended) ---
"""Pipeline reference for scband-learned-positional-encoding-46273977647966 (READ-ONLY COPY).

The authoritative reference and input builder live on the scoring server;
editing this copy changes nothing except your own understanding.
"""

import jax, jax.numpy as jnp
import numpy as np


def setup_inputs(seed: int = 0) -> dict:
    key = jax.random.key(seed)
    k1, k2 = jax.random.split(key)
    mask = jnp.zeros((8, 200, 200), dtype=bool)
    row_embed = jax.random.uniform(k1, (200, 128), minval=-0.1, maxval=0.1, dtype=jnp.float32)
    col_embed = jax.random.uniform(k2, (200, 128), minval=-0.1, maxval=0.1, dtype=jnp.float32)
    return {"mask": mask, "row_embed": row_embed, "col_embed": col_embed}


def reference(mask, row_embed, col_embed):
    # Faithful translation of LearnedPositionalEncoding.forward
    batch_size = mask.shape[0]
    h, w = mask.shape[-2], mask.shape[-1]
    num_feats = row_embed.shape[1]
    y_pos = jnp.arange(h, dtype=jnp.int32)
    x_pos = jnp.arange(w, dtype=jnp.int32)
    y_embed = jnp.take(row_embed, y_pos, axis=0)  # (h, num_feats)
    x_embed = jnp.take(col_embed, x_pos, axis=0)  # (w, num_feats)
    xe = jnp.broadcast_to(x_embed[None, :, :], (h, w, num_feats))
    ye = jnp.broadcast_to(y_embed[:, None, :], (h, w, num_feats))
    pos_embed = jnp.concatenate([xe, ye], axis=-1)  # (h, w, 2*num_feats)
    pos_embed = jnp.transpose(pos_embed, (2, 0, 1))  # (2*num_feats, h, w)
    pos_embed = jnp.broadcast_to(pos_embed[None, :, :, :], (batch_size, 2 * num_feats, h, w))
    return pos_embed

if __name__ == "__main__":
    import jax
    _d = setup_inputs()
    print(jax.jit(kernel)(*tuple(_d.values())))

</pallas_src>

<mosaic_0001>
#map = affine_map<(d0, d1) -> (0, 0)>
#map1 = affine_map<(d0, d1) -> (0, 0, 0, 0)>
module attributes {stable_mosaic.version = 14 : i64} {
  func.func @k(%arg0: i32, %arg1: i32, %arg2: memref<200x128xf32, #tpu.memory_space<hbm>>, %arg3: memref<200x128xf32, #tpu.memory_space<hbm>>, %arg4: memref<8x200x200x256xf32, #tpu.memory_space<hbm>>, %arg5: memref<2x200x256xf32, #tpu.memory_space<vmem>>, %arg6: memref<1x128xf32, #tpu.memory_space<vmem>>, %arg7: memref<2x!tpu.dma_semaphore, #tpu.memory_space<semaphore_mem>>) attributes {dimension_semantics = [#tpu.dimension_semantics<core_parallel>, #tpu.dimension_semantics<subcore_parallel>], iteration_bounds = array<i64: 2, 16>, scalar_prefetch = 0 : i64, scratch_operands = 3 : i64, tpu.core_type = #tpu.core_type<sc_vector_subcore>, window_params = [{transform_indices = #map}, {transform_indices = #map}, {transform_indices = #map1}]} {
    %mul3A = arith.constant 2 : i32
    %mul3A_0 = arith.muli %arg1, %mul3A : i32
    %add3A = arith.addi %mul3A_0, %arg0 : i32
    %run_scoped3A = arith.constant 0 : i32
    "tpu.region"() ({
      %run_scoped3A_48 = tpu.sem_alloc : memref<!tpu.dma_semaphore, #tpu.memory_space<semaphore_mem>>
      %dma_start3A = arith.constant 0 : i32
      %dma_start3A_49 = arith.constant 0 : i32
      %dma_start3A_50 = tpu.memref_slice %arg5[%run_scoped3A, %dma_start3A, %dma_start3A_49] : memref<2x200x256xf32, #tpu.memory_space<vmem>> -> memref<1x200x128xf32, #tpu.memory_space<vmem>>
      %dma_start3A_51 = tpu.memref_squeeze %dma_start3A_50 : memref<1x200x128xf32, #tpu.memory_space<vmem>> -> memref<200x128xf32, #tpu.memory_space<vmem>>
      %dma_start3A_52 = arith.constant 0 : i32
      %dma_start3A_53 = arith.constant 0 : i32
      %dma_start3A_54 = tpu.memref_slice %arg5[%run_scoped3A, %dma_start3A_52, %dma_start3A_53] : memref<2x200x256xf32, #tpu.memory_space<vmem>> -> memref<1x200x128xf32, #tpu.memory_space<vmem>>
      %dma_start3A_55 = tpu.memref_squeeze %dma_start3A_54 : memref<1x200x128xf32, #tpu.memory_space<vmem>> -> memref<200x128xf32, #tpu.memory_space<vmem>>
      tpu.enqueue_dma source(%arg3 : memref<200x128xf32, #tpu.memory_space<hbm>>) target(%dma_start3A_55 : memref<200x128xf32, #tpu.memory_space<vmem>>) target_semaphore(%run_scoped3A_48 : memref<!tpu.dma_semaphore, #tpu.memory_space<semaphore_mem>>)
      %dma_wait3A = arith.constant 0 : i32
      %dma_wait3A_56 = arith.constant 0 : i32
      %dma_wait3A_57 = tpu.memref_slice %arg5[%run_scoped3A, %dma_wait3A, %dma_wait3A_56] : memref<2x200x256xf32, #tpu.memory_space<vmem>> -> memref<1x200x128xf32, #tpu.memory_space<vmem>>
      %dma_wait3A_58 = tpu.memref_squeeze %dma_wait3A_57 : memref<1x200x128xf32, #tpu.memory_space<vmem>> -> memref<200x128xf32, #tpu.memory_space<vmem>>
      %dma_wait3A_59 = arith.constant 0 : i32
      %dma_wait3A_60 = arith.constant 0 : i32
      %dma_wait3A_61 = tpu.memref_slice %arg5[%run_scoped3A, %dma_wait3A_59, %dma_wait3A_60] : memref<2x200x256xf32, #tpu.memory_space<vmem>> -> memref<1x200x128xf32, #tpu.memory_space<vmem>>
      %dma_wait3A_62 = tpu.memref_squeeze %dma_wait3A_61 : memref<1x200x128xf32, #tpu.memory_space<vmem>> -> memref<200x128xf32, #tpu.memory_space<vmem>>
      tpu.wait_dma2 semaphore(%run_scoped3A_48 : memref<!tpu.dma_semaphore, #tpu.memory_space<semaphore_mem>>) src(%arg3 : memref<200x128xf32, #tpu.memory_space<hbm>>) dst(%dma_wait3A_62 : memref<200x128xf32, #tpu.memory_space<vmem>>)
      tpu.yield
    }) : () -> ()
    %run_scoped3A_1 = arith.constant 1 : i32
    "tpu.region"() ({
      %run_scoped3A_48 = tpu.sem_alloc : memref<!tpu.dma_semaphore, #tpu.memory_space<semaphore_mem>>
      %dma_start3A = arith.constant 0 : i32
      %dma_start3A_49 = arith.constant 0 : i32
      %dma_start3A_50 = tpu.memref_slice %arg5[%run_scoped3A_1, %dma_start3A, %dma_start3A_49] : memref<2x200x256xf32, #tpu.memory_space<vmem>> -> memref<1x200x128xf32, #tpu.memory_space<vmem>>
      %dma_start3A_51 = tpu.memref_squeeze %dma_start3A_50 : memref<1x200x128xf32, #tpu.memory_space<vmem>> -> memref<200x128xf32, #tpu.memory_space<vmem>>
      %dma_start3A_52 = arith.constant 0 : i32
      %dma_start3A_53 = arith.constant 0 : i32
      %dma_start3A_54 = tpu.memref_slice %arg5[%run_scoped3A_1, %dma_start3A_52, %dma_start3A_53] : memref<2x200x256xf32, #tpu.memory_space<vmem>> -> memref<1x200x128xf32, #tpu.memory_space<vmem>>
      %dma_start3A_55 = tpu.memref_squeeze %dma_start3A_54 : memref<1x200x128xf32, #tpu.memory_space<vmem>> -> memref<200x128xf32, #tpu.memory_space<vmem>>
      tpu.enqueue_dma source(%arg3 : memref<200x128xf32, #tpu.memory_space<hbm>>) target(%dma_start3A_55 : memref<200x128xf32, #tpu.memory_space<vmem>>) target_semaphore(%run_scoped3A_48 : memref<!tpu.dma_semaphore, #tpu.memory_space<semaphore_mem>>)
      %dma_wait3A = arith.constant 0 : i32
      %dma_wait3A_56 = arith.constant 0 : i32
      %dma_wait3A_57 = tpu.memref_slice %arg5[%run_scoped3A_1, %dma_wait3A, %dma_wait3A_56] : memref<2x200x256xf32, #tpu.memory_space<vmem>> -> memref<1x200x128xf32, #tpu.memory_space<vmem>>
      %dma_wait3A_58 = tpu.memref_squeeze %dma_wait3A_57 : memref<1x200x128xf32, #tpu.memory_space<vmem>> -> memref<200x128xf32, #tpu.memory_space<vmem>>
      %dma_wait3A_59 = arith.constant 0 : i32
      %dma_wait3A_60 = arith.constant 0 : i32
      %dma_wait3A_61 = tpu.memref_slice %arg5[%run_scoped3A_1, %dma_wait3A_59, %dma_wait3A_60] : memref<2x200x256xf32, #tpu.memory_space<vmem>> -> memref<1x200x128xf32, #tpu.memory_space<vmem>>
      %dma_wait3A_62 = tpu.memref_squeeze %dma_wait3A_61 : memref<1x200x128xf32, #tpu.memory_space<vmem>> -> memref<200x128xf32, #tpu.memory_space<vmem>>
      tpu.wait_dma2 semaphore(%run_scoped3A_48 : memref<!tpu.dma_semaphore, #tpu.memory_space<semaphore_mem>>) src(%arg3 : memref<200x128xf32, #tpu.memory_space<hbm>>) dst(%dma_wait3A_62 : memref<200x128xf32, #tpu.memory_space<vmem>>)
      tpu.yield
    }) : () -> ()
    %add3A_2 = arith.constant 0 : i32
    %add3A_3 = arith.addi %add3A, %add3A_2 : i32
    %lt3A = arith.constant 200 : i32
    %lt3A_4 = arith.cmpi slt, %add3A_3, %lt3A : i32
    %convert_element_type3A = arith.extui %lt3A_4 : i1 to i32
    %cond3A = arith.constant 0 : i32
    %cond3A_5 = arith.cmpi ne, %convert_element_type3A, %cond3A : i32
    scf.if %cond3A_5 {
      "tpu.region"() ({
        %run_scoped3A_442 = tpu.sem_alloc : memref<!tpu.dma_semaphore, #tpu.memory_space<semaphore_mem>>
        %dma_start3A_443 = arith.constant 0 : i32
        %dma_start3A_444 = tpu.memref_slice %arg2[%add3A_3, %dma_start3A_443] : memref<200x128xf32, #tpu.memory_space<hbm>> -> memref<1x128xf32, #tpu.memory_space<hbm>>
        %dma_start3A_445 = arith.constant 0 : i32
        %dma_start3A_446 = tpu.memref_slice %arg2[%add3A_3, %dma_start3A_445] : memref<200x128xf32, #tpu.memory_space<hbm>> -> memref<1x128xf32, #tpu.memory_space<hbm>>
        tpu.enqueue_dma source(%dma_start3A_446 : memref<1x128xf32, #tpu.memory_space<hbm>>) target(%arg6 : memref<1x128xf32, #tpu.memory_space<vmem>>) target_semaphore(%run_scoped3A_442 : memref<!tpu.dma_semaphore, #tpu.memory_space<semaphore_mem>>)
        %dma_wait3A_447 = arith.constant 0 : i32
        %dma_wait3A_448 = tpu.memref_slice %arg2[%add3A_3, %dma_wait3A_447] : memref<200x128xf32, #tpu.memory_space<hbm>> -> memref<1x128xf32, #tpu.memory_space<hbm>>
        %dma_wait3A_449 = arith.constant 0 : i32
        %dma_wait3A_450 = tpu.memref_slice %arg2[%add3A_3, %dma_wait3A_449] : memref<200x128xf32, #tpu.memory_space<hbm>> -> memref<1x128xf32, #tpu.memory_space<hbm>>
        tpu.wait_dma2 semaphore(%run_scoped3A_442 : memref<!tpu.dma_semaphore, #tpu.memory_space<semaphore_mem>>) src(%dma_wait3A_450 : memref<1x128xf32, #tpu.memory_space<hbm>>) dst(%arg6 : memref<1x128xf32, #tpu.memory_space<vmem>>)
        tpu.yield
      }) : () -> ()
      %get3A = arith.constant 0 : i32
      %get3A_48 = arith.constant 0 : i32
      %get3A_49 = tpu.memref_slice %arg6[%get3A, %get3A_48] : memref<1x128xf32, #tpu.memory_space<vmem>> -> memref<1x128xf32, #tpu.memory_space<vmem>>
      %get3A_50 = tpu.memref_squeeze %get3A_49 : memref<1x128xf32, #tpu.memory_space<vmem>> -> memref<128xf32, #tpu.memory_space<vmem>>
      %get3A_51 = arith.constant 0 : index
      %get3A_52 = tpu.vector_load %get3A_50[%get3A_51] {strides = array<i32>} : memref<128xf32, #tpu.memory_space<vmem>>, vector<16xf32>,
      %get3A_53 = vector.shape_cast %get3A_52 : vector<16xf32> to vector<16xf32>
      %get3A_54 = arith.constant 0 : i32
      %get3A_55 = arith.constant 0 : i32
      %get3A_56 = tpu.memref_slice %arg6[%get3A_54, %get3A_55] : memref<1x128xf32, #tpu.memory_space<vmem>> -> memref<1x128xf32, #tpu.memory_space<vmem>>
      %get3A_57 = tpu.memref_squeeze %get3A_56 : memref<1x128xf32, #tpu.memory_space<vmem>> -> memref<128xf32, #tpu.memory_space<vmem>>
      %get3A_58 = arith.constant 16 : index
      %get3A_59 = tpu.vector_load %get3A_57[%get3A_58] {strides = array<i32>} : memref<128xf32, #tpu.memory_space<vmem>>, vector<16xf32>,
      %get3A_60 = vector.shape_cast %get3A_59 : vector<16xf32> to vector<16xf32>
      %get3A_61 = arith.constant 0 : i32
      %get3A_62 = arith.constant 0 : i32
      %get3A_63 = tpu.memref_slice %arg6[%get3A_61, %get3A_62] : memref<1x128xf32, #tpu.memory_space<vmem>> -> memref<1x128xf32, #tpu.memory_space<vmem>>
      %get3A_64 = tpu.memref_squeeze %get3A_63 : memref<1x128xf32, #tpu.memory_space<vmem>> -> memref<128xf32, #tpu.memory_space<vmem>>
      %get3A_65 = arith.constant 32 : index
      %get3A_66 = tpu.vector_load %get3A_64[%get3A_65] {strides = array<i32>} : memref<128xf32, #tpu.memory_space<vmem>>, vector<16xf32>,
      %get3A_67 = vector.shape_cast %get3A_66 : vector<16xf32> to vector<16xf32>
      %get3A_68 = arith.constant 0 : i32
      %get3A_69 = arith.constant 0 : i32
      %get3A_70 = tpu.memref_slice %arg6[%get3A_68, %get3A_69] : memref<1x128xf32, #tpu.memory_space<vmem>> -> memref<1x128xf32, #tpu.memory_space<vmem>>
      %get3A_71 = tpu.memref_squeeze %get3A_70 : memref<1x128xf32, #tpu.memory_space<vmem>> -> memref<128xf32, #tpu.memory_space<vmem>>
      %get3A_72 = arith.constant 48 : index
      %get3A_73 = tpu.vector_load %get3A_71[%get3A_72] {strides = array<i32>} : memref<128xf32, #tpu.memory_space<vmem>>, vector<16xf32>,
      %get3A_74 = vector.shape_cast %get3A_73 : vector<16xf32> to vector<16xf32>
      %get3A_75 = arith.constant 0 : i32
      %get3A_76 = arith.constant 0 : i32
      %get3A_77 = tpu.memref_slice %arg6[%get3A_75, %get3A_76] : memref<1x128xf32, #tpu.memory_space<vmem>> -> memref<1x128xf32, #tpu.memory_space<vmem>>
      %get3A_78 = tpu.memref_squeeze %get3A_77 : memref<1x128xf32, #tpu.memory_space<vmem>> -> memref<128xf32, #tpu.memory_space<vmem>>
      %get3A_79 = arith.constant 64 : index
      %get3A_80 = tpu.vector_load %get3A_78[%get3A_79] {strides = array<i32>} : memref<128xf32, #tpu.memory_space<vmem>>, vector<16xf32>,
      %get3A_81 = vector.shape_cast %get3A_80 : vector<16xf32> to vector<16xf32>
      %get3A_82 = arith.constant 0 : i32
      %get3A_83 = arith.constant 0 : i32
      %get3A_84 = tpu.memref_slice %arg6[%get3A_82, %get3A_83] : memref<1x128xf32, #tpu.memory_space<vmem>> -> memref<1x128xf32, #tpu.memory_space<vmem>>
      %get3A_85 = tpu.memref_squeeze %get3A_84 : memref<1x128xf32, #tpu.memory_space<vmem>> -> memref<128xf32, #tpu.memory_space<vmem>>
      %get3A_86 = arith.constant 80 : index
      %get3A_87 = tpu.vector_load %get3A_85[%get3A_86] {strides = array<i32>} : memref<128xf32, #tpu.memory_space<vmem>>, vector<16xf32>,
      %get3A_88 = vector.shape_cast %get3A_87 : vector<16xf32> to vector<16xf32>
      %get3A_89 = arith.constant 0 : i32
      %get3A_90 = arith.constant 0 : i32
      %get3A_91 = tpu.memref_slice %arg6[%get3A_89, %get3A_90] : memref<1x128xf32, #tpu.memory_space<vmem>> -> memref<1x128xf32, #tpu.memory_space<vmem>>
      %get3A_92 = tpu.memref_squeeze %get3A_91 : memref<1x128xf32, #tpu.memory_space<vmem>> -> memref<128xf32, #tpu.memory_space<vmem>>
      %get3A_93 = arith.constant 96 : index
      %get3A_94 = tpu.vector_load %get3A_92[%get3A_93] {strides = array<i32>} : memref<128xf32, #tpu.memory_space<vmem>>, vector<16xf32>,
      %get3A_95 = vector.shape_cast %get3A_94 : vector<16xf32> to vector<16xf32>
      %get3A_96 = arith.constant 0 : i32
      %get3A_97 = arith.constant 0 : i32
      %get3A_98 = tpu.memref_slice %arg6[%get3A_96, %get3A_97] : memref<1x128xf32, #tpu.memory_space<vmem>> -> memref<1x128xf32, #tpu.memory_space<vmem>>
      %get3A_99 = tpu.memref_squeeze %get3A_98 : memref<1x128xf32, #tpu.memory_space<vmem>> -> memref<128xf32, #tpu.memory_space<vmem>>
      %get3A_100 = arith.constant 112 : index
      %get3A_101 = tpu.vector_load %get3A_99[%get3A_100] {strides = array<i32>} : memref<128xf32, #tpu.memory_space<vmem>>, vector<16xf32>,
      %get3A_102 = vector.shape_cast %get3A_101 : vector<16xf32> to vector<16xf32>
      %scan3A = arith.constant 0 : i32
      %scan3A_103 = arith.constant 0 : i32
      %scan3A_104 = arith.constant 200 : i32
      %scan3A_105 = arith.addi %scan3A_103, %scan3A_104 : i32
      %scan3A_106 = arith.constant 1 : i32
      scf.for %scan3A_442 = %scan3A_103 to %scan3A_105 step %scan3A_106  : i32 {
        %swap3A = arith.constant 0 : i32
        %swap3A_443 = arith.constant 0 : i32
        %swap3A_444 = tpu.memref_slice %arg5[%swap3A, %scan3A_442, %swap3A_443] : memref<2x200x256xf32, #tpu.memory_space<vmem>> -> memref<1x1x256xf32, #tpu.memory_space<vmem>>
        %swap3A_445 = tpu.memref_squeeze %swap3A_444 : memref<1x1x256xf32, #tpu.memory_space<vmem>> -> memref<256xf32, #tpu.memory_space<vmem>>
        %swap3A_446 = arith.constant 128 : index
        %swap3A_447 = tpu.vector_load %swap3A_445[%swap3A_446] {strides = array<i32>} : memref<256xf32, #tpu.memory_space<vmem>>, vector<16xf32>,
        %swap3A_448 = vector.shape_cast %swap3A_447 : vector<16xf32> to vector<16xf32>
        %swap3A_449 = vector.shape_cast %get3A_53 : vector<16xf32> to vector<16xf32>
        tpu.vector_store %swap3A_445[%swap3A_446], %swap3A_449 {strides = array<i32>} : memref<256xf32, #tpu.memory_space<vmem>>, vector<16xf32>,
        %swap3A_450 = arith.constant 0 : i32
        %swap3A_451 = arith.constant 0 : i32
        %swap3A_452 = tpu.memref_slice %arg5[%swap3A_450, %scan3A_442, %swap3A_451] : memref<2x200x256xf32, #tpu.memory_space<vmem>> -> memref<1x1x256xf32, #tpu.memory_space<vmem>>
        %swap3A_453 = tpu.memref_squeeze %swap3A_452 : memref<1x1x256xf32, #tpu.memory_space<vmem>> -> memref<256xf32, #tpu.memory_space<vmem>>
        %swap3A_454 = arith.constant 144 : index
        %swap3A_455 = tpu.vector_load %swap3A_453[%swap3A_454] {strides = array<i32>} : memref<256xf32, #tpu.memory_space<vmem>>, vector<16xf32>,
        %swap3A_456 = vector.shape_cast %swap3A_455 : vector<16xf32> to vector<16xf32>
        %swap3A_457 = vector.shape_cast %get3A_60 : vector<16xf32> to vector<16xf32>
        tpu.vector_store %swap3A_453[%swap3A_454], %swap3A_457 {strides = array<i32>} : memref<256xf32, #tpu.memory_space<vmem>>, vector<16xf32>,
        %swap3A_458 = arith.constant 0 : i32
        %swap3A_459 = arith.constant 0 : i32
        %swap3A_460 = tpu.memref_slice %arg5[%swap3A_458, %scan3A_442, %swap3A_459] : memref<2x200x256xf32, #tpu.memory_space<vmem>> -> memref<1x1x256xf32, #tpu.memory_space<vmem>>
        %swap3A_461 = tpu.memref_squeeze %swap3A_460 : memref<1x1x256xf32, #tpu.memory_space<vmem>> -> memref<256xf32, #tpu.memory_space<vmem>>
        %swap3A_462 = arith.constant 160 : index
        %swap3A_463 = tpu.vector_load %swap3A_461[%swap3A_462] {strides = array<i32>} : memref<256xf32, #tpu.memory_space<vmem>>, vector<16xf32>,
        %swap3A_464 = vector.shape_cast %swap3A_463 : vector<16xf32> to vector<16xf32>
        %swap3A_465 = vector.shape_cast %get3A_67 : vector<16xf32> to vector<16xf32>
        tpu.vector_store %swap3A_461[%swap3A_462], %swap3A_465 {strides = array<i32>} : memref<256xf32, #tpu.memory_space<vmem>>, vector<16xf32>,
        %swap3A_466 = arith.constant 0 : i32
        %swap3A_467 = arith.constant 0 : i32
        %swap3A_468 = tpu.memref_slice %arg5[%swap3A_466, %scan3A_442, %swap3A_467] : memref<2x200x256xf32, #tpu.memory_space<vmem>> -> memref<1x1x256xf32, #tpu.memory_space<vmem>>
        %swap3A_469 = tpu.memref_squeeze %swap3A_468 : memref<1x1x256xf32, #tpu.memory_space<vmem>> -> memref<256xf32, #tpu.memory_space<vmem>>
        %swap3A_470 = arith.constant 176 : index
        %swap3A_471 = tpu.vector_load %swap3A_469[%swap3A_470] {strides = array<i32>} : memref<256xf32, #tpu.memory_space<vmem>>, vector<16xf32>,
        %swap3A_472 = vector.shape_cast %swap3A_471 : vector<16xf32> to vector<16xf32>
        %swap3A_473 = vector.shape_cast %get3A_74 : vector<16xf32> to vector<16xf32>
        tpu.vector_store %swap3A_469[%swap3A_470], %swap3A_473 {strides = array<i32>} : memref<256xf32, #tpu.memory_space<vmem>>, vector<16xf32>,
        %swap3A_474 = arith.constant 0 : i32
        %swap3A_475 = arith.constant 0 : i32
        %swap3A_476 = tpu.memref_slice %arg5[%swap3A_474, %scan3A_442, %swap3A_475] : memref<2x200x256xf32, #tpu.memory_space<vmem>> -> memref<1x1x256xf32, #tpu.memory_space<vmem>>
        %swap3A_477 = tpu.memref_squeeze %swap3A_476 : memref<1x1x256xf32, #tpu.memory_space<vmem>> -> memref<256xf32, #tpu.memory_space<vmem>>
        %swap3A_478 = arith.constant 192 : index
        %swap3A_479 = tpu.vector_load %swap3A_477[%swap3A_478] {strides = array<i32>} : memref<256xf32, #tpu.memory_space<vmem>>, vector<16xf32>,
        %swap3A_480 = vector.shape_cast %swap3A_479 : vector<16xf32> to vector<16xf32>
        %swap3A_481 = vector.shape_cast %get3A_81 : vector<16xf32> to vector<16xf32>
        tpu.vector_store %swap3A_477[%swap3A_478], %swap3A_481 {strides = array<i32>} : memref<256xf32, #tpu.memory_space<vmem>>, vector<16xf32>,
        %swap3A_482 = arith.constant 0 : i32
        %swap3A_483 = arith.constant 0 : i32
        %swap3A_484 = tpu.memref_slice %arg5[%swap3A_482, %scan3A_442, %swap3A_483] : memref<2x200x256xf32, #tpu.memory_space<vmem>> -> memref<1x1x256xf32, #tpu.memory_space<vmem>>
        %swap3A_485 = tpu.memref_squeeze %swap3A_484 : memref<1x1x256xf32, #tpu.memory_space<vmem>> -> memref<256xf32, #tpu.memory_space<vmem>>
        %swap3A_486 = arith.constant 208 : index
        %swap3A_487 = tpu.vector_load %swap3A_485[%swap3A_486] {strides = array<i32>} : memref<256xf32, #tpu.memory_space<vmem>>, vector<16xf32>,
        %swap3A_488 = vector.shape_cast %swap3A_487 : vector<16xf32> to vector<16xf32>
        %swap3A_489 = vector.shape_cast %get3A_88 : vector<16xf32> to vector<16xf32>
        tpu.vector_store %swap3A_485[%swap3A_486], %swap3A_489 {strides = array<i32>} : memref<256xf32, #tpu.memory_space<vmem>>, vector<16xf32>,
        %swap3A_490 = arith.constant 0 : i32
        %swap3A_491 = arith.constant 0 : i32
        %swap3A_492 = tpu.memref_slice %arg5[%swap3A_490, %scan3A_442, %swap3A_491] : memref<2x200x256xf32, #tpu.memory_space<vmem>> -> memref<1x1x256xf32, #tpu.memory_space<vmem>>
        %swap3A_493 = tpu.memref_squeeze %swap3A_492 : memref<1x1x256xf32, #tpu.memory_space<vmem>> -> memref<256xf32, #tpu.memory_space<vmem>>
        %swap3A_494 = arith.constant 224 : index
        %swap3A_495 = tpu.vector_load %swap3A_493[%swap3A_494] {strides = array<i32>} : memref<256xf32, #tpu.memory_space<vmem>>, vector<16xf32>,
        %swap3A_496 = vector.shape_cast %swap3A_495 : vector<16xf32> to vector<16xf32>
        %swap3A_497 = vector.shape_cast %get3A_95 : vector<16xf32> to vector<16xf32>
        tpu.vector_store %swap3A_493[%swap3A_494], %swap3A_497 {strides = array<i32>} : memref<256xf32, #tpu.memory_space<vmem>>, vector<16xf32>,
        %swap3A_498 = arith.constant 0 : i32
        %swap3A_499 = arith.constant 0 : i32
        %swap3A_500 = tpu.memref_slice %arg5[%swap3A_498, %scan3A_442, %swap3A_499] : memref<2x200x256xf32, #tpu.memory_space<vmem>> -> memref<1x1x256xf32, #tpu.memory_space<vmem>>
        %swap3A_501 = tpu.memref_squeeze %swap3A_500 : memref<1x1x256xf32, #tpu.memory_space<vmem>> -> memref<256xf32, #tpu.memory_space<vmem>>
        %swap3A_502 = arith.constant 240 : index
        %swap3A_503 = tpu.vector_load %swap3A_501[%swap3A_502] {strides = array<i32>} : memref<256xf32, #tpu.memory_space<vmem>>, vector<16xf32>,
        %swap3A_504 = vector.shape_cast %swap3A_503 : vector<16xf32> to vector<16xf32>
        %swap3A_505 = vector.shape_cast %get3A_102 : vector<16xf32> to vector<16xf32>
        tpu.vector_store %swap3A_501[%swap3A_502], %swap3A_505 {strides = array<i32>} : memref<256xf32, #tpu.memory_space<vmem>>, vector<16xf32>,
      }
      %scan3A_107 = arith.constant 200 : i32
      %dma_start3A = arith.constant 0 : i32
      %dma_start3A_108 = arith.constant 0 : i32
      %dma_start3A_109 = arith.constant 0 : i32
      %dma_start3A_110 = arith.constant 0 : i32
      %dma_start3A_111 = arith.constant 0 : i32
      %dma_start3A_112 = tpu.memref_slice %arg5[%dma_start3A, %dma_start3A_110, %dma_start3A_111] : memref<2x200x256xf32, #tpu.memory_space<vmem>> -> memref<1x200x256xf32, #tpu.memory_space<vmem>>
      %dma_start3A_113 = tpu.memref_squeeze %dma_start3A_112 : memref<1x200x256xf32, #tpu.memory_space<vmem>> -> memref<200x256xf32, #tpu.memory_space<vmem>>
      %dma_start3A_114 = arith.constant 0 : i32
      %dma_start3A_115 = arith.constant 0 : i32
      %dma_start3A_116 = tpu.memref_slice %arg4[%dma_start3A_108, %add3A_3, %dma_start3A_114, %dma_start3A_115] : memref<8x200x200x256xf32, #tpu.memory_space<hbm>> -> memref<1x1x200x256xf32, #tpu.memory_space<hbm>>
      %dma_start3A_117 = tpu.memref_squeeze %dma_start3A_116 : memref<1x1x200x256xf32, #tpu.memory_space<hbm>> -> memref<200x256xf32, #tpu.memory_space<hbm>>
      %dma_start3A_118 = tpu.memref_slice %arg7[%dma_start3A_109] : memref<2x!tpu.dma_semaphore, #tpu.memory_space<semaphore_mem>> -> memref<1x!tpu.dma_semaphore, #tpu.memory_space<semaphore_mem>>
      %dma_start3A_119 = tpu.memref_squeeze %dma_start3A_118 : memref<1x!tpu.dma_semaphore, #tpu.memory_space<semaphore_mem>> -> memref<!tpu.dma_semaphore, #tpu.memory_space<semaphore_mem>>
      %dma_start3A_120 = arith.constant 0 : i32
      %dma_start3A_121 = arith.constant 0 : i32
      %dma_start3A_122 = tpu.memref_slice %arg4[%dma_start3A_108, %add3A_3, %dma_start3A_120, %dma_start3A_121] : memref<8x200x200x256xf32, #tpu.memory_space<hbm>> -> memref<1x1x200x256xf32, #tpu.memory_space<hbm>>
      %dma_start3A_123 = tpu.memref_squeeze %dma_start3A_122 : memref<1x1x200x256xf32, #tpu.memory_space<hbm>> -> memref<200x256xf32, #tpu.memory_space<hbm>>
      %dma_start3A_124 = arith.constant 0 : i32
      %dma_start3A_125 = arith.constant 0 : i32
      %dma_start3A_126 = tpu.memref_slice %arg5[%dma_start3A, %dma_start3A_124, %dma_start3A_125] : memref<2x200x256xf32, #tpu.memory_space<vmem>> -> memref<1x200x256xf32, #tpu.memory_space<vmem>>
      %dma_start3A_127 = tpu.memref_squeeze %dma_start3A_126 : memref<1x200x256xf32, #tpu.memory_space<vmem>> -> memref<200x256xf32, #tpu.memory_space<vmem>>
      tpu.enqueue_dma source(%dma_start3A_127 : memref<200x256xf32, #tpu.memory_space<vmem>>) target(%dma_start3A_123 : memref<200x256xf32, #tpu.memory_space<hbm>>) target_semaphore(%dma_start3A_119 : memref<!tpu.dma_semaphore, #tpu.memory_space<semaphore_mem>>)
      %dma_start3A_128 = arith.constant 0 : i32
      %dma_start3A_129 = arith.constant 1 : i32
      %dma_start3A_130 = arith.constant 0 : i32
      %dma_start3A_131 = arith.constant 0 : i32
      %dma_start3A_132 = arith.constant 0 : i32
      %dma_start3A_133 = tpu.memref_slice %arg5[%dma_start3A_128, %dma_start3A_131, %dma_start3A_132] : memref<2x200x256xf32, #tpu.memory_space<vmem>> -> memref<1x200x256xf32, #tpu.memory_space<vmem>>
      %dma_start3A_134 = tpu.memref_squeeze %dma_start3A_133 : memref<1x200x256xf32, #tpu.memory_space<vmem>> -> memref<200x256xf32, #tpu.memory_space<vmem>>
      %dma_start3A_135 = arith.constant 0 : i32
      %dma_start3A_136 = arith.constant 0 : i32
      %dma_start3A_137 = tpu.memref_slice %arg4[%dma_start3A_129, %add3A_3, %dma_start3A_135, %dma_start3A_136] : memref<8x200x200x256xf32, #tpu.memory_space<hbm>> -> memref<1x1x200x256xf32, #tpu.memory_space<hbm>>
      %dma_start3A_138 = tpu.memref_squeeze %dma_start3A_137 : memref<1x1x200x256xf32, #tpu.memory_space<hbm>> -> memref<200x256xf32, #tpu.memory_space<hbm>>
      %dma_start3A_139 = tpu.memref_slice %arg7[%dma_start3A_130] : memref<2x!tpu.dma_semaphore, #tpu.memory_space<semaphore_mem>> -> memref<1x!tpu.dma_semaphore, #tpu.memory_space<semaphore_mem>>
      %dma_start3A_140 = tpu.memref_squeeze %dma_start3A_139 : memref<1x!tpu.dma_semaphore, #tpu.memory_space<semaphore_mem>> -> memref<!tpu.dma_semaphore, #tpu.memory_space<semaphore_mem>>
      %dma_start3A_141 = arith.constant 0 : i32
      %dma_start3A_142 = arith.constant 0 : i32
      %dma_start3A_143 = tpu.memref_slice %arg4[%dma_start3A_129, %add3A_3, %dma_start3A_141, %dma_start3A_142] : memref<8x200x200x256xf32, #tpu.memory_space<hbm>> -> memref<1x1x200x256xf32, #tpu.memory_space<hbm>>
      %dma_start3A_144 = tpu.memref_squeeze %dma_start3A_143 : memref<1x1x200x256xf32, #tpu.memory_space<hbm>> -> memref<200x256xf32, #tpu.memory_space<hbm>>
      %dma_start3A_145 = arith.constant 0 : i32
      %dma_start3A_146 = arith.constant 0 : i32
      %dma_start3A_147 = tpu.memref_slice %arg5[%dma_start3A_128, %dma_start3A_145, %dma_start3A_146] : memref<2x200x256xf32, #tpu.memory_space<vmem>> -> memref<1x200x256xf32, #tpu.memory_space<vmem>>
      %dma_start3A_148 = tpu.memref_squeeze %dma_start3A_147 : memref<1x200x256xf32, #tpu.memory_space<vmem>> -> memref<200x256xf32, #tpu.memory_space<vmem>>
      tpu.enqueue_dma source(%dma_start3A_148 : memref<200x256xf32, #tpu.memory_space<vmem>>) target(%dma_start3A_144 : memref<200x256xf32, #tpu.memory_space<hbm>>) target_semaphore(%dma_start3A_140 : memref<!tpu.dma_semaphore, #tpu.memory_space<semaphore_mem>>)
      %dma_start3A_149 = arith.constant 0 : i32
      %dma_start3A_150 = arith.constant 2 : i32
      %dma_start3A_151 = arith.constant 0 : i32
      %dma_start3A_152 = arith.constant 0 : i32
      %dma_start3A_153 = arith.constant 0 : i32
      %dma_start3A_154 = tpu.memref_slice %arg5[%dma_start3A_149, %dma_start3A_152, %dma_start3A_153] : memref<2x200x256xf32, #tpu.memory_space<vmem>> -> memref<1x200x256xf32, #tpu.memory_space<vmem>>
      %dma_start3A_155 = tpu.memref_squeeze %dma_start3A_154 : memref<1x200x256xf32, #tpu.memory_space<vmem>> -> memref<200x256xf32, #tpu.memory_space<vmem>>
      %dma_start3A_156 = arith.constant 0 : i32
      %dma_start3A_157 = arith.constant 0 : i32
      %dma_start3A_158 = tpu.memref_slice %arg4[%dma_start3A_150, %add3A_3, %dma_start3A_156, %dma_start3A_157] : memref<8x200x200x256xf32, #tpu.memory_space<hbm>> -> memref<1x1x200x256xf32, #tpu.memory_space<hbm>>
      %dma_start3A_159 = tpu.memref_squeeze %dma_start3A_158 : memref<1x1x200x256xf32, #tpu.memory_space<hbm>> -> memref<200x256xf32, #tpu.memory_space<hbm>>
      %dma_start3A_160 = tpu.memref_slice %arg7[%dma_start3A_151] : memref<2x!tpu.dma_semaphore, #tpu.memory_space<semaphore_mem>> -> memref<1x!tpu.dma_semaphore, #tpu.memory_space<semaphore_mem>>
      %dma_start3A_161 = tpu.memref_squeeze %dma_start3A_160 : memref<1x!tpu.dma_semaphore, #tpu.memory_space<semaphore_mem>> -> memref<!tpu.dma_semaphore, #tpu.memory_space<semaphore_mem>>
      %dma_start3A_162 = arith.constant 0 : i32
      %dma_start3A_163 = arith.constant 0 : i32
      %dma_start3A_164 = tpu.memref_slice %arg4[%dma_start3A_150, %add3A_3, %dma_start3A_162, %dma_start3A_163] : memref<8x200x200x256xf32, #tpu.memory_space<hbm>> -> memref<1x1x200x256xf32, #tpu.memory_space<hbm>>
      %dma_start3A_165 = tpu.memref_squeeze %dma_start3A_164 : memref<1x1x200x256xf32, #tpu.memory_space<hbm>> -> memref<200x256xf32, #tpu.memory_space<hbm>>
      %dma_start3A_166 = arith.constant 0 : i32
      %dma_start3A_167 = arith.constant 0 : i32
      %dma_start3A_168 = tpu.memref_slice %arg5[%dma_start3A_149, %dma_start3A_166, %dma_start3A_167] : memref<2x200x256xf32, #tpu.memory_space<vmem>> -> memref<1x200x256xf32, #tpu.memory_space<vmem>>
      %dma_start3A_169 = tpu.memref_squeeze %dma_start3A_168 : memref<1x200x256xf32, #tpu.memory_space<vmem>> -> memref<200x256xf32, #tpu.memory_space<vmem>>
      tpu.enqueue_dma source(%dma_start3A_169 : memref<200x256xf32, #tpu.memory_space<vmem>>) target(%dma_start3A_165 : memref<200x256xf32, #tpu.memory_space<hbm>>) target_semaphore(%dma_start3A_161 : memref<!tpu.dma_semaphore, #tpu.memory_space<semaphore_mem>>)
      %dma_start3A_170 = arith.constant 0 : i32
      %dma_start3A_171 = arith.constant 3 : i32
      %dma_start3A_172 = arith.constant 0 : i32
      %dma_start3A_173 = arith.constant 0 : i32
      %dma_start3A_174 = arith.constant 0 : i32
      %dma_start3A_175 = tpu.memref_slice %arg5[%dma_start3A_170, %dma_start3A_173, %dma_start3A_174] : memref<2x200x256xf32, #tpu.memory_space<vmem>> -> memref<1x200x256xf32, #tpu.memory_space<vmem>>
      %dma_start3A_176 = tpu.memref_squeeze %dma_start3A_175 : memref<1x200x256xf32, #tpu.memory_space<vmem>> -> memref<200x256xf32, #tpu.memory_space<vmem>>
      %dma_start3A_177 = arith.constant 0 : i32
      %dma_start3A_178 = arith.constant 0 : i32
      %dma_start3A_179 = tpu.memref_slice %arg4[%dma_start3A_171, %add3A_3, %dma_start3A_177, %dma_start3A_178] : memref<8x200x200x256xf32, #tpu.memory_space<hbm>> -> memref<1x1x200x256xf32, #tpu.memory_space<hbm>>
      %dma_start3A_180 = tpu.memref_squeeze %dma_start3A_179 : memref<1x1x200x256xf32, #tpu.memory_space<hbm>> -> memref<200x256xf32, #tpu.memory_space<hbm>>
      %dma_start3A_181 = tpu.memref_slice %arg7[%dma_start3A_172] : memref<2x!tpu.dma_semaphore, #tpu.memory_space<semaphore_mem>> -> memref<1x!tpu.dma_semaphore, #tpu.memory_space<semaphore_mem>>
      %dma_start3A_182 = tpu.memref_squeeze %dma_start3A_181 : memref<1x!tpu.dma_semaphore, #tpu.memory_space<semaphore_mem>> -> memref<!tpu.dma_semaphore, #tpu.memory_space<semaphore_mem>>
      %dma_start3A_183 = arith.constant 0 : i32
      %dma_start3A_184 = arith.constant 0 : i32
      %dma_start3A_185 = tpu.memref_slice %arg4[%dma_start3A_171, %add3A_3, %dma_start3A_183, %dma_start3A_184] : memref<8x200x200x256xf32, #tpu.memory_space<hbm>> -> memref<1x1x200x256xf32, #tpu.memory_space<hbm>>
      %dma_start3A_186 = tpu.memref_squeeze %dma_start3A_185 : memref<1x1x200x256xf32, #tpu.memory_space<hbm>> -> memref<200x256xf32, #tpu.memory_space<hbm>>
      %dma_start3A_187 = arith.constant 0 : i32
      %dma_start3A_188 = arith.constant 0 : i32
      %dma_start3A_189 = tpu.memref_slice %arg5[%dma_start3A_170, %dma_start3A_187, %dma_start3A_188] : memref<2x200x256xf32, #tpu.memory_space<vmem>> -> memref<1x200x256xf32, #tpu.memory_space<vmem>>
      %dma_start3A_190 = tpu.memref_squeeze %dma_start3A_189 : memref<1x200x256xf32, #tpu.memory_space<vmem>> -> memref<200x256xf32, #tpu.memory_space<vmem>>
      tpu.enqueue_dma source(%dma_start3A_190 : memref<200x256xf32, #tpu.memory_space<vmem>>) target(%dma_start3A_186 : memref<200x256xf32, #tpu.memory_space<hbm>>) target_semaphore(%dma_start3A_182 : memref<!tpu.dma_semaphore, #tpu.memory_space<semaphore_mem>>)
      %dma_start3A_191 = arith.constant 0 : i32
      %dma_start3A_192 = arith.constant 4 : i32
      %dma_start3A_193 = arith.constant 0 : i32
      %dma_start3A_194 = arith.constant 0 : i32
      %dma_start3A_195 = arith.constant 0 : i32
      %dma_start3A_196 = tpu.memref_slice %arg5[%dma_start3A_191, %dma_start3A_194, %dma_start3A_195] : memref<2x200x256xf32, #tpu.memory_space<vmem>> -> memref<1x200x256xf32, #tpu.memory_space<vmem>>
      %dma_start3A_197 = tpu.memref_squeeze %dma_start3A_196 : memref<1x200x256xf32, #tpu.memory_space<vmem>> -> memref<200x256xf32, #tpu.memory_space<vmem>>
      %dma_start3A_198 = arith.constant 0 : i32
      %dma_start3A_199 = arith.constant 0 : i32
      %dma_start3A_200 = tpu.memref_slice %arg4[%dma_start3A_192, %add3A_3, %dma_start3A_198, %dma_start3A_199] : memref<8x200x200x256xf32, #tpu.memory_space<hbm>> -> memref<1x1x200x256xf32, #tpu.memory_space<hbm>>
      %dma_start3A_201 = tpu.memref_squeeze %dma_start3A_200 : memref<1x1x200x256xf32, #tpu.memory_space<hbm>> -> memref<200x256xf32, #tpu.memory_space<hbm>>
      %dma_start3A_202 = tpu.memref_slice %arg7[%dma_start3A_193] : memref<2x!tpu.dma_semaphore, #tpu.memory_space<semaphore_mem>> -> memref<1x!tpu.dma_semaphore, #tpu.memory_space<semaphore_mem>>
      %dma_start3A_203 = tpu.memref_squeeze %dma_start3A_202 : memref<1x!tpu.dma_semaphore, #tpu.memory_space<semaphore_mem>> -> memref<!tpu.dma_semaphore, #tpu.memory_space<semaphore_mem>>
      %dma_start3A_204 = arith.constant 0 : i32
      %dma_start3A_205 = arith.constant 0 : i32
      %dma_start3A_206 = tpu.memref_slice %arg4[%dma_start3A_192, %add3A_3, %dma_start3A_204, %dma_start3A_205] : memref<8x200x200x256xf32, #tpu.memory_space<hbm>> -> memref<1x1x200x256xf32, #tpu.memory_space<hbm>>
      %dma_start3A_207 = tpu.memref_squeeze %dma_start3A_206 : memref<1x1x200x256xf32, #tpu.memory_space<hbm>> -> memref<200x256xf32, #tpu.memory_space<hbm>>
      %dma_start3A_208 = arith.constant 0 : i32
      %dma_start3A_209 = arith.constant 0 : i32
      %dma_start3A_210 = tpu.memref_slice %arg5[%dma_start3A_191, %dma_start3A_208, %dma_start3A_209] : memref<2x200x256xf32, #tpu.memory_space<vmem>> -> memref<1x200x256xf32, #tpu.memory_space<vmem>>
      %dma_start3A_211 = tpu.memref_squeeze %dma_start3A_210 : memref<1x200x256xf32, #tpu.memory_space<vmem>> -> memref<200x256xf32, #tpu.memory_space<vmem>>
      tpu.enqueue_dma source(%dma_start3A_211 : memref<200x256xf32, #tpu.memory_space<vmem>>) target(%dma_start3A_207 : memref<200x256xf32, #tpu.memory_space<hbm>>) target_semaphore(%dma_start3A_203 : memref<!tpu.dma_semaphore, #tpu.memory_space<semaphore_mem>>)
      %dma_start3A_212 = arith.constant 0 : i32
      %dma_start3A_213 = arith.constant 5 : i32
      %dma_start3A_214 = arith.constant 0 : i32
      %dma_start3A_215 = arith.constant 0 : i32
      %dma_start3A_216 = arith.constant 0 : i32
      %dma_start3A_217 = tpu.memref_slice %arg5[%dma_start3A_212, %dma_start3A_215, %dma_start3A_216] : memref<2x200x256xf32, #tpu.memory_space<vmem>> -> memref<1x200x256xf32, #tpu.memory_space<vmem>>
      %dma_start3A_218 = tpu.memref_squeeze %dma_start3A_217 : memref<1x200x256xf32, #tpu.memory_space<vmem>> -> memref<200x256xf32, #tpu.memory_space<vmem>>
      %dma_start3A_219 = arith.constant 0 : i32
      %dma_start3A_220 = arith.constant 0 : i32
      %dma_start3A_221 = tpu.memref_slice %arg4[%dma_start3A_213, %add3A_3, %dma_start3A_219, %dma_start3A_220] : memref<8x200x200x256xf32, #tpu.memory_space<hbm>> -> memref<1x1x200x256xf32, #tpu.memory_space<hbm>>
      %dma_start3A_222 = tpu.memref_squeeze %dma_start3A_221 : memref<1x1x200x256xf32, #tpu.memory_space<hbm>> -> memref<200x256xf32, #tpu.memory_space<hbm>>
      %dma_start3A_223 = tpu.memref_slice %arg7[%dma_start3A_214] : memref<2x!tpu.dma_semaphore, #tpu.memory_space<semaphore_mem>> -> memref<1x!tpu.dma_semaphore, #tpu.memory_space<semaphore_mem>>
      %dma_start3A_224 = tpu.memref_squeeze %dma_start3A_223 : memref<1x!tpu.dma_semaphore, #tpu.memory_space<semaphore_mem>> -> memref<!tpu.dma_semaphore, #tpu.memory_space<semaphore_mem>>
      %dma_start3A_225 = arith.constant 0 : i32
      %dma_start3A_226 = arith.constant 0 : i32
      %dma_start3A_227 = tpu.memref_slice %arg4[%dma_start3A_213, %add3A_3, %dma_start3A_225, %dma_start3A_226] : memref<8x200x200x256xf32, #tpu.memory_space<hbm>> -> memref<1x1x200x256xf32, #tpu.memory_space<hbm>>
      %dma_start3A_228 = tpu.memref_squeeze %dma_start3A_227 : memref<1x1x200x256xf32, #tpu.memory_space<hbm>> -> memref<200x256xf32, #tpu.memory_space<hbm>>
      %dma_start3A_229 = arith.constant 0 : i32
      %dma_start3A_230 = arith.constant 0 : i32
      %dma_start3A_231 = tpu.memref_slice %arg5[%dma_start3A_212, %dma_start3A_229, %dma_start3A_230] : memref<2x200x256xf32, #tpu.memory_space<vmem>> -> memref<1x200x256xf32, #tpu.memory_space<vmem>>
      %dma_start3A_232 = tpu.memref_squeeze %dma_start3A_231 : memref<1x200x256xf32, #tpu.memory_space<vmem>> -> memref<200x256xf32, #tpu.memory_space<vmem>>
      tpu.enqueue_dma source(%dma_start3A_232 : memref<200x256xf32, #tpu.memory_space<vmem>>) target(%dma_start3A_228 : memref<200x256xf32, #tpu.memory_space<hbm>>) target_semaphore(%dma_start3A_224 : memref<!tpu.dma_semaphore, #tpu.memory_space<semaphore_mem>>)
      %dma_start3A_233 = arith.constant 0 : i32
      %dma_start3A_234 = arith.constant 6 : i32
      %dma_start3A_235 = arith.constant 0 : i32
      %dma_start3A_236 = arith.constant 0 : i32
      %dma_start3A_237 = arith.constant 0 : i32
      %dma_start3A_238 = tpu.memref_slice %arg5[%dma_start3A_233, %dma_start3A_236, %dma_start3A_237] : memref<2x200x256xf32, #tpu.memory_space<vmem>> -> memref<1x200x256xf32, #tpu.memory_space<vmem>>
      %dma_start3A_239 = tpu.memref_squeeze %dma_start3A_238 : memref<1x200x256xf32, #tpu.memory_space<vmem>> -> memref<200x256xf32, #tpu.memory_space<vmem>>
      %dma_start3A_240 = arith.constant 0 : i32
      %dma_start3A_241 = arith.constant 0 : i32
      %dma_start3A_242 = tpu.memref_slice %arg4[%dma_start3A_234, %add3A_3, %dma_start3A_240, %dma_start3A_241] : memref<8x200x200x256xf32, #tpu.memory_space<hbm>> -> memref<1x1x200x256xf32, #tpu.memory_space<hbm>>
      %dma_start3A_243 = tpu.memref_squeeze %dma_start3A_242 : memref<1x1x200x256xf32, #tpu.memory_space<hbm>> -> memref<200x256xf32, #tpu.memory_space<hbm>>
      %dma_start3A_244 = tpu.memref_slice %arg7[%dma_start3A_235] : memref<2x!tpu.dma_semaphore, #tpu.memory_space<semaphore_mem>> -> memref<1x!tpu.dma_semaphore, #tpu.memory_space<semaphore_mem>>
      %dma_start3A_245 = tpu.memref_squeeze %dma_start3A_244 : memref<1x!tpu.dma_semaphore, #tpu.memory_space<semaphore_mem>> -> memref<!tpu.dma_semaphore, #tpu.memory_space<semaphore_mem>>
      %dma_start3A_246 = arith.constant 0 : i32
      %dma_start3A_247 = arith.constant 0 : i32
      %dma_start3A_248 = tpu.memref_slice %arg4[%dma_start3A_234, %add3A_3, %dma_start3A_246, %dma_start3A_247] : memref<8x200x200x256xf32, #tpu.memory_space<hbm>> -> memref<1x1x200x256xf32, #tpu.memory_space<hbm>>
      %dma_start3A_249 = tpu.memref_squeeze %dma_start3A_248 : memref<1x1x200x256xf32, #tpu.memory_space<hbm>> -> memref<200x256xf32, #tpu.memory_space<hbm>>
      %dma_start3A_250 = arith.constant 0 : i32
      %dma_start3A_251 = arith.constant 0 : i32
      %dma_start3A_252 = tpu.memref_slice %arg5[%dma_start3A_233, %dma_start3A_250, %dma_start3A_251] : memref<2x200x256xf32, #tpu.memory_space<vmem>> -> memref<1x200x256xf32, #tpu.memory_space<vmem>>
      %dma_start3A_253 = tpu.memref_squeeze %dma_start3A_252 : memref<1x200x256xf32, #tpu.memory_space<vmem>> -> memref<200x256xf32, #tpu.memory_space<vmem>>
      tpu.enqueue_dma source(%dma_start3A_253 : memref<200x256xf32, #tpu.memory_space<vmem>>) target(%dma_start3A_249 : memref<200x256xf32, #tpu.memory_space<hbm>>) target_semaphore(%dma_start3A_245 : memref<!tpu.dma_semaphore, #tpu.memory_space<semaphore_mem>>)
      %dma_start3A_254 = arith.constant 0 : i32
      %dma_start3A_255 = arith.constant 7 : i32
      %dma_start3A_256 = arith.constant 0 : i32
      %dma_start3A_257 = arith.constant 0 : i32
      %dma_start3A_258 = arith.constant 0 : i32
      %dma_start3A_259 = tpu.memref_slice %arg5[%dma_start3A_254, %dma_start3A_257, %dma_start3A_258] : memref<2x200x256xf32, #tpu.memory_space<vmem>> -> memref<1x200x256xf32, #tpu.memory_space<vmem>>
      %dma_start3A_260 = tpu.memref_squeeze %dma_start3A_259 : memref<1x200x256xf32, #tpu.memory_space<vmem>> -> memref<200x256xf32, #tpu.memory_space<vmem>>
      %dma_start3A_261 = arith.constant 0 : i32
      %dma_start3A_262 = arith.constant 0 : i32
      %dma_start3A_263 = tpu.memref_slice %arg4[%dma_start3A_255, %add3A_3, %dma_start3A_261, %dma_start3A_262] : memref<8x200x200x256xf32, #tpu.memory_space<hbm>> -> memref<1x1x200x256xf32, #tpu.memory_space<hbm>>
      %dma_start3A_264 = tpu.memref_squeeze %dma_start3A_263 : memref<1x1x200x256xf32, #tpu.memory_space<hbm>> -> memref<200x256xf32, #tpu.memory_space<hbm>>
      %dma_start3A_265 = tpu.memref_slice %arg7[%dma_start3A_256] : memref<2x!tpu.dma_semaphore, #tpu.memory_space<semaphore_mem>> -> memref<1x!tpu.dma_semaphore, #tpu.memory_space<semaphore_mem>>
      %dma_start3A_266 = tpu.memref_squeeze %dma_start3A_265 : memref<1x!tpu.dma_semaphore, #tpu.memory_space<semaphore_mem>> -> memref<!tpu.dma_semaphore, #tpu.memory_space<semaphore_mem>>
      %dma_start3A_267 = arith.constant 0 : i32
      %dma_start3A_268 = arith.constant 0 : i32
      %dma_start3A_269 = tpu.memref_slice %arg4[%dma_start3A_255, %add3A_3, %dma_start3A_267, %dma_start3A_268] : memref<8x200x200x256xf32, #tpu.memory_space<hbm>> -> memref<1x1x200x256xf32, #tpu.memory_space<hbm>>
      %dma_start3A_270 = tpu.memref_squeeze %dma_start3A_269 : memref<1x1x200x256xf32, #tpu.memory_space<hbm>> -> memref<200x256xf32, #tpu.memory_space<hbm>>
      %dma_start3A_271 = arith.constant 0 : i32
      %dma_start3A_272 = arith.constant 0 : i32
      %dma_start3A_273 = tpu.memref_slice %arg5[%dma_start3A_254, %dma_start3A_271, %dma_start3A_272] : memref<2x200x256xf32, #tpu.memory_space<vmem>> -> memref<1x200x256xf32, #tpu.memory_space<vmem>>
      %dma_start3A_274 = tpu.memref_squeeze %dma_start3A_273 : memref<1x200x256xf32, #tpu.memory_space<vmem>> -> memref<200x256xf32, #tpu.memory_space<vmem>>
      tpu.enqueue_dma source(%dma_start3A_274 : memref<200x256xf32, #tpu.memory_space<vmem>>) target(%dma_start3A_270 : memref<200x256xf32, #tpu.memory_space<hbm>>) target_semaphore(%dma_start3A_266 : memref<!tpu.dma_semaphore, #tpu.memory_space<semaphore_mem>>)
      %dma_wait3A = arith.constant 0 : i32
      %dma_wait3A_275 = arith.constant 0 : i32
      %dma_wait3A_276 = arith.constant 0 : i32
      %dma_wait3A_277 = arith.constant 0 : i32
      %dma_wait3A_278 = arith.constant 0 : i32
      %dma_wait3A_279 = tpu.memref_slice %arg5[%dma_wait3A, %dma_wait3A_277, %dma_wait3A_278] : memref<2x200x256xf32, #tpu.memory_space<vmem>> -> memref<1x200x256xf32, #tpu.memory_space<vmem>>
      %dma_wait3A_280 = tpu.memref_squeeze %dma_wait3A_279 : memref<1x200x256xf32, #tpu.memory_space<vmem>> -> memref<200x256xf32, #tpu.memory_space<vmem>>
      %dma_wait3A_281 = arith.constant 0 : i32
      %dma_wait3A_282 = arith.constant 0 : i32
      %dma_wait3A_283 = tpu.memref_slice %arg4[%dma_wait3A_275, %add3A_3, %dma_wait3A_281, %dma_wait3A_282] : memref<8x200x200x256xf32, #tpu.memory_space<hbm>> -> memref<1x1x200x256xf32, #tpu.memory_space<hbm>>
      %dma_wait3A_284 = tpu.memref_squeeze %dma_wait3A_283 : memref<1x1x200x256xf32, #tpu.memory_space<hbm>> -> memref<200x256xf32, #tpu.memory_space<hbm>>
      %dma_wait3A_285 = tpu.memref_slice %arg7[%dma_wait3A_276] : memref<2x!tpu.dma_semaphore, #tpu.memory_space<semaphore_mem>> -> memref<1x!tpu.dma_semaphore, #tpu.memory_space<semaphore_mem>>
      %dma_wait3A_286 = tpu.memref_squeeze %dma_wait3A_285 : memref<1x!tpu.dma_semaphore, #tpu.memory_space<semaphore_mem>> -> memref<!tpu.dma_semaphore, #tpu.memory_space<semaphore_mem>>
      %dma_wait3A_287 = arith.constant 0 : i32
      %dma_wait3A_288 = arith.constant 0 : i32
      %dma_wait3A_289 = tpu.memref_slice %arg4[%dma_wait3A_275, %add3A_3, %dma_wait3A_287, %dma_wait3A_288] : memref<8x200x200x256xf32, #tpu.memory_space<hbm>> -> memref<1x1x200x256xf32, #tpu.memory_space<hbm>>
      %dma_wait3A_290 = tpu.memref_squeeze %dma_wait3A_289 : memref<1x1x200x256xf32, #tpu.memory_space<hbm>> -> memref<200x256xf32, #tpu.memory_space<hbm>>
      %dma_wait3A_291 = arith.constant 0 : i32
      %dma_wait3A_292 = arith.constant 0 : i32
      %dma_wait3A_293 = tpu.memref_slice %arg5[%dma_wait3A, %dma_wait3A_291, %dma_wait3A_292] : memref<2x200x256xf32, #tpu.memory_space<vmem>> -> memref<1x200x256xf32, #tpu.memory_space<vmem>>
      %dma_wait3A_294 = tpu.memref_squeeze %dma_wait3A_293 : memref<1x200x256xf32, #tpu.memory_space<vmem>> -> memref<200x256xf32, #tpu.memory_space<vmem>>
      tpu.wait_dma2 semaphore(%dma_wait3A_286 : memref<!tpu.dma_semaphore, #tpu.memory_space<semaphore_mem>>) src(%dma_wait3A_294 : memref<200x256xf32, #tpu.memory_space<vmem>>) dst(%dma_wait3A_290 : memref<200x256xf32, #tpu.memory_space<hbm>>)
      %dma_wait3A_295 = arith.constant 0 : i32
      %dma_wait3A_296 = arith.constant 1 : i32
      %dma_wait3A_297 = arith.constant 0 : i32
      %dma_wait3A_298 = arith.constant 0 : i32
      %dma_wait3A_299 = arith.constant 0 : i32
      %dma_wait3A_300 = tpu.memref_slice %arg5[%dma_wait3A_295, %dma_wait3A_298, %dma_wait3A_299] : memref<2x200x256xf32, #tpu.memory_space<vmem>> -> memref<1x200x256xf32, #tpu.memory_space<vmem>>
      %dma_wait3A_301 = tpu.memref_squeeze %dma_wait3A_300 : memref<1x200x256xf32, #tpu.memory_space<vmem>> -> memref<200x256xf32, #tpu.memory_space<vmem>>
      %dma_wait3A_302 = arith.constant 0 : i32
      %dma_wait3A_303 = arith.constant 0 : i32
      %dma_wait3A_304 = tpu.memref_slice %arg4[%dma_wait3A_296, %add3A_3, %dma_wait3A_302, %dma_wait3A_303] : memref<8x200x200x256xf32, #tpu.memory_space<hbm>> -> memref<1x1x200x256xf32, #tpu.memory_space<hbm>>
      %dma_wait3A_305 = tpu.memref_squeeze %dma_wait3A_304 : memref<1x1x200x256xf32, #tpu.memory_space<hbm>> -> memref<200x256xf32, #tpu.memory_space<hbm>>
      %dma_wait3A_306 = tpu.memref_slice %arg7[%dma_wait3A_297] : memref<2x!tpu.dma_semaphore, #tpu.memory_space<semaphore_mem>> -> memref<1x!tpu.dma_semaphore, #tpu.memory_space<semaphore_mem>>
      %dma_wait3A_307 = tpu.memref_squeeze %dma_wait3A_306 : memref<1x!tpu.dma_semaphore, #tpu.memory_space<semaphore_mem>> -> memref<!tpu.dma_semaphore, #tpu.memory_space<semaphore_mem>>
      %dma_wait3A_308 = arith.constant 0 : i32
      %dma_wait3A_309 = arith.constant 0 : i32
      %dma_wait3A_310 = tpu.memref_slice %arg4[%dma_wait3A_296, %add3A_3, %dma_wait3A_308, %dma_wait3A_309] : memref<8x200x200x256xf32, #tpu.memory_space<hbm>> -> memref<1x1x200x256xf32, #tpu.memory_space<hbm>>
      %dma_wait3A_311 = tpu.memref_squeeze %dma_wait3A_310 : memref<1x1x200x256xf32, #tpu.memory_space<hbm>> -> memref<200x256xf32, #tpu.memory_space<hbm>>
      %dma_wait3A_312 = arith.constant 0 : i32
      %dma_wait3A_313 = arith.constant 0 : i32
      %dma_wait3A_314 = tpu.memref_slice %arg5[%dma_wait3A_295, %dma_wait3A_312, %dma_wait3A_313] : memref<2x200x256xf32, #tpu.memory_space<vmem>> -> memref<1x200x256xf32, #tpu.memory_space<vmem>>
      %dma_wait3A_315 = tpu.memref_squeeze %dma_wait3A_314 : memref<1x200x256xf32, #tpu.memory_space<vmem>> -> memref<200x256xf32, #tpu.memory_space<vmem>>
      tpu.wait_dma2 semaphore(%dma_wait3A_307 : memref<!tpu.dma_semaphore, #tpu.memory_space<semaphore_mem>>) src(%dma_wait3A_315 : memref<200x256xf32, #tpu.memory_space<vmem>>) dst(%dma_wait3A_311 : memref<200x256xf32, #tpu.memory_space<hbm>>)
      %dma_wait3A_316 = arith.constant 0 : i32
      %dma_wait3A_317 = arith.constant 2 : i32
      %dma_wait3A_318 = arith.constant 0 : i32
      %dma_wait3A_319 = arith.constant 0 : i32
      %dma_wait3A_320 = arith.constant 0 : i32
      %dma_wait3A_321 = tpu.memref_slice %arg5[%dma_wait3A_316, %dma_wait3A_319, %dma_wait3A_320] : memref<2x200x256xf32, #tpu.memory_space<vmem>> -> memref<1x200x256xf32, #tpu.memory_space<vmem>>
      %dma_wait3A_322 = tpu.memref_squeeze %dma_wait3A_321 : memref<1x200x256xf32, #tpu.memory_space<vmem>> -> memref<200x256xf32, #tpu.memory_space<vmem>>
      %dma_wait3A_323 = arith.constant 0 : i32
      %dma_wait3A_324 = arith.constant 0 : i32
      %dma_wait3A_325 = tpu.memref_slice %arg4[%dma_wait3A_317, %add3A_3, %dma_wait3A_323, %dma_wait3A_324] : memref<8x200x200x256xf32, #tpu.memory_space<hbm>> -> memref<1x1x200x256xf32, #tpu.memory_space<hbm>>
      %dma_wait3A_326 = tpu.memref_squeeze %dma_wait3A_325 : memref<1x1x200x256xf32, #tpu.memory_space<hbm>> -> memref<200x256xf32, #tpu.memory_space<hbm>>
      %dma_wait3A_327 = tpu.memref_slice %arg7[%dma_wait3A_318] : memref<2x!tpu.dma_semaphore, #tpu.memory_space<semaphore_mem>> -> memref<1x!tpu.dma_semaphore, #tpu.memory_space<semaphore_mem>>
      %dma_wait3A_328 = tpu.memref_squeeze %dma_wait3A_327 : memref<1x!tpu.dma_semaphore, #tpu.memory_space<semaphore_mem>> -> memref<!tpu.dma_semaphore, #tpu.memory_space<semaphore_mem>>
      %dma_wait3A_329 = arith.constant 0 : i32
      %dma_wait3A_330 = arith.constant 0 : i32
      %dma_wait3A_331 = tpu.memref_slice %arg4[%dma_wait3A_317, %add3A_3, %dma_wait3A_329, %dma_wait3A_330] : memref<8x200x200x256xf32, #tpu.memory_space<hbm>> -> memref<1x1x200x256xf32, #tpu.memory_space<hbm>>
      %dma_wait3A_332 = tpu.memref_squeeze %dma_wait3A_331 : memref<1x1x200x256xf32, #tpu.memory_space<hbm>> -> memref<200x256xf32, #tpu.memory_space<hbm>>
      %dma_wait3A_333 = arith.constant 0 : i32
      %dma_wait3A_334 = arith.constant 0 : i32
      %dma_wait3A_335 = tpu.memref_slice %arg5[%dma_wait3A_316, %dma_wait3A_333, %dma_wait3A_334] : memref<2x200x256xf32, #tpu.memory_space<vmem>> -> memref<1x200x256xf32, #tpu.memory_space<vmem>>
      %dma_wait3A_336 = tpu.memref_squeeze %dma_wait3A_335 : memref<1x200x256xf32, #tpu.memory_space<vmem>> -> memref<200x256xf32, #tpu.memory_space<vmem>>
      tpu.wait_dma2 semaphore(%dma_wait3A_328 : memref<!tpu.dma_semaphore, #tpu.memory_space<semaphore_mem>>) src(%dma_wait3A_336 : memref<200x256xf32, #tpu.memory_space<vmem>>) dst(%dma_wait3A_332 : memref<200x256xf32, #tpu.memory_space<hbm>>)
      %dma_wait3A_337 = arith.constant 0 : i32
      %dma_wait3A_338 = arith.constant 3 : i32
      %dma_wait3A_339 = arith.constant 0 : i32
      %dma_wait3A_340 = arith.constant 0 : i32
      %dma_wait3A_341 = arith.constant 0 : i32
      %dma_wait3A_342 = tpu.memref_slice %arg5[%dma_wait3A_337, %dma_wait3A_340, %dma_wait3A_341] : memref<2x200x256xf32, #tpu.memory_space<vmem>> -> memref<1x200x256xf32, #tpu.memory_space<vmem>>
      %dma_wait3A_343 = tpu.memref_squeeze %dma_wait3A_342 : memref<1x200x256xf32, #tpu.memory_space<vmem>> -> memref<200x256xf32, #tpu.memory_space<vmem>>
      %dma_wait3A_344 = arith.constant 0 : i32
      %dma_wait3A_345 = arith.constant 0 : i32
      %dma_wait3A_346 = tpu.memref_slice %arg4[%dma_wait3A_338, %add3A_3, %dma_wait3A_344, %dma_wait3A_345] : memref<8x200x200x256xf32, #tpu.memory_space<hbm>> -> memref<1x1x200x256xf32, #tpu.memory_space<hbm>>
      %dma_wait3A_347 = tpu.memref_squeeze %dma_wait3A_346 : memref<1x1x200x256xf32, #tpu.memory_space<hbm>> -> memref<200x256xf32, #tpu.memory_space<hbm>>
      %dma_wait3A_348 = tpu.memref_slice %arg7[%dma_wait3A_339] : memref<2x!tpu.dma_semaphore, #tpu.memory_space<semaphore_mem>> -> memref<1x!tpu.dma_semaphore, #tpu.memory_space<semaphore_mem>>
      %dma_wait3A_349 = tpu.memref_squeeze %dma_wait3A_348 : memref<1x!tpu.dma_semaphore, #tpu.memory_space<semaphore_mem>> -> memref<!tpu.dma_semaphore, #tpu.memory_space<semaphore_mem>>
      %dma_wait3A_350 = arith.constant 0 : i32
      %dma_wait3A_351 = arith.constant 0 : i32
      %dma_wait3A_352 = tpu.memref_slice %arg4[%dma_wait3A_338, %add3A_3, %dma_wait3A_350, %dma_wait3A_351] : memref<8x200x200x256xf32, #tpu.memory_space<hbm>> -> memref<1x1x200x256xf32, #tpu.memory_space<hbm>>
      %dma_wait3A_353 = tpu.memref_squeeze %dma_wait3A_352 : memref<1x1x200x256xf32, #tpu.memory_space<hbm>> -> memref<200x256xf32, #tpu.memory_space<hbm>>
      %dma_wait3A_354 = arith.constant 0 : i32
      %dma_wait3A_355 = arith.constant 0 : i32
      %dma_wait3A_356 = tpu.memref_slice %arg5[%dma_wait3A_337, %dma_wait3A_354, %dma_wait3A_355] : memref<2x200x256xf32, #tpu.memory_space<vmem>> -> memref<1x200x256xf32, #tpu.memory_space<vmem>>
      %dma_wait3A_357 = tpu.memref_squeeze %dma_wait3A_356 : memref<1x200x256xf32, #tpu.memory_space<vmem>> -> memref<200x256xf32, #tpu.memory_space<vmem>>
      tpu.wait_dma2 semaphore(%dma_wait3A_349 : memref<!tpu.dma_semaphore, #tpu.memory_space<semaphore_mem>>) src(%dma_wait3A_357 : memref<200x256xf32, #tpu.memory_space<vmem>>) dst(%dma_wait3A_353 : memref<200x256xf32, #tpu.memory_space<hbm>>)
      %dma_wait3A_358 = arith.constant 0 : i32
      %dma_wait3A_359 = arith.constant 4 : i32
      %dma_wait3A_360 = arith.constant 0 : i32
      %dma_wait3A_361 = arith.constant 0 : i32
      %dma_wait3A_362 = arith.constant 0 : i32
      %dma_wait3A_363 = tpu.memref_slice %arg5[%dma_wait3A_358, %dma_wait3A_361, %dma_wait3A_362] : memref<2x200x256xf32, #tpu.memory_space<vmem>> -> memref<1x200x256xf32, #tpu.memory_space<vmem>>
      %dma_wait3A_364 = tpu.memref_squeeze %dma_wait3A_363 : memref<1x200x256xf32, #tpu.memory_space<vmem>> -> memref<200x256xf32, #tpu.memory_space<vmem>>
      %dma_wait3A_365 = arith.constant 0 : i32
      %dma_wait3A_366 = arith.constant 0 : i32
      %dma_wait3A_367 = tpu.memref_slice %arg4[%dma_wait3A_359, %add3A_3, %dma_wait3A_365, %dma_wait3A_366] : memref<8x200x200x256xf32, #tpu.memory_space<hbm>> -> memref<1x1x200x256xf32, #tpu.memory_space<hbm>>
      %dma_wait3A_368 = tpu.memref_squeeze %dma_wait3A_367 : memref<1x1x200x256xf32, #tpu.memory_space<hbm>> -> memref<200x256xf32, #tpu.memory_space<hbm>>
      %dma_wait3A_369 = tpu.memref_slice %arg7[%dma_wait3A_360] : memref<2x!tpu.dma_semaphore, #tpu.memory_space<semaphore_mem>> -> memref<1x!tpu.dma_semaphore, #tpu.memory_space<semaphore_mem>>
      %dma_wait3A_370 = tpu.memref_squeeze %dma_wait3A_369 : memref<1x!tpu.dma_semaphore, #tpu.memory_space<semaphore_mem>> -> memref<!tpu.dma_semaphore, #tpu.memory_space<semaphore_mem>>
      %dma_wait3A_371 = arith.constant 0 : i32
      %dma_wait3A_372 = arith.constant 0 : i32
      %dma_wait3A_373 = tpu.memref_slice %arg4[%dma_wait3A_359, %add3A_3, %dma_wait3A_371, %dma_wait3A_372] : memref<8x200x200x256xf32, #tpu.memory_space<hbm>> -> memref<1x1x200x256xf32, #tpu.memory_space<hbm>>
      %dma_wait3A_374 = tpu.memref_squeeze %dma_wait3A_373 : memref<1x1x200x256xf32, #tpu.memory_space<hbm>> -> memref<200x256xf32, #tpu.memory_space<hbm>>
      %dma_wait3A_375 = arith.constant 0 : i32
      %dma_wait3A_376 = arith.constant 0 : i32
      %dma_wait3A_377 = tpu.memref_slice %arg5[%dma_wait3A_358, %dma_wait3A_375, %dma_wait3A_376] : memref<2x200x256xf32, #tpu.memory_space<vmem>> -> memref<1x200x256xf32, #tpu.memory_space<vmem>>
      %dma_wait3A_378 = tpu.memref_squeeze %dma_wait3A_377 : memref<1x200x256xf32, #tpu.memory_space<vmem>> -> memref<200x256xf32, #tpu.memory_space<vmem>>
      tpu.wait_dma2 semaphore(%dma_wait3A_370 : memref<!tpu.dma_semaphore, #tpu.memory_space<semaphore_mem>>) src(%dma_wait3A_378 : memref<200x256xf32, #tpu.memory_space<vmem>>) dst(%dma_wait3A_374 : memref<200x256xf32, #tpu.memory_space<hbm>>)
      %dma_wait3A_379 = arith.constant 0 : i32
      %dma_wait3A_380 = arith.constant 5 : i32
      %dma_wait3A_381 = arith.constant 0 : i32
      %dma_wait3A_382 = arith.constant 0 : i32
      %dma_wait3A_383 = arith.constant 0 : i32
      %dma_wait3A_384 = tpu.memref_slice %arg5[%dma_wait3A_379, %dma_wait3A_382, %dma_wait3A_383] : memref<2x200x256xf32, #tpu.memory_space<vmem>> -> memref<1x200x256xf32, #tpu.memory_space<vmem>>
      %dma_wait3A_385 = tpu.memref_squeeze %dma_wait3A_384 : memref<1x200x256xf32, #tpu.memory_space<vmem>> -> memref<200x256xf32, #tpu.memory_space<vmem>>
      %dma_wait3A_386 = arith.constant 0 : i32
      %dma_wait3A_387 = arith.constant 0 : i32
      %dma_wait3A_388 = tpu.memref_slice %arg4[%dma_wait3A_380, %add3A_3, %dma_wait3A_386, %dma_wait3A_387] : memref<8x200x200x256xf32, #tpu.memory_space<hbm>> -> memref<1x1x200x256xf32, #tpu.memory_space<hbm>>
      %dma_wait3A_389 = tpu.memref_squeeze %dma_wait3A_388 : memref<1x1x200x256xf32, #tpu.memory_space<hbm>> -> memref<200x256xf32, #tpu.memory_space<hbm>>
      %dma_wait3A_390 = tpu.memref_slice %arg7[%dma_wait3A_381] : memref<2x!tpu.dma_semaphore, #tpu.memory_space<semaphore_mem>> -> memref<1x!tpu.dma_semaphore, #tpu.memory_space<semaphore_mem>>
      %dma_wait3A_391 = tpu.memref_squeeze %dma_wait3A_390 : memref<1x!tpu.dma_semaphore, #tpu.memory_space<semaphore_mem>> -> memref<!tpu.dma_semaphore, #tpu.memory_space<semaphore_mem>>
      %dma_wait3A_392 = arith.constant 0 : i32
      %dma_wait3A_393 = arith.constant 0 : i32
      %dma_wait3A_394 = tpu.memref_slice %arg4[%dma_wait3A_380, %add3A_3, %dma_wait3A_392, %dma_wait3A_393] : memref<8x200x200x256xf32, #tpu.memory_space<hbm>> -> memref<1x1x200x256xf32, #tpu.memory_space<hbm>>
      %dma_wait3A_395 = tpu.memref_squeeze %dma_wait3A_394 : memref<1x1x200x256xf32, #tpu.memory_space<hbm>> -> memref<200x256xf32, #tpu.memory_space<hbm>>
      %dma_wait3A_396 = arith.constant 0 : i32
      %dma_wait3A_397 = arith.constant 0 : i32
      %dma_wait3A_398 = tpu.memref_slice %arg5[%dma_wait3A_379, %dma_wait3A_396, %dma_wait3A_397] : memref<2x200x256xf32, #tpu.memory_space<vmem>> -> memref<1x200x256xf32, #tpu.memory_space<vmem>>
      %dma_wait3A_399 = tpu.memref_squeeze %dma_wait3A_398 : memref<1x200x256xf32, #tpu.memory_space<vmem>> -> memref<200x256xf32, #tpu.memory_space<vmem>>
      tpu.wait_dma2 semaphore(%dma_wait3A_391 : memref<!tpu.dma_semaphore, #tpu.memory_space<semaphore_mem>>) src(%dma_wait3A_399 : memref<200x256xf32, #tpu.memory_space<vmem>>) dst(%dma_wait3A_395 : memref<200x256xf32, #tpu.memory_space<hbm>>)
      %dma_wait3A_400 = arith.constant 0 : i32
      %dma_wait3A_401 = arith.constant 6 : i32
      %dma_wait3A_402 = arith.constant 0 : i32
      %dma_wait3A_403 = arith.constant 0 : i32
      %dma_wait3A_404 = arith.constant 0 : i32
      %dma_wait3A_405 = tpu.memref_slice %arg5[%dma_wait3A_400, %dma_wait3A_403, %dma_wait3A_404] : memref<2x200x256xf32, #tpu.memory_space<vmem>> -> memref<1x200x256xf32, #tpu.memory_space<vmem>>
      %dma_wait3A_406 = tpu.memref_squeeze %dma_wait3A_405 : memref<1x200x256xf32, #tpu.memory_space<vmem>> -> memref<200x256xf32, #tpu.memory_space<vmem>>
      %dma_wait3A_407 = arith.constant 0 : i32
      %dma_wait3A_408 = arith.constant 0 : i32
      %dma_wait3A_409 = tpu.memref_slice %arg4[%dma_wait3A_401, %add3A_3, %dma_wait3A_407, %dma_wait3A_408] : memref<8x200x200x256xf32, #tpu.memory_space<hbm>> -> memref<1x1x200x256xf32, #tpu.memory_space<hbm>>
      %dma_wait3A_410 = tpu.memref_squeeze %dma_wait3A_409 : memref<1x1x200x256xf32, #tpu.memory_space<hbm>> -> memref<200x256xf32, #tpu.memory_space<hbm>>
      %dma_wait3A_411 = tpu.memref_slice %arg7[%dma_wait3A_402] : memref<2x!tpu.dma_semaphore, #tpu.memory_space<semaphore_mem>> -> memref<1x!tpu.dma_semaphore, #tpu.memory_space<semaphore_mem>>
      %dma_wait3A_412 = tpu.memref_squeeze %dma_wait3A_411 : memref<1x!tpu.dma_semaphore, #tpu.memory_space<semaphore_mem>> -> memref<!tpu.dma_semaphore, #tpu.memory_space<semaphore_mem>>
      %dma_wait3A_413 = arith.constant 0 : i32
      %dma_wait3A_414 = arith.constant 0 : i32
      %dma_wait3A_415 = tpu.memref_slice %arg4[%dma_wait3A_401, %add3A_3, %dma_wait3A_413, %dma_wait3A_414] : memref<8x200x200x256xf32, #tpu.memory_space<hbm>> -> memref<1x1x200x256xf32, #tpu.memory_space<hbm>>
      %dma_wait3A_416 = tpu.memref_squeeze %dma_wait3A_415 : memref<1x1x200x256xf32, #tpu.memory_space<hbm>> -> memref<200x256xf32, #tpu.memory_space<hbm>>
      %dma_wait3A_417 = arith.constant 0 : i32
      %dma_wait3A_418 = arith.constant 0 : i32
      %dma_wait3A_419 = tpu.memref_slice %arg5[%dma_wait3A_400, %dma_wait3A_417, %dma_wait3A_418] : memref<2x200x256xf32, #tpu.memory_space<vmem>> -> memref<1x200x256xf32, #tpu.memory_space<vmem>>
      %dma_wait3A_420 = tpu.memref_squeeze %dma_wait3A_419 : memref<1x200x256xf32, #tpu.memory_space<vmem>> -> memref<200x256xf32, #tpu.memory_space<vmem>>
      tpu.wait_dma2 semaphore(%dma_wait3A_412 : memref<!tpu.dma_semaphore, #tpu.memory_space<semaphore_mem>>) src(%dma_wait3A_420 : memref<200x256xf32, #tpu.memory_space<vmem>>) dst(%dma_wait3A_416 : memref<200x256xf32, #tpu.memory_space<hbm>>)
      %dma_wait3A_421 = arith.constant 0 : i32
      %dma_wait3A_422 = arith.constant 7 : i32
      %dma_wait3A_423 = arith.constant 0 : i32
      %dma_wait3A_424 = arith.constant 0 : i32
      %dma_wait3A_425 = arith.constant 0 : i32
      %dma_wait3A_426 = tpu.memref_slice %arg5[%dma_wait3A_421, %dma_wait3A_424, %dma_wait3A_425] : memref<2x200x256xf32, #tpu.memory_space<vmem>> -> memref<1x200x256xf32, #tpu.memory_space<vmem>>
      %dma_wait3A_427 = tpu.memref_squeeze %dma_wait3A_426 : memref<1x200x256xf32, #tpu.memory_space<vmem>> -> memref<200x256xf32, #tpu.memory_space<vmem>>
      %dma_wait3A_428 = arith.constant 0 : i32
      %dma_wait3A_429 = arith.constant 0 : i32
      %dma_wait3A_430 = tpu.memref_slice %arg4[%dma_wait3A_422, %add3A_3, %dma_wait3A_428, %dma_wait3A_429] : memref<8x200x200x256xf32, #tpu.memory_space<hbm>> -> memref<1x1x200x256xf32, #tpu.memory_space<hbm>>
      %dma_wait3A_431 = tpu.memref_squeeze %dma_wait3A_430 : memref<1x1x200x256xf32, #tpu.memory_space<hbm>> -> memref<200x256xf32, #tpu.memory_space<hbm>>
      %dma_wait3A_432 = tpu.memref_slice %arg7[%dma_wait3A_423] : memref<2x!tpu.dma_semaphore, #tpu.memory_space<semaphore_mem>> -> memref<1x!tpu.dma_semaphore, #tpu.memory_space<semaphore_mem>>
      %dma_wait3A_433 = tpu.memref_squeeze %dma_wait3A_432 : memref<1x!tpu.dma_semaphore, #tpu.memory_space<semaphore_mem>> -> memref<!tpu.dma_semaphore, #tpu.memory_space<semaphore_mem>>
      %dma_wait3A_434 = arith.constant 0 : i32
      %dma_wait3A_435 = arith.constant 0 : i32
      %dma_wait3A_436 = tpu.memref_slice %arg4[%dma_wait3A_422, %add3A_3, %dma_wait3A_434, %dma_wait3A_435] : memref<8x200x200x256xf32, #tpu.memory_space<hbm>> -> memref<1x1x200x256xf32, #tpu.memory_space<hbm>>
      %dma_wait3A_437 = tpu.memref_squeeze %dma_wait3A_436 : memref<1x1x200x256xf32, #tpu.memory_space<hbm>> -> memref<200x256xf32, #tpu.memory_space<hbm>>
      %dma_wait3A_438 = arith.constant 0 : i32
      %dma_wait3A_439 = arith.constant 0 : i32
      %dma_wait3A_440 = tpu.memref_slice %arg5[%dma_wait3A_421, %dma_wait3A_438, %dma_wait3A_439] : memref<2x200x256xf32, #tpu.memory_space<vmem>> -> memref<1x200x256xf32, #tpu.memory_space<vmem>>
      %dma_wait3A_441 = tpu.memref_squeeze %dma_wait3A_440 : memref<1x200x256xf32, #tpu.memory_space<vmem>> -> memref<200x256xf32, #tpu.memory_space<vmem>>
      tpu.wait_dma2 semaphore(%dma_wait3A_433 : memref<!tpu.dma_semaphore, #tpu.memory_space<semaphore_mem>>) src(%dma_wait3A_441 : memref<200x256xf32, #tpu.memory_space<vmem>>) dst(%dma_wait3A_437 : memref<200x256xf32, #tpu.memory_space<hbm>>)
    } else {
    }
    %add3A_6 = arith.constant 32 : i32
    %add3A_7 = arith.addi %add3A, %add3A_6 : i32
    %lt3A_8 = arith.constant 200 : i32
    %lt3A_9 = arith.cmpi slt, %add3A_7, %lt3A_8 : i32
    %convert_element_type3A_10 = arith.extui %lt3A_9 : i1 to i32
    %cond3A_11 = arith.constant 0 : i32
    %cond3A_12 = arith.cmpi ne, %convert_element_type3A_10, %cond3A_11 : i32
    scf.if %cond3A_12 {
      "tpu.region"() ({
        %run_scoped3A_442 = tpu.sem_alloc : memref<!tpu.dma_semaphore, #tpu.memory_space<semaphore_mem>>
        %dma_start3A_443 = arith.constant 0 : i32
        %dma_start3A_444 = tpu.memref_slice %arg2[%add3A_7, %dma_start3A_443] : memref<200x128xf32, #tpu.memory_space<hbm>> -> memref<1x128xf32, #tpu.memory_space<hbm>>
        %dma_start3A_445 = arith.constant 0 : i32
        %dma_start3A_446 = tpu.memref_slice %arg2[%add3A_7, %dma_start3A_445] : memref<200x128xf32, #tpu.memory_space<hbm>> -> memref<1x128xf32, #tpu.memory_space<hbm>>
        tpu.enqueue_dma source(%dma_start3A_446 : memref<1x128xf32, #tpu.memory_space<hbm>>) target(%arg6 : memref<1x128xf32, #tpu.memory_space<vmem>>) target_semaphore(%run_scoped3A_442 : memref<!tpu.dma_semaphore, #tpu.memory_space<semaphore_mem>>)
        %dma_wait3A_447 = arith.constant 0 : i32
        %dma_wait3A_448 = tpu.memref_slice %arg2[%add3A_7, %dma_wait3A_447] : memref<200x128xf32, #tpu.memory_space<hbm>> -> memref<1x128xf32, #tpu.memory_space<hbm>>
        %dma_wait3A_449 = arith.constant 0 : i32
        %dma_wait3A_450 = tpu.memref_slice %arg2[%add3A_7, %dma_wait3A_449] : memref<200x128xf32, #tpu.memory_space<hbm>> -> memref<1x128xf32, #tpu.memory_space<hbm>>
        tpu.wait_dma2 semaphore(%run_scoped3A_442 : memref<!tpu.dma_semaphore, #tpu.memory_space<semaphore_mem>>) src(%dma_wait3A_450 : memref<1x128xf32, #tpu.memory_space<hbm>>) dst(%arg6 : memref<1x128xf32, #tpu.memory_space<vmem>>)
        tpu.yield
      }) : () -> ()
      %get3A = arith.constant 0 : i32
      %get3A_48 = arith.constant 0 : i32
      %get3A_49 = tpu.memref_slice %arg6[%get3A, %get3A_48] : memref<1x128xf32, #tpu.memory_space<vmem>> -> memref<1x128xf32, #tpu.memory_space<vmem>>
      %get3A_50 = tpu.memref_squeeze %get3A_49 : memref<1x128xf32, #tpu.memory_space<vmem>> -> memref<128xf32, #tpu.memory_space<vmem>>
      %get3A_51 = arith.constant 0 : index
      %get3A_52 = tpu.vector_load %get3A_50[%get3A_51] {strides = array<i32>} : memref<128xf32, #tpu.memory_space<vmem>>, vector<16xf32>,
      %get3A_53 = vector.shape_cast %get3A_52 : vector<16xf32> to vector<16xf32>
      %get3A_54 = arith.constant 0 : i32
      %get3A_55 = arith.constant 0 : i32
      %get3A_56 = tpu.memref_slice %arg6[%get3A_54, %get3A_55] : memref<1x128xf32, #tpu.memory_space<vmem>> -> memref<1x128xf32, #tpu.memory_space<vmem>>
      %get3A_57 = tpu.memref_squeeze %get3A_56 : memref<1x128xf32, #tpu.memory_space<vmem>> -> memref<128xf32, #tpu.memory_space<vmem>>
      %get3A_58 = arith.constant 16 : index
      %get3A_59 = tpu.vector_load %get3A_57[%get3A_58] {strides = array<i32>} : memref<128xf32, #tpu.memory_space<vmem>>, vector<16xf32>,
      %get3A_60 = vector.shape_cast %get3A_59 : vector<16xf32> to vector<16xf32>
      %get3A_61 = arith.constant 0 : i32
      %get3A_62 = arith.constant 0 : i32
      %get3A_63 = tpu.memref_slice %arg6[%get3A_61, %get3A_62] : memref<1x128xf32, #tpu.memory_space<vmem>> -> memref<1x128xf32, #tpu.memory_space<vmem>>
      %get3A_64 = tpu.memref_squeeze %get3A_63 : memref<1x128xf32, #tpu.memory_space<vmem>> -> memref<128xf32, #tpu.memory_space<vmem>>
      %get3A_65 = arith.constant 32 : index
      %get3A_66 = tpu.vector_load %get3A_64[%get3A_65] {strides = array<i32>} : memref<128xf32, #tpu.memory_space<vmem>>, vector<16xf32>,
      %get3A_67 = vector.shape_cast %get3A_66 : vector<16xf32> to vector<16xf32>
      %get3A_68 = arith.constant 0 : i32
      %get3A_69 = arith.constant 0 : i32
      %get3A_70 = tpu.memref_slice %arg6[%get3A_68, %get3A_69] : memref<1x128xf32, #tpu.memory_space<vmem>> -> memref<1x128xf32, #tpu.memory_space<vmem>>
      %get3A_71 = tpu.memref_squeeze %get3A_70 : memref<1x128xf32, #tpu.memory_space<vmem>> -> memref<128xf32, #tpu.memory_space<vmem>>
      %get3A_72 = arith.constant 48 : index
      %get3A_73 = tpu.vector_load %get3A_71[%get3A_72] {strides = array<i32>} : memref<128xf32, #tpu.memory_space<vmem>>, vector<16xf32>,
      %get3A_74 = vector.shape_cast %get3A_73 : vector<16xf32> to vector<16xf32>
      %get3A_75 = arith.constant 0 : i32
      %get3A_76 = arith.constant 0 : i32
      %get3A_77 = tpu.memref_slice %arg6[%get3A_75, %get3A_76] : memref<1x128xf32, #tpu.memory_space<vmem>> -> memref<1x128xf32, #tpu.memory_space<vmem>>
      %get3A_78 = tpu.memref_squeeze %get3A_77 : memref<1x128xf32, #tpu.memory_space<vmem>> -> memref<128xf32, #tpu.memory_space<vmem>>
      %get3A_79 = arith.constant 64 : index
      %get3A_80 = tpu.vector_load %get3A_78[%get3A_79] {strides = array<i32>} : memref<128xf32, #tpu.memory_space<vmem>>, vector<16xf32>,
      %get3A_81 = vector.shape_cast %get3A_80 : vector<16xf32> to vector<16xf32>
      %get3A_82 = arith.constant 0 : i32
      %get3A_83 = arith.constant 0 : i32
      %get3A_84 = tpu.memref_slice %arg6[%get3A_82, %get3A_83] : memref<1x128xf32, #tpu.memory_space<vmem>> -> memref<1x128xf32, #tpu.memory_space<vmem>>
      %get3A_85 = tpu.memref_squeeze %get3A_84 : memref<1x128xf32, #tpu.memory_space<vmem>> -> memref<128xf32, #tpu.memory_space<vmem>>
      %get3A_86 = arith.constant 80 : index
      %get3A_87 = tpu.vector_load %get3A_85[%get3A_86] {strides = array<i32>} : memref<128xf32, #tpu.memory_space<vmem>>, vector<16xf32>,
      %get3A_88 = vector.shape_cast %get3A_87 : vector<16xf32> to vector<16xf32>
      %get3A_89 = arith.constant 0 : i32
      %get3A_90 = arith.constant 0 : i32
      %get3A_91 = tpu.memref_slice %arg6[%get3A_89, %get3A_90] : memref<1x128xf32, #tpu.memory_space<vmem>> -> memref<1x128xf32, #tpu.memory_space<vmem>>
      %get3A_92 = tpu.memref_squeeze %get3A_91 : memref<1x128xf32, #tpu.memory_space<vmem>> -> memref<128xf32, #tpu.memory_space<vmem>>
      %get3A_93 = arith.constant 96 : index
      %get3A_94 = tpu.vector_load %get3A_92[%get3A_93] {strides = array<i32>} : memref<128xf32, #tpu.memory_space<vmem>>, vector<16xf32>,
      %get3A_95 = vector.shape_cast %get3A_94 : vector<16xf32> to vector<16xf32>
      %get3A_96 = arith.constant 0 : i32
      %get3A_97 = arith.constant 0 : i32
      %get3A_98 = tpu.memref_slice %arg6[%get3A_96, %get3A_97] : memref<1x128xf32, #tpu.memory_space<vmem>> -> memref<1x128xf32, #tpu.memory_space<vmem>>
      %get3A_99 = tpu.memref_squeeze %get3A_98 : memref<1x128xf32, #tpu.memory_space<vmem>> -> memref<128xf32, #tpu.memory_space<vmem>>
      %get3A_100 = arith.constant 112 : index
      %get3A_101 = tpu.vector_load %get3A_99[%get3A_100] {strides = array<i32>} : memref<128xf32, #tpu.memory_space<vmem>>, vector<16xf32>,
      %get3A_102 = vector.shape_cast %get3A_101 : vector<16xf32> to vector<16xf32>
      %scan3A = arith.constant 0 : i32
      %scan3A_103 = arith.constant 0 : i32
      %scan3A_104 = arith.constant 200 : i32
      %scan3A_105 = arith.addi %scan3A_103, %scan3A_104 : i32
      %scan3A_106 = arith.constant 1 : i32
      scf.for %scan3A_442 = %scan3A_103 to %scan3A_105 step %scan3A_106  : i32 {
        %swap3A = arith.constant 1 : i32
        %swap3A_443 = arith.constant 0 : i32
        %swap3A_444 = tpu.memref_slice %arg5[%swap3A, %scan3A_442, %swap3A_443] : memref<2x200x256xf32, #tpu.memory_space<vmem>> -> memref<1x1x256xf32, #tpu.memory_space<vmem>>
        %swap3A_445 = tpu.memref_squeeze %swap3A_444 : memref<1x1x256xf32, #tpu.memory_space<vmem>> -> memref<256xf32, #tpu.memory_space<vmem>>
        %swap3A_446 = arith.constant 128 : index
        %swap3A_447 = tpu.vector_load %swap3A_445[%swap3A_446] {strides = array<i32>} : memref<256xf32, #tpu.memory_space<vmem>>, vector<16xf32>,
        %swap3A_448 = vector.shape_cast %swap3A_447 : vector<16xf32> to vector<16xf32>
        %swap3A_449 = vector.shape_cast %get3A_53 : vector<16xf32> to vector<16xf32>
        tpu.vector_store %swap3A_445[%swap3A_446], %swap3A_449 {strides = array<i32>} : memref<256xf32, #tpu.memory_space<vmem>>, vector<16xf32>,
        %swap3A_450 = arith.constant 1 : i32
        %swap3A_451 = arith.constant 0 : i32
        %swap3A_452 = tpu.memref_slice %arg5[%swap3A_450, %scan3A_442, %swap3A_451] : memref<2x200x256xf32, #tpu.memory_space<vmem>> -> memref<1x1x256xf32, #tpu.memory_space<vmem>>
        %swap3A_453 = tpu.memref_squeeze %swap3A_452 : memref<1x1x256xf32, #tpu.memory_space<vmem>> -> memref<256xf32, #tpu.memory_space<vmem>>
        %swap3A_454 = arith.constant 144 : index
        %swap3A_455 = tpu.vector_load %swap3A_453[%swap3A_454] {strides = array<i32>} : memref<256xf32, #tpu.memory_space<vmem>>, vector<16xf32>,
        %swap3A_456 = vector.shape_cast %swap3A_455 : vector<16xf32> to vector<16xf32>
        %swap3A_457 = vector.shape_cast %get3A_60 : vector<16xf32> to vector<16xf32>
        tpu.vector_store %swap3A_453[%swap3A_454], %swap3A_457 {strides = array<i32>} : memref<256xf32, #tpu.memory_space<vmem>>, vector<16xf32>,
        %swap3A_458 = arith.constant 1 : i32
        %swap3A_459 = arith.constant 0 : i32
        %swap3A_460 = tpu.memref_slice %arg5[%swap3A_458, %scan3A_442, %swap3A_459] : memref<2x200x256xf32, #tpu.memory_space<vmem>> -> memref<1x1x256xf32, #tpu.memory_space<vmem>>
        %swap3A_461 = tpu.memref_squeeze %swap3A_460 : memref<1x1x256xf32, #tpu.memory_space<vmem>> -> memref<256xf32, #tpu.memory_space<vmem>>
        %swap3A_462 = arith.constant 160 : index
        %swap3A_463 = tpu.vector_load %swap3A_461[%swap3A_462] {strides = array<i32>} : memref<256xf32, #tpu.memory_space<vmem>>, vector<16xf32>,
        %swap3A_464 = vector.shape_cast %swap3A_463 : vector<16xf32> to vector<16xf32>
        %swap3A_465 = vector.shape_cast %get3A_67 : vector<16xf32> to vector<16xf32>
        tpu.vector_store %swap3A_461[%swap3A_462], %swap3A_465 {strides = array<i32>} : memref<256xf32, #tpu.memory_space<vmem>>, vector<16xf32>,
        %swap3A_466 = arith.constant 1 : i32
        %swap3A_467 = arith.constant 0 : i32
        %swap3A_468 = tpu.memref_slice %arg5[%swap3A_466, %scan3A_442, %swap3A_467] : memref<2x200x256xf32, #tpu.memory_space<vmem>> -> memref<1x1x256xf32, #tpu.memory_space<vmem>>
        %swap3A_469 = tpu.memref_squeeze %swap3A_468 : memref<1x1x256xf32, #tpu.memory_space<vmem>> -> memref<256xf32, #tpu.memory_space<vmem>>
        %swap3A_470 = arith.constant 176 : index
        %swap3A_471 = tpu.vector_load %swap3A_469[%swap3A_470] {strides = array<i32>} : memref<256xf32, #tpu.memory_space<vmem>>, vector<16xf32>,
        %swap3A_472 = vector.shape_cast %swap3A_471 : vector<16xf32> to vector<16xf32>
        %swap3A_473 = vector.shape_cast %get3A_74 : vector<16xf32> to vector<16xf32>
        tpu.vector_store %swap3A_469[%swap3A_470], %swap3A_473 {strides = array<i32>} : memref<256xf32, #tpu.memory_space<vmem>>, vector<16xf32>,
        %swap3A_474 = arith.constant 1 : i32
        %swap3A_475 = arith.constant 0 : i32
        %swap3A_476 = tpu.memref_slice %arg5[%swap3A_474, %scan3A_442, %swap3A_475] : memref<2x200x256xf32, #tpu.memory_space<vmem>> -> memref<1x1x256xf32, #tpu.memory_space<vmem>>
        %swap3A_477 = tpu.memref_squeeze %swap3A_476 : memref<1x1x256xf32, #tpu.memory_space<vmem>> -> memref<256xf32, #tpu.memory_space<vmem>>
        %swap3A_478 = arith.constant 192 : index
        %swap3A_479 = tpu.vector_load %swap3A_477[%swap3A_478] {strides = array<i32>} : memref<256xf32, #tpu.memory_space<vmem>>, vector<16xf32>,
        %swap3A_480 = vector.shape_cast %swap3A_479 : vector<16xf32> to vector<16xf32>
        %swap3A_481 = vector.shape_cast %get3A_81 : vector<16xf32> to vector<16xf32>
        tpu.vector_store %swap3A_477[%swap3A_478], %swap3A_481 {strides = array<i32>} : memref<256xf32, #tpu.memory_space<vmem>>, vector<16xf32>,
        %swap3A_482 = arith.constant 1 : i32
        %swap3A_483 = arith.constant 0 : i32
        %swap3A_484 = tpu.memref_slice %arg5[%swap3A_482, %scan3A_442, %swap3A_483] : memref<2x200x256xf32, #tpu.memory_space<vmem>> -> memref<1x1x256xf32, #tpu.memory_space<vmem>>
        %swap3A_485 = tpu.memref_squeeze %swap3A_484 : memref<1x1x256xf32, #tpu.memory_space<vmem>> -> memref<256xf32, #tpu.memory_space<vmem>>
        %swap3A_486 = arith.constant 208 : index
        %swap3A_487 = tpu.vector_load %swap3A_485[%swap3A_486] {strides = array<i32>} : memref<256xf32, #tpu.memory_space<vmem>>, vector<16xf32>,
        %swap3A_488 = vector.shape_cast %swap3A_487 : vector<16xf32> to vector<16xf32>
        %swap3A_489 = vector.shape_cast %get3A_88 : vector<16xf32> to vector<16xf32>
        tpu.vector_store %swap3A_485[%swap3A_486], %swap3A_489 {strides = array<i32>} : memref<256xf32, #tpu.memory_space<vmem>>, vector<16xf32>,
        %swap3A_490 = arith.constant 1 : i32
        %swap3A_491 = arith.constant 0 : i32
        %swap3A_492 = tpu.memref_slice %arg5[%swap3A_490, %scan3A_442, %swap3A_491] : memref<2x200x256xf32, #tpu.memory_space<vmem>> -> memref<1x1x256xf32, #tpu.memory_space<vmem>>
        %swap3A_493 = tpu.memref_squeeze %swap3A_492 : memref<1x1x256xf32, #tpu.memory_space<vmem>> -> memref<256xf32, #tpu.memory_space<vmem>>
        %swap3A_494 = arith.constant 224 : index
        %swap3A_495 = tpu.vector_load %swap3A_493[%swap3A_494] {strides = array<i32>} : memref<256xf32, #tpu.memory_space<vmem>>, vector<16xf32>,
        %swap3A_496 = vector.shape_cast %swap3A_495 : vector<16xf32> to vector<16xf32>
        %swap3A_497 = vector.shape_cast %get3A_95 : vector<16xf32> to vector<16xf32>
        tpu.vector_store %swap3A_493[%swap3A_494], %swap3A_497 {strides = array<i32>} : memref<256xf32, #tpu.memory_space<vmem>>, vector<16xf32>,
        %swap3A_498 = arith.constant 1 : i32
        %swap3A_499 = arith.constant 0 : i32
        %swap3A_500 = tpu.memref_slice %arg5[%swap3A_498, %scan3A_442, %swap3A_499] : memref<2x200x256xf32, #tpu.memory_space<vmem>> -> memref<1x1x256xf32, #tpu.memory_space<vmem>>
        %swap3A_501 = tpu.memref_squeeze %swap3A_500 : memref<1x1x256xf32, #tpu.memory_space<vmem>> -> memref<256xf32, #tpu.memory_space<vmem>>
        %swap3A_502 = arith.constant 240 : index
        %swap3A_503 = tpu.vector_load %swap3A_501[%swap3A_502] {strides = array<i32>} : memref<256xf32, #tpu.memory_space<vmem>>, vector<16xf32>,
        %swap3A_504 = vector.shape_cast %swap3A_503 : vector<16xf32> to vector<16xf32>
        %swap3A_505 = vector.shape_cast %get3A_102 : vector<16xf32> to vector<16xf32>
        tpu.vector_store %swap3A_501[%swap3A_502], %swap3A_505 {strides = array<i32>} : memref<256xf32, #tpu.memory_space<vmem>>, vector<16xf32>,
      }
      %scan3A_107 = arith.constant 200 : i32
      %dma_start3A = arith.constant 1 : i32
      %dma_start3A_108 = arith.constant 0 : i32
      %dma_start3A_109 = arith.constant 1 : i32
      %dma_start3A_110 = arith.constant 0 : i32
      %dma_start3A_111 = arith.constant 0 : i32
      %dma_start3A_112 = tpu.memref_slice %arg5[%dma_start3A, %dma_start3A_110, %dma_start3A_111] : memref<2x200x256xf32, #tpu.memory_space<vmem>> -> memref<1x200x256xf32, #tpu.memory_space<vmem>>
      %dma_start3A_113 = tpu.memref_squeeze %dma_start3A_112 : memref<1x200x256xf32, #tpu.memory_space<vmem>> -> memref<200x256xf32, #tpu.memory_space<vmem>>
      %dma_start3A_114 = arith.constant 0 : i32
      %dma_start3A_115 = arith.constant 0 : i32
      %dma_start3A_116 = tpu.memref_slice %arg4[%dma_start3A_108, %add3A_7, %dma_start3A_114, %dma_start3A_115] : memref<8x200x200x256xf32, #tpu.memory_space<hbm>> -> memref<1x1x200x256xf32, #tpu.memory_space<hbm>>
      %dma_start3A_117 = tpu.memref_squeeze %dma_start3A_116 : memref<1x1x200x256xf32, #tpu.memory_space<hbm>> -> memref<200x256xf32, #tpu.memory_space<hbm>>
      %dma_start3A_118 = tpu.memref_slice %arg7[%dma_start3A_109] : memref<2x!tpu.dma_semaphore, #tpu.memory_space<semaphore_mem>> -> memref<1x!tpu.dma_semaphore, #tpu.memory_space<semaphore_mem>>
      %dma_start3A_119 = tpu.memref_squeeze %dma_start3A_118 : memref<1x!tpu.dma_semaphore, #tpu.memory_space<semaphore_mem>> -> memref<!tpu.dma_semaphore, #tpu.memory_space<semaphore_mem>>
      %dma_start3A_120 = arith.constant 0 : i32
      %dma_start3A_121 = arith.constant 0 : i32
      %dma_start3A_122 = tpu.memref_slice %arg4[%dma_start3A_108, %add3A_7, %dma_start3A_120, %dma_start3A_121] : memref<8x200x200x256xf32, #tpu.memory_space<hbm>> -> memref<1x1x200x256xf32, #tpu.memory_space<hbm>>
      %dma_start3A_123 = tpu.memref_squeeze %dma_start3A_122 : memref<1x1x200x256xf32, #tpu.memory_space<hbm>> -> memref<200x256xf32, #tpu.memory_space<hbm>>
      %dma_start3A_124 = arith.constant 0 : i32
      %dma_start3A_125 = arith.constant 0 : i32
      %dma_start3A_126 = tpu.memref_slice %arg5[%dma_start3A, %dma_start3A_124, %dma_start3A_125] : memref<2x200x256xf32, #tpu.memory_space<vmem>> -> memref<1x200x256xf32, #tpu.memory_space<vmem>>
      %dma_start3A_127 = tpu.memref_squeeze %dma_start3A_126 : memref<1x200x256xf32, #tpu.memory_space<vmem>> -> memref<200x256xf32, #tpu.memory_space<vmem>>
      tpu.enqueue_dma source(%dma_start3A_127 : memref<200x256xf32, #tpu.memory_space<vmem>>) target(%dma_start3A_123 : memref<200x256xf32, #tpu.memory_space<hbm>>) target_semaphore(%dma_start3A_119 : memref<!tpu.dma_semaphore, #tpu.memory_space<semaphore_mem>>)
      %dma_start3A_128 = arith.constant 1 : i32
      %dma_start3A_129 = arith.constant 1 : i32
      %dma_start3A_130 = arith.constant 1 : i32
      %dma_start3A_131 = arith.constant 0 : i32
      %dma_start3A_132 = arith.constant 0 : i32
      %dma_start3A_133 = tpu.memref_slice %arg5[%dma_start3A_128, %dma_start3A_131, %dma_start3A_132] : memref<2x200x256xf32, #tpu.memory_space<vmem>> -> memref<1x200x256xf32, #tpu.memory_space<vmem>>
      %dma_start3A_134 = tpu.memref_squeeze %dma_start3A_133 : memref<1x200x256xf32, #tpu.memory_space<vmem>> -> memref<200x256xf32, #tpu.memory_space<vmem>>
      %dma_start3A_135 = arith.constant 0 : i32
      %dma_start3A_136 = arith.constant 0 : i32
      %dma_start3A_137 = tpu.memref_slice %arg4[%dma_start3A_129, %add3A_7, %dma_start3A_135, %dma_start3A_136] : memref<8x200x200x256xf32, #tpu.memory_space<hbm>> -> memref<1x1x200x256xf32, #tpu.memory_space<hbm>>
      %dma_start3A_138 = tpu.memref_squeeze %dma_start3A_137 : memref<1x1x200x256xf32, #tpu.memory_space<hbm>> -> memref<200x256xf32, #tpu.memory_space<hbm>>
      %dma_start3A_139 = tpu.memref_slice %arg7[%dma_start3A_130] : memref<2x!tpu.dma_semaphore, #tpu.memory_space<semaphore_mem>> -> memref<1x!tpu.dma_semaphore, #tpu.memory_space<semaphore_mem>>
      %dma_start3A_140 = tpu.memref_squeeze %dma_start3A_139 : memref<1x!tpu.dma_semaphore, #tpu.memory_space<semaphore_mem>> -> memref<!tpu.dma_semaphore, #tpu.memory_space<semaphore_mem>>
      %dma_start3A_141 = arith.constant 0 : i32
      %dma_start3A_142 = arith.constant 0 : i32
      %dma_start3A_143 = tpu.memref_slice %arg4[%dma_start3A_129, %add3A_7, %dma_start3A_141, %dma_start3A_142] : memref<8x200x200x256xf32, #tpu.memory_space<hbm>> -> memref<1x1x200x256xf32, #tpu.memory_space<hbm>>
      %dma_start3A_144 = tpu.memref_squeeze %dma_start3A_143 : memref<1x1x200x256xf32, #tpu.memory_space<hbm>> -> memref<200x256xf32, #tpu.memory_space<hbm>>
      %dma_start3A_145 = arith.constant 0 : i32
      %dma_start3A_146 = arith.constant 0 : i32
      %dma_start3A_147 = tpu.memref_slice %arg5[%dma_start3A_128, %dma_start3A_145, %dma_start3A_146] : memref<2x200x256xf32, #tpu.memory_space<vmem>> -> memref<1x200x256xf32, #tpu.memory_space<vmem>>
      %dma_start3A_148 = tpu.memref_squeeze %dma_start3A_147 : memref<1x200x256xf32, #tpu.memory_space<vmem>> -> memref<200x256xf32, #tpu.memory_space<vmem>>
      tpu.enqueue_dma source(%dma_start3A_148 : memref<200x256xf32, #tpu.memory_space<vmem>>) target(%dma_start3A_144 : memref<200x256xf32, #tpu.memory_space<hbm>>) target_semaphore(%dma_start3A_140 : memref<!tpu.dma_semaphore, #tpu.memory_space<semaphore_mem>>)
      %dma_start3A_149 = arith.constant 1 : i32
      %dma_start3A_150 = arith.constant 2 : i32
      %dma_start3A_151 = arith.constant 1 : i32
      %dma_start3A_152 = arith.constant 0 : i32
      %dma_start3A_153 = arith.constant 0 : i32
      %dma_start3A_154 = tpu.memref_slice %arg5[%dma_start3A_149, %dma_start3A_152, %dma_start3A_153] : memref<2x200x256xf32, #tpu.memory_space<vmem>> -> memref<1x200x256xf32, #tpu.memory_space<vmem>>
      %dma_start3A_155 = tpu.memref_squeeze %dma_start3A_154 : memref<1x200x256xf32, #tpu.memory_space<vmem>> -> memref<200x256xf32, #tpu.memory_space<vmem>>
      %dma_start3A_156 = arith.constant 0 : i32
      %dma_start3A_157 = arith.constant 0 : i32
      %dma_start3A_158 = tpu.memref_slice %arg4[%dma_start3A_150, %add3A_7, %dma_start3A_156, %dma_start3A_157] : memref<8x200x200x256xf32, #tpu.memory_space<hbm>> -> memref<1x1x200x256xf32, #tpu.memory_space<hbm>>
      %dma_start3A_159 = tpu.memref_squeeze %dma_start3A_158 : memref<1x1x200x256xf32, #tpu.memory_space<hbm>> -> memref<200x256xf32, #tpu.memory_space<hbm>>
      %dma_start3A_160 = tpu.memref_slice %arg7[%dma_start3A_151] : memref<2x!tpu.dma_semaphore, #tpu.memory_space<semaphore_mem>> -> memref<1x!tpu.dma_semaphore, #tpu.memory_space<semaphore_mem>>
      %dma_start3A_161 = tpu.memref_squeeze %dma_start3A_160 : memref<1x!tpu.dma_semaphore, #tpu.memory_space<semaphore_mem>> -> memref<!tpu.dma_semaphore, #tpu.memory_space<semaphore_mem>>
      %dma_start3A_162 = arith.constant 0 : i32
      %dma_start3A_163 = arith.constant 0 : i32
      %dma_start3A_164 = tpu.memref_slice %arg4[%dma_start3A_150, %add3A_7, %dma_start3A_162, %dma_start3A_163] : memref<8x200x200x256xf32, #tpu.memory_space<hbm>> -> memref<1x1x200x256xf32, #tpu.memory_space<hbm>>
      %dma_start3A_165 = tpu.memref_squeeze %dma_start3A_164 : memref<1x1x200x256xf32, #tpu.memory_space<hbm>> -> memref<200x256xf32, #tpu.memory_space<hbm>>
      %dma_start3A_166 = arith.constant 0 : i32
      %dma_start3A_167 = arith.constant 0 : i32
      %dma_start3A_168 = tpu.memref_slice %arg5[%dma_start3A_149, %dma_start3A_166, %dma_start3A_167] : memref<2x200x256xf32, #tpu.memory_space<vmem>> -> memref<1x200x256xf32, #tpu.memory_space<vmem>>
      %dma_start3A_169 = tpu.memref_squeeze %dma_start3A_168 : memref<1x200x256xf32, #tpu.memory_space<vmem>> -> memref<200x256xf32, #tpu.memory_space<vmem>>
      tpu.enqueue_dma source(%dma_start3A_169 : memref<200x256xf32, #tpu.memory_space<vmem>>) target(%dma_start3A_165 : memref<200x256xf32, #tpu.memory_space<hbm>>) target_semaphore(%dma_start3A_161 : memref<!tpu.dma_semaphore, #tpu.memory_space<semaphore_mem>>)
      %dma_start3A_170 = arith.constant 1 : i32
      %dma_start3A_171 = arith.constant 3 : i32
      %dma_start3A_172 = arith.constant 1 : i32
      %dma_start3A_173 = arith.constant 0 : i32
      %dma_start3A_174 = arith.constant 0 : i32
      %dma_start3A_175 = tpu.memref_slice %arg5[%dma_start3A_170, %dma_start3A_173, %dma_start3A_174] : memref<2x200x256xf32, #tpu.memory_space<vmem>> -> memref<1x200x256xf32, #tpu.memory_space<vmem>>
      %dma_start3A_176 = tpu.memref_squeeze %dma_start3A_175 : memref<1x200x256xf32, #tpu.memory_space<vmem>> -> memref<200x256xf32, #tpu.memory_space<vmem>>
      %dma_start3A_177 = arith.constant 0 : i32
      %dma_start3A_178 = arith.constant 0 : i32
      %dma_start3A_179 = tpu.memref_slice %arg4[%dma_start3A_171, %add3A_7, %dma_start3A_177, %dma_start3A_178] : memref<8x200x200x256xf32, #tpu.memory_space<hbm>> -> memref<1x1x200x256xf32, #tpu.memory_space<hbm>>
      %dma_start3A_180 = tpu.memref_squeeze %dma_start3A_179 : memref<1x1x200x256xf32, #tpu.memory_space<hbm>> -> memref<200x256xf32, #tpu.memory_space<hbm>>
      %dma_start3A_181 = tpu.memref_slice %arg7[%dma_start3A_172] : memref<2x!tpu.dma_semaphore, #tpu.memory_space<semaphore_mem>> -> memref<1x!tpu.dma_semaphore, #tpu.memory_space<semaphore_mem>>
      %dma_start3A_182 = tpu.memref_squeeze %dma_start3A_181 : memref<1x!tpu.dma_semaphore, #tpu.memory_space<semaphore_mem>> -> memref<!tpu.dma_semaphore, #tpu.memory_space<semaphore_mem>>
      %dma_start3A_183 = arith.constant 0 : i32
      %dma_start3A_184 = arith.constant 0 : i32
      %dma_start3A_185 = tpu.memref_slice %arg4[%dma_start3A_171, %add3A_7, %dma_start3A_183, %dma_start3A_184] : memref<8x200x200x256xf32, #tpu.memory_space<hbm>> -> memref<1x1x200x256xf32, #tpu.memory_space<hbm>>
      %dma_start3A_186 = tpu.memref_squeeze %dma_start3A_185 : memref<1x1x200x256xf32, #tpu.memory_space<hbm>> -> memref<200x256xf32, #tpu.memory_space<hbm>>
      %dma_start3A_187 = arith.constant 0 : i32
      %dma_start3A_188 = arith.constant 0 : i32
      %dma_start3A_189 = tpu.memref_slice %arg5[%dma_start3A_170, %dma_start3A_187, %dma_start3A_188] : memref<2x200x256xf32, #tpu.memory_space<vmem>> -> memref<1x200x256xf32, #tpu.memory_space<vmem>>
      %dma_start3A_190 = tpu.memref_squeeze %dma_start3A_189 : memref<1x200x256xf32, #tpu.memory_space<vmem>> -> memref<200x256xf32, #tpu.memory_space<vmem>>
      tpu.enqueue_dma source(%dma_start3A_190 : memref<200x256xf32, #tpu.memory_space<vmem>>) target(%dma_start3A_186 : memref<200x256xf32, #tpu.memory_space<hbm>>) target_semaphore(%dma_start3A_182 : memref<!tpu.dma_semaphore, #tpu.memory_space<semaphore_mem>>)
      %dma_start3A_191 = arith.constant 1 : i32
      %dma_start3A_192 = arith.constant 4 : i32
      %dma_start3A_193 = arith.constant 1 : i32
      %dma_start3A_194 = arith.constant 0 : i32
      %dma_start3A_195 = arith.constant 0 : i32
      %dma_start3A_196 = tpu.memref_slice %arg5[%dma_start3A_191, %dma_start3A_194, %dma_start3A_195] : memref<2x200x256xf32, #tpu.memory_space<vmem>> -> memref<1x200x256xf32, #tpu.memory_space<vmem>>
      %dma_start3A_197 = tpu.memref_squeeze %dma_start3A_196 : memref<1x200x256xf32, #tpu.memory_space<vmem>> -> memref<200x256xf32, #tpu.memory_space<vmem>>
      %dma_start3A_198 = arith.constant 0 : i32
      %dma_start3A_199 = arith.constant 0 : i32
      %dma_start3A_200 = tpu.memref_slice %arg4[%dma_start3A_192, %add3A_7, %dma_start3A_198, %dma_start3A_199] : memref<8x200x200x256xf32, #tpu.memory_space<hbm>> -> memref<1x1x200x256xf32, #tpu.memory_space<hbm>>
      %dma_start3A_201 = tpu.memref_squeeze %dma_start3A_200 : memref<1x1x200x256xf32, #tpu.memory_space<hbm>> -> memref<200x256xf32, #tpu.memory_space<hbm>>
      %dma_start3A_202 = tpu.memref_slice %arg7[%dma_start3A_193] : memref<2x!tpu.dma_semaphore, #tpu.memory_space<semaphore_mem>> -> memref<1x!tpu.dma_semaphore, #tpu.memory_space<semaphore_mem>>
      %dma_start3A_203 = tpu.memref_squeeze %dma_start3A_202 : memref<1x!tpu.dma_semaphore, #tpu.memory_space<semaphore_mem>> -> memref<!tpu.dma_semaphore, #tpu.memory_space<semaphore_mem>>
      %dma_start3A_204 = arith.constant 0 : i32
      %dma_start3A_205 = arith.constant 0 : i32
      %dma_start3A_206 = tpu.memref_slice %arg4[%dma_start3A_192, %add3A_7, %dma_start3A_204, %dma_start3A_205] : memref<8x200x200x256xf32, #tpu.memory_space<hbm>> -> memref<1x1x200x256xf32, #tpu.memory_space<hbm>>
      %dma_start3A_207 = tpu.memref_squeeze %dma_start3A_206 : memref<1x1x200x256xf32, #tpu.memory_space<hbm>> -> memref<200x256xf32, #tpu.memory_space<hbm>>
      %dma_start3A_208 = arith.constant 0 : i32
      %dma_start3A_209 = arith.constant 0 : i32
      %dma_start3A_210 = tpu.memref_slice %arg5[%dma_start3A_191, %dma_start3A_208, %dma_start3A_209] : memref<2x200x256xf32, #tpu.memory_space<vmem>> -> memref<1x200x256xf32, #tpu.memory_space<vmem>>
      %dma_start3A_211 = tpu.memref_squeeze %dma_start3A_210 : memref<1x200x256xf32, #tpu.memory_space<vmem>> -> memref<200x256xf32, #tpu.memory_space<vmem>>
      tpu.enqueue_dma source(%dma_start3A_211 : memref<200x256xf32, #tpu.memory_space<vmem>>) target(%dma_start3A_207 : memref<200x256xf32, #tpu.memory_space<hbm>>) target_semaphore(%dma_start3A_203 : memref<!tpu.dma_semaphore, #tpu.memory_space<semaphore_mem>>)
      %dma_start3A_212 = arith.constant 1 : i32
      %dma_start3A_213 = arith.constant 5 : i32
      %dma_start3A_214 = arith.constant 1 : i32
      %dma_start3A_215 = arith.constant 0 : i32
      %dma_start3A_216 = arith.constant 0 : i32
      %dma_start3A_217 = tpu.memref_slice %arg5[%dma_start3A_212, %dma_start3A_215, %dma_start3A_216] : memref<2x200x256xf32, #tpu.memory_space<vmem>> -> memref<1x200x256xf32, #tpu.memory_space<vmem>>
      %dma_start3A_218 = tpu.memref_squeeze %dma_start3A_217 : memref<1x200x256xf32, #tpu.memory_space<vmem>> -> memref<200x256xf32, #tpu.memory_space<vmem>>
      %dma_start3A_219 = arith.constant 0 : i32
      %dma_start3A_220 = arith.constant 0 : i32
      %dma_start3A_221 = tpu.memref_slice %arg4[%dma_start3A_213, %add3A_7, %dma_start3A_219, %dma_start3A_220] : memref<8x200x200x256xf32, #tpu.memory_space<hbm>> -> memref<1x1x200x256xf32, #tpu.memory_space<hbm>>
      %dma_start3A_222 = tpu.memref_squeeze %dma_start3A_221 : memref<1x1x200x256xf32, #tpu.memory_space<hbm>> -> memref<200x256xf32, #tpu.memory_space<hbm>>
      %dma_start3A_223 = tpu.memref_slice %arg7[%dma_start3A_214] : memref<2x!tpu.dma_semaphore, #tpu.memory_space<semaphore_mem>> -> memref<1x!tpu.dma_semaphore, #tpu.memory_space<semaphore_mem>>
      %dma_start3A_224 = tpu.memref_squeeze %dma_start3A_223 : memref<1x!tpu.dma_semaphore, #tpu.memory_space<semaphore_mem>> -> memref<!tpu.dma_semaphore, #tpu.memory_space<semaphore_mem>>
      %dma_start3A_225 = arith.constant 0 : i32
      %dma_start3A_226 = arith.constant 0 : i32
      %dma_start3A_227 = tpu.memref_slice %arg4[%dma_start3A_213, %add3A_7, %dma_start3A_225, %dma_start3A_226] : memref<8x200x200x256xf32, #tpu.memory_space<hbm>> -> memref<1x1x200x256xf32, #tpu.memory_space<hbm>>
      %dma_start3A_228 = tpu.memref_squeeze %dma_start3A_227 : memref<1x1x200x256xf32, #tpu.memory_space<hbm>> -> memref<200x256xf32, #tpu.memory_space<hbm>>
      %dma_start3A_229 = arith.constant 0 : i32
      %dma_start3A_230 = arith.constant 0 : i32
      %dma_start3A_231 = tpu.memref_slice %arg5[%dma_start3A_212, %dma_start3A_229, %dma_start3A_230] : memref<2x200x256xf32, #tpu.memory_space<vmem>> -> memref<1x200x256xf32, #tpu.memory_space<vmem>>
      %dma_start3A_232 = tpu.memref_squeeze %dma_start3A_231 : memref<1x200x256xf32, #tpu.memory_space<vmem>> -> memref<200x256xf32, #tpu.memory_space<vmem>>
      tpu.enqueue_dma source(%dma_start3A_232 : memref<200x256xf32, #tpu.memory_space<vmem>>) target(%dma_start3A_228 : memref<200x256xf32, #tpu.memory_space<hbm>>) target_semaphore(%dma_start3A_224 : memref<!tpu.dma_semaphore, #tpu.memory_space<semaphore_mem>>)
      %dma_start3A_233 = arith.constant 1 : i32
      %dma_start3A_234 = arith.constant 6 : i32
      %dma_start3A_235 = arith.constant 1 : i32
      %dma_start3A_236 = arith.constant 0 : i32
      %dma_start3A_237 = arith.constant 0 : i32
      %dma_start3A_238 = tpu.memref_slice %arg5[%dma_start3A_233, %dma_start3A_236, %dma_start3A_237] : memref<2x200x256xf32, #tpu.memory_space<vmem>> -> memref<1x200x256xf32, #tpu.memory_space<vmem>>
      %dma_start3A_239 = tpu.memref_squeeze %dma_start3A_238 : memref<1x200x256xf32, #tpu.memory_space<vmem>> -> memref<200x256xf32, #tpu.memory_space<vmem>>
      %dma_start3A_240 = arith.constant 0 : i32
      %dma_start3A_241 = arith.constant 0 : i32
      %dma_start3A_242 = tpu.memref_slice %arg4[%dma_start3A_234, %add3A_7, %dma_start3A_240, %dma_start3A_241] : memref<8x200x200x256xf32, #tpu.memory_space<hbm>> -> memref<1x1x200x256xf32, #tpu.memory_space<hbm>>
      %dma_start3A_243 = tpu.memref_squeeze %dma_start3A_242 : memref<1x1x200x256xf32, #tpu.memory_space<hbm>> -> memref<200x256xf32, #tpu.memory_space<hbm>>
      %dma_start3A_244 = tpu.memref_slice %arg7[%dma_start3A_235] : memref<2x!tpu.dma_semaphore, #tpu.memory_space<semaphore_mem>> -> memref<1x!tpu.dma_semaphore, #tpu.memory_space<semaphore_mem>>
      %dma_start3A_245 = tpu.memref_squeeze %dma_start3A_244 : memref<1x!tpu.dma_semaphore, #tpu.memory_space<semaphore_mem>> -> memref<!tpu.dma_semaphore, #tpu.memory_space<semaphore_mem>>
      %dma_start3A_246 = arith.constant 0 : i32
      %dma_start3A_247 = arith.constant 0 : i32
      %dma_start3A_248 = tpu.memref_slice %arg4[%dma_start3A_234, %add3A_7, %dma_start3A_246, %dma_start3A_247] : memref<8x200x200x256xf32, #tpu.memory_space<hbm>> -> memref<1x1x200x256xf32, #tpu.memory_space<hbm>>
      %dma_start3A_249 = tpu.memref_squeeze %dma_start3A_248 : memref<1x1x200x256xf32, #tpu.memory_space<hbm>> -> memref<200x256xf32, #tpu.memory_space<hbm>>
      %dma_start3A_250 = arith.constant 0 : i32
      %dma_start3A_251 = arith.constant 0 : i32
      %dma_start3A_252 = tpu.memref_slice %arg5[%dma_start3A_233, %dma_start3A_250, %dma_start3A_251] : memref<2x200x256xf32, #tpu.memory_space<vmem>> -> memref<1x200x256xf32, #tpu.memory_space<vmem>>
      %dma_start3A_253 = tpu.memref_squeeze %dma_start3A_252 : memref<1x200x256xf32, #tpu.memory_space<vmem>> -> memref<200x256xf32, #tpu.memory_space<vmem>>
      tpu.enqueue_dma source(%dma_start3A_253 : memref<200x256xf32, #tpu.memory_space<vmem>>) target(%dma_start3A_249 : memref<200x256xf32, #tpu.memory_space<hbm>>) target_semaphore(%dma_start3A_245 : memref<!tpu.dma_semaphore, #tpu.memory_space<semaphore_mem>>)
      %dma_start3A_254 = arith.constant 1 : i32
      %dma_start3A_255 = arith.constant 7 : i32
      %dma_start3A_256 = arith.constant 1 : i32
      %dma_start3A_257 = arith.constant 0 : i32
      %dma_start3A_258 = arith.constant 0 : i32
      %dma_start3A_259 = tpu.memref_slice %arg5[%dma_start3A_254, %dma_start3A_257, %dma_start3A_258] : memref<2x200x256xf32, #tpu.memory_space<vmem>> -> memref<1x200x256xf32, #tpu.memory_space<vmem>>
      %dma_start3A_260 = tpu.memref_squeeze %dma_start3A_259 : memref<1x200x256xf32, #tpu.memory_space<vmem>> -> memref<200x256xf32, #tpu.memory_space<vmem>>
      %dma_start3A_261 = arith.constant 0 : i32
      %dma_start3A_262 = arith.constant 0 : i32
      %dma_start3A_263 = tpu.memref_slice %arg4[%dma_start3A_255, %add3A_7, %dma_start3A_261, %dma_start3A_262] : memref<8x200x200x256xf32, #tpu.memory_space<hbm>> -> memref<1x1x200x256xf32, #tpu.memory_space<hbm>>
      %dma_start3A_264 = tpu.memref_squeeze %dma_start3A_263 : memref<1x1x200x256xf32, #tpu.memory_space<hbm>> -> memref<200x256xf32, #tpu.memory_space<hbm>>
      %dma_start3A_265 = tpu.memref_slice %arg7[%dma_start3A_256] : memref<2x!tpu.dma_semaphore, #tpu.memory_space<semaphore_mem>> -> memref<1x!tpu.dma_semaphore, #tpu.memory_space<semaphore_mem>>
      %dma_start3A_266 = tpu.memref_squeeze %dma_start3A_265 : memref<1x!tpu.dma_semaphore, #tpu.memory_space<semaphore_mem>> -> memref<!tpu.dma_semaphore, #tpu.memory_space<semaphore_mem>>
      %dma_start3A_267 = arith.constant 0 : i32
      %dma_start3A_268 = arith.constant 0 : i32
      %dma_start3A_269 = tpu.memref_slice %arg4[%dma_start3A_255, %add3A_7, %dma_start3A_267, %dma_start3A_268] : memref<8x200x200x256xf32, #tpu.memory_space<hbm>> -> memref<1x1x200x256xf32, #tpu.memory_space<hbm>>
      %dma_start3A_270 = tpu.memref_squeeze %dma_start3A_269 : memref<1x1x200x256xf32, #tpu.memory_space<hbm>> -> memref<200x256xf32, #tpu.memory_space<hbm>>
      %dma_start3A_271 = arith.constant 0 : i32
      %dma_start3A_272 = arith.constant 0 : i32
      %dma_start3A_273 = tpu.memref_slice %arg5[%dma_start3A_254, %dma_start3A_271, %dma_start3A_272] : memref<2x200x256xf32, #tpu.memory_space<vmem>> -> memref<1x200x256xf32, #tpu.memory_space<vmem>>
      %dma_start3A_274 = tpu.memref_squeeze %dma_start3A_273 : memref<1x200x256xf32, #tpu.memory_space<vmem>> -> memref<200x256xf32, #tpu.memory_space<vmem>>
      tpu.enqueue_dma source(%dma_start3A_274 : memref<200x256xf32, #tpu.memory_space<vmem>>) target(%dma_start3A_270 : memref<200x256xf32, #tpu.memory_space<hbm>>) target_semaphore(%dma_start3A_266 : memref<!tpu.dma_semaphore, #tpu.memory_space<semaphore_mem>>)
      %dma_wait3A = arith.constant 1 : i32
      %dma_wait3A_275 = arith.constant 0 : i32
      %dma_wait3A_276 = arith.constant 1 : i32
      %dma_wait3A_277 = arith.constant 0 : i32
      %dma_wait3A_278 = arith.constant 0 : i32
      %dma_wait3A_279 = tpu.memref_slice %arg5[%dma_wait3A, %dma_wait3A_277, %dma_wait3A_278] : memref<2x200x256xf32, #tpu.memory_space<vmem>> -> memref<1x200x256xf32, #tpu.memory_space<vmem>>
      %dma_wait3A_280 = tpu.memref_squeeze %dma_wait3A_279 : memref<1x200x256xf32, #tpu.memory_space<vmem>> -> memref<200x256xf32, #tpu.memory_space<vmem>>
      %dma_wait3A_281 = arith.constant 0 : i32
      %dma_wait3A_282 = arith.constant 0 : i32
      %dma_wait3A_283 = tpu.memref_slice %arg4[%dma_wait3A_275, %add3A_7, %dma_wait3A_281, %dma_wait3A_282] : memref<8x200x200x256xf32, #tpu.memory_space<hbm>> -> memref<1x1x200x256xf32, #tpu.memory_space<hbm>>
      %dma_wait3A_284 = tpu.memref_squeeze %dma_wait3A_283 : memref<1x1x200x256xf32, #tpu.memory_space<hbm>> -> memref<200x256xf32, #tpu.memory_space<hbm>>
      %dma_wait3A_285 = tpu.memref_slice %arg7[%dma_wait3A_276] : memref<2x!tpu.dma_semaphore, #tpu.memory_space<semaphore_mem>> -> memref<1x!tpu.dma_semaphore, #tpu.memory_space<semaphore_mem>>
      %dma_wait3A_286 = tpu.memref_squeeze %dma_wait3A_285 : memref<1x!tpu.dma_semaphore, #tpu.memory_space<semaphore_mem>> -> memref<!tpu.dma_semaphore, #tpu.memory_space<semaphore_mem>>
      %dma_wait3A_287 = arith.constant 0 : i32
      %dma_wait3A_288 = arith.constant 0 : i32
      %dma_wait3A_289 = tpu.memref_slice %arg4[%dma_wait3A_275, %add3A_7, %dma_wait3A_287, %dma_wait3A_288] : memref<8x200x200x256xf32, #tpu.memory_space<hbm>> -> memref<1x1x200x256xf32, #tpu.memory_space<hbm>>
      %dma_wait3A_290 = tpu.memref_squeeze %dma_wait3A_289 : memref<1x1x200x256xf32, #tpu.memory_space<hbm>> -> memref<200x256xf32, #tpu.memory_space<hbm>>
      %dma_wait3A_291 = arith.constant 0 : i32
      %dma_wait3A_292 = arith.constant 0 : i32
      %dma_wait3A_293 = tpu.memref_slice %arg5[%dma_wait3A, %dma_wait3A_291, %dma_wait3A_292] : memref<2x200x256xf32, #tpu.memory_space<vmem>> -> memref<1x200x256xf32, #tpu.memory_space<vmem>>
      %dma_wait3A_294 = tpu.memref_squeeze %dma_wait3A_293 : memref<1x200x256xf32, #tpu.memory_space<vmem>> -> memref<200x256xf32, #tpu.memory_space<vmem>>
      tpu.wait_dma2 semaphore(%dma_wait3A_286 : memref<!tpu.dma_semaphore, #tpu.memory_space<semaphore_mem>>) src(%dma_wait3A_294 : memref<200x256xf32, #tpu.memory_space<vmem>>) dst(%dma_wait3A_290 : memref<200x256xf32, #tpu.memory_space<hbm>>)
      %dma_wait3A_295 = arith.constant 1 : i32
      %dma_wait3A_296 = arith.constant 1 : i32
      %dma_wait3A_297 = arith.constant 1 : i32
      %dma_wait3A_298 = arith.constant 0 : i32
      %dma_wait3A_299 = arith.constant 0 : i32
      %dma_wait3A_300 = tpu.memref_slice %arg5[%dma_wait3A_295, %dma_wait3A_298, %dma_wait3A_299] : memref<2x200x256xf32, #tpu.memory_space<vmem>> -> memref<1x200x256xf32, #tpu.memory_space<vmem>>
      %dma_wait3A_301 = tpu.memref_squeeze %dma_wait3A_300 : memref<1x200x256xf32, #tpu.memory_space<vmem>> -> memref<200x256xf32, #tpu.memory_space<vmem>>
      %dma_wait3A_302 = arith.constant 0 : i32
      %dma_wait3A_303 = arith.constant 0 : i32
      %dma_wait3A_304 = tpu.memref_slice %arg4[%dma_wait3A_296, %add3A_7, %dma_wait3A_302, %dma_wait3A_303] : memref<8x200x200x256xf32, #tpu.memory_space<hbm>> -> memref<1x1x200x256xf32, #tpu.memory_space<hbm>>
      %dma_wait3A_305 = tpu.memref_squeeze %dma_wait3A_304 : memref<1x1x200x256xf32, #tpu.memory_space<hbm>> -> memref<200x256xf32, #tpu.memory_space<hbm>>
      %dma_wait3A_306 = tpu.memref_slice %arg7[%dma_wait3A_297] : memref<2x!tpu.dma_semaphore, #tpu.memory_space<semaphore_mem>> -> memref<1x!tpu.dma_semaphore, #tpu.memory_space<semaphore_mem>>
      %dma_wait3A_307 = tpu.memref_squeeze %dma_wait3A_306 : memref<1x!tpu.dma_semaphore, #tpu.memory_space<semaphore_mem>> -> memref<!tpu.dma_semaphore, #tpu.memory_space<semaphore_mem>>
      %dma_wait3A_308 = arith.constant 0 : i32
      %dma_wait3A_309 = arith.constant 0 : i32
      %dma_wait3A_310 = tpu.memref_slice %arg4[%dma_wait3A_296, %add3A_7, %dma_wait3A_308, %dma_wait3A_309] : memref<8x200x200x256xf32, #tpu.memory_space<hbm>> -> memref<1x1x200x256xf32, #tpu.memory_space<hbm>>
      %dma_wait3A_311 = tpu.memref_squeeze %dma_wait3A_310 : memref<1x1x200x256xf32, #tpu.memory_space<hbm>> -> memref<200x256xf32, #tpu.memory_space<hbm>>
      %dma_wait3A_312 = arith.constant 0 : i32
      %dma_wait3A_313 = arith.constant 0 : i32
      %dma_wait3A_314 = tpu.memref_slice %arg5[%dma_wait3A_295, %dma_wait3A_312, %dma_wait3A_313] : memref<2x200x256xf32, #tpu.memory_space<vmem>> -> memref<1x200x256xf32, #tpu.memory_space<vmem>>
      %dma_wait3A_315 = tpu.memref_squeeze %dma_wait3A_314 : memref<1x200x256xf32, #tpu.memory_space<vmem>> -> memref<200x256xf32, #tpu.memory_space<vmem>>
      tpu.wait_dma2 semaphore(%dma_wait3A_307 : memref<!tpu.dma_semaphore, #tpu.memory_space<semaphore_mem>>) src(%dma_wait3A_315 : memref<200x256xf32, #tpu.memory_space<vmem>>) dst(%dma_wait3A_311 : memref<200x256xf32, #tpu.memory_space<hbm>>)
      %dma_wait3A_316 = arith.constant 1 : i32
      %dma_wait3A_317 = arith.constant 2 : i32
      %dma_wait3A_318 = arith.constant 1 : i32
      %dma_wait3A_319 = arith.constant 0 : i32
      %dma_wait3A_320 = arith.constant 0 : i32
      %dma_wait3A_321 = tpu.memref_slice %arg5[%dma_wait3A_316, %dma_wait3A_319, %dma_wait3A_320] : memref<2x200x256xf32, #tpu.memory_space<vmem>> -> memref<1x200x256xf32, #tpu.memory_space<vmem>>
      %dma_wait3A_322 = tpu.memref_squeeze %dma_wait3A_321 : memref<1x200x256xf32, #tpu.memory_space<vmem>> -> memref<200x256xf32, #tpu.memory_space<vmem>>
      %dma_wait3A_323 = arith.constant 0 : i32
      %dma_wait3A_324 = arith.constant 0 : i32
      %dma_wait3A_325 = tpu.memref_slice %arg4[%dma_wait3A_317, %add3A_7, %dma_wait3A_323, %dma_wait3A_324] : memref<8x200x200x256xf32, #tpu.memory_space<hbm>> -> memref<1x1x200x256xf32, #tpu.memory_space<hbm>>
      %dma_wait3A_326 = tpu.memref_squeeze %dma_wait3A_325 : memref<1x1x200x256xf32, #tpu.memory_space<hbm>> -> memref<200x256xf32, #tpu.memory_space<hbm>>
      %dma_wait3A_327 = tpu.memref_slice %arg7[%dma_wait3A_318] : memref<2x!tpu.dma_semaphore, #tpu.memory_space<semaphore_mem>> -> memref<1x!tpu.dma_semaphore, #tpu.memory_space<semaphore_mem>>
      %dma_wait3A_328 = tpu.memref_squeeze %dma_wait3A_327 : memref<1x!tpu.dma_semaphore, #tpu.memory_space<semaphore_mem>> -> memref<!tpu.dma_semaphore, #tpu.memory_space<semaphore_mem>>
      %dma_wait3A_329 = arith.constant 0 : i32
      %dma_wait3A_330 = arith.constant 0 : i32
      %dma_wait3A_331 = tpu.memref_slice %arg4[%dma_wait3A_317, %add3A_7, %dma_wait3A_329, %dma_wait3A_330] : memref<8x200x200x256xf32, #tpu.memory_space<hbm>> -> memref<1x1x200x256xf32, #tpu.memory_space<hbm>>
      %dma_wait3A_332 = tpu.memref_squeeze %dma_wait3A_331 : memref<1x1x200x256xf32, #tpu.memory_space<hbm>> -> memref<200x256xf32, #tpu.memory_space<hbm>>
      %dma_wait3A_333 = arith.constant 0 : i32
      %dma_wait3A_334 = arith.constant 0 : i32
      %dma_wait3A_335 = tpu.memref_slice %arg5[%dma_wait3A_316, %dma_wait3A_333, %dma_wait3A_334] : memref<2x200x256xf32, #tpu.memory_space<vmem>> -> memref<1x200x256xf32, #tpu.memory_space<vmem>>
      %dma_wait3A_336 = tpu.memref_squeeze %dma_wait3A_335 : memref<1x200x256xf32, #tpu.memory_space<vmem>> -> memref<200x256xf32, #tpu.memory_space<vmem>>
      tpu.wait_dma2 semaphore(%dma_wait3A_328 : memref<!tpu.dma_semaphore, #tpu.memory_space<semaphore_mem>>) src(%dma_wait3A_336 : memref<200x256xf32, #tpu.memory_space<vmem>>) dst(%dma_wait3A_332 : memref<200x256xf32, #tpu.memory_space<hbm>>)
      %dma_wait3A_337 = arith.constant 1 : i32
      %dma_wait3A_338 = arith.constant 3 : i32
      %dma_wait3A_339 = arith.constant 1 : i32
      %dma_wait3A_340 = arith.constant 0 : i32
      %dma_wait3A_341 = arith.constant 0 : i32
      %dma_wait3A_342 = tpu.memref_slice %arg5[%dma_wait3A_337, %dma_wait3A_340, %dma_wait3A_341] : memref<2x200x256xf32, #tpu.memory_space<vmem>> -> memref<1x200x256xf32, #tpu.memory_space<vmem>>
      %dma_wait3A_343 = tpu.memref_squeeze %dma_wait3A_342 : memref<1x200x256xf32, #tpu.memory_space<vmem>> -> memref<200x256xf32, #tpu.memory_space<vmem>>
      %dma_wait3A_344 = arith.constant 0 : i32
      %dma_wait3A_345 = arith.constant 0 : i32
      %dma_wait3A_346 = tpu.memref_slice %arg4[%dma_wait3A_338, %add3A_7, %dma_wait3A_344, %dma_wait3A_345] : memref<8x200x200x256xf32, #tpu.memory_space<hbm>> -> memref<1x1x200x256xf32, #tpu.memory_space<hbm>>
      %dma_wait3A_347 = tpu.memref_squeeze %dma_wait3A_346 : memref<1x1x200x256xf32, #tpu.memory_space<hbm>> -> memref<200x256xf32, #tpu.memory_space<hbm>>
      %dma_wait3A_348 = tpu.memref_slice %arg7[%dma_wait3A_339] : memref<2x!tpu.dma_semaphore, #tpu.memory_space<semaphore_mem>> -> memref<1x!tpu.dma_semaphore, #tpu.memory_space<semaphore_mem>>
      %dma_wait3A_349 = tpu.memref_squeeze %dma_wait3A_348 : memref<1x!tpu.dma_semaphore, #tpu.memory_space<semaphore_mem>> -> memref<!tpu.dma_semaphore, #tpu.memory_space<semaphore_mem>>
      %dma_wait3A_350 = arith.constant 0 : i32
      %dma_wait3A_351 = arith.constant 0 : i32
      %dma_wait3A_352 = tpu.memref_slice %arg4[%dma_wait3A_338, %add3A_7, %dma_wait3A_350, %dma_wait3A_351] : memref<8x200x200x256xf32, #tpu.memory_space<hbm>> -> memref<1x1x200x256xf32, #tpu.memory_space<hbm>>
      %dma_wait3A_353 = tpu.memref_squeeze %dma_wait3A_352 : memref<1x1x200x256xf32, #tpu.memory_space<hbm>> -> memref<200x256xf32, #tpu.memory_space<hbm>>
      %dma_wait3A_354 = arith.constant 0 : i32
      %dma_wait3A_355 = arith.constant 0 : i32
      %dma_wait3A_356 = tpu.memref_slice %arg5[%dma_wait3A_337, %dma_wait3A_354, %dma_wait3A_355] : memref<2x200x256xf32, #tpu.memory_space<vmem>> -> memref<1x200x256xf32, #tpu.memory_space<vmem>>
      %dma_wait3A_357 = tpu.memref_squeeze %dma_wait3A_356 : memref<1x200x256xf32, #tpu.memory_space<vmem>> -> memref<200x256xf32, #tpu.memory_space<vmem>>
      tpu.wait_dma2 semaphore(%dma_wait3A_349 : memref<!tpu.dma_semaphore, #tpu.memory_space<semaphore_mem>>) src(%dma_wait3A_357 : memref<200x256xf32, #tpu.memory_space<vmem>>) dst(%dma_wait3A_353 : memref<200x256xf32, #tpu.memory_space<hbm>>)
      %dma_wait3A_358 = arith.constant 1 : i32
      %dma_wait3A_359 = arith.constant 4 : i32
      %dma_wait3A_360 = arith.constant 1 : i32
      %dma_wait3A_361 = arith.constant 0 : i32
      %dma_wait3A_362 = arith.constant 0 : i32
      %dma_wait3A_363 = tpu.memref_slice %arg5[%dma_wait3A_358, %dma_wait3A_361, %dma_wait3A_362] : memref<2x200x256xf32, #tpu.memory_space<vmem>> -> memref<1x200x256xf32, #tpu.memory_space<vmem>>
      %dma_wait3A_364 = tpu.memref_squeeze %dma_wait3A_363 : memref<1x200x256xf32, #tpu.memory_space<vmem>> -> memref<200x256xf32, #tpu.memory_space<vmem>>
      %dma_wait3A_365 = arith.constant 0 : i32
      %dma_wait3A_366 = arith.constant 0 : i32
      %dma_wait3A_367 = tpu.memref_slice %arg4[%dma_wait3A_359, %add3A_7, %dma_wait3A_365, %dma_wait3A_366] : memref<8x200x200x256xf32, #tpu.memory_space<hbm>> -> memref<1x1x200x256xf32, #tpu.memory_space<hbm>>
      %dma_wait3A_368 = tpu.memref_squeeze %dma_wait3A_367 : memref<1x1x200x256xf32, #tpu.memory_space<hbm>> -> memref<200x256xf32, #tpu.memory_space<hbm>>
      %dma_wait3A_369 = tpu.memref_slice %arg7[%dma_wait3A_360] : memref<2x!tpu.dma_semaphore, #tpu.memory_space<semaphore_mem>> -> memref<1x!tpu.dma_semaphore, #tpu.memory_space<semaphore_mem>>
      %dma_wait3A_370 = tpu.memref_squeeze %dma_wait3A_369 : memref<1x!tpu.dma_semaphore, #tpu.memory_space<semaphore_mem>> -> memref<!tpu.dma_semaphore, #tpu.memory_space<semaphore_mem>>
      %dma_wait3A_371 = arith.constant 0 : i32
      %dma_wait3A_372 = arith.constant 0 : i32
      %dma_wait3A_373 = tpu.memref_slice %arg4[%dma_wait3A_359, %add3A_7, %dma_wait3A_371, %dma_wait3A_372] : memref<8x200x200x256xf32, #tpu.memory_space<hbm>> -> memref<1x1x200x256xf32, #tpu.memory_space<hbm>>
      %dma_wait3A_374 = tpu.memref_squeeze %dma_wait3A_373 : memref<1x1x200x256xf32, #tpu.memory_space<hbm>> -> memref<200x256xf32, #tpu.memory_space<hbm>>
      %dma_wait3A_375 = arith.constant 0 : i32
      %dma_wait3A_376 = arith.constant 0 : i32
      %dma_wait3A_377 = tpu.memref_slice %arg5[%dma_wait3A_358, %dma_wait3A_375, %dma_wait3A_376] : memref<2x200x256xf32, #tpu.memory_space<vmem>> -> memref<1x200x256xf32, #tpu.memory_space<vmem>>
      %dma_wait3A_378 = tpu.memref_squeeze %dma_wait3A_377 : memref<1x200x256xf32, #tpu.memory_space<vmem>> -> memref<200x256xf32, #tpu.memory_space<vmem>>
      tpu.wait_dma2 semaphore(%dma_wait3A_370 : memref<!tpu.dma_semaphore, #tpu.memory_space<semaphore_mem>>) src(%dma_wait3A_378 : memref<200x256xf32, #tpu.memory_space<vmem>>) dst(%dma_wait3A_374 : memref<200x256xf32, #tpu.memory_space<hbm>>)
      %dma_wait3A_379 = arith.constant 1 : i32
      %dma_wait3A_380 = arith.constant 5 : i32
      %dma_wait3A_381 = arith.constant 1 : i32
      %dma_wait3A_382 = arith.constant 0 : i32
      %dma_wait3A_383 = arith.constant 0 : i32
      %dma_wait3A_384 = tpu.memref_slice %arg5[%dma_wait3A_379, %dma_wait3A_382, %dma_wait3A_383] : memref<2x200x256xf32, #tpu.memory_space<vmem>> -> memref<1x200x256xf32, #tpu.memory_space<vmem>>
      %dma_wait3A_385 = tpu.memref_squeeze %dma_wait3A_384 : memref<1x200x256xf32, #tpu.memory_space<vmem>> -> memref<200x256xf32, #tpu.memory_space<vmem>>
      %dma_wait3A_386 = arith.constant 0 : i32
      %dma_wait3A_387 = arith.constant 0 : i32
      %dma_wait3A_388 = tpu.memref_slice %arg4[%dma_wait3A_380, %add3A_7, %dma_wait3A_386, %dma_wait3A_387] : memref<8x200x200x256xf32, #tpu.memory_space<hbm>> -> memref<1x1x200x256xf32, #tpu.memory_space<hbm>>
      %dma_wait3A_389 = tpu.memref_squeeze %dma_wait3A_388 : memref<1x1x200x256xf32, #tpu.memory_space<hbm>> -> memref<200x256xf32, #tpu.memory_space<hbm>>
      %dma_wait3A_390 = tpu.memref_slice %arg7[%dma_wait3A_381] : memref<2x!tpu.dma_semaphore, #tpu.memory_space<semaphore_mem>> -> memref<1x!tpu.dma_semaphore, #tpu.memory_space<semaphore_mem>>
      %dma_wait3A_391 = tpu.memref_squeeze %dma_wait3A_390 : memref<1x!tpu.dma_semaphore, #tpu.memory_space<semaphore_mem>> -> memref<!tpu.dma_semaphore, #tpu.memory_space<semaphore_mem>>
      %dma_wait3A_392 = arith.constant 0 : i32
      %dma_wait3A_393 = arith.constant 0 : i32
      %dma_wait3A_394 = tpu.memref_slice %arg4[%dma_wait3A_380, %add3A_7, %dma_wait3A_392, %dma_wait3A_393] : memref<8x200x200x256xf32, #tpu.memory_space<hbm>> -> memref<1x1x200x256xf32, #tpu.memory_space<hbm>>
      %dma_wait3A_395 = tpu.memref_squeeze %dma_wait3A_394 : memref<1x1x200x256xf32, #tpu.memory_space<hbm>> -> memref<200x256xf32, #tpu.memory_space<hbm>>
      %dma_wait3A_396 = arith.constant 0 : i32
      %dma_wait3A_397 = arith.constant 0 : i32
      %dma_wait3A_398 = tpu.memref_slice %arg5[%dma_wait3A_379, %dma_wait3A_396, %dma_wait3A_397] : memref<2x200x256xf32, #tpu.memory_space<vmem>> -> memref<1x200x256xf32, #tpu.memory_space<vmem>>
      %dma_wait3A_399 = tpu.memref_squeeze %dma_wait3A_398 : memref<1x200x256xf32, #tpu.memory_space<vmem>> -> memref<200x256xf32, #tpu.memory_space<vmem>>
      tpu.wait_dma2 semaphore(%dma_wait3A_391 : memref<!tpu.dma_semaphore, #tpu.memory_space<semaphore_mem>>) src(%dma_wait3A_399 : memref<200x256xf32, #tpu.memory_space<vmem>>) dst(%dma_wait3A_395 : memref<200x256xf32, #tpu.memory_space<hbm>>)
      %dma_wait3A_400 = arith.constant 1 : i32
      %dma_wait3A_401 = arith.constant 6 : i32
      %dma_wait3A_402 = arith.constant 1 : i32
      %dma_wait3A_403 = arith.constant 0 : i32
      %dma_wait3A_404 = arith.constant 0 : i32
      %dma_wait3A_405 = tpu.memref_slice %arg5[%dma_wait3A_400, %dma_wait3A_403, %dma_wait3A_404] : memref<2x200x256xf32, #tpu.memory_space<vmem>> -> memref<1x200x256xf32, #tpu.memory_space<vmem>>
      %dma_wait3A_406 = tpu.memref_squeeze %dma_wait3A_405 : memref<1x200x256xf32, #tpu.memory_space<vmem>> -> memref<200x256xf32, #tpu.memory_space<vmem>>
      %dma_wait3A_407 = arith.constant 0 : i32
      %dma_wait3A_408 = arith.constant 0 : i32
      %dma_wait3A_409 = tpu.memref_slice %arg4[%dma_wait3A_401, %add3A_7, %dma_wait3A_407, %dma_wait3A_408] : memref<8x200x200x256xf32, #tpu.memory_space<hbm>> -> memref<1x1x200x256xf32, #tpu.memory_space<hbm>>
      %dma_wait3A_410 = tpu.memref_squeeze %dma_wait3A_409 : memref<1x1x200x256xf32, #tpu.memory_space<hbm>> -> memref<200x256xf32, #tpu.memory_space<hbm>>
      %dma_wait3A_411 = tpu.memref_slice %arg7[%dma_wait3A_402] : memref<2x!tpu.dma_semaphore, #tpu.memory_space<semaphore_mem>> -> memref<1x!tpu.dma_semaphore, #tpu.memory_space<semaphore_mem>>
      %dma_wait3A_412 = tpu.memref_squeeze %dma_wait3A_411 : memref<1x!tpu.dma_semaphore, #tpu.memory_space<semaphore_mem>> -> memref<!tpu.dma_semaphore, #tpu.memory_space<semaphore_mem>>
      %dma_wait3A_413 = arith.constant 0 : i32
      %dma_wait3A_414 = arith.constant 0 : i32
      %dma_wait3A_415 = tpu.memref_slice %arg4[%dma_wait3A_401, %add3A_7, %dma_wait3A_413, %dma_wait3A_414] : memref<8x200x200x256xf32, #tpu.memory_space<hbm>> -> memref<1x1x200x256xf32, #tpu.memory_space<hbm>>
      %dma_wait3A_416 = tpu.memref_squeeze %dma_wait3A_415 : memref<1x1x200x256xf32, #tpu.memory_space<hbm>> -> memref<200x256xf32, #tpu.memory_space<hbm>>
      %dma_wait3A_417 = arith.constant 0 : i32
      %dma_wait3A_418 = arith.constant 0 : i32
      %dma_wait3A_419 = tpu.memref_slice %arg5[%dma_wait3A_400, %dma_wait3A_417, %dma_wait3A_418] : memref<2x200x256xf32, #tpu.memory_space<vmem>> -> memref<1x200x256xf32, #tpu.memory_space<vmem>>
      %dma_wait3A_420 = tpu.memref_squeeze %dma_wait3A_419 : memref<1x200x256xf32, #tpu.memory_space<vmem>> -> memref<200x256xf32, #tpu.memory_space<vmem>>
      tpu.wait_dma2 semaphore(%dma_wait3A_412 : memref<!tpu.dma_semaphore, #tpu.memory_space<semaphore_mem>>) src(%dma_wait3A_420 : memref<200x256xf32, #tpu.memory_space<vmem>>) dst(%dma_wait3A_416 : memref<200x256xf32, #tpu.memory_space<hbm>>)
      %dma_wait3A_421 = arith.constant 1 : i32
      %dma_wait3A_422 = arith.constant 7 : i32
      %dma_wait3A_423 = arith.constant 1 : i32
      %dma_wait3A_424 = arith.constant 0 : i32
      %dma_wait3A_425 = arith.constant 0 : i32
      %dma_wait3A_426 = tpu.memref_slice %arg5[%dma_wait3A_421, %dma_wait3A_424, %dma_wait3A_425] : memref<2x200x256xf32, #tpu.memory_space<vmem>> -> memref<1x200x256xf32, #tpu.memory_space<vmem>>
      %dma_wait3A_427 = tpu.memref_squeeze %dma_wait3A_426 : memref<1x200x256xf32, #tpu.memory_space<vmem>> -> memref<200x256xf32, #tpu.memory_space<vmem>>
      %dma_wait3A_428 = arith.constant 0 : i32
      %dma_wait3A_429 = arith.constant 0 : i32
      %dma_wait3A_430 = tpu.memref_slice %arg4[%dma_wait3A_422, %add3A_7, %dma_wait3A_428, %dma_wait3A_429] : memref<8x200x200x256xf32, #tpu.memory_space<hbm>> -> memref<1x1x200x256xf32, #tpu.memory_space<hbm>>
      %dma_wait3A_431 = tpu.memref_squeeze %dma_wait3A_430 : memref<1x1x200x256xf32, #tpu.memory_space<hbm>> -> memref<200x256xf32, #tpu.memory_space<hbm>>
      %dma_wait3A_432 = tpu.memref_slice %arg7[%dma_wait3A_423] : memref<2x!tpu.dma_semaphore, #tpu.memory_space<semaphore_mem>> -> memref<1x!tpu.dma_semaphore, #tpu.memory_space<semaphore_mem>>
      %dma_wait3A_433 = tpu.memref_squeeze %dma_wait3A_432 : memref<1x!tpu.dma_semaphore, #tpu.memory_space<semaphore_mem>> -> memref<!tpu.dma_semaphore, #tpu.memory_space<semaphore_mem>>
      %dma_wait3A_434 = arith.constant 0 : i32
      %dma_wait3A_435 = arith.constant 0 : i32
      %dma_wait3A_436 = tpu.memref_slice %arg4[%dma_wait3A_422, %add3A_7, %dma_wait3A_434, %dma_wait3A_435] : memref<8x200x200x256xf32, #tpu.memory_space<hbm>> -> memref<1x1x200x256xf32, #tpu.memory_space<hbm>>
      %dma_wait3A_437 = tpu.memref_squeeze %dma_wait3A_436 : memref<1x1x200x256xf32, #tpu.memory_space<hbm>> -> memref<200x256xf32, #tpu.memory_space<hbm>>
      %dma_wait3A_438 = arith.constant 0 : i32
      %dma_wait3A_439 = arith.constant 0 : i32
      %dma_wait3A_440 = tpu.memref_slice %arg5[%dma_wait3A_421, %dma_wait3A_438, %dma_wait3A_439] : memref<2x200x256xf32, #tpu.memory_space<vmem>> -> memref<1x200x256xf32, #tpu.memory_space<vmem>>
      %dma_wait3A_441 = tpu.memref_squeeze %dma_wait3A_440 : memref<1x200x256xf32, #tpu.memory_space<vmem>> -> memref<200x256xf32, #tpu.memory_space<vmem>>
      tpu.wait_dma2 semaphore(%dma_wait3A_433 : memref<!tpu.dma_semaphore, #tpu.memory_space<semaphore_mem>>) src(%dma_wait3A_441 : memref<200x256xf32, #tpu.memory_space<vmem>>) dst(%dma_wait3A_437 : memref<200x256xf32, #tpu.memory_space<hbm>>)
    } else {
    }
    %add3A_13 = arith.constant 64 : i32
    %add3A_14 = arith.addi %add3A, %add3A_13 : i32
    %lt3A_15 = arith.constant 200 : i32
    %lt3A_16 = arith.cmpi slt, %add3A_14, %lt3A_15 : i32
    %convert_element_type3A_17 = arith.extui %lt3A_16 : i1 to i32
    %cond3A_18 = arith.constant 0 : i32
    %cond3A_19 = arith.cmpi ne, %convert_element_type3A_17, %cond3A_18 : i32
    scf.if %cond3A_19 {
      "tpu.region"() ({
        %run_scoped3A_442 = tpu.sem_alloc : memref<!tpu.dma_semaphore, #tpu.memory_space<semaphore_mem>>
        %dma_start3A_443 = arith.constant 0 : i32
        %dma_start3A_444 = tpu.memref_slice %arg2[%add3A_14, %dma_start3A_443] : memref<200x128xf32, #tpu.memory_space<hbm>> -> memref<1x128xf32, #tpu.memory_space<hbm>>
        %dma_start3A_445 = arith.constant 0 : i32
        %dma_start3A_446 = tpu.memref_slice %arg2[%add3A_14, %dma_start3A_445] : memref<200x128xf32, #tpu.memory_space<hbm>> -> memref<1x128xf32, #tpu.memory_space<hbm>>
        tpu.enqueue_dma source(%dma_start3A_446 : memref<1x128xf32, #tpu.memory_space<hbm>>) target(%arg6 : memref<1x128xf32, #tpu.memory_space<vmem>>) target_semaphore(%run_scoped3A_442 : memref<!tpu.dma_semaphore, #tpu.memory_space<semaphore_mem>>)
        %dma_wait3A_447 = arith.constant 0 : i32
        %dma_wait3A_448 = tpu.memref_slice %arg2[%add3A_14, %dma_wait3A_447] : memref<200x128xf32, #tpu.memory_space<hbm>> -> memref<1x128xf32, #tpu.memory_space<hbm>>
        %dma_wait3A_449 = arith.constant 0 : i32
        %dma_wait3A_450 = tpu.memref_slice %arg2[%add3A_14, %dma_wait3A_449] : memref<200x128xf32, #tpu.memory_space<hbm>> -> memref<1x128xf32, #tpu.memory_space<hbm>>
        tpu.wait_dma2 semaphore(%run_scoped3A_442 : memref<!tpu.dma_semaphore, #tpu.memory_space<semaphore_mem>>) src(%dma_wait3A_450 : memref<1x128xf32, #tpu.memory_space<hbm>>) dst(%arg6 : memref<1x128xf32, #tpu.memory_space<vmem>>)
        tpu.yield
      }) : () -> ()
      %get3A = arith.constant 0 : i32
      %get3A_48 = arith.constant 0 : i32
      %get3A_49 = tpu.memref_slice %arg6[%get3A, %get3A_48] : memref<1x128xf32, #tpu.memory_space<vmem>> -> memref<1x128xf32, #tpu.memory_space<vmem>>
      %get3A_50 = tpu.memref_squeeze %get3A_49 : memref<1x128xf32, #tpu.memory_space<vmem>> -> memref<128xf32, #tpu.memory_space<vmem>>
      %get3A_51 = arith.constant 0 : index
      %get3A_52 = tpu.vector_load %get3A_50[%get3A_51] {strides = array<i32>} : memref<128xf32, #tpu.memory_space<vmem>>, vector<16xf32>,
      %get3A_53 = vector.shape_cast %get3A_52 : vector<16xf32> to vector<16xf32>
      %get3A_54 = arith.constant 0 : i32
      %get3A_55 = arith.constant 0 : i32
      %get3A_56 = tpu.memref_slice %arg6[%get3A_54, %get3A_55] : memref<1x128xf32, #tpu.memory_space<vmem>> -> memref<1x128xf32, #tpu.memory_space<vmem>>
      %get3A_57 = tpu.memref_squeeze %get3A_56 : memref<1x128xf32, #tpu.memory_space<vmem>> -> memref<128xf32, #tpu.memory_space<vmem>>
      %get3A_58 = arith.constant 16 : index
      %get3A_59 = tpu.vector_load %get3A_57[%get3A_58] {strides = array<i32>} : memref<128xf32, #tpu.memory_space<vmem>>, vector<16xf32>,
      %get3A_60 = vector.shape_cast %get3A_59 : vector<16xf32> to vector<16xf32>
      %get3A_61 = arith.constant 0 : i32
      %get3A_62 = arith.constant 0 : i32
      %get3A_63 = tpu.memref_slice %arg6[%get3A_61, %get3A_62] : memref<1x128xf32, #tpu.memory_space<vmem>> -> memref<1x128xf32, #tpu.memory_space<vmem>>
      %get3A_64 = tpu.memref_squeeze %get3A_63 : memref<1x128xf32, #tpu.memory_space<vmem>> -> memref<128xf32, #tpu.memory_space<vmem>>
      %get3A_65 = arith.constant 32 : index
      %get3A_66 = tpu.vector_load %get3A_64[%get3A_65] {strides = array<i32>} : memref<128xf32, #tpu.memory_space<vmem>>, vector<16xf32>,
      %get3A_67 = vector.shape_cast %get3A_66 : vector<16xf32> to vector<16xf32>
      %get3A_68 = arith.constant 0 : i32
      %get3A_69 = arith.constant 0 : i32
      %get3A_70 = tpu.memref_slice %arg6[%get3A_68, %get3A_69] : memref<1x128xf32, #tpu.memory_space<vmem>> -> memref<1x128xf32, #tpu.memory_space<vmem>>
      %get3A_71 = tpu.memref_squeeze %get3A_70 : memref<1x128xf32, #tpu.memory_space<vmem>> -> memref<128xf32, #tpu.memory_space<vmem>>
      %get3A_72 = arith.constant 48 : index
      %get3A_73 = tpu.vector_load %get3A_71[%get3A_72] {strides = array<i32>} : memref<128xf32, #tpu.memory_space<vmem>>, vector<16xf32>,
      %get3A_74 = vector.shape_cast %get3A_73 : vector<16xf32> to vector<16xf32>
      %get3A_75 = arith.constant 0 : i32
      %get3A_76 = arith.constant 0 : i32
      %get3A_77 = tpu.memref_slice %arg6[%get3A_75, %get3A_76] : memref<1x128xf32, #tpu.memory_space<vmem>> -> memref<1x128xf32, #tpu.memory_space<vmem>>
      %get3A_78 = tpu.memref_squeeze %get3A_77 : memref<1x128xf32, #tpu.memory_space<vmem>> -> memref<128xf32, #tpu.memory_space<vmem>>
      %get3A_79 = arith.constant 64 : index
      %get3A_80 = tpu.vector_load %get3A_78[%get3A_79] {strides = array<i32>} : memref<128xf32, #tpu.memory_space<vmem>>, vector<16xf32>,
      %get3A_81 = vector.shape_cast %get3A_80 : vector<16xf32> to vector<16xf32>
      %get3A_82 = arith.constant 0 : i32
      %get3A_83 = arith.constant 0 : i32
      %get3A_84 = tpu.memref_slice %arg6[%get3A_82, %get3A_83] : memref<1x128xf32, #tpu.memory_space<vmem>> -> memref<1x128xf32, #tpu.memory_space<vmem>>
      %get3A_85 = tpu.memref_squeeze %get3A_84 : memref<1x128xf32, #tpu.memory_space<vmem>> -> memref<128xf32, #tpu.memory_space<vmem>>
      %get3A_86 = arith.constant 80 : index
      %get3A_87 = tpu.vector_load %get3A_85[%get3A_86] {strides = array<i32>} : memref<128xf32, #tpu.memory_space<vmem>>, vector<16xf32>,
      %get3A_88 = vector.shape_cast %get3A_87 : vector<16xf32> to vector<16xf32>
      %get3A_89 = arith.constant 0 : i32
      %get3A_90 = arith.constant 0 : i32
      %get3A_91 = tpu.memref_slice %arg6[%get3A_89, %get3A_90] : memref<1x128xf32, #tpu.memory_space<vmem>> -> memref<1x128xf32, #tpu.memory_space<vmem>>
      %get3A_92 = tpu.memref_squeeze %get3A_91 : memref<1x128xf32, #tpu.memory_space<vmem>> -> memref<128xf32, #tpu.memory_space<vmem>>
      %get3A_93 = arith.constant 96 : index
      %get3A_94 = tpu.vector_load %get3A_92[%get3A_93] {strides = array<i32>} : memref<128xf32, #tpu.memory_space<vmem>>, vector<16xf32>,
      %get3A_95 = vector.shape_cast %get3A_94 : vector<16xf32> to vector<16xf32>
      %get3A_96 = arith.constant 0 : i32
      %get3A_97 = arith.constant 0 : i32
      %get3A_98 = tpu.memref_slice %arg6[%get3A_96, %get3A_97] : memref<1x128xf32, #tpu.memory_space<vmem>> -> memref<1x128xf32, #tpu.memory_space<vmem>>
      %get3A_99 = tpu.memref_squeeze %get3A_98 : memref<1x128xf32, #tpu.memory_space<vmem>> -> memref<128xf32, #tpu.memory_space<vmem>>
      %get3A_100 = arith.constant 112 : index
      %get3A_101 = tpu.vector_load %get3A_99[%get3A_100] {strides = array<i32>} : memref<128xf32, #tpu.memory_space<vmem>>, vector<16xf32>,
      %get3A_102 = vector.shape_cast %get3A_101 : vector<16xf32> to vector<16xf32>
      %scan3A = arith.constant 0 : i32
      %scan3A_103 = arith.constant 0 : i32
      %scan3A_104 = arith.constant 200 : i32
      %scan3A_105 = arith.addi %scan3A_103, %scan3A_104 : i32
      %scan3A_106 = arith.constant 1 : i32
      scf.for %scan3A_442 = %scan3A_103 to %scan3A_105 step %scan3A_106  : i32 {
        %swap3A = arith.constant 0 : i32
        %swap3A_443 = arith.constant 0 : i32
        %swap3A_444 = tpu.memref_slice %arg5[%swap3A, %scan3A_442, %swap3A_443] : memref<2x200x256xf32, #tpu.memory_space<vmem>> -> memref<1x1x256xf32, #tpu.memory_space<vmem>>
        %swap3A_445 = tpu.memref_squeeze %swap3A_444 : memref<1x1x256xf32, #tpu.memory_space<vmem>> -> memref<256xf32, #tpu.memory_space<vmem>>
        %swap3A_446 = arith.constant 128 : index
        %swap3A_447 = tpu.vector_load %swap3A_445[%swap3A_446] {strides = array<i32>} : memref<256xf32, #tpu.memory_space<vmem>>, vector<16xf32>,
        %swap3A_448 = vector.shape_cast %swap3A_447 : vector<16xf32> to vector<16xf32>
        %swap3A_449 = vector.shape_cast %get3A_53 : vector<16xf32> to vector<16xf32>
        tpu.vector_store %swap3A_445[%swap3A_446], %swap3A_449 {strides = array<i32>} : memref<256xf32, #tpu.memory_space<vmem>>, vector<16xf32>,
        %swap3A_450 = arith.constant 0 : i32
        %swap3A_451 = arith.constant 0 : i32
        %swap3A_452 = tpu.memref_slice %arg5[%swap3A_450, %scan3A_442, %swap3A_451] : memref<2x200x256xf32, #tpu.memory_space<vmem>> -> memref<1x1x256xf32, #tpu.memory_space<vmem>>
        %swap3A_453 = tpu.memref_squeeze %swap3A_452 : memref<1x1x256xf32, #tpu.memory_space<vmem>> -> memref<256xf32, #tpu.memory_space<vmem>>
        %swap3A_454 = arith.constant 144 : index
        %swap3A_455 = tpu.vector_load %swap3A_453[%swap3A_454] {strides = array<i32>} : memref<256xf32, #tpu.memory_space<vmem>>, vector<16xf32>,
        %swap3A_456 = vector.shape_cast %swap3A_455 : vector<16xf32> to vector<16xf32>
        %swap3A_457 = vector.shape_cast %get3A_60 : vector<16xf32> to vector<16xf32>
        tpu.vector_store %swap3A_453[%swap3A_454], %swap3A_457 {strides = array<i32>} : memref<256xf32, #tpu.memory_space<vmem>>, vector<16xf32>,
        %swap3A_458 = arith.constant 0 : i32
        %swap3A_459 = arith.constant 0 : i32
        %swap3A_460 = tpu.memref_slice %arg5[%swap3A_458, %scan3A_442, %swap3A_459] : memref<2x200x256xf32, #tpu.memory_space<vmem>> -> memref<1x1x256xf32, #tpu.memory_space<vmem>>
        %swap3A_461 = tpu.memref_squeeze %swap3A_460 : memref<1x1x256xf32, #tpu.memory_space<vmem>> -> memref<256xf32, #tpu.memory_space<vmem>>
        %swap3A_462 = arith.constant 160 : index
        %swap3A_463 = tpu.vector_load %swap3A_461[%swap3A_462] {strides = array<i32>} : memref<256xf32, #tpu.memory_space<vmem>>, vector<16xf32>,
        %swap3A_464 = vector.shape_cast %swap3A_463 : vector<16xf32> to vector<16xf32>
        %swap3A_465 = vector.shape_cast %get3A_67 : vector<16xf32> to vector<16xf32>
        tpu.vector_store %swap3A_461[%swap3A_462], %swap3A_465 {strides = array<i32>} : memref<256xf32, #tpu.memory_space<vmem>>, vector<16xf32>,
        %swap3A_466 = arith.constant 0 : i32
        %swap3A_467 = arith.constant 0 : i32
        %swap3A_468 = tpu.memref_slice %arg5[%swap3A_466, %scan3A_442, %swap3A_467] : memref<2x200x256xf32, #tpu.memory_space<vmem>> -> memref<1x1x256xf32, #tpu.memory_space<vmem>>
        %swap3A_469 = tpu.memref_squeeze %swap3A_468 : memref<1x1x256xf32, #tpu.memory_space<vmem>> -> memref<256xf32, #tpu.memory_space<vmem>>
        %swap3A_470 = arith.constant 176 : index
        %swap3A_471 = tpu.vector_load %swap3A_469[%swap3A_470] {strides = array<i32>} : memref<256xf32, #tpu.memory_space<vmem>>, vector<16xf32>,
        %swap3A_472 = vector.shape_cast %swap3A_471 : vector<16xf32> to vector<16xf32>
        %swap3A_473 = vector.shape_cast %get3A_74 : vector<16xf32> to vector<16xf32>
        tpu.vector_store %swap3A_469[%swap3A_470], %swap3A_473 {strides = array<i32>} : memref<256xf32, #tpu.memory_space<vmem>>, vector<16xf32>,
        %swap3A_474 = arith.constant 0 : i32
        %swap3A_475 = arith.constant 0 : i32
        %swap3A_476 = tpu.memref_slice %arg5[%swap3A_474, %scan3A_442, %swap3A_475] : memref<2x200x256xf32, #tpu.memory_space<vmem>> -> memref<1x1x256xf32, #tpu.memory_space<vmem>>
        %swap3A_477 = tpu.memref_squeeze %swap3A_476 : memref<1x1x256xf32, #tpu.memory_space<vmem>> -> memref<256xf32, #tpu.memory_space<vmem>>
        %swap3A_478 = arith.constant 192 : index
        %swap3A_479 = tpu.vector_load %swap3A_477[%swap3A_478] {strides = array<i32>} : memref<256xf32, #tpu.memory_space<vmem>>, vector<16xf32>,
        %swap3A_480 = vector.shape_cast %swap3A_479 : vector<16xf32> to vector<16xf32>
        %swap3A_481 = vector.shape_cast %get3A_81 : vector<16xf32> to vector<16xf32>
        tpu.vector_store %swap3A_477[%swap3A_478], %swap3A_481 {strides = array<i32>} : memref<256xf32, #tpu.memory_space<vmem>>, vector<16xf32>,
        %swap3A_482 = arith.constant 0 : i32
        %swap3A_483 = arith.constant 0 : i32
        %swap3A_484 = tpu.memref_slice %arg5[%swap3A_482, %scan3A_442, %swap3A_483] : memref<2x200x256xf32, #tpu.memory_space<vmem>> -> memref<1x1x256xf32, #tpu.memory_space<vmem>>
        %swap3A_485 = tpu.memref_squeeze %swap3A_484 : memref<1x1x256xf32, #tpu.memory_space<vmem>> -> memref<256xf32, #tpu.memory_space<vmem>>
        %swap3A_486 = arith.constant 208 : index
        %swap3A_487 = tpu.vector_load %swap3A_485[%swap3A_486] {strides = array<i32>} : memref<256xf32, #tpu.memory_space<vmem>>, vector<16xf32>,
        %swap3A_488 = vector.shape_cast %swap3A_487 : vector<16xf32> to vector<16xf32>
        %swap3A_489 = vector.shape_cast %get3A_88 : vector<16xf32> to vector<16xf32>
        tpu.vector_store %swap3A_485[%swap3A_486], %swap3A_489 {strides = array<i32>} : memref<256xf32, #tpu.memory_space<vmem>>, vector<16xf32>,
        %swap3A_490 = arith.constant 0 : i32
        %swap3A_491 = arith.constant 0 : i32
        %swap3A_492 = tpu.memref_slice %arg5[%swap3A_490, %scan3A_442, %swap3A_491] : memref<2x200x256xf32, #tpu.memory_space<vmem>> -> memref<1x1x256xf32, #tpu.memory_space<vmem>>
        %swap3A_493 = tpu.memref_squeeze %swap3A_492 : memref<1x1x256xf32, #tpu.memory_space<vmem>> -> memref<256xf32, #tpu.memory_space<vmem>>
        %swap3A_494 = arith.constant 224 : index
        %swap3A_495 = tpu.vector_load %swap3A_493[%swap3A_494] {strides = array<i32>} : memref<256xf32, #tpu.memory_space<vmem>>, vector<16xf32>,
        %swap3A_496 = vector.shape_cast %swap3A_495 : vector<16xf32> to vector<16xf32>
        %swap3A_497 = vector.shape_cast %get3A_95 : vector<16xf32> to vector<16xf32>
        tpu.vector_store %swap3A_493[%swap3A_494], %swap3A_497 {strides = array<i32>} : memref<256xf32, #tpu.memory_space<vmem>>, vector<16xf32>,
        %swap3A_498 = arith.constant 0 : i32
        %swap3A_499 = arith.constant 0 : i32
        %swap3A_500 = tpu.memref_slice %arg5[%swap3A_498, %scan3A_442, %swap3A_499] : memref<2x200x256xf32, #tpu.memory_space<vmem>> -> memref<1x1x256xf32, #tpu.memory_space<vmem>>
        %swap3A_501 = tpu.memref_squeeze %swap3A_500 : memref<1x1x256xf32, #tpu.memory_space<vmem>> -> memref<256xf32, #tpu.memory_space<vmem>>
        %swap3A_502 = arith.constant 240 : index
        %swap3A_503 = tpu.vector_load %swap3A_501[%swap3A_502] {strides = array<i32>} : memref<256xf32, #tpu.memory_space<vmem>>, vector<16xf32>,
        %swap3A_504 = vector.shape_cast %swap3A_503 : vector<16xf32> to vector<16xf32>
        %swap3A_505 = vector.shape_cast %get3A_102 : vector<16xf32> to vector<16xf32>
        tpu.vector_store %swap3A_501[%swap3A_502], %swap3A_505 {strides = array<i32>} : memref<256xf32, #tpu.memory_space<vmem>>, vector<16xf32>,
      }
      %scan3A_107 = arith.constant 200 : i32
      %dma_start3A = arith.constant 0 : i32
      %dma_start3A_108 = arith.constant 0 : i32
      %dma_start3A_109 = arith.constant 0 : i32
      %dma_start3A_110 = arith.constant 0 : i32
      %dma_start3A_111 = arith.constant 0 : i32
      %dma_start3A_112 = tpu.memref_slice %arg5[%dma_start3A, %dma_start3A_110, %dma_start3A_111] : memref<2x200x256xf32, #tpu.memory_space<vmem>> -> memref<1x200x256xf32, #tpu.memory_space<vmem>>
      %dma_start3A_113 = tpu.memref_squeeze %dma_start3A_112 : memref<1x200x256xf32, #tpu.memory_space<vmem>> -> memref<200x256xf32, #tpu.memory_space<vmem>>
      %dma_start3A_114 = arith.constant 0 : i32
      %dma_start3A_115 = arith.constant 0 : i32
      %dma_start3A_116 = tpu.memref_slice %arg4[%dma_start3A_108, %add3A_14, %dma_start3A_114, %dma_start3A_115] : memref<8x200x200x256xf32, #tpu.memory_space<hbm>> -> memref<1x1x200x256xf32, #tpu.memory_space<hbm>>
      %dma_start3A_117 = tpu.memref_squeeze %dma_start3A_116 : memref<1x1x200x256xf32, #tpu.memory_space<hbm>> -> memref<200x256xf32, #tpu.memory_space<hbm>>
      %dma_start3A_118 = tpu.memref_slice %arg7[%dma_start3A_109] : memref<2x!tpu.dma_semaphore, #tpu.memory_space<semaphore_mem>> -> memref<1x!tpu.dma_semaphore, #tpu.memory_space<semaphore_mem>>
      %dma_start3A_119 = tpu.memref_squeeze %dma_start3A_118 : memref<1x!tpu.dma_semaphore, #tpu.memory_space<semaphore_mem>> -> memref<!tpu.dma_semaphore, #tpu.memory_space<semaphore_mem>>
      %dma_start3A_120 = arith.constant 0 : i32
      %dma_start3A_121 = arith.constant 0 : i32
      %dma_start3A_122 = tpu.memref_slice %arg4[%dma_start3A_108, %add3A_14, %dma_start3A_120, %dma_start3A_121] : memref<8x200x200x256xf32, #tpu.memory_space<hbm>> -> memref<1x1x200x256xf32, #tpu.memory_space<hbm>>
      %dma_start3A_123 = tpu.memref_squeeze %dma_start3A_122 : memref<1x1x200x256xf32, #tpu.memory_space<hbm>> -> memref<200x256xf32, #tpu.memory_space<hbm>>
      %dma_start3A_124 = arith.constant 0 : i32
      %dma_start3A_125 = arith.constant 0 : i32
      %dma_start3A_126 = tpu.memref_slice %arg5[%dma_start3A, %dma_start3A_124, %dma_start3A_125] : memref<2x200x256xf32, #tpu.memory_space<vmem>> -> memref<1x200x256xf32, #tpu.memory_space<vmem>>
      %dma_start3A_127 = tpu.memref_squeeze %dma_start3A_126 : memref<1x200x256xf32, #tpu.memory_space<vmem>> -> memref<200x256xf32, #tpu.memory_space<vmem>>
      tpu.enqueue_dma source(%dma_start3A_127 : memref<200x256xf32, #tpu.memory_space<vmem>>) target(%dma_start3A_123 : memref<200x256xf32, #tpu.memory_space<hbm>>) target_semaphore(%dma_start3A_119 : memref<!tpu.dma_semaphore, #tpu.memory_space<semaphore_mem>>)
      %dma_start3A_128 = arith.constant 0 : i32
      %dma_start3A_129 = arith.constant 1 : i32
      %dma_start3A_130 = arith.constant 0 : i32
      %dma_start3A_131 = arith.constant 0 : i32
      %dma_start3A_132 = arith.constant 0 : i32
      %dma_start3A_133 = tpu.memref_slice %arg5[%dma_start3A_128, %dma_start3A_131, %dma_start3A_132] : memref<2x200x256xf32, #tpu.memory_space<vmem>> -> memref<1x200x256xf32, #tpu.memory_space<vmem>>
      %dma_start3A_134 = tpu.memref_squeeze %dma_start3A_133 : memref<1x200x256xf32, #tpu.memory_space<vmem>> -> memref<200x256xf32, #tpu.memory_space<vmem>>
      %dma_start3A_135 = arith.constant 0 : i32
      %dma_start3A_136 = arith.constant 0 : i32
      %dma_start3A_137 = tpu.memref_slice %arg4[%dma_start3A_129, %add3A_14, %dma_start3A_135, %dma_start3A_136] : memref<8x200x200x256xf32, #tpu.memory_space<hbm>> -> memref<1x1x200x256xf32, #tpu.memory_space<hbm>>
      %dma_start3A_138 = tpu.memref_squeeze %dma_start3A_137 : memref<1x1x200x256xf32, #tpu.memory_space<hbm>> -> memref<200x256xf32, #tpu.memory_space<hbm>>
      %dma_start3A_139 = tpu.memref_slice %arg7[%dma_start3A_130] : memref<2x!tpu.dma_semaphore, #tpu.memory_space<semaphore_mem>> -> memref<1x!tpu.dma_semaphore, #tpu.memory_space<semaphore_mem>>
      %dma_start3A_140 = tpu.memref_squeeze %dma_start3A_139 : memref<1x!tpu.dma_semaphore, #tpu.memory_space<semaphore_mem>> -> memref<!tpu.dma_semaphore, #tpu.memory_space<semaphore_mem>>
      %dma_start3A_141 = arith.constant 0 : i32
      %dma_start3A_142 = arith.constant 0 : i32
      %dma_start3A_143 = tpu.memref_slice %arg4[%dma_start3A_129, %add3A_14, %dma_start3A_141, %dma_start3A_142] : memref<8x200x200x256xf32, #tpu.memory_space<hbm>> -> memref<1x1x200x256xf32, #tpu.memory_space<hbm>>
      %dma_start3A_144 = tpu.memref_squeeze %dma_start3A_143 : memref<1x1x200x256xf32, #tpu.memory_space<hbm>> -> memref<200x256xf32, #tpu.memory_space<hbm>>
      %dma_start3A_145 = arith.constant 0 : i32
      %dma_start3A_146 = arith.constant 0 : i32
      %dma_start3A_147 = tpu.memref_slice %arg5[%dma_start3A_128, %dma_start3A_145, %dma_start3A_146] : memref<2x200x256xf32, #tpu.memory_space<vmem>> -> memref<1x200x256xf32, #tpu.memory_space<vmem>>
      %dma_start3A_148 = tpu.memref_squeeze %dma_start3A_147 : memref<1x200x256xf32, #tpu.memory_space<vmem>> -> memref<200x256xf32, #tpu.memory_space<vmem>>
      tpu.enqueue_dma source(%dma_start3A_148 : memref<200x256xf32, #tpu.memory_space<vmem>>) target(%dma_start3A_144 : memref<200x256xf32, #tpu.memory_space<hbm>>) target_semaphore(%dma_start3A_140 : memref<!tpu.dma_semaphore, #tpu.memory_space<semaphore_mem>>)
      %dma_start3A_149 = arith.constant 0 : i32
      %dma_start3A_150 = arith.constant 2 : i32
      %dma_start3A_151 = arith.constant 0 : i32
      %dma_start3A_152 = arith.constant 0 : i32
      %dma_start3A_153 = arith.constant 0 : i32
      %dma_start3A_154 = tpu.memref_slice %arg5[%dma_start3A_149, %dma_start3A_152, %dma_start3A_153] : memref<2x200x256xf32, #tpu.memory_space<vmem>> -> memref<1x200x256xf32, #tpu.memory_space<vmem>>
      %dma_start3A_155 = tpu.memref_squeeze %dma_start3A_154 : memref<1x200x256xf32, #tpu.memory_space<vmem>> -> memref<200x256xf32, #tpu.memory_space<vmem>>
      %dma_start3A_156 = arith.constant 0 : i32
      %dma_start3A_157 = arith.constant 0 : i32
      %dma_start3A_158 = tpu.memref_slice %arg4[%dma_start3A_150, %add3A_14, %dma_start3A_156, %dma_start3A_157] : memref<8x200x200x256xf32, #tpu.memory_space<hbm>> -> memref<1x1x200x256xf32, #tpu.memory_space<hbm>>
      %dma_start3A_159 = tpu.memref_squeeze %dma_start3A_158 : memref<1x1x200x256xf32, #tpu.memory_space<hbm>> -> memref<200x256xf32, #tpu.memory_space<hbm>>
      %dma_start3A_160 = tpu.memref_slice %arg7[%dma_start3A_151] : memref<2x!tpu.dma_semaphore, #tpu.memory_space<semaphore_mem>> -> memref<1x!tpu.dma_semaphore, #tpu.memory_space<semaphore_mem>>
      %dma_start3A_161 = tpu.memref_squeeze %dma_start3A_160 : memref<1x!tpu.dma_semaphore, #tpu.memory_space<semaphore_mem>> -> memref<!tpu.dma_semaphore, #tpu.memory_space<semaphore_mem>>
      %dma_start3A_162 = arith.constant 0 : i32
      %dma_start3A_163 = arith.constant 0 : i32
      %dma_start3A_164 = tpu.memref_slice %arg4[%dma_start3A_150, %add3A_14, %dma_start3A_162, %dma_start3A_163] : memref<8x200x200x256xf32, #tpu.memory_space<hbm>> -> memref<1x1x200x256xf32, #tpu.memory_space<hbm>>
      %dma_start3A_165 = tpu.memref_squeeze %dma_start3A_164 : memref<1x1x200x256xf32, #tpu.memory_space<hbm>> -> memref<200x256xf32, #tpu.memory_space<hbm>>
      %dma_start3A_166 = arith.constant 0 : i32
      %dma_start3A_167 = arith.constant 0 : i32
      %dma_start3A_168 = tpu.memref_slice %arg5[%dma_start3A_149, %dma_start3A_166, %dma_start3A_167] : memref<2x200x256xf32, #tpu.memory_space<vmem>> -> memref<1x200x256xf32, #tpu.memory_space<vmem>>
      %dma_start3A_169 = tpu.memref_squeeze %dma_start3A_168 : memref<1x200x256xf32, #tpu.memory_space<vmem>> -> memref<200x256xf32, #tpu.memory_space<vmem>>
      tpu.enqueue_dma source(%dma_start3A_169 : memref<200x256xf32, #tpu.memory_space<vmem>>) target(%dma_start3A_165 : memref<200x256xf32, #tpu.memory_space<hbm>>) target_semaphore(%dma_start3A_161 : memref<!tpu.dma_semaphore, #tpu.memory_space<semaphore_mem>>)
      %dma_start3A_170 = arith.constant 0 : i32
      %dma_start3A_171 = arith.constant 3 : i32
      %dma_start3A_172 = arith.constant 0 : i32
      %dma_start3A_173 = arith.constant 0 : i32
      %dma_start3A_174 = arith.constant 0 : i32
      %dma_start3A_175 = tpu.memref_slice %arg5[%dma_start3A_170, %dma_start3A_173, %dma_start3A_174] : memref<2x200x256xf32, #tpu.memory_space<vmem>> -> memref<1x200x256xf32, #tpu.memory_space<vmem>>
      %dma_start3A_176 = tpu.memref_squeeze %dma_start3A_175 : memref<1x200x256xf32, #tpu.memory_space<vmem>> -> memref<200x256xf32, #tpu.memory_space<vmem>>
      %dma_start3A_177 = arith.constant 0 : i32
      %dma_start3A_178 = arith.constant 0 : i32
      %dma_start3A_179 = tpu.memref_slice %arg4[%dma_start3A_171, %add3A_14, %dma_start3A_177, %dma_start3A_178] : memref<8x200x200x256xf32, #tpu.memory_space<hbm>> -> memref<1x1x200x256xf32, #tpu.memory_space<hbm>>
      %dma_start3A_180 = tpu.memref_squeeze %dma_start3A_179 : memref<1x1x200x256xf32, #tpu.memory_space<hbm>> -> memref<200x256xf32, #tpu.memory_space<hbm>>
      %dma_start3A_181 = tpu.memref_slice %arg7[%dma_start3A_172] : memref<2x!tpu.dma_semaphore, #tpu.memory_space<semaphore_mem>> -> memref<1x!tpu.dma_semaphore, #tpu.memory_space<semaphore_mem>>
      %dma_start3A_182 = tpu.memref_squeeze %dma_start3A_181 : memref<1x!tpu.dma_semaphore, #tpu.memory_space<semaphore_mem>> -> memref<!tpu.dma_semaphore, #tpu.memory_space<semaphore_mem>>
      %dma_start3A_183 = arith.constant 0 : i32
      %dma_start3A_184 = arith.constant 0 : i32
      %dma_start3A_185 = tpu.memref_slice %arg4[%dma_start3A_171, %add3A_14, %dma_start3A_183, %dma_start3A_184] : memref<8x200x200x256xf32, #tpu.memory_space<hbm>> -> memref<1x1x200x256xf32, #tpu.memory_space<hbm>>
      %dma_start3A_186 = tpu.memref_squeeze %dma_start3A_185 : memref<1x1x200x256xf32, #tpu.memory_space<hbm>> -> memref<200x256xf32, #tpu.memory_space<hbm>>
      %dma_start3A_187 = arith.constant 0 : i32
      %dma_start3A_188 = arith.constant 0 : i32
      %dma_start3A_189 = tpu.memref_slice %arg5[%dma_start3A_170, %dma_start3A_187, %dma_start3A_188] : memref<2x200x256xf32, #tpu.memory_space<vmem>> -> memref<1x200x256xf32, #tpu.memory_space<vmem>>
      %dma_start3A_190 = tpu.memref_squeeze %dma_start3A_189 : memref<1x200x256xf32, #tpu.memory_space<vmem>> -> memref<200x256xf32, #tpu.memory_space<vmem>>
      tpu.enqueue_dma source(%dma_start3A_190 : memref<200x256xf32, #tpu.memory_space<vmem>>) target(%dma_start3A_186 : memref<200x256xf32, #tpu.memory_space<hbm>>) target_semaphore(%dma_start3A_182 : memref<!tpu.dma_semaphore, #tpu.memory_space<semaphore_mem>>)
      %dma_start3A_191 = arith.constant 0 : i32
      %dma_start3A_192 = arith.constant 4 : i32
      %dma_start3A_193 = arith.constant 0 : i32
      %dma_start3A_194 = arith.constant 0 : i32
      %dma_start3A_195 = arith.constant 0 : i32
      %dma_start3A_196 = tpu.memref_slice %arg5[%dma_start3A_191, %dma_start3A_194, %dma_start3A_195] : memref<2x200x256xf32, #tpu.memory_space<vmem>> -> memref<1x200x256xf32, #tpu.memory_space<vmem>>
      %dma_start3A_197 = tpu.memref_squeeze %dma_start3A_196 : memref<1x200x256xf32, #tpu.memory_space<vmem>> -> memref<200x256xf32, #tpu.memory_space<vmem>>
      %dma_start3A_198 = arith.constant 0 : i32
      %dma_start3A_199 = arith.constant 0 : i32
      %dma_start3A_200 = tpu.memref_slice %arg4[%dma_start3A_192, %add3A_14, %dma_start3A_198, %dma_start3A_199] : memref<8x200x200x256xf32, #tpu.memory_space<hbm>> -> memref<1x1x200x256xf32, #tpu.memory_space<hbm>>
      %dma_start3A_201 = tpu.memref_squeeze %dma_start3A_200 : memref<1x1x200x256xf32, #tpu.memory_space<hbm>> -> memref<200x256xf32, #tpu.memory_space<hbm>>
      %dma_start3A_202 = tpu.memref_slice %arg7[%dma_start3A_193] : memref<2x!tpu.dma_semaphore, #tpu.memory_space<semaphore_mem>> -> memref<1x!tpu.dma_semaphore, #tpu.memory_space<semaphore_mem>>
      %dma_start3A_203 = tpu.memref_squeeze %dma_start3A_202 : memref<1x!tpu.dma_semaphore, #tpu.memory_space<semaphore_mem>> -> memref<!tpu.dma_semaphore, #tpu.memory_space<semaphore_mem>>
      %dma_start3A_204 = arith.constant 0 : i32
      %dma_start3A_205 = arith.constant 0 : i32
      %dma_start3A_206 = tpu.memref_slice %arg4[%dma_start3A_192, %add3A_14, %dma_start3A_204, %dma_start3A_205] : memref<8x200x200x256xf32, #tpu.memory_space<hbm>> -> memref<1x1x200x256xf32, #tpu.memory_space<hbm>>
      %dma_start3A_207 = tpu.memref_squeeze %dma_start3A_206 : memref<1x1x200x256xf32, #tpu.memory_space<hbm>> -> memref<200x256xf32, #tpu.memory_space<hbm>>
      %dma_start3A_208 = arith.constant 0 : i32
      %dma_start3A_209 = arith.constant 0 : i32
      %dma_start3A_210 = tpu.memref_slice %arg5[%dma_start3A_191, %dma_start3A_208, %dma_start3A_209] : memref<2x200x256xf32, #tpu.memory_space<vmem>> -> memref<1x200x256xf32, #tpu.memory_space<vmem>>
      %dma_start3A_211 = tpu.memref_squeeze %dma_start3A_210 : memref<1x200x256xf32, #tpu.memory_space<vmem>> -> memref<200x256xf32, #tpu.memory_space<vmem>>
      tpu.enqueue_dma source(%dma_start3A_211 : memref<200x256xf32, #tpu.memory_space<vmem>>) target(%dma_start3A_207 : memref<200x256xf32, #tpu.memory_space<hbm>>) target_semaphore(%dma_start3A_203 : memref<!tpu.dma_semaphore, #tpu.memory_space<semaphore_mem>>)
      %dma_start3A_212 = arith.constant 0 : i32
      %dma_start3A_213 = arith.constant 5 : i32
      %dma_start3A_214 = arith.constant 0 : i32
      %dma_start3A_215 = arith.constant 0 : i32
      %dma_start3A_216 = arith.constant 0 : i32
      %dma_start3A_217 = tpu.memref_slice %arg5[%dma_start3A_212, %dma_start3A_215, %dma_start3A_216] : memref<2x200x256xf32, #tpu.memory_space<vmem>> -> memref<1x200x256xf32, #tpu.memory_space<vmem>>
      %dma_start3A_218 = tpu.memref_squeeze %dma_start3A_217 : memref<1x200x256xf32, #tpu.memory_space<vmem>> -> memref<200x256xf32, #tpu.memory_space<vmem>>
      %dma_start3A_219 = arith.constant 0 : i32
      %dma_start3A_220 = arith.constant 0 : i32
      %dma_start3A_221 = tpu.memref_slice %arg4[%dma_start3A_213, %add3A_14, %dma_start3A_219, %dma_start3A_220] : memref<8x200x200x256xf32, #tpu.memory_space<hbm>> -> memref<1x1x200x256xf32, #tpu.memory_space<hbm>>
      %dma_start3A_222 = tpu.memref_squeeze %dma_start3A_221 : memref<1x1x200x256xf32, #tpu.memory_space<hbm>> -> memref<200x256xf32, #tpu.memory_space<hbm>>
      %dma_start3A_223 = tpu.memref_slice %arg7[%dma_start3A_214] : memref<2x!tpu.dma_semaphore, #tpu.memory_space<semaphore_mem>> -> memref<1x!tpu.dma_semaphore, #tpu.memory_space<semaphore_mem>>
      %dma_start3A_224 = tpu.memref_squeeze %dma_start3A_223 : memref<1x!tpu.dma_semaphore, #tpu.memory_space<semaphore_mem>> -> memref<!tpu.dma_semaphore, #tpu.memory_space<semaphore_mem>>
      %dma_start3A_225 = arith.constant 0 : i32
      %dma_start3A_226 = arith.constant 0 : i32
      %dma_start3A_227 = tpu.memref_slice %arg4[%dma_start3A_213, %add3A_14, %dma_start3A_225, %dma_start3A_226] : memref<8x200x200x256xf32, #tpu.memory_space<hbm>> -> memref<1x1x200x256xf32, #tpu.memory_space<hbm>>
      %dma_start3A_228 = tpu.memref_squeeze %dma_start3A_227 : memref<1x1x200x256xf32, #tpu.memory_space<hbm>> -> memref<200x256xf32, #tpu.memory_space<hbm>>
      %dma_start3A_229 = arith.constant 0 : i32
      %dma_start3A_230 = arith.constant 0 : i32
      %dma_start3A_231 = tpu.memref_slice %arg5[%dma_start3A_212, %dma_start3A_229, %dma_start3A_230] : memref<2x200x256xf32, #tpu.memory_space<vmem>> -> memref<1x200x256xf32, #tpu.memory_space<vmem>>
      %dma_start3A_232 = tpu.memref_squeeze %dma_start3A_231 : memref<1x200x256xf32, #tpu.memory_space<vmem>> -> memref<200x256xf32, #tpu.memory_space<vmem>>
      tpu.enqueue_dma source(%dma_start3A_232 : memref<200x256xf32, #tpu.memory_space<vmem>>) target(%dma_start3A_228 : memref<200x256xf32, #tpu.memory_space<hbm>>) target_semaphore(%dma_start3A_224 : memref<!tpu.dma_semaphore, #tpu.memory_space<semaphore_mem>>)
      %dma_start3A_233 = arith.constant 0 : i32
      %dma_start3A_234 = arith.constant 6 : i32
      %dma_start3A_235 = arith.constant 0 : i32
      %dma_start3A_236 = arith.constant 0 : i32
      %dma_start3A_237 = arith.constant 0 : i32
      %dma_start3A_238 = tpu.memref_slice %arg5[%dma_start3A_233, %dma_start3A_236, %dma_start3A_237] : memref<2x200x256xf32, #tpu.memory_space<vmem>> -> memref<1x200x256xf32, #tpu.memory_space<vmem>>
      %dma_start3A_239 = tpu.memref_squeeze %dma_start3A_238 : memref<1x200x256xf32, #tpu.memory_space<vmem>> -> memref<200x256xf32, #tpu.memory_space<vmem>>
      %dma_start3A_240 = arith.constant 0 : i32
      %dma_start3A_241 = arith.constant 0 : i32
      %dma_start3A_242 = tpu.memref_slice %arg4[%dma_start3A_234, %add3A_14, %dma_start3A_240, %dma_start3A_241] : memref<8x200x200x256xf32, #tpu.memory_space<hbm>> -> memref<1x1x200x256xf32, #tpu.memory_space<hbm>>
      %dma_start3A_243 = tpu.memref_squeeze %dma_start3A_242 : memref<1x1x200x256xf32, #tpu.memory_space<hbm>> -> memref<200x256xf32, #tpu.memory_space<hbm>>
      %dma_start3A_244 = tpu.memref_slice %arg7[%dma_start3A_235] : memref<2x!tpu.dma_semaphore, #tpu.memory_space<semaphore_mem>> -> memref<1x!tpu.dma_semaphore, #tpu.memory_space<semaphore_mem>>
      %dma_start3A_245 = tpu.memref_squeeze %dma_start3A_244 : memref<1x!tpu.dma_semaphore, #tpu.memory_space<semaphore_mem>> -> memref<!tpu.dma_semaphore, #tpu.memory_space<semaphore_mem>>
      %dma_start3A_246 = arith.constant 0 : i32
      %dma_start3A_247 = arith.constant 0 : i32
      %dma_start3A_248 = tpu.memref_slice %arg4[%dma_start3A_234, %add3A_14, %dma_start3A_246, %dma_start3A_247] : memref<8x200x200x256xf32, #tpu.memory_space<hbm>> -> memref<1x1x200x256xf32, #tpu.memory_space<hbm>>
      %dma_start3A_249 = tpu.memref_squeeze %dma_start3A_248 : memref<1x1x200x256xf32, #tpu.memory_space<hbm>> -> memref<200x256xf32, #tpu.memory_space<hbm>>
      %dma_start3A_250 = arith.constant 0 : i32
      %dma_start3A_251 = arith.constant 0 : i32
      %dma_start3A_252 = tpu.memref_slice %arg5[%dma_start3A_233, %dma_start3A_250, %dma_start3A_251] : memref<2x200x256xf32, #tpu.memory_space<vmem>> -> memref<1x200x256xf32, #tpu.memory_space<vmem>>
      %dma_start3A_253 = tpu.memref_squeeze %dma_start3A_252 : memref<1x200x256xf32, #tpu.memory_space<vmem>> -> memref<200x256xf32, #tpu.memory_space<vmem>>
      tpu.enqueue_dma source(%dma_start3A_253 : memref<200x256xf32, #tpu.memory_space<vmem>>) target(%dma_start3A_249 : memref<200x256xf32, #tpu.memory_space<hbm>>) target_semaphore(%dma_start3A_245 : memref<!tpu.dma_semaphore, #tpu.memory_space<semaphore_mem>>)
      %dma_start3A_254 = arith.constant 0 : i32
      %dma_start3A_255 = arith.constant 7 : i32
      %dma_start3A_256 = arith.constant 0 : i32
      %dma_start3A_257 = arith.constant 0 : i32
      %dma_start3A_258 = arith.constant 0 : i32
      %dma_start3A_259 = tpu.memref_slice %arg5[%dma_start3A_254, %dma_start3A_257, %dma_start3A_258] : memref<2x200x256xf32, #tpu.memory_space<vmem>> -> memref<1x200x256xf32, #tpu.memory_space<vmem>>
      %dma_start3A_260 = tpu.memref_squeeze %dma_start3A_259 : memref<1x200x256xf32, #tpu.memory_space<vmem>> -> memref<200x256xf32, #tpu.memory_space<vmem>>
      %dma_start3A_261 = arith.constant 0 : i32
      %dma_start3A_262 = arith.constant 0 : i32
      %dma_start3A_263 = tpu.memref_slice %arg4[%dma_start3A_255, %add3A_14, %dma_start3A_261, %dma_start3A_262] : memref<8x200x200x256xf32, #tpu.memory_space<hbm>> -> memref<1x1x200x256xf32, #tpu.memory_space<hbm>>
      %dma_start3A_264 = tpu.memref_squeeze %dma_start3A_263 : memref<1x1x200x256xf32, #tpu.memory_space<hbm>> -> memref<200x256xf32, #tpu.memory_space<hbm>>
      %dma_start3A_265 = tpu.memref_slice %arg7[%dma_start3A_256] : memref<2x!tpu.dma_semaphore, #tpu.memory_space<semaphore_mem>> -> memref<1x!tpu.dma_semaphore, #tpu.memory_space<semaphore_mem>>
      %dma_start3A_266 = tpu.memref_squeeze %dma_start3A_265 : memref<1x!tpu.dma_semaphore, #tpu.memory_space<semaphore_mem>> -> memref<!tpu.dma_semaphore, #tpu.memory_space<semaphore_mem>>
      %dma_start3A_267 = arith.constant 0 : i32
      %dma_start3A_268 = arith.constant 0 : i32
      %dma_start3A_269 = tpu.memref_slice %arg4[%dma_start3A_255, %add3A_14, %dma_start3A_267, %dma_start3A_268] : memref<8x200x200x256xf32, #tpu.memory_space<hbm>> -> memref<1x1x200x256xf32, #tpu.memory_space<hbm>>
      %dma_start3A_270 = tpu.memref_squeeze %dma_start3A_269 : memref<1x1x200x256xf32, #tpu.memory_space<hbm>> -> memref<200x256xf32, #tpu.memory_space<hbm>>
      %dma_start3A_271 = arith.constant 0 : i32
      %dma_start3A_272 = arith.constant 0 : i32
      %dma_start3A_273 = tpu.memref_slice %arg5[%dma_start3A_254, %dma_start3A_271, %dma_start3A_272] : memref<2x200x256xf32, #tpu.memory_space<vmem>> -> memref<1x200x256xf32, #tpu.memory_space<vmem>>
      %dma_start3A_274 = tpu.memref_squeeze %dma_start3A_273 : memref<1x200x256xf32, #tpu.memory_space<vmem>> -> memref<200x256xf32, #tpu.memory_space<vmem>>
      tpu.enqueue_dma source(%dma_start3A_274 : memref<200x256xf32, #tpu.memory_space<vmem>>) target(%dma_start3A_270 : memref<200x256xf32, #tpu.memory_space<hbm>>) target_semaphore(%dma_start3A_266 : memref<!tpu.dma_semaphore, #tpu.memory_space<semaphore_mem>>)
      %dma_wait3A = arith.constant 0 : i32
      %dma_wait3A_275 = arith.constant 0 : i32
      %dma_wait3A_276 = arith.constant 0 : i32
      %dma_wait3A_277 = arith.constant 0 : i32
      %dma_wait3A_278 = arith.constant 0 : i32
      %dma_wait3A_279 = tpu.memref_slice %arg5[%dma_wait3A, %dma_wait3A_277, %dma_wait3A_278] : memref<2x200x256xf32, #tpu.memory_space<vmem>> -> memref<1x200x256xf32, #tpu.memory_space<vmem>>
      %dma_wait3A_280 = tpu.memref_squeeze %dma_wait3A_279 : memref<1x200x256xf32, #tpu.memory_space<vmem>> -> memref<200x256xf32, #tpu.memory_space<vmem>>
      %dma_wait3A_281 = arith.constant 0 : i32
      %dma_wait3A_282 = arith.constant 0 : i32
      %dma_wait3A_283 = tpu.memref_slice %arg4[%dma_wait3A_275, %add3A_14, %dma_wait3A_281, %dma_wait3A_282] : memref<8x200x200x256xf32, #tpu.memory_space<hbm>> -> memref<1x1x200x256xf32, #tpu.memory_space<hbm>>
      %dma_wait3A_284 = tpu.memref_squeeze %dma_wait3A_283 : memref<1x1x200x256xf32, #tpu.memory_space<hbm>> -> memref<200x256xf32, #tpu.memory_space<hbm>>
      %dma_wait3A_285 = tpu.memref_slice %arg7[%dma_wait3A_276] : memref<2x!tpu.dma_semaphore, #tpu.memory_space<semaphore_mem>> -> memref<1x!tpu.dma_semaphore, #tpu.memory_space<semaphore_mem>>
      %dma_wait3A_286 = tpu.memref_squeeze %dma_wait3A_285 : memref<1x!tpu.dma_semaphore, #tpu.memory_space<semaphore_mem>> -> memref<!tpu.dma_semaphore, #tpu.memory_space<semaphore_mem>>
      %dma_wait3A_287 = arith.constant 0 : i32
      %dma_wait3A_288 = arith.constant 0 : i32
      %dma_wait3A_289 = tpu.memref_slice %arg4[%dma_wait3A_275, %add3A_14, %dma_wait3A_287, %dma_wait3A_288] : memref<8x200x200x256xf32, #tpu.memory_space<hbm>> -> memref<1x1x200x256xf32, #tpu.memory_space<hbm>>
      %dma_wait3A_290 = tpu.memref_squeeze %dma_wait3A_289 : memref<1x1x200x256xf32, #tpu.memory_space<hbm>> -> memref<200x256xf32, #tpu.memory_space<hbm>>
      %dma_wait3A_291 = arith.constant 0 : i32
      %dma_wait3A_292 = arith.constant 0 : i32
      %dma_wait3A_293 = tpu.memref_slice %arg5[%dma_wait3A, %dma_wait3A_291, %dma_wait3A_292] : memref<2x200x256xf32, #tpu.memory_space<vmem>> -> memref<1x200x256xf32, #tpu.memory_space<vmem>>
      %dma_wait3A_294 = tpu.memref_squeeze %dma_wait3A_293 : memref<1x200x256xf32, #tpu.memory_space<vmem>> -> memref<200x256xf32, #tpu.memory_space<vmem>>
      tpu.wait_dma2 semaphore(%dma_wait3A_286 : memref<!tpu.dma_semaphore, #tpu.memory_space<semaphore_mem>>) src(%dma_wait3A_294 : memref<200x256xf32, #tpu.memory_space<vmem>>) dst(%dma_wait3A_290 : memref<200x256xf32, #tpu.memory_space<hbm>>)
      %dma_wait3A_295 = arith.constant 0 : i32
      %dma_wait3A_296 = arith.constant 1 : i32
      %dma_wait3A_297 = arith.constant 0 : i32
      %dma_wait3A_298 = arith.constant 0 : i32
      %dma_wait3A_299 = arith.constant 0 : i32
      %dma_wait3A_300 = tpu.memref_slice %arg5[%dma_wait3A_295, %dma_wait3A_298, %dma_wait3A_299] : memref<2x200x256xf32, #tpu.memory_space<vmem>> -> memref<1x200x256xf32, #tpu.memory_space<vmem>>
      %dma_wait3A_301 = tpu.memref_squeeze %dma_wait3A_300 : memref<1x200x256xf32, #tpu.memory_space<vmem>> -> memref<200x256xf32, #tpu.memory_space<vmem>>
      %dma_wait3A_302 = arith.constant 0 : i32
      %dma_wait3A_303 = arith.constant 0 : i32
      %dma_wait3A_304 = tpu.memref_slice %arg4[%dma_wait3A_296, %add3A_14, %dma_wait3A_302, %dma_wait3A_303] : memref<8x200x200x256xf32, #tpu.memory_space<hbm>> -> memref<1x1x200x256xf32, #tpu.memory_space<hbm>>
      %dma_wait3A_305 = tpu.memref_squeeze %dma_wait3A_304 : memref<1x1x200x256xf32, #tpu.memory_space<hbm>> -> memref<200x256xf32, #tpu.memory_space<hbm>>
      %dma_wait3A_306 = tpu.memref_slice %arg7[%dma_wait3A_297] : memref<2x!tpu.dma_semaphore, #tpu.memory_space<semaphore_mem>> -> memref<1x!tpu.dma_semaphore, #tpu.memory_space<semaphore_mem>>
      %dma_wait3A_307 = tpu.memref_squeeze %dma_wait3A_306 : memref<1x!tpu.dma_semaphore, #tpu.memory_space<semaphore_mem>> -> memref<!tpu.dma_semaphore, #tpu.memory_space<semaphore_mem>>
      %dma_wait3A_308 = arith.constant 0 : i32
      %dma_wait3A_309 = arith.constant 0 : i32
      %dma_wait3A_310 = tpu.memref_slice %arg4[%dma_wait3A_296, %add3A_14, %dma_wait3A_308, %dma_wait3A_309] : memref<8x200x200x256xf32, #tpu.memory_space<hbm>> -> memref<1x1x200x256xf32, #tpu.memory_space<hbm>>
      %dma_wait3A_311 = tpu.memref_squeeze %dma_wait3A_310 : memref<1x1x200x256xf32, #tpu.memory_space<hbm>> -> memref<200x256xf32, #tpu.memory_space<hbm>>
      %dma_wait3A_312 = arith.constant 0 : i32
      %dma_wait3A_313 = arith.constant 0 : i32
      %dma_wait3A_314 = tpu.memref_slice %arg5[%dma_wait3A_295, %dma_wait3A_312, %dma_wait3A_313] : memref<2x200x256xf32, #tpu.memory_space<vmem>> -> memref<1x200x256xf32, #tpu.memory_space<vmem>>
      %dma_wait3A_315 = tpu.memref_squeeze %dma_wait3A_314 : memref<1x200x256xf32, #tpu.memory_space<vmem>> -> memref<200x256xf32, #tpu.memory_space<vmem>>
      tpu.wait_dma2 semaphore(%dma_wait3A_307 : memref<!tpu.dma_semaphore, #tpu.memory_space<semaphore_mem>>) src(%dma_wait3A_315 : memref<200x256xf32, #tpu.memory_space<vmem>>) dst(%dma_wait3A_311 : memref<200x256xf32, #tpu.memory_space<hbm>>)
      %dma_wait3A_316 = arith.constant 0 : i32
      %dma_wait3A_317 = arith.constant 2 : i32
      %dma_wait3A_318 = arith.constant 0 : i32
      %dma_wait3A_319 = arith.constant 0 : i32
      %dma_wait3A_320 = arith.constant 0 : i32
      %dma_wait3A_321 = tpu.memref_slice %arg5[%dma_wait3A_316, %dma_wait3A_319, %dma_wait3A_320] : memref<2x200x256xf32, #tpu.memory_space<vmem>> -> memref<1x200x256xf32, #tpu.memory_space<vmem>>
      %dma_wait3A_322 = tpu.memref_squeeze %dma_wait3A_321 : memref<1x200x256xf32, #tpu.memory_space<vmem>> -> memref<200x256xf32, #tpu.memory_space<vmem>>
      %dma_wait3A_323 = arith.constant 0 : i32
      %dma_wait3A_324 = arith.constant 0 : i32
      %dma_wait3A_325 = tpu.memref_slice %arg4[%dma_wait3A_317, %add3A_14, %dma_wait3A_323, %dma_wait3A_324] : memref<8x200x200x256xf32, #tpu.memory_space<hbm>> -> memref<1x1x200x256xf32, #tpu.memory_space<hbm>>
      %dma_wait3A_326 = tpu.memref_squeeze %dma_wait3A_325 : memref<1x1x200x256xf32, #tpu.memory_space<hbm>> -> memref<200x256xf32, #tpu.memory_space<hbm>>
      %dma_wait3A_327 = tpu.memref_slice %arg7[%dma_wait3A_318] : memref<2x!tpu.dma_semaphore, #tpu.memory_space<semaphore_mem>> -> memref<1x!tpu.dma_semaphore, #tpu.memory_space<semaphore_mem>>
      %dma_wait3A_328 = tpu.memref_squeeze %dma_wait3A_327 : memref<1x!tpu.dma_semaphore, #tpu.memory_space<semaphore_mem>> -> memref<!tpu.dma_semaphore, #tpu.memory_space<semaphore_mem>>
      %dma_wait3A_329 = arith.constant 0 : i32
      %dma_wait3A_330 = arith.constant 0 : i32
      %dma_wait3A_331 = tpu.memref_slice %arg4[%dma_wait3A_317, %add3A_14, %dma_wait3A_329, %dma_wait3A_330] : memref<8x200x200x256xf32, #tpu.memory_space<hbm>> -> memref<1x1x200x256xf32, #tpu.memory_space<hbm>>
      %dma_wait3A_332 = tpu.memref_squeeze %dma_wait3A_331 : memref<1x1x200x256xf32, #tpu.memory_space<hbm>> -> memref<200x256xf32, #tpu.memory_space<hbm>>
      %dma_wait3A_333 = arith.constant 0 : i32
      %dma_wait3A_334 = arith.constant 0 : i32
      %dma_wait3A_335 = tpu.memref_slice %arg5[%dma_wait3A_316, %dma_wait3A_333, %dma_wait3A_334] : memref<2x200x256xf32, #tpu.memory_space<vmem>> -> memref<1x200x256xf32, #tpu.memory_space<vmem>>
      %dma_wait3A_336 = tpu.memref_squeeze %dma_wait3A_335 : memref<1x200x256xf32, #tpu.memory_space<vmem>> -> memref<200x256xf32, #tpu.memory_space<vmem>>
      tpu.wait_dma2 semaphore(%dma_wait3A_328 : memref<!tpu.dma_semaphore, #tpu.memory_space<semaphore_mem>>) src(%dma_wait3A_336 : memref<200x256xf32, #tpu.memory_space<vmem>>) dst(%dma_wait3A_332 : memref<200x256xf32, #tpu.memory_space<hbm>>)
      %dma_wait3A_337 = arith.constant 0 : i32
      %dma_wait3A_338 = arith.constant 3 : i32
      %dma_wait3A_339 = arith.constant 0 : i32
      %dma_wait3A_340 = arith.constant 0 : i32
      %dma_wait3A_341 = arith.constant 0 : i32
      %dma_wait3A_342 = tpu.memref_slice %arg5[%dma_wait3A_337, %dma_wait3A_340, %dma_wait3A_341] : memref<2x200x256xf32, #tpu.memory_space<vmem>> -> memref<1x200x256xf32, #tpu.memory_space<vmem>>
      %dma_wait3A_343 = tpu.memref_squeeze %dma_wait3A_342 : memref<1x200x256xf32, #tpu.memory_space<vmem>> -> memref<200x256xf32, #tpu.memory_space<vmem>>
      %dma_wait3A_344 = arith.constant 0 : i32
      %dma_wait3A_345 = arith.constant 0 : i32
      %dma_wait3A_346 = tpu.memref_slice %arg4[%dma_wait3A_338, %add3A_14, %dma_wait3A_344, %dma_wait3A_345] : memref<8x200x200x256xf32, #tpu.memory_space<hbm>> -> memref<1x1x200x256xf32, #tpu.memory_space<hbm>>
      %dma_wait3A_347 = tpu.memref_squeeze %dma_wait3A_346 : memref<1x1x200x256xf32, #tpu.memory_space<hbm>> -> memref<200x256xf32, #tpu.memory_space<hbm>>
      %dma_wait3A_348 = tpu.memref_slice %arg7[%dma_wait3A_339] : memref<2x!tpu.dma_semaphore, #tpu.memory_space<semaphore_mem>> -> memref<1x!tpu.dma_semaphore, #tpu.memory_space<semaphore_mem>>
      %dma_wait3A_349 = tpu.memref_squeeze %dma_wait3A_348 : memref<1x!tpu.dma_semaphore, #tpu.memory_space<semaphore_mem>> -> memref<!tpu.dma_semaphore, #tpu.memory_space<semaphore_mem>>
      %dma_wait3A_350 = arith.constant 0 : i32
      %dma_wait3A_351 = arith.constant 0 : i32
      %dma_wait3A_352 = tpu.memref_slice %arg4[%dma_wait3A_338, %add3A_14, %dma_wait3A_350, %dma_wait3A_351] : memref<8x200x200x256xf32, #tpu.memory_space<hbm>> -> memref<1x1x200x256xf32, #tpu.memory_space<hbm>>
      %dma_wait3A_353 = tpu.memref_squeeze %dma_wait3A_352 : memref<1x1x200x256xf32, #tpu.memory_space<hbm>> -> memref<200x256xf32, #tpu.memory_space<hbm>>
      %dma_wait3A_354 = arith.constant 0 : i32
      %dma_wait3A_355 = arith.constant 0 : i32
      %dma_wait3A_356 = tpu.memref_slice %arg5[%dma_wait3A_337, %dma_wait3A_354, %dma_wait3A_355] : memref<2x200x256xf32, #tpu.memory_space<vmem>> -> memref<1x200x256xf32, #tpu.memory_space<vmem>>
      %dma_wait3A_357 = tpu.memref_squeeze %dma_wait3A_356 : memref<1x200x256xf32, #tpu.memory_space<vmem>> -> memref<200x256xf32, #tpu.memory_space<vmem>>
      tpu.wait_dma2 semaphore(%dma_wait3A_349 : memref<!tpu.dma_semaphore, #tpu.memory_space<semaphore_mem>>) src(%dma_wait3A_357 : memref<200x256xf32, #tpu.memory_space<vmem>>) dst(%dma_wait3A_353 : memref<200x256xf32, #tpu.memory_space<hbm>>)
      %dma_wait3A_358 = arith.constant 0 : i32
      %dma_wait3A_359 = arith.constant 4 : i32
      %dma_wait3A_360 = arith.constant 0 : i32
      %dma_wait3A_361 = arith.constant 0 : i32
      %dma_wait3A_362 = arith.constant 0 : i32
      %dma_wait3A_363 = tpu.memref_slice %arg5[%dma_wait3A_358, %dma_wait3A_361, %dma_wait3A_362] : memref<2x200x256xf32, #tpu.memory_space<vmem>> -> memref<1x200x256xf32, #tpu.memory_space<vmem>>
      %dma_wait3A_364 = tpu.memref_squeeze %dma_wait3A_363 : memref<1x200x256xf32, #tpu.memory_space<vmem>> -> memref<200x256xf32, #tpu.memory_space<vmem>>
      %dma_wait3A_365 = arith.constant 0 : i32
      %dma_wait3A_366 = arith.constant 0 : i32
      %dma_wait3A_367 = tpu.memref_slice %arg4[%dma_wait3A_359, %add3A_14, %dma_wait3A_365, %dma_wait3A_366] : memref<8x200x200x256xf32, #tpu.memory_space<hbm>> -> memref<1x1x200x256xf32, #tpu.memory_space<hbm>>
      %dma_wait3A_368 = tpu.memref_squeeze %dma_wait3A_367 : memref<1x1x200x256xf32, #tpu.memory_space<hbm>> -> memref<200x256xf32, #tpu.memory_space<hbm>>
      %dma_wait3A_369 = tpu.memref_slice %arg7[%dma_wait3A_360] : memref<2x!tpu.dma_semaphore, #tpu.memory_space<semaphore_mem>> -> memref<1x!tpu.dma_semaphore, #tpu.memory_space<semaphore_mem>>
      %dma_wait3A_370 = tpu.memref_squeeze %dma_wait3A_369 : memref<1x!tpu.dma_semaphore, #tpu.memory_space<semaphore_mem>> -> memref<!tpu.dma_semaphore, #tpu.memory_space<semaphore_mem>>
      %dma_wait3A_371 = arith.constant 0 : i32
      %dma_wait3A_372 = arith.constant 0 : i32
      %dma_wait3A_373 = tpu.memref_slice %arg4[%dma_wait3A_359, %add3A_14, %dma_wait3A_371, %dma_wait3A_372] : memref<8x200x200x256xf32, #tpu.memory_space<hbm>> -> memref<1x1x200x256xf32, #tpu.memory_space<hbm>>
      %dma_wait3A_374 = tpu.memref_squeeze %dma_wait3A_373 : memref<1x1x200x256xf32, #tpu.memory_space<hbm>> -> memref<200x256xf32, #tpu.memory_space<hbm>>
      %dma_wait3A_375 = arith.constant 0 : i32
      %dma_wait3A_376 = arith.constant 0 : i32
      %dma_wait3A_377 = tpu.memref_slice %arg5[%dma_wait3A_358, %dma_wait3A_375, %dma_wait3A_376] : memref<2x200x256xf32, #tpu.memory_space<vmem>> -> memref<1x200x256xf32, #tpu.memory_space<vmem>>
      %dma_wait3A_378 = tpu.memref_squeeze %dma_wait3A_377 : memref<1x200x256xf32, #tpu.memory_space<vmem>> -> memref<200x256xf32, #tpu.memory_space<vmem>>
      tpu.wait_dma2 semaphore(%dma_wait3A_370 : memref<!tpu.dma_semaphore, #tpu.memory_space<semaphore_mem>>) src(%dma_wait3A_378 : memref<200x256xf32, #tpu.memory_space<vmem>>) dst(%dma_wait3A_374 : memref<200x256xf32, #tpu.memory_space<hbm>>)
      %dma_wait3A_379 = arith.constant 0 : i32
      %dma_wait3A_380 = arith.constant 5 : i32
      %dma_wait3A_381 = arith.constant 0 : i32
      %dma_wait3A_382 = arith.constant 0 : i32
      %dma_wait3A_383 = arith.constant 0 : i32
      %dma_wait3A_384 = tpu.memref_slice %arg5[%dma_wait3A_379, %dma_wait3A_382, %dma_wait3A_383] : memref<2x200x256xf32, #tpu.memory_space<vmem>> -> memref<1x200x256xf32, #tpu.memory_space<vmem>>
      %dma_wait3A_385 = tpu.memref_squeeze %dma_wait3A_384 : memref<1x200x256xf32, #tpu.memory_space<vmem>> -> memref<200x256xf32, #tpu.memory_space<vmem>>
      %dma_wait3A_386 = arith.constant 0 : i32
      %dma_wait3A_387 = arith.constant 0 : i32
      %dma_wait3A_388 = tpu.memref_slice %arg4[%dma_wait3A_380, %add3A_14, %dma_wait3A_386, %dma_wait3A_387] : memref<8x200x200x256xf32, #tpu.memory_space<hbm>> -> memref<1x1x200x256xf32, #tpu.memory_space<hbm>>
      %dma_wait3A_389 = tpu.memref_squeeze %dma_wait3A_388 : memref<1x1x200x256xf32, #tpu.memory_space<hbm>> -> memref<200x256xf32, #tpu.memory_space<hbm>>
      %dma_wait3A_390 = tpu.memref_slice %arg7[%dma_wait3A_381] : memref<2x!tpu.dma_semaphore, #tpu.memory_space<semaphore_mem>> -> memref<1x!tpu.dma_semaphore, #tpu.memory_space<semaphore_mem>>
      %dma_wait3A_391 = tpu.memref_squeeze %dma_wait3A_390 : memref<1x!tpu.dma_semaphore, #tpu.memory_space<semaphore_mem>> -> memref<!tpu.dma_semaphore, #tpu.memory_space<semaphore_mem>>
      %dma_wait3A_392 = arith.constant 0 : i32
      %dma_wait3A_393 = arith.constant 0 : i32
      %dma_wait3A_394 = tpu.memref_slice %arg4[%dma_wait3A_380, %add3A_14, %dma_wait3A_392, %dma_wait3A_393] : memref<8x200x200x256xf32, #tpu.memory_space<hbm>> -> memref<1x1x200x256xf32, #tpu.memory_space<hbm>>
      %dma_wait3A_395 = tpu.memref_squeeze %dma_wait3A_394 : memref<1x1x200x256xf32, #tpu.memory_space<hbm>> -> memref<200x256xf32, #tpu.memory_space<hbm>>
      %dma_wait3A_396 = arith.constant 0 : i32
      %dma_wait3A_397 = arith.constant 0 : i32
      %dma_wait3A_398 = tpu.memref_slice %arg5[%dma_wait3A_379, %dma_wait3A_396, %dma_wait3A_397] : memref<2x200x256xf32, #tpu.memory_space<vmem>> -> memref<1x200x256xf32, #tpu.memory_space<vmem>>
      %dma_wait3A_399 = tpu.memref_squeeze %dma_wait3A_398 : memref<1x200x256xf32, #tpu.memory_space<vmem>> -> memref<200x256xf32, #tpu.memory_space<vmem>>
      tpu.wait_dma2 semaphore(%dma_wait3A_391 : memref<!tpu.dma_semaphore, #tpu.memory_space<semaphore_mem>>) src(%dma_wait3A_399 : memref<200x256xf32, #tpu.memory_space<vmem>>) dst(%dma_wait3A_395 : memref<200x256xf32, #tpu.memory_space<hbm>>)
      %dma_wait3A_400 = arith.constant 0 : i32
      %dma_wait3A_401 = arith.constant 6 : i32
      %dma_wait3A_402 = arith.constant 0 : i32
      %dma_wait3A_403 = arith.constant 0 : i32
      %dma_wait3A_404 = arith.constant 0 : i32
      %dma_wait3A_405 = tpu.memref_slice %arg5[%dma_wait3A_400, %dma_wait3A_403, %dma_wait3A_404] : memref<2x200x256xf32, #tpu.memory_space<vmem>> -> memref<1x200x256xf32, #tpu.memory_space<vmem>>
      %dma_wait3A_406 = tpu.memref_squeeze %dma_wait3A_405 : memref<1x200x256xf32, #tpu.memory_space<vmem>> -> memref<200x256xf32, #tpu.memory_space<vmem>>
      %dma_wait3A_407 = arith.constant 0 : i32
      %dma_wait3A_408 = arith.constant 0 : i32
      %dma_wait3A_409 = tpu.memref_slice %arg4[%dma_wait3A_401, %add3A_14, %dma_wait3A_407, %dma_wait3A_408] : memref<8x200x200x256xf32, #tpu.memory_space<hbm>> -> memref<1x1x200x256xf32, #tpu.memory_space<hbm>>
      %dma_wait3A_410 = tpu.memref_squeeze %dma_wait3A_409 : memref<1x1x200x256xf32, #tpu.memory_space<hbm>> -> memref<200x256xf32, #tpu.memory_space<hbm>>
      %dma_wait3A_411 = tpu.memref_slice %arg7[%dma_wait3A_402] : memref<2x!tpu.dma_semaphore, #tpu.memory_space<semaphore_mem>> -> memref<1x!tpu.dma_semaphore, #tpu.memory_space<semaphore_mem>>
      %dma_wait3A_412 = tpu.memref_squeeze %dma_wait3A_411 : memref<1x!tpu.dma_semaphore, #tpu.memory_space<semaphore_mem>> -> memref<!tpu.dma_semaphore, #tpu.memory_space<semaphore_mem>>
      %dma_wait3A_413 = arith.constant 0 : i32
      %dma_wait3A_414 = arith.constant 0 : i32
      %dma_wait3A_415 = tpu.memref_slice %arg4[%dma_wait3A_401, %add3A_14, %dma_wait3A_413, %dma_wait3A_414] : memref<8x200x200x256xf32, #tpu.memory_space<hbm>> -> memref<1x1x200x256xf32, #tpu.memory_space<hbm>>
      %dma_wait3A_416 = tpu.memref_squeeze %dma_wait3A_415 : memref<1x1x200x256xf32, #tpu.memory_space<hbm>> -> memref<200x256xf32, #tpu.memory_space<hbm>>
      %dma_wait3A_417 = arith.constant 0 : i32
      %dma_wait3A_418 = arith.constant 0 : i32
      %dma_wait3A_419 = tpu.memref_slice %arg5[%dma_wait3A_400, %dma_wait3A_417, %dma_wait3A_418] : memref<2x200x256xf32, #tpu.memory_space<vmem>> -> memref<1x200x256xf32, #tpu.memory_space<vmem>>
      %dma_wait3A_420 = tpu.memref_squeeze %dma_wait3A_419 : memref<1x200x256xf32, #tpu.memory_space<vmem>> -> memref<200x256xf32, #tpu.memory_space<vmem>>
      tpu.wait_dma2 semaphore(%dma_wait3A_412 : memref<!tpu.dma_semaphore, #tpu.memory_space<semaphore_mem>>) src(%dma_wait3A_420 : memref<200x256xf32, #tpu.memory_space<vmem>>) dst(%dma_wait3A_416 : memref<200x256xf32, #tpu.memory_space<hbm>>)
      %dma_wait3A_421 = arith.constant 0 : i32
      %dma_wait3A_422 = arith.constant 7 : i32
      %dma_wait3A_423 = arith.constant 0 : i32
      %dma_wait3A_424 = arith.constant 0 : i32
      %dma_wait3A_425 = arith.constant 0 : i32
      %dma_wait3A_426 = tpu.memref_slice %arg5[%dma_wait3A_421, %dma_wait3A_424, %dma_wait3A_425] : memref<2x200x256xf32, #tpu.memory_space<vmem>> -> memref<1x200x256xf32, #tpu.memory_space<vmem>>
      %dma_wait3A_427 = tpu.memref_squeeze %dma_wait3A_426 : memref<1x200x256xf32, #tpu.memory_space<vmem>> -> memref<200x256xf32, #tpu.memory_space<vmem>>
      %dma_wait3A_428 = arith.constant 0 : i32
      %dma_wait3A_429 = arith.constant 0 : i32
      %dma_wait3A_430 = tpu.memref_slice %arg4[%dma_wait3A_422, %add3A_14, %dma_wait3A_428, %dma_wait3A_429] : memref<8x200x200x256xf32, #tpu.memory_space<hbm>> -> memref<1x1x200x256xf32, #tpu.memory_space<hbm>>
      %dma_wait3A_431 = tpu.memref_squeeze %dma_wait3A_430 : memref<1x1x200x256xf32, #tpu.memory_space<hbm>> -> memref<200x256xf32, #tpu.memory_space<hbm>>
      %dma_wait3A_432 = tpu.memref_slice %arg7[%dma_wait3A_423] : memref<2x!tpu.dma_semaphore, #tpu.memory_space<semaphore_mem>> -> memref<1x!tpu.dma_semaphore, #tpu.memory_space<semaphore_mem>>
      %dma_wait3A_433 = tpu.memref_squeeze %dma_wait3A_432 : memref<1x!tpu.dma_semaphore, #tpu.memory_space<semaphore_mem>> -> memref<!tpu.dma_semaphore, #tpu.memory_space<semaphore_mem>>
      %dma_wait3A_434 = arith.constant 0 : i32
      %dma_wait3A_435 = arith.constant 0 : i32
      %dma_wait3A_436 = tpu.memref_slice %arg4[%dma_wait3A_422, %add3A_14, %dma_wait3A_434, %dma_wait3A_435] : memref<8x200x200x256xf32, #tpu.memory_space<hbm>> -> memref<1x1x200x256xf32, #tpu.memory_space<hbm>>
      %dma_wait3A_437 = tpu.memref_squeeze %dma_wait3A_436 : memref<1x1x200x256xf32, #tpu.memory_space<hbm>> -> memref<200x256xf32, #tpu.memory_space<hbm>>
      %dma_wait3A_438 = arith.constant 0 : i32
      %dma_wait3A_439 = arith.constant 0 : i32
      %dma_wait3A_440 = tpu.memref_slice %arg5[%dma_wait3A_421, %dma_wait3A_438, %dma_wait3A_439] : memref<2x200x256xf32, #tpu.memory_space<vmem>> -> memref<1x200x256xf32, #tpu.memory_space<vmem>>
      %dma_wait3A_441 = tpu.memref_squeeze %dma_wait3A_440 : memref<1x200x256xf32, #tpu.memory_space<vmem>> -> memref<200x256xf32, #tpu.memory_space<vmem>>
      tpu.wait_dma2 semaphore(%dma_wait3A_433 : memref<!tpu.dma_semaphore, #tpu.memory_space<semaphore_mem>>) src(%dma_wait3A_441 : memref<200x256xf32, #tpu.memory_space<vmem>>) dst(%dma_wait3A_437 : memref<200x256xf32, #tpu.memory_space<hbm>>)
    } else {
    }
    %add3A_20 = arith.constant 96 : i32
    %add3A_21 = arith.addi %add3A, %add3A_20 : i32
    %lt3A_22 = arith.constant 200 : i32
    %lt3A_23 = arith.cmpi slt, %add3A_21, %lt3A_22 : i32
    %convert_element_type3A_24 = arith.extui %lt3A_23 : i1 to i32
    %cond3A_25 = arith.constant 0 : i32
    %cond3A_26 = arith.cmpi ne, %convert_element_type3A_24, %cond3A_25 : i32
    scf.if %cond3A_26 {
      "tpu.region"() ({
        %run_scoped3A_442 = tpu.sem_alloc : memref<!tpu.dma_semaphore, #tpu.memory_space<semaphore_mem>>
        %dma_start3A_443 = arith.constant 0 : i32
        %dma_start3A_444 = tpu.memref_slice %arg2[%add3A_21, %dma_start3A_443] : memref<200x128xf32, #tpu.memory_space<hbm>> -> memref<1x128xf32, #tpu.memory_space<hbm>>
        %dma_start3A_445 = arith.constant 0 : i32
        %dma_start3A_446 = tpu.memref_slice %arg2[%add3A_21, %dma_start3A_445] : memref<200x128xf32, #tpu.memory_space<hbm>> -> memref<1x128xf32, #tpu.memory_space<hbm>>
        tpu.enqueue_dma source(%dma_start3A_446 : memref<1x128xf32, #tpu.memory_space<hbm>>) target(%arg6 : memref<1x128xf32, #tpu.memory_space<vmem>>) target_semaphore(%run_scoped3A_442 : memref<!tpu.dma_semaphore, #tpu.memory_space<semaphore_mem>>)
        %dma_wait3A_447 = arith.constant 0 : i32
        %dma_wait3A_448 = tpu.memref_slice %arg2[%add3A_21, %dma_wait3A_447] : memref<200x128xf32, #tpu.memory_space<hbm>> -> memref<1x128xf32, #tpu.memory_space<hbm>>
        %dma_wait3A_449 = arith.constant 0 : i32
        %dma_wait3A_450 = tpu.memref_slice %arg2[%add3A_21, %dma_wait3A_449] : memref<200x128xf32, #tpu.memory_space<hbm>> -> memref<1x128xf32, #tpu.memory_space<hbm>>
        tpu.wait_dma2 semaphore(%run_scoped3A_442 : memref<!tpu.dma_semaphore, #tpu.memory_space<semaphore_mem>>) src(%dma_wait3A_450 : memref<1x128xf32, #tpu.memory_space<hbm>>) dst(%arg6 : memref<1x128xf32, #tpu.memory_space<vmem>>)
        tpu.yield
      }) : () -> ()
      %get3A = arith.constant 0 : i32
      %get3A_48 = arith.constant 0 : i32
      %get3A_49 = tpu.memref_slice %arg6[%get3A, %get3A_48] : memref<1x128xf32, #tpu.memory_space<vmem>> -> memref<1x128xf32, #tpu.memory_space<vmem>>
      %get3A_50 = tpu.memref_squeeze %get3A_49 : memref<1x128xf32, #tpu.memory_space<vmem>> -> memref<128xf32, #tpu.memory_space<vmem>>
      %get3A_51 = arith.constant 0 : index
      %get3A_52 = tpu.vector_load %get3A_50[%get3A_51] {strides = array<i32>} : memref<128xf32, #tpu.memory_space<vmem>>, vector<16xf32>,
      %get3A_53 = vector.shape_cast %get3A_52 : vector<16xf32> to vector<16xf32>
      %get3A_54 = arith.constant 0 : i32
      %get3A_55 = arith.constant 0 : i32
      %get3A_56 = tpu.memref_slice %arg6[%get3A_54, %get3A_55] : memref<1x128xf32, #tpu.memory_space<vmem>> -> memref<1x128xf32, #tpu.memory_space<vmem>>
      %get3A_57 = tpu.memref_squeeze %get3A_56 : memref<1x128xf32, #tpu.memory_space<vmem>> -> memref<128xf32, #tpu.memory_space<vmem>>
      %get3A_58 = arith.constant 16 : index
      %get3A_59 = tpu.vector_load %get3A_57[%get3A_58] {strides = array<i32>} : memref<128xf32, #tpu.memory_space<vmem>>, vector<16xf32>,
      %get3A_60 = vector.shape_cast %get3A_59 : vector<16xf32> to vector<16xf32>
      %get3A_61 = arith.constant 0 : i32
      %get3A_62 = arith.constant 0 : i32
      %get3A_63 = tpu.memref_slice %arg6[%get3A_61, %get3A_62] : memref<1x128xf32, #tpu.memory_space<vmem>> -> memref<1x128xf32, #tpu.memory_space<vmem>>
      %get3A_64 = tpu.memref_squeeze %get3A_63 : memref<1x128xf32, #tpu.memory_space<vmem>> -> memref<128xf32, #tpu.memory_space<vmem>>
      %get3A_65 = arith.constant 32 : index
      %get3A_66 = tpu.vector_load %get3A_64[%get3A_65] {strides = array<i32>} : memref<128xf32, #tpu.memory_space<vmem>>, vector<16xf32>,
      %get3A_67 = vector.shape_cast %get3A_66 : vector<16xf32> to vector<16xf32>
      %get3A_68 = arith.constant 0 : i32
      %get3A_69 = arith.constant 0 : i32
      %get3A_70 = tpu.memref_slice %arg6[%get3A_68, %get3A_69] : memref<1x128xf32, #tpu.memory_space<vmem>> -> memref<1x128xf32, #tpu.memory_space<vmem>>
      %get3A_71 = tpu.memref_squeeze %get3A_70 : memref<1x128xf32, #tpu.memory_space<vmem>> -> memref<128xf32, #tpu.memory_space<vmem>>
      %get3A_72 = arith.constant 48 : index
      %get3A_73 = tpu.vector_load %get3A_71[%get3A_72] {strides = array<i32>} : memref<128xf32, #tpu.memory_space<vmem>>, vector<16xf32>,
      %get3A_74 = vector.shape_cast %get3A_73 : vector<16xf32> to vector<16xf32>
      %get3A_75 = arith.constant 0 : i32
      %get3A_76 = arith.constant 0 : i32
      %get3A_77 = tpu.memref_slice %arg6[%get3A_75, %get3A_76] : memref<1x128xf32, #tpu.memory_space<vmem>> -> memref<1x128xf32, #tpu.memory_space<vmem>>
      %get3A_78 = tpu.memref_squeeze %get3A_77 : memref<1x128xf32, #tpu.memory_space<vmem>> -> memref<128xf32, #tpu.memory_space<vmem>>
      %get3A_79 = arith.constant 64 : index
      %get3A_80 = tpu.vector_load %get3A_78[%get3A_79] {strides = array<i32>} : memref<128xf32, #tpu.memory_space<vmem>>, vector<16xf32>,
      %get3A_81 = vector.shape_cast %get3A_80 : vector<16xf32> to vector<16xf32>
      %get3A_82 = arith.constant 0 : i32
      %get3A_83 = arith.constant 0 : i32
      %get3A_84 = tpu.memref_slice %arg6[%get3A_82, %get3A_83] : memref<1x128xf32, #tpu.memory_space<vmem>> -> memref<1x128xf32, #tpu.memory_space<vmem>>
      %get3A_85 = tpu.memref_squeeze %get3A_84 : memref<1x128xf32, #tpu.memory_space<vmem>> -> memref<128xf32, #tpu.memory_space<vmem>>
      %get3A_86 = arith.constant 80 : index
      %get3A_87 = tpu.vector_load %get3A_85[%get3A_86] {strides = array<i32>} : memref<128xf32, #tpu.memory_space<vmem>>, vector<16xf32>,
      %get3A_88 = vector.shape_cast %get3A_87 : vector<16xf32> to vector<16xf32>
      %get3A_89 = arith.constant 0 : i32
      %get3A_90 = arith.constant 0 : i32
      %get3A_91 = tpu.memref_slice %arg6[%get3A_89, %get3A_90] : memref<1x128xf32, #tpu.memory_space<vmem>> -> memref<1x128xf32, #tpu.memory_space<vmem>>
      %get3A_92 = tpu.memref_squeeze %get3A_91 : memref<1x128xf32, #tpu.memory_space<vmem>> -> memref<128xf32, #tpu.memory_space<vmem>>
      %get3A_93 = arith.constant 96 : index
      %get3A_94 = tpu.vector_load %get3A_92[%get3A_93] {strides = array<i32>} : memref<128xf32, #tpu.memory_space<vmem>>, vector<16xf32>,
      %get3A_95 = vector.shape_cast %get3A_94 : vector<16xf32> to vector<16xf32>
      %get3A_96 = arith.constant 0 : i32
      %get3A_97 = arith.constant 0 : i32
      %get3A_98 = tpu.memref_slice %arg6[%get3A_96, %get3A_97] : memref<1x128xf32, #tpu.memory_space<vmem>> -> memref<1x128xf32, #tpu.memory_space<vmem>>
      %get3A_99 = tpu.memref_squeeze %get3A_98 : memref<1x128xf32, #tpu.memory_space<vmem>> -> memref<128xf32, #tpu.memory_space<vmem>>
      %get3A_100 = arith.constant 112 : index
      %get3A_101 = tpu.vector_load %get3A_99[%get3A_100] {strides = array<i32>} : memref<128xf32, #tpu.memory_space<vmem>>, vector<16xf32>,
      %get3A_102 = vector.shape_cast %get3A_101 : vector<16xf32> to vector<16xf32>
      %scan3A = arith.constant 0 : i32
      %scan3A_103 = arith.constant 0 : i32
      %scan3A_104 = arith.constant 200 : i32
      %scan3A_105 = arith.addi %scan3A_103, %scan3A_104 : i32
      %scan3A_106 = arith.constant 1 : i32
      scf.for %scan3A_442 = %scan3A_103 to %scan3A_105 step %scan3A_106  : i32 {
        %swap3A = arith.constant 1 : i32
        %swap3A_443 = arith.constant 0 : i32
        %swap3A_444 = tpu.memref_slice %arg5[%swap3A, %scan3A_442, %swap3A_443] : memref<2x200x256xf32, #tpu.memory_space<vmem>> -> memref<1x1x256xf32, #tpu.memory_space<vmem>>
        %swap3A_445 = tpu.memref_squeeze %swap3A_444 : memref<1x1x256xf32, #tpu.memory_space<vmem>> -> memref<256xf32, #tpu.memory_space<vmem>>
        %swap3A_446 = arith.constant 128 : index
        %swap3A_447 = tpu.vector_load %swap3A_445[%swap3A_446] {strides = array<i32>} : memref<256xf32, #tpu.memory_space<vmem>>, vector<16xf32>,
        %swap3A_448 = vector.shape_cast %swap3A_447 : vector<16xf32> to vector<16xf32>
        %swap3A_449 = vector.shape_cast %get3A_53 : vector<16xf32> to vector<16xf32>
        tpu.vector_store %swap3A_445[%swap3A_446], %swap3A_449 {strides = array<i32>} : memref<256xf32, #tpu.memory_space<vmem>>, vector<16xf32>,
        %swap3A_450 = arith.constant 1 : i32
        %swap3A_451 = arith.constant 0 : i32
        %swap3A_452 = tpu.memref_slice %arg5[%swap3A_450, %scan3A_442, %swap3A_451] : memref<2x200x256xf32, #tpu.memory_space<vmem>> -> memref<1x1x256xf32, #tpu.memory_space<vmem>>
        %swap3A_453 = tpu.memref_squeeze %swap3A_452 : memref<1x1x256xf32, #tpu.memory_space<vmem>> -> memref<256xf32, #tpu.memory_space<vmem>>
        %swap3A_454 = arith.constant 144 : index
        %swap3A_455 = tpu.vector_load %swap3A_453[%swap3A_454] {strides = array<i32>} : memref<256xf32, #tpu.memory_space<vmem>>, vector<16xf32>,
        %swap3A_456 = vector.shape_cast %swap3A_455 : vector<16xf32> to vector<16xf32>
        %swap3A_457 = vector.shape_cast %get3A_60 : vector<16xf32> to vector<16xf32>
        tpu.vector_store %swap3A_453[%swap3A_454], %swap3A_457 {strides = array<i32>} : memref<256xf32, #tpu.memory_space<vmem>>, vector<16xf32>,
        %swap3A_458 = arith.constant 1 : i32
        %swap3A_459 = arith.constant 0 : i32
        %swap3A_460 = tpu.memref_slice %arg5[%swap3A_458, %scan3A_442, %swap3A_459] : memref<2x200x256xf32, #tpu.memory_space<vmem>> -> memref<1x1x256xf32, #tpu.memory_space<vmem>>
        %swap3A_461 = tpu.memref_squeeze %swap3A_460 : memref<1x1x256xf32, #tpu.memory_space<vmem>> -> memref<256xf32, #tpu.memory_space<vmem>>
        %swap3A_462 = arith.constant 160 : index
        %swap3A_463 = tpu.vector_load %swap3A_461[%swap3A_462] {strides = array<i32>} : memref<256xf32, #tpu.memory_space<vmem>>, vector<16xf32>,
        %swap3A_464 = vector.shape_cast %swap3A_463 : vector<16xf32> to vector<16xf32>
        %swap3A_465 = vector.shape_cast %get3A_67 : vector<16xf32> to vector<16xf32>
        tpu.vector_store %swap3A_461[%swap3A_462], %swap3A_465 {strides = array<i32>} : memref<256xf32, #tpu.memory_space<vmem>>, vector<16xf32>,
        %swap3A_466 = arith.constant 1 : i32
        %swap3A_467 = arith.constant 0 : i32
        %swap3A_468 = tpu.memref_slice %arg5[%swap3A_466, %scan3A_442, %swap3A_467] : memref<2x200x256xf32, #tpu.memory_space<vmem>> -> memref<1x1x256xf32, #tpu.memory_space<vmem>>
        %swap3A_469 = tpu.memref_squeeze %swap3A_468 : memref<1x1x256xf32, #tpu.memory_space<vmem>> -> memref<256xf32, #tpu.memory_space<vmem>>
        %swap3A_470 = arith.constant 176 : index
        %swap3A_471 = tpu.vector_load %swap3A_469[%swap3A_470] {strides = array<i32>} : memref<256xf32, #tpu.memory_space<vmem>>, vector<16xf32>,
        %swap3A_472 = vector.shape_cast %swap3A_471 : vector<16xf32> to vector<16xf32>
        %swap3A_473 = vector.shape_cast %get3A_74 : vector<16xf32> to vector<16xf32>
        tpu.vector_store %swap3A_469[%swap3A_470], %swap3A_473 {strides = array<i32>} : memref<256xf32, #tpu.memory_space<vmem>>, vector<16xf32>,
        %swap3A_474 = arith.constant 1 : i32
        %swap3A_475 = arith.constant 0 : i32
        %swap3A_476 = tpu.memref_slice %arg5[%swap3A_474, %scan3A_442, %swap3A_475] : memref<2x200x256xf32, #tpu.memory_space<vmem>> -> memref<1x1x256xf32, #tpu.memory_space<vmem>>
        %swap3A_477 = tpu.memref_squeeze %swap3A_476 : memref<1x1x256xf32, #tpu.memory_space<vmem>> -> memref<256xf32, #tpu.memory_space<vmem>>
        %swap3A_478 = arith.constant 192 : index
        %swap3A_479 = tpu.vector_load %swap3A_477[%swap3A_478] {strides = array<i32>} : memref<256xf32, #tpu.memory_space<vmem>>, vector<16xf32>,
        %swap3A_480 = vector.shape_cast %swap3A_479 : vector<16xf32> to vector<16xf32>
        %swap3A_481 = vector.shape_cast %get3A_81 : vector<16xf32> to vector<16xf32>
        tpu.vector_store %swap3A_477[%swap3A_478], %swap3A_481 {strides = array<i32>} : memref<256xf32, #tpu.memory_space<vmem>>, vector<16xf32>,
        %swap3A_482 = arith.constant 1 : i32
        %swap3A_483 = arith.constant 0 : i32
        %swap3A_484 = tpu.memref_slice %arg5[%swap3A_482, %scan3A_442, %swap3A_483] : memref<2x200x256xf32, #tpu.memory_space<vmem>> -> memref<1x1x256xf32, #tpu.memory_space<vmem>>
        %swap3A_485 = tpu.memref_squeeze %swap3A_484 : memref<1x1x256xf32, #tpu.memory_space<vmem>> -> memref<256xf32, #tpu.memory_space<vmem>>
        %swap3A_486 = arith.constant 208 : index
        %swap3A_487 = tpu.vector_load %swap3A_485[%swap3A_486] {strides = array<i32>} : memref<256xf32, #tpu.memory_space<vmem>>, vector<16xf32>,
        %swap3A_488 = vector.shape_cast %swap3A_487 : vector<16xf32> to vector<16xf32>
        %swap3A_489 = vector.shape_cast %get3A_88 : vector<16xf32> to vector<16xf32>
        tpu.vector_store %swap3A_485[%swap3A_486], %swap3A_489 {strides = array<i32>} : memref<256xf32, #tpu.memory_space<vmem>>, vector<16xf32>,
        %swap3A_490 = arith.constant 1 : i32
        %swap3A_491 = arith.constant 0 : i32
        %swap3A_492 = tpu.memref_slice %arg5[%swap3A_490, %scan3A_442, %swap3A_491] : memref<2x200x256xf32, #tpu.memory_space<vmem>> -> memref<1x1x256xf32, #tpu.memory_space<vmem>>
        %swap3A_493 = tpu.memref_squeeze %swap3A_492 : memref<1x1x256xf32, #tpu.memory_space<vmem>> -> memref<256xf32, #tpu.memory_space<vmem>>
        %swap3A_494 = arith.constant 224 : index
        %swap3A_495 = tpu.vector_load %swap3A_493[%swap3A_494] {strides = array<i32>} : memref<256xf32, #tpu.memory_space<vmem>>, vector<16xf32>,
        %swap3A_496 = vector.shape_cast %swap3A_495 : vector<16xf32> to vector<16xf32>
        %swap3A_497 = vector.shape_cast %get3A_95 : vector<16xf32> to vector<16xf32>
        tpu.vector_store %swap3A_493[%swap3A_494], %swap3A_497 {strides = array<i32>} : memref<256xf32, #tpu.memory_space<vmem>>, vector<16xf32>,
        %swap3A_498 = arith.constant 1 : i32
        %swap3A_499 = arith.constant 0 : i32
        %swap3A_500 = tpu.memref_slice %arg5[%swap3A_498, %scan3A_442, %swap3A_499] : memref<2x200x256xf32, #tpu.memory_space<vmem>> -> memref<1x1x256xf32, #tpu.memory_space<vmem>>
        %swap3A_501 = tpu.memref_squeeze %swap3A_500 : memref<1x1x256xf32, #tpu.memory_space<vmem>> -> memref<256xf32, #tpu.memory_space<vmem>>
        %swap3A_502 = arith.constant 240 : index
        %swap3A_503 = tpu.vector_load %swap3A_501[%swap3A_502] {strides = array<i32>} : memref<256xf32, #tpu.memory_space<vmem>>, vector<16xf32>,
        %swap3A_504 = vector.shape_cast %swap3A_503 : vector<16xf32> to vector<16xf32>
        %swap3A_505 = vector.shape_cast %get3A_102 : vector<16xf32> to vector<16xf32>
        tpu.vector_store %swap3A_501[%swap3A_502], %swap3A_505 {strides = array<i32>} : memref<256xf32, #tpu.memory_space<vmem>>, vector<16xf32>,
      }
      %scan3A_107 = arith.constant 200 : i32
      %dma_start3A = arith.constant 1 : i32
      %dma_start3A_108 = arith.constant 0 : i32
      %dma_start3A_109 = arith.constant 1 : i32
      %dma_start3A_110 = arith.constant 0 : i32
      %dma_start3A_111 = arith.constant 0 : i32
      %dma_start3A_112 = tpu.memref_slice %arg5[%dma_start3A, %dma_start3A_110, %dma_start3A_111] : memref<2x200x256xf32, #tpu.memory_space<vmem>> -> memref<1x200x256xf32, #tpu.memory_space<vmem>>
      %dma_start3A_113 = tpu.memref_squeeze %dma_start3A_112 : memref<1x200x256xf32, #tpu.memory_space<vmem>> -> memref<200x256xf32, #tpu.memory_space<vmem>>
      %dma_start3A_114 = arith.constant 0 : i32
      %dma_start3A_115 = arith.constant 0 : i32
      %dma_start3A_116 = tpu.memref_slice %arg4[%dma_start3A_108, %add3A_21, %dma_start3A_114, %dma_start3A_115] : memref<8x200x200x256xf32, #tpu.memory_space<hbm>> -> memref<1x1x200x256xf32, #tpu.memory_space<hbm>>
      %dma_start3A_117 = tpu.memref_squeeze %dma_start3A_116 : memref<1x1x200x256xf32, #tpu.memory_space<hbm>> -> memref<200x256xf32, #tpu.memory_space<hbm>>
      %dma_start3A_118 = tpu.memref_slice %arg7[%dma_start3A_109] : memref<2x!tpu.dma_semaphore, #tpu.memory_space<semaphore_mem>> -> memref<1x!tpu.dma_semaphore, #tpu.memory_space<semaphore_mem>>
      %dma_start3A_119 = tpu.memref_squeeze %dma_start3A_118 : memref<1x!tpu.dma_semaphore, #tpu.memory_space<semaphore_mem>> -> memref<!tpu.dma_semaphore, #tpu.memory_space<semaphore_mem>>
      %dma_start3A_120 = arith.constant 0 : i32
      %dma_start3A_121 = arith.constant 0 : i32
      %dma_start3A_122 = tpu.memref_slice %arg4[%dma_start3A_108, %add3A_21, %dma_start3A_120, %dma_start3A_121] : memref<8x200x200x256xf32, #tpu.memory_space<hbm>> -> memref<1x1x200x256xf32, #tpu.memory_space<hbm>>
      %dma_start3A_123 = tpu.memref_squeeze %dma_start3A_122 : memref<1x1x200x256xf32, #tpu.memory_space<hbm>> -> memref<200x256xf32, #tpu.memory_space<hbm>>
      %dma_start3A_124 = arith.constant 0 : i32
      %dma_start3A_125 = arith.constant 0 : i32
      %dma_start3A_126 = tpu.memref_slice %arg5[%dma_start3A, %dma_start3A_124, %dma_start3A_125] : memref<2x200x256xf32, #tpu.memory_space<vmem>> -> memref<1x200x256xf32, #tpu.memory_space<vmem>>
      %dma_start3A_127 = tpu.memref_squeeze %dma_start3A_126 : memref<1x200x256xf32, #tpu.memory_space<vmem>> -> memref<200x256xf32, #tpu.memory_space<vmem>>
      tpu.enqueue_dma source(%dma_start3A_127 : memref<200x256xf32, #tpu.memory_space<vmem>>) target(%dma_start3A_123 : memref<200x256xf32, #tpu.memory_space<hbm>>) target_semaphore(%dma_start3A_119 : memref<!tpu.dma_semaphore, #tpu.memory_space<semaphore_mem>>)
      %dma_start3A_128 = arith.constant 1 : i32
      %dma_start3A_129 = arith.constant 1 : i32
      %dma_start3A_130 = arith.constant 1 : i32
      %dma_start3A_131 = arith.constant 0 : i32
      %dma_start3A_132 = arith.constant 0 : i32
      %dma_start3A_133 = tpu.memref_slice %arg5[%dma_start3A_128, %dma_start3A_131, %dma_start3A_132] : memref<2x200x256xf32, #tpu.memory_space<vmem>> -> memref<1x200x256xf32, #tpu.memory_space<vmem>>
      %dma_start3A_134 = tpu.memref_squeeze %dma_start3A_133 : memref<1x200x256xf32, #tpu.memory_space<vmem>> -> memref<200x256xf32, #tpu.memory_space<vmem>>
      %dma_start3A_135 = arith.constant 0 : i32
      %dma_start3A_136 = arith.constant 0 : i32
      %dma_start3A_137 = tpu.memref_slice %arg4[%dma_start3A_129, %add3A_21, %dma_start3A_135, %dma_start3A_136] : memref<8x200x200x256xf32, #tpu.memory_space<hbm>> -> memref<1x1x200x256xf32, #tpu.memory_space<hbm>>
      %dma_start3A_138 = tpu.memref_squeeze %dma_start3A_137 : memref<1x1x200x256xf32, #tpu.memory_space<hbm>> -> memref<200x256xf32, #tpu.memory_space<hbm>>
      %dma_start3A_139 = tpu.memref_slice %arg7[%dma_start3A_130] : memref<2x!tpu.dma_semaphore, #tpu.memory_space<semaphore_mem>> -> memref<1x!tpu.dma_semaphore, #tpu.memory_space<semaphore_mem>>
      %dma_start3A_140 = tpu.memref_squeeze %dma_start3A_139 : memref<1x!tpu.dma_semaphore, #tpu.memory_space<semaphore_mem>> -> memref<!tpu.dma_semaphore, #tpu.memory_space<semaphore_mem>>
      %dma_start3A_141 = arith.constant 0 : i32
      %dma_start3A_142 = arith.constant 0 : i32
      %dma_start3A_143 = tpu.memref_slice %arg4[%dma_start3A_129, %add3A_21, %dma_start3A_141, %dma_start3A_142] : memref<8x200x200x256xf32, #tpu.memory_space<hbm>> -> memref<1x1x200x256xf32, #tpu.memory_space<hbm>>
      %dma_start3A_144 = tpu.memref_squeeze %dma_start3A_143 : memref<1x1x200x256xf32, #tpu.memory_space<hbm>> -> memref<200x256xf32, #tpu.memory_space<hbm>>
      %dma_start3A_145 = arith.constant 0 : i32
      %dma_start3A_146 = arith.constant 0 : i32
      %dma_start3A_147 = tpu.memref_slice %arg5[%dma_start3A_128, %dma_start3A_145, %dma_start3A_146] : memref<2x200x256xf32, #tpu.memory_space<vmem>> -> memref<1x200x256xf32, #tpu.memory_space<vmem>>
      %dma_start3A_148 = tpu.memref_squeeze %dma_start3A_147 : memref<1x200x256xf32, #tpu.memory_space<vmem>> -> memref<200x256xf32, #tpu.memory_space<vmem>>
      tpu.enqueue_dma source(%dma_start3A_148 : memref<200x256xf32, #tpu.memory_space<vmem>>) target(%dma_start3A_144 : memref<200x256xf32, #tpu.memory_space<hbm>>) target_semaphore(%dma_start3A_140 : memref<!tpu.dma_semaphore, #tpu.memory_space<semaphore_mem>>)
      %dma_start3A_149 = arith.constant 1 : i32
      %dma_start3A_150 = arith.constant 2 : i32
      %dma_start3A_151 = arith.constant 1 : i32
      %dma_start3A_152 = arith.constant 0 : i32
      %dma_start3A_153 = arith.constant 0 : i32
      %dma_start3A_154 = tpu.memref_slice %arg5[%dma_start3A_149, %dma_start3A_152, %dma_start3A_153] : memref<2x200x256xf32, #tpu.memory_space<vmem>> -> memref<1x200x256xf32, #tpu.memory_space<vmem>>
      %dma_start3A_155 = tpu.memref_squeeze %dma_start3A_154 : memref<1x200x256xf32, #tpu.memory_space<vmem>> -> memref<200x256xf32, #tpu.memory_space<vmem>>
      %dma_start3A_156 = arith.constant 0 : i32
      %dma_start3A_157 = arith.constant 0 : i32
      %dma_start3A_158 = tpu.memref_slice %arg4[%dma_start3A_150, %add3A_21, %dma_start3A_156, %dma_start3A_157] : memref<8x200x200x256xf32, #tpu.memory_space<hbm>> -> memref<1x1x200x256xf32, #tpu.memory_space<hbm>>
      %dma_start3A_159 = tpu.memref_squeeze %dma_start3A_158 : memref<1x1x200x256xf32, #tpu.memory_space<hbm>> -> memref<200x256xf32, #tpu.memory_space<hbm>>
      %dma_start3A_160 = tpu.memref_slice %arg7[%dma_start3A_151] : memref<2x!tpu.dma_semaphore, #tpu.memory_space<semaphore_mem>> -> memref<1x!tpu.dma_semaphore, #tpu.memory_space<semaphore_mem>>
      %dma_start3A_161 = tpu.memref_squeeze %dma_start3A_160 : memref<1x!tpu.dma_semaphore, #tpu.memory_space<semaphore_mem>> -> memref<!tpu.dma_semaphore, #tpu.memory_space<semaphore_mem>>
      %dma_start3A_162 = arith.constant 0 : i32
      %dma_start3A_163 = arith.constant 0 : i32
      %dma_start3A_164 = tpu.memref_slice %arg4[%dma_start3A_150, %add3A_21, %dma_start3A_162, %dma_start3A_163] : memref<8x200x200x256xf32, #tpu.memory_space<hbm>> -> memref<1x1x200x256xf32, #tpu.memory_space<hbm>>
      %dma_start3A_165 = tpu.memref_squeeze %dma_start3A_164 : memref<1x1x200x256xf32, #tpu.memory_space<hbm>> -> memref<200x256xf32, #tpu.memory_space<hbm>>
      %dma_start3A_166 = arith.constant 0 : i32
      %dma_start3A_167 = arith.constant 0 : i32
      %dma_start3A_168 = tpu.memref_slice %arg5[%dma_start3A_149, %dma_start3A_166, %dma_start3A_167] : memref<2x200x256xf32, #tpu.memory_space<vmem>> -> memref<1x200x256xf32, #tpu.memory_space<vmem>>
      %dma_start3A_169 = tpu.memref_squeeze %dma_start3A_168 : memref<1x200x256xf32, #tpu.memory_space<vmem>> -> memref<200x256xf32, #tpu.memory_space<vmem>>
      tpu.enqueue_dma source(%dma_start3A_169 : memref<200x256xf32, #tpu.memory_space<vmem>>) target(%dma_start3A_165 : memref<200x256xf32, #tpu.memory_space<hbm>>) target_semaphore(%dma_start3A_161 : memref<!tpu.dma_semaphore, #tpu.memory_space<semaphore_mem>>)
      %dma_start3A_170 = arith.constant 1 : i32
      %dma_start3A_171 = arith.constant 3 : i32
      %dma_start3A_172 = arith.constant 1 : i32
      %dma_start3A_173 = arith.constant 0 : i32
      %dma_start3A_174 = arith.constant 0 : i32
      %dma_start3A_175 = tpu.memref_slice %arg5[%dma_start3A_170, %dma_start3A_173, %dma_start3A_174] : memref<2x200x256xf32, #tpu.memory_space<vmem>> -> memref<1x200x256xf32, #tpu.memory_space<vmem>>
      %dma_start3A_176 = tpu.memref_squeeze %dma_start3A_175 : memref<1x200x256xf32, #tpu.memory_space<vmem>> -> memref<200x256xf32, #tpu.memory_space<vmem>>
      %dma_start3A_177 = arith.constant 0 : i32
      %dma_start3A_178 = arith.constant 0 : i32
      %dma_start3A_179 = tpu.memref_slice %arg4[%dma_start3A_171, %add3A_21, %dma_start3A_177, %dma_start3A_178] : memref<8x200x200x256xf32, #tpu.memory_space<hbm>> -> memref<1x1x200x256xf32, #tpu.memory_space<hbm>>
      %dma_start3A_180 = tpu.memref_squeeze %dma_start3A_179 : memref<1x1x200x256xf32, #tpu.memory_space<hbm>> -> memref<200x256xf32, #tpu.memory_space<hbm>>
      %dma_start3A_181 = tpu.memref_slice %arg7[%dma_start3A_172] : memref<2x!tpu.dma_semaphore, #tpu.memory_space<semaphore_mem>> -> memref<1x!tpu.dma_semaphore, #tpu.memory_space<semaphore_mem>>
      %dma_start3A_182 = tpu.memref_squeeze %dma_start3A_181 : memref<1x!tpu.dma_semaphore, #tpu.memory_space<semaphore_mem>> -> memref<!tpu.dma_semaphore, #tpu.memory_space<semaphore_mem>>
      %dma_start3A_183 = arith.constant 0 : i32
      %dma_start3A_184 = arith.constant 0 : i32
      %dma_start3A_185 = tpu.memref_slice %arg4[%dma_start3A_171, %add3A_21, %dma_start3A_183, %dma_start3A_184] : memref<8x200x200x256xf32, #tpu.memory_space<hbm>> -> memref<1x1x200x256xf32, #tpu.memory_space<hbm>>
      %dma_start3A_186 = tpu.memref_squeeze %dma_start3A_185 : memref<1x1x200x256xf32, #tpu.memory_space<hbm>> -> memref<200x256xf32, #tpu.memory_space<hbm>>
      %dma_start3A_187 = arith.constant 0 : i32
      %dma_start3A_188 = arith.constant 0 : i32
      %dma_start3A_189 = tpu.memref_slice %arg5[%dma_start3A_170, %dma_start3A_187, %dma_start3A_188] : memref<2x200x256xf32, #tpu.memory_space<vmem>> -> memref<1x200x256xf32, #tpu.memory_space<vmem>>
      %dma_start3A_190 = tpu.memref_squeeze %dma_start3A_189 : memref<1x200x256xf32, #tpu.memory_space<vmem>> -> memref<200x256xf32, #tpu.memory_space<vmem>>
      tpu.enqueue_dma source(%dma_start3A_190 : memref<200x256xf32, #tpu.memory_space<vmem>>) target(%dma_start3A_186 : memref<200x256xf32, #tpu.memory_space<hbm>>) target_semaphore(%dma_start3A_182 : memref<!tpu.dma_semaphore, #tpu.memory_space<semaphore_mem>>)
      %dma_start3A_191 = arith.constant 1 : i32
      %dma_start3A_192 = arith.constant 4 : i32
      %dma_start3A_193 = arith.constant 1 : i32
      %dma_start3A_194 = arith.constant 0 : i32
      %dma_start3A_195 = arith.constant 0 : i32
      %dma_start3A_196 = tpu.memref_slice %arg5[%dma_start3A_191, %dma_start3A_194, %dma_start3A_195] : memref<2x200x256xf32, #tpu.memory_space<vmem>> -> memref<1x200x256xf32, #tpu.memory_space<vmem>>
      %dma_start3A_197 = tpu.memref_squeeze %dma_start3A_196 : memref<1x200x256xf32, #tpu.memory_space<vmem>> -> memref<200x256xf32, #tpu.memory_space<vmem>>
      %dma_start3A_198 = arith.constant 0 : i32
      %dma_start3A_199 = arith.constant 0 : i32
      %dma_start3A_200 = tpu.memref_slice %arg4[%dma_start3A_192, %add3A_21, %dma_start3A_198, %dma_start3A_199] : memref<8x200x200x256xf32, #tpu.memory_space<hbm>> -> memref<1x1x200x256xf32, #tpu.memory_space<hbm>>
      %dma_start3A_201 = tpu.memref_squeeze %dma_start3A_200 : memref<1x1x200x256xf32, #tpu.memory_space<hbm>> -> memref<200x256xf32, #tpu.memory_space<hbm>>
      %dma_start3A_202 = tpu.memref_slice %arg7[%dma_start3A_193] : memref<2x!tpu.dma_semaphore, #tpu.memory_space<semaphore_mem>> -> memref<1x!tpu.dma_semaphore, #tpu.memory_space<semaphore_mem>>
      %dma_start3A_203 = tpu.memref_squeeze %dma_start3A_202 : memref<1x!tpu.dma_semaphore, #tpu.memory_space<semaphore_mem>> -> memref<!tpu.dma_semaphore, #tpu.memory_space<semaphore_mem>>
      %dma_start3A_204 = arith.constant 0 : i32
      %dma_start3A_205 = arith.constant 0 : i32
      %dma_start3A_206 = tpu.memref_slice %arg4[%dma_start3A_192, %add3A_21, %dma_start3A_204, %dma_start3A_205] : memref<8x200x200x256xf32, #tpu.memory_space<hbm>> -> memref<1x1x200x256xf32, #tpu.memory_space<hbm>>
      %dma_start3A_207 = tpu.memref_squeeze %dma_start3A_206 : memref<1x1x200x256xf32, #tpu.memory_space<hbm>> -> memref<200x256xf32, #tpu.memory_space<hbm>>
      %dma_start3A_208 = arith.constant 0 : i32
      %dma_start3A_209 = arith.constant 0 : i32
      %dma_start3A_210 = tpu.memref_slice %arg5[%dma_start3A_191, %dma_start3A_208, %dma_start3A_209] : memref<2x200x256xf32, #tpu.memory_space<vmem>> -> memref<1x200x256xf32, #tpu.memory_space<vmem>>
      %dma_start3A_211 = tpu.memref_squeeze %dma_start3A_210 : memref<1x200x256xf32, #tpu.memory_space<vmem>> -> memref<200x256xf32, #tpu.memory_space<vmem>>
      tpu.enqueue_dma source(%dma_start3A_211 : memref<200x256xf32, #tpu.memory_space<vmem>>) target(%dma_start3A_207 : memref<200x256xf32, #tpu.memory_space<hbm>>) target_semaphore(%dma_start3A_203 : memref<!tpu.dma_semaphore, #tpu.memory_space<semaphore_mem>>)
      %dma_start3A_212 = arith.constant 1 : i32
      %dma_start3A_213 = arith.constant 5 : i32
      %dma_start3A_214 = arith.constant 1 : i32
      %dma_start3A_215 = arith.constant 0 : i32
      %dma_start3A_216 = arith.constant 0 : i32
      %dma_start3A_217 = tpu.memref_slice %arg5[%dma_start3A_212, %dma_start3A_215, %dma_start3A_216] : memref<2x200x256xf32, #tpu.memory_space<vmem>> -> memref<1x200x256xf32, #tpu.memory_space<vmem>>
      %dma_start3A_218 = tpu.memref_squeeze %dma_start3A_217 : memref<1x200x256xf32, #tpu.memory_space<vmem>> -> memref<200x256xf32, #tpu.memory_space<vmem>>
      %dma_start3A_219 = arith.constant 0 : i32
      %dma_start3A_220 = arith.constant 0 : i32
      %dma_start3A_221 = tpu.memref_slice %arg4[%dma_start3A_213, %add3A_21, %dma_start3A_219, %dma_start3A_220] : memref<8x200x200x256xf32, #tpu.memory_space<hbm>> -> memref<1x1x200x256xf32, #tpu.memory_space<hbm>>
      %dma_start3A_222 = tpu.memref_squeeze %dma_start3A_221 : memref<1x1x200x256xf32, #tpu.memory_space<hbm>> -> memref<200x256xf32, #tpu.memory_space<hbm>>
      %dma_start3A_223 = tpu.memref_slice %arg7[%dma_start3A_214] : memref<2x!tpu.dma_semaphore, #tpu.memory_space<semaphore_mem>> -> memref<1x!tpu.dma_semaphore, #tpu.memory_space<semaphore_mem>>
      %dma_start3A_224 = tpu.memref_squeeze %dma_start3A_223 : memref<1x!tpu.dma_semaphore, #tpu.memory_space<semaphore_mem>> -> memref<!tpu.dma_semaphore, #tpu.memory_space<semaphore_mem>>
      %dma_start3A_225 = arith.constant 0 : i32
      %dma_start3A_226 = arith.constant 0 : i32
      %dma_start3A_227 = tpu.memref_slice %arg4[%dma_start3A_213, %add3A_21, %dma_start3A_225, %dma_start3A_226] : memref<8x200x200x256xf32, #tpu.memory_space<hbm>> -> memref<1x1x200x256xf32, #tpu.memory_space<hbm>>
      %dma_start3A_228 = tpu.memref_squeeze %dma_start3A_227 : memref<1x1x200x256xf32, #tpu.memory_space<hbm>> -> memref<200x256xf32, #tpu.memory_space<hbm>>
      %dma_start3A_229 = arith.constant 0 : i32
      %dma_start3A_230 = arith.constant 0 : i32
      %dma_start3A_231 = tpu.memref_slice %arg5[%dma_start3A_212, %dma_start3A_229, %dma_start3A_230] : memref<2x200x256xf32, #tpu.memory_space<vmem>> -> memref<1x200x256xf32, #tpu.memory_space<vmem>>
      %dma_start3A_232 = tpu.memref_squeeze %dma_start3A_231 : memref<1x200x256xf32, #tpu.memory_space<vmem>> -> memref<200x256xf32, #tpu.memory_space<vmem>>
      tpu.enqueue_dma source(%dma_start3A_232 : memref<200x256xf32, #tpu.memory_space<vmem>>) target(%dma_start3A_228 : memref<200x256xf32, #tpu.memory_space<hbm>>) target_semaphore(%dma_start3A_224 : memref<!tpu.dma_semaphore, #tpu.memory_space<semaphore_mem>>)
      %dma_start3A_233 = arith.constant 1 : i32
      %dma_start3A_234 = arith.constant 6 : i32
      %dma_start3A_235 = arith.constant 1 : i32
      %dma_start3A_236 = arith.constant 0 : i32
      %dma_start3A_237 = arith.constant 0 : i32
      %dma_start3A_238 = tpu.memref_slice %arg5[%dma_start3A_233, %dma_start3A_236, %dma_start3A_237] : memref<2x200x256xf32, #tpu.memory_space<vmem>> -> memref<1x200x256xf32, #tpu.memory_space<vmem>>
      %dma_start3A_239 = tpu.memref_squeeze %dma_start3A_238 : memref<1x200x256xf32, #tpu.memory_space<vmem>> -> memref<200x256xf32, #tpu.memory_space<vmem>>
      %dma_start3A_240 = arith.constant 0 : i32
      %dma_start3A_241 = arith.constant 0 : i32
      %dma_start3A_242 = tpu.memref_slice %arg4[%dma_start3A_234, %add3A_21, %dma_start3A_240, %dma_start3A_241] : memref<8x200x200x256xf32, #tpu.memory_space<hbm>> -> memref<1x1x200x256xf32, #tpu.memory_space<hbm>>
      %dma_start3A_243 = tpu.memref_squeeze %dma_start3A_242 : memref<1x1x200x256xf32, #tpu.memory_space<hbm>> -> memref<200x256xf32, #tpu.memory_space<hbm>>
      %dma_start3A_244 = tpu.memref_slice %arg7[%dma_start3A_235] : memref<2x!tpu.dma_semaphore, #tpu.memory_space<semaphore_mem>> -> memref<1x!tpu.dma_semaphore, #tpu.memory_space<semaphore_mem>>
      %dma_start3A_245 = tpu.memref_squeeze %dma_start3A_244 : memref<1x!tpu.dma_semaphore, #tpu.memory_space<semaphore_mem>> -> memref<!tpu.dma_semaphore, #tpu.memory_space<semaphore_mem>>
      %dma_start3A_246 = arith.constant 0 : i32
      %dma_start3A_247 = arith.constant 0 : i32
      %dma_start3A_248 = tpu.memref_slice %arg4[%dma_start3A_234, %add3A_21, %dma_start3A_246, %dma_start3A_247] : memref<8x200x200x256xf32, #tpu.memory_space<hbm>> -> memref<1x1x200x256xf32, #tpu.memory_space<hbm>>
      %dma_start3A_249 = tpu.memref_squeeze %dma_start3A_248 : memref<1x1x200x256xf32, #tpu.memory_space<hbm>> -> memref<200x256xf32, #tpu.memory_space<hbm>>
      %dma_start3A_250 = arith.constant 0 : i32
      %dma_start3A_251 = arith.constant 0 : i32
      %dma_start3A_252 = tpu.memref_slice %arg5[%dma_start3A_233, %dma_start3A_250, %dma_start3A_251] : memref<2x200x256xf32, #tpu.memory_space<vmem>> -> memref<1x200x256xf32, #tpu.memory_space<vmem>>
      %dma_start3A_253 = tpu.memref_squeeze %dma_start3A_252 : memref<1x200x256xf32, #tpu.memory_space<vmem>> -> memref<200x256xf32, #tpu.memory_space<vmem>>
      tpu.enqueue_dma source(%dma_start3A_253 : memref<200x256xf32, #tpu.memory_space<vmem>>) target(%dma_start3A_249 : memref<200x256xf32, #tpu.memory_space<hbm>>) target_semaphore(%dma_start3A_245 : memref<!tpu.dma_semaphore, #tpu.memory_space<semaphore_mem>>)
      %dma_start3A_254 = arith.constant 1 : i32
      %dma_start3A_255 = arith.constant 7 : i32
      %dma_start3A_256 = arith.constant 1 : i32
      %dma_start3A_257 = arith.constant 0 : i32
      %dma_start3A_258 = arith.constant 0 : i32
      %dma_start3A_259 = tpu.memref_slice %arg5[%dma_start3A_254, %dma_start3A_257, %dma_start3A_258] : memref<2x200x256xf32, #tpu.memory_space<vmem>> -> memref<1x200x256xf32, #tpu.memory_space<vmem>>
      %dma_start3A_260 = tpu.memref_squeeze %dma_start3A_259 : memref<1x200x256xf32, #tpu.memory_space<vmem>> -> memref<200x256xf32, #tpu.memory_space<vmem>>
      %dma_start3A_261 = arith.constant 0 : i32
      %dma_start3A_262 = arith.constant 0 : i32
      %dma_start3A_263 = tpu.memref_slice %arg4[%dma_start3A_255, %add3A_21, %dma_start3A_261, %dma_start3A_262] : memref<8x200x200x256xf32, #tpu.memory_space<hbm>> -> memref<1x1x200x256xf32, #tpu.memory_space<hbm>>
      %dma_start3A_264 = tpu.memref_squeeze %dma_start3A_263 : memref<1x1x200x256xf32, #tpu.memory_space<hbm>> -> memref<200x256xf32, #tpu.memory_space<hbm>>
      %dma_start3A_265 = tpu.memref_slice %arg7[%dma_start3A_256] : memref<2x!tpu.dma_semaphore, #tpu.memory_space<semaphore_mem>> -> memref<1x!tpu.dma_semaphore, #tpu.memory_space<semaphore_mem>>
      %dma_start3A_266 = tpu.memref_squeeze %dma_start3A_265 : memref<1x!tpu.dma_semaphore, #tpu.memory_space<semaphore_mem>> -> memref<!tpu.dma_semaphore, #tpu.memory_space<semaphore_mem>>
      %dma_start3A_267 = arith.constant 0 : i32
      %dma_start3A_268 = arith.constant 0 : i32
      %dma_start3A_269 = tpu.memref_slice %arg4[%dma_start3A_255, %add3A_21, %dma_start3A_267, %dma_start3A_268] : memref<8x200x200x256xf32, #tpu.memory_space<hbm>> -> memref<1x1x200x256xf32, #tpu.memory_space<hbm>>
      %dma_start3A_270 = tpu.memref_squeeze %dma_start3A_269 : memref<1x1x200x256xf32, #tpu.memory_space<hbm>> -> memref<200x256xf32, #tpu.memory_space<hbm>>
      %dma_start3A_271 = arith.constant 0 : i32
      %dma_start3A_272 = arith.constant 0 : i32
      %dma_start3A_273 = tpu.memref_slice %arg5[%dma_start3A_254, %dma_start3A_271, %dma_start3A_272] : memref<2x200x256xf32, #tpu.memory_space<vmem>> -> memref<1x200x256xf32, #tpu.memory_space<vmem>>
      %dma_start3A_274 = tpu.memref_squeeze %dma_start3A_273 : memref<1x200x256xf32, #tpu.memory_space<vmem>> -> memref<200x256xf32, #tpu.memory_space<vmem>>
      tpu.enqueue_dma source(%dma_start3A_274 : memref<200x256xf32, #tpu.memory_space<vmem>>) target(%dma_start3A_270 : memref<200x256xf32, #tpu.memory_space<hbm>>) target_semaphore(%dma_start3A_266 : memref<!tpu.dma_semaphore, #tpu.memory_space<semaphore_mem>>)
      %dma_wait3A = arith.constant 1 : i32
      %dma_wait3A_275 = arith.constant 0 : i32
      %dma_wait3A_276 = arith.constant 1 : i32
      %dma_wait3A_277 = arith.constant 0 : i32
      %dma_wait3A_278 = arith.constant 0 : i32
      %dma_wait3A_279 = tpu.memref_slice %arg5[%dma_wait3A, %dma_wait3A_277, %dma_wait3A_278] : memref<2x200x256xf32, #tpu.memory_space<vmem>> -> memref<1x200x256xf32, #tpu.memory_space<vmem>>
      %dma_wait3A_280 = tpu.memref_squeeze %dma_wait3A_279 : memref<1x200x256xf32, #tpu.memory_space<vmem>> -> memref<200x256xf32, #tpu.memory_space<vmem>>
      %dma_wait3A_281 = arith.constant 0 : i32
      %dma_wait3A_282 = arith.constant 0 : i32
      %dma_wait3A_283 = tpu.memref_slice %arg4[%dma_wait3A_275, %add3A_21, %dma_wait3A_281, %dma_wait3A_282] : memref<8x200x200x256xf32, #tpu.memory_space<hbm>> -> memref<1x1x200x256xf32, #tpu.memory_space<hbm>>
      %dma_wait3A_284 = tpu.memref_squeeze %dma_wait3A_283 : memref<1x1x200x256xf32, #tpu.memory_space<hbm>> -> memref<200x256xf32, #tpu.memory_space<hbm>>
      %dma_wait3A_285 = tpu.memref_slice %arg7[%dma_wait3A_276] : memref<2x!tpu.dma_semaphore, #tpu.memory_space<semaphore_mem>> -> memref<1x!tpu.dma_semaphore, #tpu.memory_space<semaphore_mem>>
      %dma_wait3A_286 = tpu.memref_squeeze %dma_wait3A_285 : memref<1x!tpu.dma_semaphore, #tpu.memory_space<semaphore_mem>> -> memref<!tpu.dma_semaphore, #tpu.memory_space<semaphore_mem>>
      %dma_wait3A_287 = arith.constant 0 : i32
      %dma_wait3A_288 = arith.constant 0 : i32
      %dma_wait3A_289 = tpu.memref_slice %arg4[%dma_wait3A_275, %add3A_21, %dma_wait3A_287, %dma_wait3A_288] : memref<8x200x200x256xf32, #tpu.memory_space<hbm>> -> memref<1x1x200x256xf32, #tpu.memory_space<hbm>>
      %dma_wait3A_290 = tpu.memref_squeeze %dma_wait3A_289 : memref<1x1x200x256xf32, #tpu.memory_space<hbm>> -> memref<200x256xf32, #tpu.memory_space<hbm>>
      %dma_wait3A_291 = arith.constant 0 : i32
      %dma_wait3A_292 = arith.constant 0 : i32
      %dma_wait3A_293 = tpu.memref_slice %arg5[%dma_wait3A, %dma_wait3A_291, %dma_wait3A_292] : memref<2x200x256xf32, #tpu.memory_space<vmem>> -> memref<1x200x256xf32, #tpu.memory_space<vmem>>
      %dma_wait3A_294 = tpu.memref_squeeze %dma_wait3A_293 : memref<1x200x256xf32, #tpu.memory_space<vmem>> -> memref<200x256xf32, #tpu.memory_space<vmem>>
      tpu.wait_dma2 semaphore(%dma_wait3A_286 : memref<!tpu.dma_semaphore, #tpu.memory_space<semaphore_mem>>) src(%dma_wait3A_294 : memref<200x256xf32, #tpu.memory_space<vmem>>) dst(%dma_wait3A_290 : memref<200x256xf32, #tpu.memory_space<hbm>>)
      %dma_wait3A_295 = arith.constant 1 : i32
      %dma_wait3A_296 = arith.constant 1 : i32
      %dma_wait3A_297 = arith.constant 1 : i32
      %dma_wait3A_298 = arith.constant 0 : i32
      %dma_wait3A_299 = arith.constant 0 : i32
      %dma_wait3A_300 = tpu.memref_slice %arg5[%dma_wait3A_295, %dma_wait3A_298, %dma_wait3A_299] : memref<2x200x256xf32, #tpu.memory_space<vmem>> -> memref<1x200x256xf32, #tpu.memory_space<vmem>>
      %dma_wait3A_301 = tpu.memref_squeeze %dma_wait3A_300 : memref<1x200x256xf32, #tpu.memory_space<vmem>> -> memref<200x256xf32, #tpu.memory_space<vmem>>
      %dma_wait3A_302 = arith.constant 0 : i32
      %dma_wait3A_303 = arith.constant 0 : i32
      %dma_wait3A_304 = tpu.memref_slice %arg4[%dma_wait3A_296, %add3A_21, %dma_wait3A_302, %dma_wait3A_303] : memref<8x200x200x256xf32, #tpu.memory_space<hbm>> -> memref<1x1x200x256xf32, #tpu.memory_space<hbm>>
      %dma_wait3A_305 = tpu.memref_squeeze %dma_wait3A_304 : memref<1x1x200x256xf32, #tpu.memory_space<hbm>> -> memref<200x256xf32, #tpu.memory_space<hbm>>
      %dma_wait3A_306 = tpu.memref_slice %arg7[%dma_wait3A_297] : memref<2x!tpu.dma_semaphore, #tpu.memory_space<semaphore_mem>> -> memref<1x!tpu.dma_semaphore, #tpu.memory_space<semaphore_mem>>
      %dma_wait3A_307 = tpu.memref_squeeze %dma_wait3A_306 : memref<1x!tpu.dma_semaphore, #tpu.memory_space<semaphore_mem>> -> memref<!tpu.dma_semaphore, #tpu.memory_space<semaphore_mem>>
      %dma_wait3A_308 = arith.constant 0 : i32
      %dma_wait3A_309 = arith.constant 0 : i32
      %dma_wait3A_310 = tpu.memref_slice %arg4[%dma_wait3A_296, %add3A_21, %dma_wait3A_308, %dma_wait3A_309] : memref<8x200x200x256xf32, #tpu.memory_space<hbm>> -> memref<1x1x200x256xf32, #tpu.memory_space<hbm>>
      %dma_wait3A_311 = tpu.memref_squeeze %dma_wait3A_310 : memref<1x1x200x256xf32, #tpu.memory_space<hbm>> -> memref<200x256xf32, #tpu.memory_space<hbm>>
      %dma_wait3A_312 = arith.constant 0 : i32
      %dma_wait3A_313 = arith.constant 0 : i32
      %dma_wait3A_314 = tpu.memref_slice %arg5[%dma_wait3A_295, %dma_wait3A_312, %dma_wait3A_313] : memref<2x200x256xf32, #tpu.memory_space<vmem>> -> memref<1x200x256xf32, #tpu.memory_space<vmem>>
      %dma_wait3A_315 = tpu.memref_squeeze %dma_wait3A_314 : memref<1x200x256xf32, #tpu.memory_space<vmem>> -> memref<200x256xf32, #tpu.memory_space<vmem>>
      tpu.wait_dma2 semaphore(%dma_wait3A_307 : memref<!tpu.dma_semaphore, #tpu.memory_space<semaphore_mem>>) src(%dma_wait3A_315 : memref<200x256xf32, #tpu.memory_space<vmem>>) dst(%dma_wait3A_311 : memref<200x256xf32, #tpu.memory_space<hbm>>)
      %dma_wait3A_316 = arith.constant 1 : i32
      %dma_wait3A_317 = arith.constant 2 : i32
      %dma_wait3A_318 = arith.constant 1 : i32
      %dma_wait3A_319 = arith.constant 0 : i32
      %dma_wait3A_320 = arith.constant 0 : i32
      %dma_wait3A_321 = tpu.memref_slice %arg5[%dma_wait3A_316, %dma_wait3A_319, %dma_wait3A_320] : memref<2x200x256xf32, #tpu.memory_space<vmem>> -> memref<1x200x256xf32, #tpu.memory_space<vmem>>
      %dma_wait3A_322 = tpu.memref_squeeze %dma_wait3A_321 : memref<1x200x256xf32, #tpu.memory_space<vmem>> -> memref<200x256xf32, #tpu.memory_space<vmem>>
      %dma_wait3A_323 = arith.constant 0 : i32
      %dma_wait3A_324 = arith.constant 0 : i32
      %dma_wait3A_325 = tpu.memref_slice %arg4[%dma_wait3A_317, %add3A_21, %dma_wait3A_323, %dma_wait3A_324] : memref<8x200x200x256xf32, #tpu.memory_space<hbm>> -> memref<1x1x200x256xf32, #tpu.memory_space<hbm>>
      %dma_wait3A_326 = tpu.memref_squeeze %dma_wait3A_325 : memref<1x1x200x256xf32, #tpu.memory_space<hbm>> -> memref<200x256xf32, #tpu.memory_space<hbm>>
      %dma_wait3A_327 = tpu.memref_slice %arg7[%dma_wait3A_318] : memref<2x!tpu.dma_semaphore, #tpu.memory_space<semaphore_mem>> -> memref<1x!tpu.dma_semaphore, #tpu.memory_space<semaphore_mem>>
      %dma_wait3A_328 = tpu.memref_squeeze %dma_wait3A_327 : memref<1x!tpu.dma_semaphore, #tpu.memory_space<semaphore_mem>> -> memref<!tpu.dma_semaphore, #tpu.memory_space<semaphore_mem>>
      %dma_wait3A_329 = arith.constant 0 : i32
      %dma_wait3A_330 = arith.constant 0 : i32
      %dma_wait3A_331 = tpu.memref_slice %arg4[%dma_wait3A_317, %add3A_21, %dma_wait3A_329, %dma_wait3A_330] : memref<8x200x200x256xf32, #tpu.memory_space<hbm>> -> memref<1x1x200x256xf32, #tpu.memory_space<hbm>>
      %dma_wait3A_332 = tpu.memref_squeeze %dma_wait3A_331 : memref<1x1x200x256xf32, #tpu.memory_space<hbm>> -> memref<200x256xf32, #tpu.memory_space<hbm>>
      %dma_wait3A_333 = arith.constant 0 : i32
      %dma_wait3A_334 = arith.constant 0 : i32
      %dma_wait3A_335 = tpu.memref_slice %arg5[%dma_wait3A_316, %dma_wait3A_333, %dma_wait3A_334] : memref<2x200x256xf32, #tpu.memory_space<vmem>> -> memref<1x200x256xf32, #tpu.memory_space<vmem>>
      %dma_wait3A_336 = tpu.memref_squeeze %dma_wait3A_335 : memref<1x200x256xf32, #tpu.memory_space<vmem>> -> memref<200x256xf32, #tpu.memory_space<vmem>>
      tpu.wait_dma2 semaphore(%dma_wait3A_328 : memref<!tpu.dma_semaphore, #tpu.memory_space<semaphore_mem>>) src(%dma_wait3A_336 : memref<200x256xf32, #tpu.memory_space<vmem>>) dst(%dma_wait3A_332 : memref<200x256xf32, #tpu.memory_space<hbm>>)
      %dma_wait3A_337 = arith.constant 1 : i32
      %dma_wait3A_338 = arith.constant 3 : i32
      %dma_wait3A_339 = arith.constant 1 : i32
      %dma_wait3A_340 = arith.constant 0 : i32
      %dma_wait3A_341 = arith.constant 0 : i32
      %dma_wait3A_342 = tpu.memref_slice %arg5[%dma_wait3A_337, %dma_wait3A_340, %dma_wait3A_341] : memref<2x200x256xf32, #tpu.memory_space<vmem>> -> memref<1x200x256xf32, #tpu.memory_space<vmem>>
      %dma_wait3A_343 = tpu.memref_squeeze %dma_wait3A_342 : memref<1x200x256xf32, #tpu.memory_space<vmem>> -> memref<200x256xf32, #tpu.memory_space<vmem>>
      %dma_wait3A_344 = arith.constant 0 : i32
      %dma_wait3A_345 = arith.constant 0 : i32
      %dma_wait3A_346 = tpu.memref_slice %arg4[%dma_wait3A_338, %add3A_21, %dma_wait3A_344, %dma_wait3A_345] : memref<8x200x200x256xf32, #tpu.memory_space<hbm>> -> memref<1x1x200x256xf32, #tpu.memory_space<hbm>>
      %dma_wait3A_347 = tpu.memref_squeeze %dma_wait3A_346 : memref<1x1x200x256xf32, #tpu.memory_space<hbm>> -> memref<200x256xf32, #tpu.memory_space<hbm>>
      %dma_wait3A_348 = tpu.memref_slice %arg7[%dma_wait3A_339] : memref<2x!tpu.dma_semaphore, #tpu.memory_space<semaphore_mem>> -> memref<1x!tpu.dma_semaphore, #tpu.memory_space<semaphore_mem>>
      %dma_wait3A_349 = tpu.memref_squeeze %dma_wait3A_348 : memref<1x!tpu.dma_semaphore, #tpu.memory_space<semaphore_mem>> -> memref<!tpu.dma_semaphore, #tpu.memory_space<semaphore_mem>>
      %dma_wait3A_350 = arith.constant 0 : i32
      %dma_wait3A_351 = arith.constant 0 : i32
      %dma_wait3A_352 = tpu.memref_slice %arg4[%dma_wait3A_338, %add3A_21, %dma_wait3A_350, %dma_wait3A_351] : memref<8x200x200x256xf32, #tpu.memory_space<hbm>> -> memref<1x1x200x256xf32, #tpu.memory_space<hbm>>
      %dma_wait3A_353 = tpu.memref_squeeze %dma_wait3A_352 : memref<1x1x200x256xf32, #tpu.memory_space<hbm>> -> memref<200x256xf32, #tpu.memory_space<hbm>>
      %dma_wait3A_354 = arith.constant 0 : i32
      %dma_wait3A_355 = arith.constant 0 : i32
      %dma_wait3A_356 = tpu.memref_slice %arg5[%dma_wait3A_337, %dma_wait3A_354, %dma_wait3A_355] : memref<2x200x256xf32, #tpu.memory_space<vmem>> -> memref<1x200x256xf32, #tpu.memory_space<vmem>>
      %dma_wait3A_357 = tpu.memref_squeeze %dma_wait3A_356 : memref<1x200x256xf32, #tpu.memory_space<vmem>> -> memref<200x256xf32, #tpu.memory_space<vmem>>
      tpu.wait_dma2 semaphore(%dma_wait3A_349 : memref<!tpu.dma_semaphore, #tpu.memory_space<semaphore_mem>>) src(%dma_wait3A_357 : memref<200x256xf32, #tpu.memory_space<vmem>>) dst(%dma_wait3A_353 : memref<200x256xf32, #tpu.memory_space<hbm>>)
      %dma_wait3A_358 = arith.constant 1 : i32
      %dma_wait3A_359 = arith.constant 4 : i32
      %dma_wait3A_360 = arith.constant 1 : i32
      %dma_wait3A_361 = arith.constant 0 : i32
      %dma_wait3A_362 = arith.constant 0 : i32
      %dma_wait3A_363 = tpu.memref_slice %arg5[%dma_wait3A_358, %dma_wait3A_361, %dma_wait3A_362] : memref<2x200x256xf32, #tpu.memory_space<vmem>> -> memref<1x200x256xf32, #tpu.memory_space<vmem>>
      %dma_wait3A_364 = tpu.memref_squeeze %dma_wait3A_363 : memref<1x200x256xf32, #tpu.memory_space<vmem>> -> memref<200x256xf32, #tpu.memory_space<vmem>>
      %dma_wait3A_365 = arith.constant 0 : i32
      %dma_wait3A_366 = arith.constant 0 : i32
      %dma_wait3A_367 = tpu.memref_slice %arg4[%dma_wait3A_359, %add3A_21, %dma_wait3A_365, %dma_wait3A_366] : memref<8x200x200x256xf32, #tpu.memory_space<hbm>> -> memref<1x1x200x256xf32, #tpu.memory_space<hbm>>
      %dma_wait3A_368 = tpu.memref_squeeze %dma_wait3A_367 : memref<1x1x200x256xf32, #tpu.memory_space<hbm>> -> memref<200x256xf32, #tpu.memory_space<hbm>>
      %dma_wait3A_369 = tpu.memref_slice %arg7[%dma_wait3A_360] : memref<2x!tpu.dma_semaphore, #tpu.memory_space<semaphore_mem>> -> memref<1x!tpu.dma_semaphore, #tpu.memory_space<semaphore_mem>>
      %dma_wait3A_370 = tpu.memref_squeeze %dma_wait3A_369 : memref<1x!tpu.dma_semaphore, #tpu.memory_space<semaphore_mem>> -> memref<!tpu.dma_semaphore, #tpu.memory_space<semaphore_mem>>
      %dma_wait3A_371 = arith.constant 0 : i32
      %dma_wait3A_372 = arith.constant 0 : i32
      %dma_wait3A_373 = tpu.memref_slice %arg4[%dma_wait3A_359, %add3A_21, %dma_wait3A_371, %dma_wait3A_372] : memref<8x200x200x256xf32, #tpu.memory_space<hbm>> -> memref<1x1x200x256xf32, #tpu.memory_space<hbm>>
      %dma_wait3A_374 = tpu.memref_squeeze %dma_wait3A_373 : memref<1x1x200x256xf32, #tpu.memory_space<hbm>> -> memref<200x256xf32, #tpu.memory_space<hbm>>
      %dma_wait3A_375 = arith.constant 0 : i32
      %dma_wait3A_376 = arith.constant 0 : i32
      %dma_wait3A_377 = tpu.memref_slice %arg5[%dma_wait3A_358, %dma_wait3A_375, %dma_wait3A_376] : memref<2x200x256xf32, #tpu.memory_space<vmem>> -> memref<1x200x256xf32, #tpu.memory_space<vmem>>
      %dma_wait3A_378 = tpu.memref_squeeze %dma_wait3A_377 : memref<1x200x256xf32, #tpu.memory_space<vmem>> -> memref<200x256xf32, #tpu.memory_space<vmem>>
      tpu.wait_dma2 semaphore(%dma_wait3A_370 : memref<!tpu.dma_semaphore, #tpu.memory_space<semaphore_mem>>) src(%dma_wait3A_378 : memref<200x256xf32, #tpu.memory_space<vmem>>) dst(%dma_wait3A_374 : memref<200x256xf32, #tpu.memory_space<hbm>>)
      %dma_wait3A_379 = arith.constant 1 : i32
      %dma_wait3A_380 = arith.constant 5 : i32
      %dma_wait3A_381 = arith.constant 1 : i32
      %dma_wait3A_382 = arith.constant 0 : i32
      %dma_wait3A_383 = arith.constant 0 : i32
      %dma_wait3A_384 = tpu.memref_slice %arg5[%dma_wait3A_379, %dma_wait3A_382, %dma_wait3A_383] : memref<2x200x256xf32, #tpu.memory_space<vmem>> -> memref<1x200x256xf32, #tpu.memory_space<vmem>>
      %dma_wait3A_385 = tpu.memref_squeeze %dma_wait3A_384 : memref<1x200x256xf32, #tpu.memory_space<vmem>> -> memref<200x256xf32, #tpu.memory_space<vmem>>
      %dma_wait3A_386 = arith.constant 0 : i32
      %dma_wait3A_387 = arith.constant 0 : i32
      %dma_wait3A_388 = tpu.memref_slice %arg4[%dma_wait3A_380, %add3A_21, %dma_wait3A_386, %dma_wait3A_387] : memref<8x200x200x256xf32, #tpu.memory_space<hbm>> -> memref<1x1x200x256xf32, #tpu.memory_space<hbm>>
      %dma_wait3A_389 = tpu.memref_squeeze %dma_wait3A_388 : memref<1x1x200x256xf32, #tpu.memory_space<hbm>> -> memref<200x256xf32, #tpu.memory_space<hbm>>
      %dma_wait3A_390 = tpu.memref_slice %arg7[%dma_wait3A_381] : memref<2x!tpu.dma_semaphore, #tpu.memory_space<semaphore_mem>> -> memref<1x!tpu.dma_semaphore, #tpu.memory_space<semaphore_mem>>
      %dma_wait3A_391 = tpu.memref_squeeze %dma_wait3A_390 : memref<1x!tpu.dma_semaphore, #tpu.memory_space<semaphore_mem>> -> memref<!tpu.dma_semaphore, #tpu.memory_space<semaphore_mem>>
      %dma_wait3A_392 = arith.constant 0 : i32
      %dma_wait3A_393 = arith.constant 0 : i32
      %dma_wait3A_394 = tpu.memref_slice %arg4[%dma_wait3A_380, %add3A_21, %dma_wait3A_392, %dma_wait3A_393] : memref<8x200x200x256xf32, #tpu.memory_space<hbm>> -> memref<1x1x200x256xf32, #tpu.memory_space<hbm>>
      %dma_wait3A_395 = tpu.memref_squeeze %dma_wait3A_394 : memref<1x1x200x256xf32, #tpu.memory_space<hbm>> -> memref<200x256xf32, #tpu.memory_space<hbm>>
      %dma_wait3A_396 = arith.constant 0 : i32
      %dma_wait3A_397 = arith.constant 0 : i32
      %dma_wait3A_398 = tpu.memref_slice %arg5[%dma_wait3A_379, %dma_wait3A_396, %dma_wait3A_397] : memref<2x200x256xf32, #tpu.memory_space<vmem>> -> memref<1x200x256xf32, #tpu.memory_space<vmem>>
      %dma_wait3A_399 = tpu.memref_squeeze %dma_wait3A_398 : memref<1x200x256xf32, #tpu.memory_space<vmem>> -> memref<200x256xf32, #tpu.memory_space<vmem>>
      tpu.wait_dma2 semaphore(%dma_wait3A_391 : memref<!tpu.dma_semaphore, #tpu.memory_space<semaphore_mem>>) src(%dma_wait3A_399 : memref<200x256xf32, #tpu.memory_space<vmem>>) dst(%dma_wait3A_395 : memref<200x256xf32, #tpu.memory_space<hbm>>)
      %dma_wait3A_400 = arith.constant 1 : i32
      %dma_wait3A_401 = arith.constant 6 : i32
      %dma_wait3A_402 = arith.constant 1 : i32
      %dma_wait3A_403 = arith.constant 0 : i32
      %dma_wait3A_404 = arith.constant 0 : i32
      %dma_wait3A_405 = tpu.memref_slice %arg5[%dma_wait3A_400, %dma_wait3A_403, %dma_wait3A_404] : memref<2x200x256xf32, #tpu.memory_space<vmem>> -> memref<1x200x256xf32, #tpu.memory_space<vmem>>
      %dma_wait3A_406 = tpu.memref_squeeze %dma_wait3A_405 : memref<1x200x256xf32, #tpu.memory_space<vmem>> -> memref<200x256xf32, #tpu.memory_space<vmem>>
      %dma_wait3A_407 = arith.constant 0 : i32
      %dma_wait3A_408 = arith.constant 0 : i32
      %dma_wait3A_409 = tpu.memref_slice %arg4[%dma_wait3A_401, %add3A_21, %dma_wait3A_407, %dma_wait3A_408] : memref<8x200x200x256xf32, #tpu.memory_space<hbm>> -> memref<1x1x200x256xf32, #tpu.memory_space<hbm>>
      %dma_wait3A_410 = tpu.memref_squeeze %dma_wait3A_409 : memref<1x1x200x256xf32, #tpu.memory_space<hbm>> -> memref<200x256xf32, #tpu.memory_space<hbm>>
      %dma_wait3A_411 = tpu.memref_slice %arg7[%dma_wait3A_402] : memref<2x!tpu.dma_semaphore, #tpu.memory_space<semaphore_mem>> -> memref<1x!tpu.dma_semaphore, #tpu.memory_space<semaphore_mem>>
      %dma_wait3A_412 = tpu.memref_squeeze %dma_wait3A_411 : memref<1x!tpu.dma_semaphore, #tpu.memory_space<semaphore_mem>> -> memref<!tpu.dma_semaphore, #tpu.memory_space<semaphore_mem>>
      %dma_wait3A_413 = arith.constant 0 : i32
      %dma_wait3A_414 = arith.constant 0 : i32
      %dma_wait3A_415 = tpu.memref_slice %arg4[%dma_wait3A_401, %add3A_21, %dma_wait3A_413, %dma_wait3A_414] : memref<8x200x200x256xf32, #tpu.memory_space<hbm>> -> memref<1x1x200x256xf32, #tpu.memory_space<hbm>>
      %dma_wait3A_416 = tpu.memref_squeeze %dma_wait3A_415 : memref<1x1x200x256xf32, #tpu.memory_space<hbm>> -> memref<200x256xf32, #tpu.memory_space<hbm>>
      %dma_wait3A_417 = arith.constant 0 : i32
      %dma_wait3A_418 = arith.constant 0 : i32
      %dma_wait3A_419 = tpu.memref_slice %arg5[%dma_wait3A_400, %dma_wait3A_417, %dma_wait3A_418] : memref<2x200x256xf32, #tpu.memory_space<vmem>> -> memref<1x200x256xf32, #tpu.memory_space<vmem>>
      %dma_wait3A_420 = tpu.memref_squeeze %dma_wait3A_419 : memref<1x200x256xf32, #tpu.memory_space<vmem>> -> memref<200x256xf32, #tpu.memory_space<vmem>>
      tpu.wait_dma2 semaphore(%dma_wait3A_412 : memref<!tpu.dma_semaphore, #tpu.memory_space<semaphore_mem>>) src(%dma_wait3A_420 : memref<200x256xf32, #tpu.memory_space<vmem>>) dst(%dma_wait3A_416 : memref<200x256xf32, #tpu.memory_space<hbm>>)
      %dma_wait3A_421 = arith.constant 1 : i32
      %dma_wait3A_422 = arith.constant 7 : i32
      %dma_wait3A_423 = arith.constant 1 : i32
      %dma_wait3A_424 = arith.constant 0 : i32
      %dma_wait3A_425 = arith.constant 0 : i32
      %dma_wait3A_426 = tpu.memref_slice %arg5[%dma_wait3A_421, %dma_wait3A_424, %dma_wait3A_425] : memref<2x200x256xf32, #tpu.memory_space<vmem>> -> memref<1x200x256xf32, #tpu.memory_space<vmem>>
      %dma_wait3A_427 = tpu.memref_squeeze %dma_wait3A_426 : memref<1x200x256xf32, #tpu.memory_space<vmem>> -> memref<200x256xf32, #tpu.memory_space<vmem>>
      %dma_wait3A_428 = arith.constant 0 : i32
      %dma_wait3A_429 = arith.constant 0 : i32
      %dma_wait3A_430 = tpu.memref_slice %arg4[%dma_wait3A_422, %add3A_21, %dma_wait3A_428, %dma_wait3A_429] : memref<8x200x200x256xf32, #tpu.memory_space<hbm>> -> memref<1x1x200x256xf32, #tpu.memory_space<hbm>>
      %dma_wait3A_431 = tpu.memref_squeeze %dma_wait3A_430 : memref<1x1x200x256xf32, #tpu.memory_space<hbm>> -> memref<200x256xf32, #tpu.memory_space<hbm>>
      %dma_wait3A_432 = tpu.memref_slice %arg7[%dma_wait3A_423] : memref<2x!tpu.dma_semaphore, #tpu.memory_space<semaphore_mem>> -> memref<1x!tpu.dma_semaphore, #tpu.memory_space<semaphore_mem>>
      %dma_wait3A_433 = tpu.memref_squeeze %dma_wait3A_432 : memref<1x!tpu.dma_semaphore, #tpu.memory_space<semaphore_mem>> -> memref<!tpu.dma_semaphore, #tpu.memory_space<semaphore_mem>>
      %dma_wait3A_434 = arith.constant 0 : i32
      %dma_wait3A_435 = arith.constant 0 : i32
      %dma_wait3A_436 = tpu.memref_slice %arg4[%dma_wait3A_422, %add3A_21, %dma_wait3A_434, %dma_wait3A_435] : memref<8x200x200x256xf32, #tpu.memory_space<hbm>> -> memref<1x1x200x256xf32, #tpu.memory_space<hbm>>
      %dma_wait3A_437 = tpu.memref_squeeze %dma_wait3A_436 : memref<1x1x200x256xf32, #tpu.memory_space<hbm>> -> memref<200x256xf32, #tpu.memory_space<hbm>>
      %dma_wait3A_438 = arith.constant 0 : i32
      %dma_wait3A_439 = arith.constant 0 : i32
      %dma_wait3A_440 = tpu.memref_slice %arg5[%dma_wait3A_421, %dma_wait3A_438, %dma_wait3A_439] : memref<2x200x256xf32, #tpu.memory_space<vmem>> -> memref<1x200x256xf32, #tpu.memory_space<vmem>>
      %dma_wait3A_441 = tpu.memref_squeeze %dma_wait3A_440 : memref<1x200x256xf32, #tpu.memory_space<vmem>> -> memref<200x256xf32, #tpu.memory_space<vmem>>
      tpu.wait_dma2 semaphore(%dma_wait3A_433 : memref<!tpu.dma_semaphore, #tpu.memory_space<semaphore_mem>>) src(%dma_wait3A_441 : memref<200x256xf32, #tpu.memory_space<vmem>>) dst(%dma_wait3A_437 : memref<200x256xf32, #tpu.memory_space<hbm>>)
    } else {
    }
    %add3A_27 = arith.constant 128 : i32
    %add3A_28 = arith.addi %add3A, %add3A_27 : i32
    %lt3A_29 = arith.constant 200 : i32
    %lt3A_30 = arith.cmpi slt, %add3A_28, %lt3A_29 : i32
    %convert_element_type3A_31 = arith.extui %lt3A_30 : i1 to i32
    %cond3A_32 = arith.constant 0 : i32
    %cond3A_33 = arith.cmpi ne, %convert_element_type3A_31, %cond3A_32 : i32
    scf.if %cond3A_33 {
      "tpu.region"() ({
        %run_scoped3A_442 = tpu.sem_alloc : memref<!tpu.dma_semaphore, #tpu.memory_space<semaphore_mem>>
        %dma_start3A_443 = arith.constant 0 : i32
        %dma_start3A_444 = tpu.memref_slice %arg2[%add3A_28, %dma_start3A_443] : memref<200x128xf32, #tpu.memory_space<hbm>> -> memref<1x128xf32, #tpu.memory_space<hbm>>
        %dma_start3A_445 = arith.constant 0 : i32
        %dma_start3A_446 = tpu.memref_slice %arg2[%add3A_28, %dma_start3A_445] : memref<200x128xf32, #tpu.memory_space<hbm>> -> memref<1x128xf32, #tpu.memory_space<hbm>>
        tpu.enqueue_dma source(%dma_start3A_446 : memref<1x128xf32, #tpu.memory_space<hbm>>) target(%arg6 : memref<1x128xf32, #tpu.memory_space<vmem>>) target_semaphore(%run_scoped3A_442 : memref<!tpu.dma_semaphore, #tpu.memory_space<semaphore_mem>>)
        %dma_wait3A_447 = arith.constant 0 : i32
        %dma_wait3A_448 = tpu.memref_slice %arg2[%add3A_28, %dma_wait3A_447] : memref<200x128xf32, #tpu.memory_space<hbm>> -> memref<1x128xf32, #tpu.memory_space<hbm>>
        %dma_wait3A_449 = arith.constant 0 : i32
        %dma_wait3A_450 = tpu.memref_slice %arg2[%add3A_28, %dma_wait3A_449] : memref<200x128xf32, #tpu.memory_space<hbm>> -> memref<1x128xf32, #tpu.memory_space<hbm>>
        tpu.wait_dma2 semaphore(%run_scoped3A_442 : memref<!tpu.dma_semaphore, #tpu.memory_space<semaphore_mem>>) src(%dma_wait3A_450 : memref<1x128xf32, #tpu.memory_space<hbm>>) dst(%arg6 : memref<1x128xf32, #tpu.memory_space<vmem>>)
        tpu.yield
      }) : () -> ()
      %get3A = arith.constant 0 : i32
      %get3A_48 = arith.constant 0 : i32
      %get3A_49 = tpu.memref_slice %arg6[%get3A, %get3A_48] : memref<1x128xf32, #tpu.memory_space<vmem>> -> memref<1x128xf32, #tpu.memory_space<vmem>>
      %get3A_50 = tpu.memref_squeeze %get3A_49 : memref<1x128xf32, #tpu.memory_space<vmem>> -> memref<128xf32, #tpu.memory_space<vmem>>
      %get3A_51 = arith.constant 0 : index
      %get3A_52 = tpu.vector_load %get3A_50[%get3A_51] {strides = array<i32>} : memref<128xf32, #tpu.memory_space<vmem>>, vector<16xf32>,
      %get3A_53 = vector.shape_cast %get3A_52 : vector<16xf32> to vector<16xf32>
      %get3A_54 = arith.constant 0 : i32
      %get3A_55 = arith.constant 0 : i32
      %get3A_56 = tpu.memref_slice %arg6[%get3A_54, %get3A_55] : memref<1x128xf32, #tpu.memory_space<vmem>> -> memref<1x128xf32, #tpu.memory_space<vmem>>
      %get3A_57 = tpu.memref_squeeze %get3A_56 : memref<1x128xf32, #tpu.memory_space<vmem>> -> memref<128xf32, #tpu.memory_space<vmem>>
      %get3A_58 = arith.constant 16 : index
      %get3A_59 = tpu.vector_load %get3A_57[%get3A_58] {strides = array<i32>} : memref<128xf32, #tpu.memory_space<vmem>>, vector<16xf32>,
      %get3A_60 = vector.shape_cast %get3A_59 : vector<16xf32> to vector<16xf32>
      %get3A_61 = arith.constant 0 : i32
      %get3A_62 = arith.constant 0 : i32
      %get3A_63 = tpu.memref_slice %arg6[%get3A_61, %get3A_62] : memref<1x128xf32, #tpu.memory_space<vmem>> -> memref<1x128xf32, #tpu.memory_space<vmem>>
      %get3A_64 = tpu.memref_squeeze %get3A_63 : memref<1x128xf32, #tpu.memory_space<vmem>> -> memref<128xf32, #tpu.memory_space<vmem>>
      %get3A_65 = arith.constant 32 : index
      %get3A_66 = tpu.vector_load %get3A_64[%get3A_65] {strides = array<i32>} : memref<128xf32, #tpu.memory_space<vmem>>, vector<16xf32>,
      %get3A_67 = vector.shape_cast %get3A_66 : vector<16xf32> to vector<16xf32>
      %get3A_68 = arith.constant 0 : i32
      %get3A_69 = arith.constant 0 : i32
      %get3A_70 = tpu.memref_slice %arg6[%get3A_68, %get3A_69] : memref<1x128xf32, #tpu.memory_space<vmem>> -> memref<1x128xf32, #tpu.memory_space<vmem>>
      %get3A_71 = tpu.memref_squeeze %get3A_70 : memref<1x128xf32, #tpu.memory_space<vmem>> -> memref<128xf32, #tpu.memory_space<vmem>>
      %get3A_72 = arith.constant 48 : index
      %get3A_73 = tpu.vector_load %get3A_71[%get3A_72] {strides = array<i32>} : memref<128xf32, #tpu.memory_space<vmem>>, vector<16xf32>,
      %get3A_74 = vector.shape_cast %get3A_73 : vector<16xf32> to vector<16xf32>
      %get3A_75 = arith.constant 0 : i32
      %get3A_76 = arith.constant 0 : i32
      %get3A_77 = tpu.memref_slice %arg6[%get3A_75, %get3A_76] : memref<1x128xf32, #tpu.memory_space<vmem>> -> memref<1x128xf32, #tpu.memory_space<vmem>>
      %get3A_78 = tpu.memref_squeeze %get3A_77 : memref<1x128xf32, #tpu.memory_space<vmem>> -> memref<128xf32, #tpu.memory_space<vmem>>
      %get3A_79 = arith.constant 64 : index
      %get3A_80 = tpu.vector_load %get3A_78[%get3A_79] {strides = array<i32>} : memref<128xf32, #tpu.memory_space<vmem>>, vector<16xf32>,
      %get3A_81 = vector.shape_cast %get3A_80 : vector<16xf32> to vector<16xf32>
      %get3A_82 = arith.constant 0 : i32
      %get3A_83 = arith.constant 0 : i32
      %get3A_84 = tpu.memref_slice %arg6[%get3A_82, %get3A_83] : memref<1x128xf32, #tpu.memory_space<vmem>> -> memref<1x128xf32, #tpu.memory_space<vmem>>
      %get3A_85 = tpu.memref_squeeze %get3A_84 : memref<1x128xf32, #tpu.memory_space<vmem>> -> memref<128xf32, #tpu.memory_space<vmem>>
      %get3A_86 = arith.constant 80 : index
      %get3A_87 = tpu.vector_load %get3A_85[%get3A_86] {strides = array<i32>} : memref<128xf32, #tpu.memory_space<vmem>>, vector<16xf32>,
      %get3A_88 = vector.shape_cast %get3A_87 : vector<16xf32> to vector<16xf32>
      %get3A_89 = arith.constant 0 : i32
      %get3A_90 = arith.constant 0 : i32
      %get3A_91 = tpu.memref_slice %arg6[%get3A_89, %get3A_90] : memref<1x128xf32, #tpu.memory_space<vmem>> -> memref<1x128xf32, #tpu.memory_space<vmem>>
      %get3A_92 = tpu.memref_squeeze %get3A_91 : memref<1x128xf32, #tpu.memory_space<vmem>> -> memref<128xf32, #tpu.memory_space<vmem>>
      %get3A_93 = arith.constant 96 : index
      %get3A_94 = tpu.vector_load %get3A_92[%get3A_93] {strides = array<i32>} : memref<128xf32, #tpu.memory_space<vmem>>, vector<16xf32>,
      %get3A_95 = vector.shape_cast %get3A_94 : vector<16xf32> to vector<16xf32>
      %get3A_96 = arith.constant 0 : i32
      %get3A_97 = arith.constant 0 : i32
      %get3A_98 = tpu.memref_slice %arg6[%get3A_96, %get3A_97] : memref<1x128xf32, #tpu.memory_space<vmem>> -> memref<1x128xf32, #tpu.memory_space<vmem>>
      %get3A_99 = tpu.memref_squeeze %get3A_98 : memref<1x128xf32, #tpu.memory_space<vmem>> -> memref<128xf32, #tpu.memory_space<vmem>>
      %get3A_100 = arith.constant 112 : index
      %get3A_101 = tpu.vector_load %get3A_99[%get3A_100] {strides = array<i32>} : memref<128xf32, #tpu.memory_space<vmem>>, vector<16xf32>,
      %get3A_102 = vector.shape_cast %get3A_101 : vector<16xf32> to vector<16xf32>
      %scan3A = arith.constant 0 : i32
      %scan3A_103 = arith.constant 0 : i32
      %scan3A_104 = arith.constant 200 : i32
      %scan3A_105 = arith.addi %scan3A_103, %scan3A_104 : i32
      %scan3A_106 = arith.constant 1 : i32
      scf.for %scan3A_442 = %scan3A_103 to %scan3A_105 step %scan3A_106  : i32 {
        %swap3A = arith.constant 0 : i32
        %swap3A_443 = arith.constant 0 : i32
        %swap3A_444 = tpu.memref_slice %arg5[%swap3A, %scan3A_442, %swap3A_443] : memref<2x200x256xf32, #tpu.memory_space<vmem>> -> memref<1x1x256xf32, #tpu.memory_space<vmem>>
        %swap3A_445 = tpu.memref_squeeze %swap3A_444 : memref<1x1x256xf32, #tpu.memory_space<vmem>> -> memref<256xf32, #tpu.memory_space<vmem>>
        %swap3A_446 = arith.constant 128 : index
        %swap3A_447 = tpu.vector_load %swap3A_445[%swap3A_446] {strides = array<i32>} : memref<256xf32, #tpu.memory_space<vmem>>, vector<16xf32>,
        %swap3A_448 = vector.shape_cast %swap3A_447 : vector<16xf32> to vector<16xf32>
        %swap3A_449 = vector.shape_cast %get3A_53 : vector<16xf32> to vector<16xf32>
        tpu.vector_store %swap3A_445[%swap3A_446], %swap3A_449 {strides = array<i32>} : memref<256xf32, #tpu.memory_space<vmem>>, vector<16xf32>,
        %swap3A_450 = arith.constant 0 : i32
        %swap3A_451 = arith.constant 0 : i32
        %swap3A_452 = tpu.memref_slice %arg5[%swap3A_450, %scan3A_442, %swap3A_451] : memref<2x200x256xf32, #tpu.memory_space<vmem>> -> memref<1x1x256xf32, #tpu.memory_space<vmem>>
        %swap3A_453 = tpu.memref_squeeze %swap3A_452 : memref<1x1x256xf32, #tpu.memory_space<vmem>> -> memref<256xf32, #tpu.memory_space<vmem>>
        %swap3A_454 = arith.constant 144 : index
        %swap3A_455 = tpu.vector_load %swap3A_453[%swap3A_454] {strides = array<i32>} : memref<256xf32, #tpu.memory_space<vmem>>, vector<16xf32>,
        %swap3A_456 = vector.shape_cast %swap3A_455 : vector<16xf32> to vector<16xf32>
        %swap3A_457 = vector.shape_cast %get3A_60 : vector<16xf32> to vector<16xf32>
        tpu.vector_store %swap3A_453[%swap3A_454], %swap3A_457 {strides = array<i32>} : memref<256xf32, #tpu.memory_space<vmem>>, vector<16xf32>,
        %swap3A_458 = arith.constant 0 : i32
        %swap3A_459 = arith.constant 0 : i32
        %swap3A_460 = tpu.memref_slice %arg5[%swap3A_458, %scan3A_442, %swap3A_459] : memref<2x200x256xf32, #tpu.memory_space<vmem>> -> memref<1x1x256xf32, #tpu.memory_space<vmem>>
        %swap3A_461 = tpu.memref_squeeze %swap3A_460 : memref<1x1x256xf32, #tpu.memory_space<vmem>> -> memref<256xf32, #tpu.memory_space<vmem>>
        %swap3A_462 = arith.constant 160 : index
        %swap3A_463 = tpu.vector_load %swap3A_461[%swap3A_462] {strides = array<i32>} : memref<256xf32, #tpu.memory_space<vmem>>, vector<16xf32>,
        %swap3A_464 = vector.shape_cast %swap3A_463 : vector<16xf32> to vector<16xf32>
        %swap3A_465 = vector.shape_cast %get3A_67 : vector<16xf32> to vector<16xf32>
        tpu.vector_store %swap3A_461[%swap3A_462], %swap3A_465 {strides = array<i32>} : memref<256xf32, #tpu.memory_space<vmem>>, vector<16xf32>,
        %swap3A_466 = arith.constant 0 : i32
        %swap3A_467 = arith.constant 0 : i32
        %swap3A_468 = tpu.memref_slice %arg5[%swap3A_466, %scan3A_442, %swap3A_467] : memref<2x200x256xf32, #tpu.memory_space<vmem>> -> memref<1x1x256xf32, #tpu.memory_space<vmem>>
        %swap3A_469 = tpu.memref_squeeze %swap3A_468 : memref<1x1x256xf32, #tpu.memory_space<vmem>> -> memref<256xf32, #tpu.memory_space<vmem>>
        %swap3A_470 = arith.constant 176 : index
        %swap3A_471 = tpu.vector_load %swap3A_469[%swap3A_470] {strides = array<i32>} : memref<256xf32, #tpu.memory_space<vmem>>, vector<16xf32>,
        %swap3A_472 = vector.shape_cast %swap3A_471 : vector<16xf32> to vector<16xf32>
        %swap3A_473 = vector.shape_cast %get3A_74 : vector<16xf32> to vector<16xf32>
        tpu.vector_store %swap3A_469[%swap3A_470], %swap3A_473 {strides = array<i32>} : memref<256xf32, #tpu.memory_space<vmem>>, vector<16xf32>,
        %swap3A_474 = arith.constant 0 : i32
        %swap3A_475 = arith.constant 0 : i32
        %swap3A_476 = tpu.memref_slice %arg5[%swap3A_474, %scan3A_442, %swap3A_475] : memref<2x200x256xf32, #tpu.memory_space<vmem>> -> memref<1x1x256xf32, #tpu.memory_space<vmem>>
        %swap3A_477 = tpu.memref_squeeze %swap3A_476 : memref<1x1x256xf32, #tpu.memory_space<vmem>> -> memref<256xf32, #tpu.memory_space<vmem>>
        %swap3A_478 = arith.constant 192 : index
        %swap3A_479 = tpu.vector_load %swap3A_477[%swap3A_478] {strides = array<i32>} : memref<256xf32, #tpu.memory_space<vmem>>, vector<16xf32>,
        %swap3A_480 = vector.shape_cast %swap3A_479 : vector<16xf32> to vector<16xf32>
        %swap3A_481 = vector.shape_cast %get3A_81 : vector<16xf32> to vector<16xf32>
        tpu.vector_store %swap3A_477[%swap3A_478], %swap3A_481 {strides = array<i32>} : memref<256xf32, #tpu.memory_space<vmem>>, vector<16xf32>,
        %swap3A_482 = arith.constant 0 : i32
        %swap3A_483 = arith.constant 0 : i32
        %swap3A_484 = tpu.memref_slice %arg5[%swap3A_482, %scan3A_442, %swap3A_483] : memref<2x200x256xf32, #tpu.memory_space<vmem>> -> memref<1x1x256xf32, #tpu.memory_space<vmem>>
        %swap3A_485 = tpu.memref_squeeze %swap3A_484 : memref<1x1x256xf32, #tpu.memory_space<vmem>> -> memref<256xf32, #tpu.memory_space<vmem>>
        %swap3A_486 = arith.constant 208 : index
        %swap3A_487 = tpu.vector_load %swap3A_485[%swap3A_486] {strides = array<i32>} : memref<256xf32, #tpu.memory_space<vmem>>, vector<16xf32>,
        %swap3A_488 = vector.shape_cast %swap3A_487 : vector<16xf32> to vector<16xf32>
        %swap3A_489 = vector.shape_cast %get3A_88 : vector<16xf32> to vector<16xf32>
        tpu.vector_store %swap3A_485[%swap3A_486], %swap3A_489 {strides = array<i32>} : memref<256xf32, #tpu.memory_space<vmem>>, vector<16xf32>,
        %swap3A_490 = arith.constant 0 : i32
        %swap3A_491 = arith.constant 0 : i32
        %swap3A_492 = tpu.memref_slice %arg5[%swap3A_490, %scan3A_442, %swap3A_491] : memref<2x200x256xf32, #tpu.memory_space<vmem>> -> memref<1x1x256xf32, #tpu.memory_space<vmem>>
        %swap3A_493 = tpu.memref_squeeze %swap3A_492 : memref<1x1x256xf32, #tpu.memory_space<vmem>> -> memref<256xf32, #tpu.memory_space<vmem>>
        %swap3A_494 = arith.constant 224 : index
        %swap3A_495 = tpu.vector_load %swap3A_493[%swap3A_494] {strides = array<i32>} : memref<256xf32, #tpu.memory_space<vmem>>, vector<16xf32>,
        %swap3A_496 = vector.shape_cast %swap3A_495 : vector<16xf32> to vector<16xf32>
        %swap3A_497 = vector.shape_cast %get3A_95 : vector<16xf32> to vector<16xf32>
        tpu.vector_store %swap3A_493[%swap3A_494], %swap3A_497 {strides = array<i32>} : memref<256xf32, #tpu.memory_space<vmem>>, vector<16xf32>,
        %swap3A_498 = arith.constant 0 : i32
        %swap3A_499 = arith.constant 0 : i32
        %swap3A_500 = tpu.memref_slice %arg5[%swap3A_498, %scan3A_442, %swap3A_499] : memref<2x200x256xf32, #tpu.memory_space<vmem>> -> memref<1x1x256xf32, #tpu.memory_space<vmem>>
        %swap3A_501 = tpu.memref_squeeze %swap3A_500 : memref<1x1x256xf32, #tpu.memory_space<vmem>> -> memref<256xf32, #tpu.memory_space<vmem>>
        %swap3A_502 = arith.constant 240 : index
        %swap3A_503 = tpu.vector_load %swap3A_501[%swap3A_502] {strides = array<i32>} : memref<256xf32, #tpu.memory_space<vmem>>, vector<16xf32>,
        %swap3A_504 = vector.shape_cast %swap3A_503 : vector<16xf32> to vector<16xf32>
        %swap3A_505 = vector.shape_cast %get3A_102 : vector<16xf32> to vector<16xf32>
        tpu.vector_store %swap3A_501[%swap3A_502], %swap3A_505 {strides = array<i32>} : memref<256xf32, #tpu.memory_space<vmem>>, vector<16xf32>,
      }
      %scan3A_107 = arith.constant 200 : i32
      %dma_start3A = arith.constant 0 : i32
      %dma_start3A_108 = arith.constant 0 : i32
      %dma_start3A_109 = arith.constant 0 : i32
      %dma_start3A_110 = arith.constant 0 : i32
      %dma_start3A_111 = arith.constant 0 : i32
      %dma_start3A_112 = tpu.memref_slice %arg5[%dma_start3A, %dma_start3A_110, %dma_start3A_111] : memref<2x200x256xf32, #tpu.memory_space<vmem>> -> memref<1x200x256xf32, #tpu.memory_space<vmem>>
      %dma_start3A_113 = tpu.memref_squeeze %dma_start3A_112 : memref<1x200x256xf32, #tpu.memory_space<vmem>> -> memref<200x256xf32, #tpu.memory_space<vmem>>
      %dma_start3A_114 = arith.constant 0 : i32
      %dma_start3A_115 = arith.constant 0 : i32
      %dma_start3A_116 = tpu.memref_slice %arg4[%dma_start3A_108, %add3A_28, %dma_start3A_114, %dma_start3A_115] : memref<8x200x200x256xf32, #tpu.memory_space<hbm>> -> memref<1x1x200x256xf32, #tpu.memory_space<hbm>>
      %dma_start3A_117 = tpu.memref_squeeze %dma_start3A_116 : memref<1x1x200x256xf32, #tpu.memory_space<hbm>> -> memref<200x256xf32, #tpu.memory_space<hbm>>
      %dma_start3A_118 = tpu.memref_slice %arg7[%dma_start3A_109] : memref<2x!tpu.dma_semaphore, #tpu.memory_space<semaphore_mem>> -> memref<1x!tpu.dma_semaphore, #tpu.memory_space<semaphore_mem>>
      %dma_start3A_119 = tpu.memref_squeeze %dma_start3A_118 : memref<1x!tpu.dma_semaphore, #tpu.memory_space<semaphore_mem>> -> memref<!tpu.dma_semaphore, #tpu.memory_space<semaphore_mem>>
      %dma_start3A_120 = arith.constant 0 : i32
      %dma_start3A_121 = arith.constant 0 : i32
      %dma_start3A_122 = tpu.memref_slice %arg4[%dma_start3A_108, %add3A_28, %dma_start3A_120, %dma_start3A_121] : memref<8x200x200x256xf32, #tpu.memory_space<hbm>> -> memref<1x1x200x256xf32, #tpu.memory_space<hbm>>
      %dma_start3A_123 = tpu.memref_squeeze %dma_start3A_122 : memref<1x1x200x256xf32, #tpu.memory_space<hbm>> -> memref<200x256xf32, #tpu.memory_space<hbm>>
      %dma_start3A_124 = arith.constant 0 : i32
      %dma_start3A_125 = arith.constant 0 : i32
      %dma_start3A_126 = tpu.memref_slice %arg5[%dma_start3A, %dma_start3A_124, %dma_start3A_125] : memref<2x200x256xf32, #tpu.memory_space<vmem>> -> memref<1x200x256xf32, #tpu.memory_space<vmem>>
      %dma_start3A_127 = tpu.memref_squeeze %dma_start3A_126 : memref<1x200x256xf32, #tpu.memory_space<vmem>> -> memref<200x256xf32, #tpu.memory_space<vmem>>
      tpu.enqueue_dma source(%dma_start3A_127 : memref<200x256xf32, #tpu.memory_space<vmem>>) target(%dma_start3A_123 : memref<200x256xf32, #tpu.memory_space<hbm>>) target_semaphore(%dma_start3A_119 : memref<!tpu.dma_semaphore, #tpu.memory_space<semaphore_mem>>)
      %dma_start3A_128 = arith.constant 0 : i32
      %dma_start3A_129 = arith.constant 1 : i32
      %dma_start3A_130 = arith.constant 0 : i32
      %dma_start3A_131 = arith.constant 0 : i32
      %dma_start3A_132 = arith.constant 0 : i32
      %dma_start3A_133 = tpu.memref_slice %arg5[%dma_start3A_128, %dma_start3A_131, %dma_start3A_132] : memref<2x200x256xf32, #tpu.memory_space<vmem>> -> memref<1x200x256xf32, #tpu.memory_space<vmem>>
      %dma_start3A_134 = tpu.memref_squeeze %dma_start3A_133 : memref<1x200x256xf32, #tpu.memory_space<vmem>> -> memref<200x256xf32, #tpu.memory_space<vmem>>
      %dma_start3A_135 = arith.constant 0 : i32
      %dma_start3A_136 = arith.constant 0 : i32
      %dma_start3A_137 = tpu.memref_slice %arg4[%dma_start3A_129, %add3A_28, %dma_start3A_135, %dma_start3A_136] : memref<8x200x200x256xf32, #tpu.memory_space<hbm>> -> memref<1x1x200x256xf32, #tpu.memory_space<hbm>>
      %dma_start3A_138 = tpu.memref_squeeze %dma_start3A_137 : memref<1x1x200x256xf32, #tpu.memory_space<hbm>> -> memref<200x256xf32, #tpu.memory_space<hbm>>
      %dma_start3A_139 = tpu.memref_slice %arg7[%dma_start3A_130] : memref<2x!tpu.dma_semaphore, #tpu.memory_space<semaphore_mem>> -> memref<1x!tpu.dma_semaphore, #tpu.memory_space<semaphore_mem>>
      %dma_start3A_140 = tpu.memref_squeeze %dma_start3A_139 : memref<1x!tpu.dma_semaphore, #tpu.memory_space<semaphore_mem>> -> memref<!tpu.dma_semaphore, #tpu.memory_space<semaphore_mem>>
      %dma_start3A_141 = arith.constant 0 : i32
      %dma_start3A_142 = arith.constant 0 : i32
      %dma_start3A_143 = tpu.memref_slice %arg4[%dma_start3A_129, %add3A_28, %dma_start3A_141, %dma_start3A_142] : memref<8x200x200x256xf32, #tpu.memory_space<hbm>> -> memref<1x1x200x256xf32, #tpu.memory_space<hbm>>
      %dma_start3A_144 = tpu.memref_squeeze %dma_start3A_143 : memref<1x1x200x256xf32, #tpu.memory_space<hbm>> -> memref<200x256xf32, #tpu.memory_space<hbm>>
      %dma_start3A_145 = arith.constant 0 : i32
      %dma_start3A_146 = arith.constant 0 : i32
      %dma_start3A_147 = tpu.memref_slice %arg5[%dma_start3A_128, %dma_start3A_145, %dma_start3A_146] : memref<2x200x256xf32, #tpu.memory_space<vmem>> -> memref<1x200x256xf32, #tpu.memory_space<vmem>>
      %dma_start3A_148 = tpu.memref_squeeze %dma_start3A_147 : memref<1x200x256xf32, #tpu.memory_space<vmem>> -> memref<200x256xf32, #tpu.memory_space<vmem>>
      tpu.enqueue_dma source(%dma_start3A_148 : memref<200x256xf32, #tpu.memory_space<vmem>>) target(%dma_start3A_144 : memref<200x256xf32, #tpu.memory_space<hbm>>) target_semaphore(%dma_start3A_140 : memref<!tpu.dma_semaphore, #tpu.memory_space<semaphore_mem>>)
      %dma_start3A_149 = arith.constant 0 : i32
      %dma_start3A_150 = arith.constant 2 : i32
      %dma_start3A_151 = arith.constant 0 : i32
      %dma_start3A_152 = arith.constant 0 : i32
      %dma_start3A_153 = arith.constant 0 : i32
      %dma_start3A_154 = tpu.memref_slice %arg5[%dma_start3A_149, %dma_start3A_152, %dma_start3A_153] : memref<2x200x256xf32, #tpu.memory_space<vmem>> -> memref<1x200x256xf32, #tpu.memory_space<vmem>>
      %dma_start3A_155 = tpu.memref_squeeze %dma_start3A_154 : memref<1x200x256xf32, #tpu.memory_space<vmem>> -> memref<200x256xf32, #tpu.memory_space<vmem>>
      %dma_start3A_156 = arith.constant 0 : i32
      %dma_start3A_157 = arith.constant 0 : i32
      %dma_start3A_158 = tpu.memref_slice %arg4[%dma_start3A_150, %add3A_28, %dma_start3A_156, %dma_start3A_157] : memref<8x200x200x256xf32, #tpu.memory_space<hbm>> -> memref<1x1x200x256xf32, #tpu.memory_space<hbm>>
      %dma_start3A_159 = tpu.memref_squeeze %dma_start3A_158 : memref<1x1x200x256xf32, #tpu.memory_space<hbm>> -> memref<200x256xf32, #tpu.memory_space<hbm>>
      %dma_start3A_160 = tpu.memref_slice %arg7[%dma_start3A_151] : memref<2x!tpu.dma_semaphore, #tpu.memory_space<semaphore_mem>> -> memref<1x!tpu.dma_semaphore, #tpu.memory_space<semaphore_mem>>
      %dma_start3A_161 = tpu.memref_squeeze %dma_start3A_160 : memref<1x!tpu.dma_semaphore, #tpu.memory_space<semaphore_mem>> -> memref<!tpu.dma_semaphore, #tpu.memory_space<semaphore_mem>>
      %dma_start3A_162 = arith.constant 0 : i32
      %dma_start3A_163 = arith.constant 0 : i32
      %dma_start3A_164 = tpu.memref_slice %arg4[%dma_start3A_150, %add3A_28, %dma_start3A_162, %dma_start3A_163] : memref<8x200x200x256xf32, #tpu.memory_space<hbm>> -> memref<1x1x200x256xf32, #tpu.memory_space<hbm>>
      %dma_start3A_165 = tpu.memref_squeeze %dma_start3A_164 : memref<1x1x200x256xf32, #tpu.memory_space<hbm>> -> memref<200x256xf32, #tpu.memory_space<hbm>>
      %dma_start3A_166 = arith.constant 0 : i32
      %dma_start3A_167 = arith.constant 0 : i32
      %dma_start3A_168 = tpu.memref_slice %arg5[%dma_start3A_149, %dma_start3A_166, %dma_start3A_167] : memref<2x200x256xf32, #tpu.memory_space<vmem>> -> memref<1x200x256xf32, #tpu.memory_space<vmem>>
      %dma_start3A_169 = tpu.memref_squeeze %dma_start3A_168 : memref<1x200x256xf32, #tpu.memory_space<vmem>> -> memref<200x256xf32, #tpu.memory_space<vmem>>
      tpu.enqueue_dma source(%dma_start3A_169 : memref<200x256xf32, #tpu.memory_space<vmem>>) target(%dma_start3A_165 : memref<200x256xf32, #tpu.memory_space<hbm>>) target_semaphore(%dma_start3A_161 : memref<!tpu.dma_semaphore, #tpu.memory_space<semaphore_mem>>)
      %dma_start3A_170 = arith.constant 0 : i32
      %dma_start3A_171 = arith.constant 3 : i32
      %dma_start3A_172 = arith.constant 0 : i32
      %dma_start3A_173 = arith.constant 0 : i32
      %dma_start3A_174 = arith.constant 0 : i32
      %dma_start3A_175 = tpu.memref_slice %arg5[%dma_start3A_170, %dma_start3A_173, %dma_start3A_174] : memref<2x200x256xf32, #tpu.memory_space<vmem>> -> memref<1x200x256xf32, #tpu.memory_space<vmem>>
      %dma_start3A_176 = tpu.memref_squeeze %dma_start3A_175 : memref<1x200x256xf32, #tpu.memory_space<vmem>> -> memref<200x256xf32, #tpu.memory_space<vmem>>
      %dma_start3A_177 = arith.constant 0 : i32
      %dma_start3A_178 = arith.constant 0 : i32
      %dma_start3A_179 = tpu.memref_slice %arg4[%dma_start3A_171, %add3A_28, %dma_start3A_177, %dma_start3A_178] : memref<8x200x200x256xf32, #tpu.memory_space<hbm>> -> memref<1x1x200x256xf32, #tpu.memory_space<hbm>>
      %dma_start3A_180 = tpu.memref_squeeze %dma_start3A_179 : memref<1x1x200x256xf32, #tpu.memory_space<hbm>> -> memref<200x256xf32, #tpu.memory_space<hbm>>
      %dma_start3A_181 = tpu.memref_slice %arg7[%dma_start3A_172] : memref<2x!tpu.dma_semaphore, #tpu.memory_space<semaphore_mem>> -> memref<1x!tpu.dma_semaphore, #tpu.memory_space<semaphore_mem>>
      %dma_start3A_182 = tpu.memref_squeeze %dma_start3A_181 : memref<1x!tpu.dma_semaphore, #tpu.memory_space<semaphore_mem>> -> memref<!tpu.dma_semaphore, #tpu.memory_space<semaphore_mem>>
      %dma_start3A_183 = arith.constant 0 : i32
      %dma_start3A_184 = arith.constant 0 : i32
      %dma_start3A_185 = tpu.memref_slice %arg4[%dma_start3A_171, %add3A_28, %dma_start3A_183, %dma_start3A_184] : memref<8x200x200x256xf32, #tpu.memory_space<hbm>> -> memref<1x1x200x256xf32, #tpu.memory_space<hbm>>
      %dma_start3A_186 = tpu.memref_squeeze %dma_start3A_185 : memref<1x1x200x256xf32, #tpu.memory_space<hbm>> -> memref<200x256xf32, #tpu.memory_space<hbm>>
      %dma_start3A_187 = arith.constant 0 : i32
      %dma_start3A_188 = arith.constant 0 : i32
      %dma_start3A_189 = tpu.memref_slice %arg5[%dma_start3A_170, %dma_start3A_187, %dma_start3A_188] : memref<2x200x256xf32, #tpu.memory_space<vmem>> -> memref<1x200x256xf32, #tpu.memory_space<vmem>>
      %dma_start3A_190 = tpu.memref_squeeze %dma_start3A_189 : memref<1x200x256xf32, #tpu.memory_space<vmem>> -> memref<200x256xf32, #tpu.memory_space<vmem>>
      tpu.enqueue_dma source(%dma_start3A_190 : memref<200x256xf32, #tpu.memory_space<vmem>>) target(%dma_start3A_186 : memref<200x256xf32, #tpu.memory_space<hbm>>) target_semaphore(%dma_start3A_182 : memref<!tpu.dma_semaphore, #tpu.memory_space<semaphore_mem>>)
      %dma_start3A_191 = arith.constant 0 : i32
      %dma_start3A_192 = arith.constant 4 : i32
      %dma_start3A_193 = arith.constant 0 : i32
      %dma_start3A_194 = arith.constant 0 : i32
      %dma_start3A_195 = arith.constant 0 : i32
      %dma_start3A_196 = tpu.memref_slice %arg5[%dma_start3A_191, %dma_start3A_194, %dma_start3A_195] : memref<2x200x256xf32, #tpu.memory_space<vmem>> -> memref<1x200x256xf32, #tpu.memory_space<vmem>>
      %dma_start3A_197 = tpu.memref_squeeze %dma_start3A_196 : memref<1x200x256xf32, #tpu.memory_space<vmem>> -> memref<200x256xf32, #tpu.memory_space<vmem>>
      %dma_start3A_198 = arith.constant 0 : i32
      %dma_start3A_199 = arith.constant 0 : i32
      %dma_start3A_200 = tpu.memref_slice %arg4[%dma_start3A_192, %add3A_28, %dma_start3A_198, %dma_start3A_199] : memref<8x200x200x256xf32, #tpu.memory_space<hbm>> -> memref<1x1x200x256xf32, #tpu.memory_space<hbm>>
      %dma_start3A_201 = tpu.memref_squeeze %dma_start3A_200 : memref<1x1x200x256xf32, #tpu.memory_space<hbm>> -> memref<200x256xf32, #tpu.memory_space<hbm>>
      %dma_start3A_202 = tpu.memref_slice %arg7[%dma_start3A_193] : memref<2x!tpu.dma_semaphore, #tpu.memory_space<semaphore_mem>> -> memref<1x!tpu.dma_semaphore, #tpu.memory_space<semaphore_mem>>
      %dma_start3A_203 = tpu.memref_squeeze %dma_start3A_202 : memref<1x!tpu.dma_semaphore, #tpu.memory_space<semaphore_mem>> -> memref<!tpu.dma_semaphore, #tpu.memory_space<semaphore_mem>>
      %dma_start3A_204 = arith.constant 0 : i32
      %dma_start3A_205 = arith.constant 0 : i32
      %dma_start3A_206 = tpu.memref_slice %arg4[%dma_start3A_192, %add3A_28, %dma_start3A_204, %dma_start3A_205] : memref<8x200x200x256xf32, #tpu.memory_space<hbm>> -> memref<1x1x200x256xf32, #tpu.memory_space<hbm>>
      %dma_start3A_207 = tpu.memref_squeeze %dma_start3A_206 : memref<1x1x200x256xf32, #tpu.memory_space<hbm>> -> memref<200x256xf32, #tpu.memory_space<hbm>>
      %dma_start3A_208 = arith.constant 0 : i32
      %dma_start3A_209 = arith.constant 0 : i32
      %dma_start3A_210 = tpu.memref_slice %arg5[%dma_start3A_191, %dma_start3A_208, %dma_start3A_209] : memref<2x200x256xf32, #tpu.memory_space<vmem>> -> memref<1x200x256xf32, #tpu.memory_space<vmem>>
      %dma_start3A_211 = tpu.memref_squeeze %dma_start3A_210 : memref<1x200x256xf32, #tpu.memory_space<vmem>> -> memref<200x256xf32, #tpu.memory_space<vmem>>
      tpu.enqueue_dma source(%dma_start3A_211 : memref<200x256xf32, #tpu.memory_space<vmem>>) target(%dma_start3A_207 : memref<200x256xf32, #tpu.memory_space<hbm>>) target_semaphore(%dma_start3A_203 : memref<!tpu.dma_semaphore, #tpu.memory_space<semaphore_mem>>)
      %dma_start3A_212 = arith.constant 0 : i32
      %dma_start3A_213 = arith.constant 5 : i32
      %dma_start3A_214 = arith.constant 0 : i32
      %dma_start3A_215 = arith.constant 0 : i32
      %dma_start3A_216 = arith.constant 0 : i32
      %dma_start3A_217 = tpu.memref_slice %arg5[%dma_start3A_212, %dma_start3A_215, %dma_start3A_216] : memref<2x200x256xf32, #tpu.memory_space<vmem>> -> memref<1x200x256xf32, #tpu.memory_space<vmem>>
      %dma_start3A_218 = tpu.memref_squeeze %dma_start3A_217 : memref<1x200x256xf32, #tpu.memory_space<vmem>> -> memref<200x256xf32, #tpu.memory_space<vmem>>
      %dma_start3A_219 = arith.constant 0 : i32
      %dma_start3A_220 = arith.constant 0 : i32
      %dma_start3A_221 = tpu.memref_slice %arg4[%dma_start3A_213, %add3A_28, %dma_start3A_219, %dma_start3A_220] : memref<8x200x200x256xf32, #tpu.memory_space<hbm>> -> memref<1x1x200x256xf32, #tpu.memory_space<hbm>>
      %dma_start3A_222 = tpu.memref_squeeze %dma_start3A_221 : memref<1x1x200x256xf32, #tpu.memory_space<hbm>> -> memref<200x256xf32, #tpu.memory_space<hbm>>
      %dma_start3A_223 = tpu.memref_slice %arg7[%dma_start3A_214] : memref<2x!tpu.dma_semaphore, #tpu.memory_space<semaphore_mem>> -> memref<1x!tpu.dma_semaphore, #tpu.memory_space<semaphore_mem>>
      %dma_start3A_224 = tpu.memref_squeeze %dma_start3A_223 : memref<1x!tpu.dma_semaphore, #tpu.memory_space<semaphore_mem>> -> memref<!tpu.dma_semaphore, #tpu.memory_space<semaphore_mem>>
      %dma_start3A_225 = arith.constant 0 : i32
      %dma_start3A_226 = arith.constant 0 : i32
      %dma_start3A_227 = tpu.memref_slice %arg4[%dma_start3A_213, %add3A_28, %dma_start3A_225, %dma_start3A_226] : memref<8x200x200x256xf32, #tpu.memory_space<hbm>> -> memref<1x1x200x256xf32, #tpu.memory_space<hbm>>
      %dma_start3A_228 = tpu.memref_squeeze %dma_start3A_227 : memref<1x1x200x256xf32, #tpu.memory_space<hbm>> -> memref<200x256xf32, #tpu.memory_space<hbm>>
      %dma_start3A_229 = arith.constant 0 : i32
      %dma_start3A_230 = arith.constant 0 : i32
      %dma_start3A_231 = tpu.memref_slice %arg5[%dma_start3A_212, %dma_start3A_229, %dma_start3A_230] : memref<2x200x256xf32, #tpu.memory_space<vmem>> -> memref<1x200x256xf32, #tpu.memory_space<vmem>>
      %dma_start3A_232 = tpu.memref_squeeze %dma_start3A_231 : memref<1x200x256xf32, #tpu.memory_space<vmem>> -> memref<200x256xf32, #tpu.memory_space<vmem>>
      tpu.enqueue_dma source(%dma_start3A_232 : memref<200x256xf32, #tpu.memory_space<vmem>>) target(%dma_start3A_228 : memref<200x256xf32, #tpu.memory_space<hbm>>) target_semaphore(%dma_start3A_224 : memref<!tpu.dma_semaphore, #tpu.memory_space<semaphore_mem>>)
      %dma_start3A_233 = arith.constant 0 : i32
      %dma_start3A_234 = arith.constant 6 : i32
      %dma_start3A_235 = arith.constant 0 : i32
      %dma_start3A_236 = arith.constant 0 : i32
      %dma_start3A_237 = arith.constant 0 : i32
      %dma_start3A_238 = tpu.memref_slice %arg5[%dma_start3A_233, %dma_start3A_236, %dma_start3A_237] : memref<2x200x256xf32, #tpu.memory_space<vmem>> -> memref<1x200x256xf32, #tpu.memory_space<vmem>>
      %dma_start3A_239 = tpu.memref_squeeze %dma_start3A_238 : memref<1x200x256xf32, #tpu.memory_space<vmem>> -> memref<200x256xf32, #tpu.memory_space<vmem>>
      %dma_start3A_240 = arith.constant 0 : i32
      %dma_start3A_241 = arith.constant 0 : i32
      %dma_start3A_242 = tpu.memref_slice %arg4[%dma_start3A_234, %add3A_28, %dma_start3A_240, %dma_start3A_241] : memref<8x200x200x256xf32, #tpu.memory_space<hbm>> -> memref<1x1x200x256xf32, #tpu.memory_space<hbm>>
      %dma_start3A_243 = tpu.memref_squeeze %dma_start3A_242 : memref<1x1x200x256xf32, #tpu.memory_space<hbm>> -> memref<200x256xf32, #tpu.memory_space<hbm>>
      %dma_start3A_244 = tpu.memref_slice %arg7[%dma_start3A_235] : memref<2x!tpu.dma_semaphore, #tpu.memory_space<semaphore_mem>> -> memref<1x!tpu.dma_semaphore, #tpu.memory_space<semaphore_mem>>
      %dma_start3A_245 = tpu.memref_squeeze %dma_start3A_244 : memref<1x!tpu.dma_semaphore, #tpu.memory_space<semaphore_mem>> -> memref<!tpu.dma_semaphore, #tpu.memory_space<semaphore_mem>>
      %dma_start3A_246 = arith.constant 0 : i32
      %dma_start3A_247 = arith.constant 0 : i32
      %dma_start3A_248 = tpu.memref_slice %arg4[%dma_start3A_234, %add3A_28, %dma_start3A_246, %dma_start3A_247] : memref<8x200x200x256xf32, #tpu.memory_space<hbm>> -> memref<1x1x200x256xf32, #tpu.memory_space<hbm>>
      %dma_start3A_249 = tpu.memref_squeeze %dma_start3A_248 : memref<1x1x200x256xf32, #tpu.memory_space<hbm>> -> memref<200x256xf32, #tpu.memory_space<hbm>>
      %dma_start3A_250 = arith.constant 0 : i32
      %dma_start3A_251 = arith.constant 0 : i32
      %dma_start3A_252 = tpu.memref_slice %arg5[%dma_start3A_233, %dma_start3A_250, %dma_start3A_251] : memref<2x200x256xf32, #tpu.memory_space<vmem>> -> memref<1x200x256xf32, #tpu.memory_space<vmem>>
      %dma_start3A_253 = tpu.memref_squeeze %dma_start3A_252 : memref<1x200x256xf32, #tpu.memory_space<vmem>> -> memref<200x256xf32, #tpu.memory_space<vmem>>
      tpu.enqueue_dma source(%dma_start3A_253 : memref<200x256xf32, #tpu.memory_space<vmem>>) target(%dma_start3A_249 : memref<200x256xf32, #tpu.memory_space<hbm>>) target_semaphore(%dma_start3A_245 : memref<!tpu.dma_semaphore, #tpu.memory_space<semaphore_mem>>)
      %dma_start3A_254 = arith.constant 0 : i32
      %dma_start3A_255 = arith.constant 7 : i32
      %dma_start3A_256 = arith.constant 0 : i32
      %dma_start3A_257 = arith.constant 0 : i32
      %dma_start3A_258 = arith.constant 0 : i32
      %dma_start3A_259 = tpu.memref_slice %arg5[%dma_start3A_254, %dma_start3A_257, %dma_start3A_258] : memref<2x200x256xf32, #tpu.memory_space<vmem>> -> memref<1x200x256xf32, #tpu.memory_space<vmem>>
      %dma_start3A_260 = tpu.memref_squeeze %dma_start3A_259 : memref<1x200x256xf32, #tpu.memory_space<vmem>> -> memref<200x256xf32, #tpu.memory_space<vmem>>
      %dma_start3A_261 = arith.constant 0 : i32
      %dma_start3A_262 = arith.constant 0 : i32
      %dma_start3A_263 = tpu.memref_slice %arg4[%dma_start3A_255, %add3A_28, %dma_start3A_261, %dma_start3A_262] : memref<8x200x200x256xf32, #tpu.memory_space<hbm>> -> memref<1x1x200x256xf32, #tpu.memory_space<hbm>>
      %dma_start3A_264 = tpu.memref_squeeze %dma_start3A_263 : memref<1x1x200x256xf32, #tpu.memory_space<hbm>> -> memref<200x256xf32, #tpu.memory_space<hbm>>
      %dma_start3A_265 = tpu.memref_slice %arg7[%dma_start3A_256] : memref<2x!tpu.dma_semaphore, #tpu.memory_space<semaphore_mem>> -> memref<1x!tpu.dma_semaphore, #tpu.memory_space<semaphore_mem>>
      %dma_start3A_266 = tpu.memref_squeeze %dma_start3A_265 : memref<1x!tpu.dma_semaphore, #tpu.memory_space<semaphore_mem>> -> memref<!tpu.dma_semaphore, #tpu.memory_space<semaphore_mem>>
      %dma_start3A_267 = arith.constant 0 : i32
      %dma_start3A_268 = arith.constant 0 : i32
      %dma_start3A_269 = tpu.memref_slice %arg4[%dma_start3A_255, %add3A_28, %dma_start3A_267, %dma_start3A_268] : memref<8x200x200x256xf32, #tpu.memory_space<hbm>> -> memref<1x1x200x256xf32, #tpu.memory_space<hbm>>
      %dma_start3A_270 = tpu.memref_squeeze %dma_start3A_269 : memref<1x1x200x256xf32, #tpu.memory_space<hbm>> -> memref<200x256xf32, #tpu.memory_space<hbm>>
      %dma_start3A_271 = arith.constant 0 : i32
      %dma_start3A_272 = arith.constant 0 : i32
      %dma_start3A_273 = tpu.memref_slice %arg5[%dma_start3A_254, %dma_start3A_271, %dma_start3A_272] : memref<2x200x256xf32, #tpu.memory_space<vmem>> -> memref<1x200x256xf32, #tpu.memory_space<vmem>>
      %dma_start3A_274 = tpu.memref_squeeze %dma_start3A_273 : memref<1x200x256xf32, #tpu.memory_space<vmem>> -> memref<200x256xf32, #tpu.memory_space<vmem>>
      tpu.enqueue_dma source(%dma_start3A_274 : memref<200x256xf32, #tpu.memory_space<vmem>>) target(%dma_start3A_270 : memref<200x256xf32, #tpu.memory_space<hbm>>) target_semaphore(%dma_start3A_266 : memref<!tpu.dma_semaphore, #tpu.memory_space<semaphore_mem>>)
      %dma_wait3A = arith.constant 0 : i32
      %dma_wait3A_275 = arith.constant 0 : i32
      %dma_wait3A_276 = arith.constant 0 : i32
      %dma_wait3A_277 = arith.constant 0 : i32
      %dma_wait3A_278 = arith.constant 0 : i32
      %dma_wait3A_279 = tpu.memref_slice %arg5[%dma_wait3A, %dma_wait3A_277, %dma_wait3A_278] : memref<2x200x256xf32, #tpu.memory_space<vmem>> -> memref<1x200x256xf32, #tpu.memory_space<vmem>>
      %dma_wait3A_280 = tpu.memref_squeeze %dma_wait3A_279 : memref<1x200x256xf32, #tpu.memory_space<vmem>> -> memref<200x256xf32, #tpu.memory_space<vmem>>
      %dma_wait3A_281 = arith.constant 0 : i32
      %dma_wait3A_282 = arith.constant 0 : i32
      %dma_wait3A_283 = tpu.memref_slice %arg4[%dma_wait3A_275, %add3A_28, %dma_wait3A_281, %dma_wait3A_282] : memref<8x200x200x256xf32, #tpu.memory_space<hbm>> -> memref<1x1x200x256xf32, #tpu.memory_space<hbm>>
      %dma_wait3A_284 = tpu.memref_squeeze %dma_wait3A_283 : memref<1x1x200x256xf32, #tpu.memory_space<hbm>> -> memref<200x256xf32, #tpu.memory_space<hbm>>
      %dma_wait3A_285 = tpu.memref_slice %arg7[%dma_wait3A_276] : memref<2x!tpu.dma_semaphore, #tpu.memory_space<semaphore_mem>> -> memref<1x!tpu.dma_semaphore, #tpu.memory_space<semaphore_mem>>
      %dma_wait3A_286 = tpu.memref_squeeze %dma_wait3A_285 : memref<1x!tpu.dma_semaphore, #tpu.memory_space<semaphore_mem>> -> memref<!tpu.dma_semaphore, #tpu.memory_space<semaphore_mem>>
      %dma_wait3A_287 = arith.constant 0 : i32
      %dma_wait3A_288 = arith.constant 0 : i32
      %dma_wait3A_289 = tpu.memref_slice %arg4[%dma_wait3A_275, %add3A_28, %dma_wait3A_287, %dma_wait3A_288] : memref<8x200x200x256xf32, #tpu.memory_space<hbm>> -> memref<1x1x200x256xf32, #tpu.memory_space<hbm>>
      %dma_wait3A_290 = tpu.memref_squeeze %dma_wait3A_289 : memref<1x1x200x256xf32, #tpu.memory_space<hbm>> -> memref<200x256xf32, #tpu.memory_space<hbm>>
      %dma_wait3A_291 = arith.constant 0 : i32
      %dma_wait3A_292 = arith.constant 0 : i32
      %dma_wait3A_293 = tpu.memref_slice %arg5[%dma_wait3A, %dma_wait3A_291, %dma_wait3A_292] : memref<2x200x256xf32, #tpu.memory_space<vmem>> -> memref<1x200x256xf32, #tpu.memory_space<vmem>>
      %dma_wait3A_294 = tpu.memref_squeeze %dma_wait3A_293 : memref<1x200x256xf32, #tpu.memory_space<vmem>> -> memref<200x256xf32, #tpu.memory_space<vmem>>
      tpu.wait_dma2 semaphore(%dma_wait3A_286 : memref<!tpu.dma_semaphore, #tpu.memory_space<semaphore_mem>>) src(%dma_wait3A_294 : memref<200x256xf32, #tpu.memory_space<vmem>>) dst(%dma_wait3A_290 : memref<200x256xf32, #tpu.memory_space<hbm>>)
      %dma_wait3A_295 = arith.constant 0 : i32
      %dma_wait3A_296 = arith.constant 1 : i32
      %dma_wait3A_297 = arith.constant 0 : i32
      %dma_wait3A_298 = arith.constant 0 : i32
      %dma_wait3A_299 = arith.constant 0 : i32
      %dma_wait3A_300 = tpu.memref_slice %arg5[%dma_wait3A_295, %dma_wait3A_298, %dma_wait3A_299] : memref<2x200x256xf32, #tpu.memory_space<vmem>> -> memref<1x200x256xf32, #tpu.memory_space<vmem>>
      %dma_wait3A_301 = tpu.memref_squeeze %dma_wait3A_300 : memref<1x200x256xf32, #tpu.memory_space<vmem>> -> memref<200x256xf32, #tpu.memory_space<vmem>>
      %dma_wait3A_302 = arith.constant 0 : i32
      %dma_wait3A_303 = arith.constant 0 : i32
      %dma_wait3A_304 = tpu.memref_slice %arg4[%dma_wait3A_296, %add3A_28, %dma_wait3A_302, %dma_wait3A_303] : memref<8x200x200x256xf32, #tpu.memory_space<hbm>> -> memref<1x1x200x256xf32, #tpu.memory_space<hbm>>
      %dma_wait3A_305 = tpu.memref_squeeze %dma_wait3A_304 : memref<1x1x200x256xf32, #tpu.memory_space<hbm>> -> memref<200x256xf32, #tpu.memory_space<hbm>>
      %dma_wait3A_306 = tpu.memref_slice %arg7[%dma_wait3A_297] : memref<2x!tpu.dma_semaphore, #tpu.memory_space<semaphore_mem>> -> memref<1x!tpu.dma_semaphore, #tpu.memory_space<semaphore_mem>>
      %dma_wait3A_307 = tpu.memref_squeeze %dma_wait3A_306 : memref<1x!tpu.dma_semaphore, #tpu.memory_space<semaphore_mem>> -> memref<!tpu.dma_semaphore, #tpu.memory_space<semaphore_mem>>
      %dma_wait3A_308 = arith.constant 0 : i32
      %dma_wait3A_309 = arith.constant 0 : i32
      %dma_wait3A_310 = tpu.memref_slice %arg4[%dma_wait3A_296, %add3A_28, %dma_wait3A_308, %dma_wait3A_309] : memref<8x200x200x256xf32, #tpu.memory_space<hbm>> -> memref<1x1x200x256xf32, #tpu.memory_space<hbm>>
      %dma_wait3A_311 = tpu.memref_squeeze %dma_wait3A_310 : memref<1x1x200x256xf32, #tpu.memory_space<hbm>> -> memref<200x256xf32, #tpu.memory_space<hbm>>
      %dma_wait3A_312 = arith.constant 0 : i32
      %dma_wait3A_313 = arith.constant 0 : i32
      %dma_wait3A_314 = tpu.memref_slice %arg5[%dma_wait3A_295, %dma_wait3A_312, %dma_wait3A_313] : memref<2x200x256xf32, #tpu.memory_space<vmem>> -> memref<1x200x256xf32, #tpu.memory_space<vmem>>
      %dma_wait3A_315 = tpu.memref_squeeze %dma_wait3A_314 : memref<1x200x256xf32, #tpu.memory_space<vmem>> -> memref<200x256xf32, #tpu.memory_space<vmem>>
      tpu.wait_dma2 semaphore(%dma_wait3A_307 : memref<!tpu.dma_semaphore, #tpu.memory_space<semaphore_mem>>) src(%dma_wait3A_315 : memref<200x256xf32, #tpu.memory_space<vmem>>) dst(%dma_wait3A_311 : memref<200x256xf32, #tpu.memory_space<hbm>>)
      %dma_wait3A_316 = arith.constant 0 : i32
      %dma_wait3A_317 = arith.constant 2 : i32
      %dma_wait3A_318 = arith.constant 0 : i32
      %dma_wait3A_319 = arith.constant 0 : i32
      %dma_wait3A_320 = arith.constant 0 : i32
      %dma_wait3A_321 = tpu.memref_slice %arg5[%dma_wait3A_316, %dma_wait3A_319, %dma_wait3A_320] : memref<2x200x256xf32, #tpu.memory_space<vmem>> -> memref<1x200x256xf32, #tpu.memory_space<vmem>>
      %dma_wait3A_322 = tpu.memref_squeeze %dma_wait3A_321 : memref<1x200x256xf32, #tpu.memory_space<vmem>> -> memref<200x256xf32, #tpu.memory_space<vmem>>
      %dma_wait3A_323 = arith.constant 0 : i32
      %dma_wait3A_324 = arith.constant 0 : i32
      %dma_wait3A_325 = tpu.memref_slice %arg4[%dma_wait3A_317, %add3A_28, %dma_wait3A_323, %dma_wait3A_324] : memref<8x200x200x256xf32, #tpu.memory_space<hbm>> -> memref<1x1x200x256xf32, #tpu.memory_space<hbm>>
      %dma_wait3A_326 = tpu.memref_squeeze %dma_wait3A_325 : memref<1x1x200x256xf32, #tpu.memory_space<hbm>> -> memref<200x256xf32, #tpu.memory_space<hbm>>
      %dma_wait3A_327 = tpu.memref_slice %arg7[%dma_wait3A_318] : memref<2x!tpu.dma_semaphore, #tpu.memory_space<semaphore_mem>> -> memref<1x!tpu.dma_semaphore, #tpu.memory_space<semaphore_mem>>
      %dma_wait3A_328 = tpu.memref_squeeze %dma_wait3A_327 : memref<1x!tpu.dma_semaphore, #tpu.memory_space<semaphore_mem>> -> memref<!tpu.dma_semaphore, #tpu.memory_space<semaphore_mem>>
      %dma_wait3A_329 = arith.constant 0 : i32
      %dma_wait3A_330 = arith.constant 0 : i32
      %dma_wait3A_331 = tpu.memref_slice %arg4[%dma_wait3A_317, %add3A_28, %dma_wait3A_329, %dma_wait3A_330] : memref<8x200x200x256xf32, #tpu.memory_space<hbm>> -> memref<1x1x200x256xf32, #tpu.memory_space<hbm>>
      %dma_wait3A_332 = tpu.memref_squeeze %dma_wait3A_331 : memref<1x1x200x256xf32, #tpu.memory_space<hbm>> -> memref<200x256xf32, #tpu.memory_space<hbm>>
      %dma_wait3A_333 = arith.constant 0 : i32
      %dma_wait3A_334 = arith.constant 0 : i32
      %dma_wait3A_335 = tpu.memref_slice %arg5[%dma_wait3A_316, %dma_wait3A_333, %dma_wait3A_334] : memref<2x200x256xf32, #tpu.memory_space<vmem>> -> memref<1x200x256xf32, #tpu.memory_space<vmem>>
      %dma_wait3A_336 = tpu.memref_squeeze %dma_wait3A_335 : memref<1x200x256xf32, #tpu.memory_space<vmem>> -> memref<200x256xf32, #tpu.memory_space<vmem>>
      tpu.wait_dma2 semaphore(%dma_wait3A_328 : memref<!tpu.dma_semaphore, #tpu.memory_space<semaphore_mem>>) src(%dma_wait3A_336 : memref<200x256xf32, #tpu.memory_space<vmem>>) dst(%dma_wait3A_332 : memref<200x256xf32, #tpu.memory_space<hbm>>)
      %dma_wait3A_337 = arith.constant 0 : i32
      %dma_wait3A_338 = arith.constant 3 : i32
      %dma_wait3A_339 = arith.constant 0 : i32
      %dma_wait3A_340 = arith.constant 0 : i32
      %dma_wait3A_341 = arith.constant 0 : i32
      %dma_wait3A_342 = tpu.memref_slice %arg5[%dma_wait3A_337, %dma_wait3A_340, %dma_wait3A_341] : memref<2x200x256xf32, #tpu.memory_space<vmem>> -> memref<1x200x256xf32, #tpu.memory_space<vmem>>
      %dma_wait3A_343 = tpu.memref_squeeze %dma_wait3A_342 : memref<1x200x256xf32, #tpu.memory_space<vmem>> -> memref<200x256xf32, #tpu.memory_space<vmem>>
      %dma_wait3A_344 = arith.constant 0 : i32
      %dma_wait3A_345 = arith.constant 0 : i32
      %dma_wait3A_346 = tpu.memref_slice %arg4[%dma_wait3A_338, %add3A_28, %dma_wait3A_344, %dma_wait3A_345] : memref<8x200x200x256xf32, #tpu.memory_space<hbm>> -> memref<1x1x200x256xf32, #tpu.memory_space<hbm>>
      %dma_wait3A_347 = tpu.memref_squeeze %dma_wait3A_346 : memref<1x1x200x256xf32, #tpu.memory_space<hbm>> -> memref<200x256xf32, #tpu.memory_space<hbm>>
      %dma_wait3A_348 = tpu.memref_slice %arg7[%dma_wait3A_339] : memref<2x!tpu.dma_semaphore, #tpu.memory_space<semaphore_mem>> -> memref<1x!tpu.dma_semaphore, #tpu.memory_space<semaphore_mem>>
      %dma_wait3A_349 = tpu.memref_squeeze %dma_wait3A_348 : memref<1x!tpu.dma_semaphore, #tpu.memory_space<semaphore_mem>> -> memref<!tpu.dma_semaphore, #tpu.memory_space<semaphore_mem>>
      %dma_wait3A_350 = arith.constant 0 : i32
      %dma_wait3A_351 = arith.constant 0 : i32
      %dma_wait3A_352 = tpu.memref_slice %arg4[%dma_wait3A_338, %add3A_28, %dma_wait3A_350, %dma_wait3A_351] : memref<8x200x200x256xf32, #tpu.memory_space<hbm>> -> memref<1x1x200x256xf32, #tpu.memory_space<hbm>>
      %dma_wait3A_353 = tpu.memref_squeeze %dma_wait3A_352 : memref<1x1x200x256xf32, #tpu.memory_space<hbm>> -> memref<200x256xf32, #tpu.memory_space<hbm>>
      %dma_wait3A_354 = arith.constant 0 : i32
      %dma_wait3A_355 = arith.constant 0 : i32
      %dma_wait3A_356 = tpu.memref_slice %arg5[%dma_wait3A_337, %dma_wait3A_354, %dma_wait3A_355] : memref<2x200x256xf32, #tpu.memory_space<vmem>> -> memref<1x200x256xf32, #tpu.memory_space<vmem>>
      %dma_wait3A_357 = tpu.memref_squeeze %dma_wait3A_356 : memref<1x200x256xf32, #tpu.memory_space<vmem>> -> memref<200x256xf32, #tpu.memory_space<vmem>>
      tpu.wait_dma2 semaphore(%dma_wait3A_349 : memref<!tpu.dma_semaphore, #tpu.memory_space<semaphore_mem>>) src(%dma_wait3A_357 : memref<200x256xf32, #tpu.memory_space<vmem>>) dst(%dma_wait3A_353 : memref<200x256xf32, #tpu.memory_space<hbm>>)
      %dma_wait3A_358 = arith.constant 0 : i32
      %dma_wait3A_359 = arith.constant 4 : i32
      %dma_wait3A_360 = arith.constant 0 : i32
      %dma_wait3A_361 = arith.constant 0 : i32
      %dma_wait3A_362 = arith.constant 0 : i32
      %dma_wait3A_363 = tpu.memref_slice %arg5[%dma_wait3A_358, %dma_wait3A_361, %dma_wait3A_362] : memref<2x200x256xf32, #tpu.memory_space<vmem>> -> memref<1x200x256xf32, #tpu.memory_space<vmem>>
      %dma_wait3A_364 = tpu.memref_squeeze %dma_wait3A_363 : memref<1x200x256xf32, #tpu.memory_space<vmem>> -> memref<200x256xf32, #tpu.memory_space<vmem>>
      %dma_wait3A_365 = arith.constant 0 : i32
      %dma_wait3A_366 = arith.constant 0 : i32
      %dma_wait3A_367 = tpu.memref_slice %arg4[%dma_wait3A_359, %add3A_28, %dma_wait3A_365, %dma_wait3A_366] : memref<8x200x200x256xf32, #tpu.memory_space<hbm>> -> memref<1x1x200x256xf32, #tpu.memory_space<hbm>>
      %dma_wait3A_368 = tpu.memref_squeeze %dma_wait3A_367 : memref<1x1x200x256xf32, #tpu.memory_space<hbm>> -> memref<200x256xf32, #tpu.memory_space<hbm>>
      %dma_wait3A_369 = tpu.memref_slice %arg7[%dma_wait3A_360] : memref<2x!tpu.dma_semaphore, #tpu.memory_space<semaphore_mem>> -> memref<1x!tpu.dma_semaphore, #tpu.memory_space<semaphore_mem>>
      %dma_wait3A_370 = tpu.memref_squeeze %dma_wait3A_369 : memref<1x!tpu.dma_semaphore, #tpu.memory_space<semaphore_mem>> -> memref<!tpu.dma_semaphore, #tpu.memory_space<semaphore_mem>>
      %dma_wait3A_371 = arith.constant 0 : i32
      %dma_wait3A_372 = arith.constant 0 : i32
      %dma_wait3A_373 = tpu.memref_slice %arg4[%dma_wait3A_359, %add3A_28, %dma_wait3A_371, %dma_wait3A_372] : memref<8x200x200x256xf32, #tpu.memory_space<hbm>> -> memref<1x1x200x256xf32, #tpu.memory_space<hbm>>
      %dma_wait3A_374 = tpu.memref_squeeze %dma_wait3A_373 : memref<1x1x200x256xf32, #tpu.memory_space<hbm>> -> memref<200x256xf32, #tpu.memory_space<hbm>>
      %dma_wait3A_375 = arith.constant 0 : i32
      %dma_wait3A_376 = arith.constant 0 : i32
      %dma_wait3A_377 = tpu.memref_slice %arg5[%dma_wait3A_358, %dma_wait3A_375, %dma_wait3A_376] : memref<2x200x256xf32, #tpu.memory_space<vmem>> -> memref<1x200x256xf32, #tpu.memory_space<vmem>>
      %dma_wait3A_378 = tpu.memref_squeeze %dma_wait3A_377 : memref<1x200x256xf32, #tpu.memory_space<vmem>> -> memref<200x256xf32, #tpu.memory_space<vmem>>
      tpu.wait_dma2 semaphore(%dma_wait3A_370 : memref<!tpu.dma_semaphore, #tpu.memory_space<semaphore_mem>>) src(%dma_wait3A_378 : memref<200x256xf32, #tpu.memory_space<vmem>>) dst(%dma_wait3A_374 : memref<200x256xf32, #tpu.memory_space<hbm>>)
      %dma_wait3A_379 = arith.constant 0 : i32
      %dma_wait3A_380 = arith.constant 5 : i32
      %dma_wait3A_381 = arith.constant 0 : i32
      %dma_wait3A_382 = arith.constant 0 : i32
      %dma_wait3A_383 = arith.constant 0 : i32
      %dma_wait3A_384 = tpu.memref_slice %arg5[%dma_wait3A_379, %dma_wait3A_382, %dma_wait3A_383] : memref<2x200x256xf32, #tpu.memory_space<vmem>> -> memref<1x200x256xf32, #tpu.memory_space<vmem>>
      %dma_wait3A_385 = tpu.memref_squeeze %dma_wait3A_384 : memref<1x200x256xf32, #tpu.memory_space<vmem>> -> memref<200x256xf32, #tpu.memory_space<vmem>>
      %dma_wait3A_386 = arith.constant 0 : i32
      %dma_wait3A_387 = arith.constant 0 : i32
      %dma_wait3A_388 = tpu.memref_slice %arg4[%dma_wait3A_380, %add3A_28, %dma_wait3A_386, %dma_wait3A_387] : memref<8x200x200x256xf32, #tpu.memory_space<hbm>> -> memref<1x1x200x256xf32, #tpu.memory_space<hbm>>
      %dma_wait3A_389 = tpu.memref_squeeze %dma_wait3A_388 : memref<1x1x200x256xf32, #tpu.memory_space<hbm>> -> memref<200x256xf32, #tpu.memory_space<hbm>>
      %dma_wait3A_390 = tpu.memref_slice %arg7[%dma_wait3A_381] : memref<2x!tpu.dma_semaphore, #tpu.memory_space<semaphore_mem>> -> memref<1x!tpu.dma_semaphore, #tpu.memory_space<semaphore_mem>>
      %dma_wait3A_391 = tpu.memref_squeeze %dma_wait3A_390 : memref<1x!tpu.dma_semaphore, #tpu.memory_space<semaphore_mem>> -> memref<!tpu.dma_semaphore, #tpu.memory_space<semaphore_mem>>
      %dma_wait3A_392 = arith.constant 0 : i32
      %dma_wait3A_393 = arith.constant 0 : i32
      %dma_wait3A_394 = tpu.memref_slice %arg4[%dma_wait3A_380, %add3A_28, %dma_wait3A_392, %dma_wait3A_393] : memref<8x200x200x256xf32, #tpu.memory_space<hbm>> -> memref<1x1x200x256xf32, #tpu.memory_space<hbm>>
      %dma_wait3A_395 = tpu.memref_squeeze %dma_wait3A_394 : memref<1x1x200x256xf32, #tpu.memory_space<hbm>> -> memref<200x256xf32, #tpu.memory_space<hbm>>
      %dma_wait3A_396 = arith.constant 0 : i32
      %dma_wait3A_397 = arith.constant 0 : i32
      %dma_wait3A_398 = tpu.memref_slice %arg5[%dma_wait3A_379, %dma_wait3A_396, %dma_wait3A_397] : memref<2x200x256xf32, #tpu.memory_space<vmem>> -> memref<1x200x256xf32, #tpu.memory_space<vmem>>
      %dma_wait3A_399 = tpu.memref_squeeze %dma_wait3A_398 : memref<1x200x256xf32, #tpu.memory_space<vmem>> -> memref<200x256xf32, #tpu.memory_space<vmem>>
      tpu.wait_dma2 semaphore(%dma_wait3A_391 : memref<!tpu.dma_semaphore, #tpu.memory_space<semaphore_mem>>) src(%dma_wait3A_399 : memref<200x256xf32, #tpu.memory_space<vmem>>) dst(%dma_wait3A_395 : memref<200x256xf32, #tpu.memory_space<hbm>>)
      %dma_wait3A_400 = arith.constant 0 : i32
      %dma_wait3A_401 = arith.constant 6 : i32
      %dma_wait3A_402 = arith.constant 0 : i32
      %dma_wait3A_403 = arith.constant 0 : i32
      %dma_wait3A_404 = arith.constant 0 : i32
      %dma_wait3A_405 = tpu.memref_slice %arg5[%dma_wait3A_400, %dma_wait3A_403, %dma_wait3A_404] : memref<2x200x256xf32, #tpu.memory_space<vmem>> -> memref<1x200x256xf32, #tpu.memory_space<vmem>>
      %dma_wait3A_406 = tpu.memref_squeeze %dma_wait3A_405 : memref<1x200x256xf32, #tpu.memory_space<vmem>> -> memref<200x256xf32, #tpu.memory_space<vmem>>
      %dma_wait3A_407 = arith.constant 0 : i32
      %dma_wait3A_408 = arith.constant 0 : i32
      %dma_wait3A_409 = tpu.memref_slice %arg4[%dma_wait3A_401, %add3A_28, %dma_wait3A_407, %dma_wait3A_408] : memref<8x200x200x256xf32, #tpu.memory_space<hbm>> -> memref<1x1x200x256xf32, #tpu.memory_space<hbm>>
      %dma_wait3A_410 = tpu.memref_squeeze %dma_wait3A_409 : memref<1x1x200x256xf32, #tpu.memory_space<hbm>> -> memref<200x256xf32, #tpu.memory_space<hbm>>
      %dma_wait3A_411 = tpu.memref_slice %arg7[%dma_wait3A_402] : memref<2x!tpu.dma_semaphore, #tpu.memory_space<semaphore_mem>> -> memref<1x!tpu.dma_semaphore, #tpu.memory_space<semaphore_mem>>
      %dma_wait3A_412 = tpu.memref_squeeze %dma_wait3A_411 : memref<1x!tpu.dma_semaphore, #tpu.memory_space<semaphore_mem>> -> memref<!tpu.dma_semaphore, #tpu.memory_space<semaphore_mem>>
      %dma_wait3A_413 = arith.constant 0 : i32
      %dma_wait3A_414 = arith.constant 0 : i32
      %dma_wait3A_415 = tpu.memref_slice %arg4[%dma_wait3A_401, %add3A_28, %dma_wait3A_413, %dma_wait3A_414] : memref<8x200x200x256xf32, #tpu.memory_space<hbm>> -> memref<1x1x200x256xf32, #tpu.memory_space<hbm>>
      %dma_wait3A_416 = tpu.memref_squeeze %dma_wait3A_415 : memref<1x1x200x256xf32, #tpu.memory_space<hbm>> -> memref<200x256xf32, #tpu.memory_space<hbm>>
      %dma_wait3A_417 = arith.constant 0 : i32
      %dma_wait3A_418 = arith.constant 0 : i32
      %dma_wait3A_419 = tpu.memref_slice %arg5[%dma_wait3A_400, %dma_wait3A_417, %dma_wait3A_418] : memref<2x200x256xf32, #tpu.memory_space<vmem>> -> memref<1x200x256xf32, #tpu.memory_space<vmem>>
      %dma_wait3A_420 = tpu.memref_squeeze %dma_wait3A_419 : memref<1x200x256xf32, #tpu.memory_space<vmem>> -> memref<200x256xf32, #tpu.memory_space<vmem>>
      tpu.wait_dma2 semaphore(%dma_wait3A_412 : memref<!tpu.dma_semaphore, #tpu.memory_space<semaphore_mem>>) src(%dma_wait3A_420 : memref<200x256xf32, #tpu.memory_space<vmem>>) dst(%dma_wait3A_416 : memref<200x256xf32, #tpu.memory_space<hbm>>)
      %dma_wait3A_421 = arith.constant 0 : i32
      %dma_wait3A_422 = arith.constant 7 : i32
      %dma_wait3A_423 = arith.constant 0 : i32
      %dma_wait3A_424 = arith.constant 0 : i32
      %dma_wait3A_425 = arith.constant 0 : i32
      %dma_wait3A_426 = tpu.memref_slice %arg5[%dma_wait3A_421, %dma_wait3A_424, %dma_wait3A_425] : memref<2x200x256xf32, #tpu.memory_space<vmem>> -> memref<1x200x256xf32, #tpu.memory_space<vmem>>
      %dma_wait3A_427 = tpu.memref_squeeze %dma_wait3A_426 : memref<1x200x256xf32, #tpu.memory_space<vmem>> -> memref<200x256xf32, #tpu.memory_space<vmem>>
      %dma_wait3A_428 = arith.constant 0 : i32
      %dma_wait3A_429 = arith.constant 0 : i32
      %dma_wait3A_430 = tpu.memref_slice %arg4[%dma_wait3A_422, %add3A_28, %dma_wait3A_428, %dma_wait3A_429] : memref<8x200x200x256xf32, #tpu.memory_space<hbm>> -> memref<1x1x200x256xf32, #tpu.memory_space<hbm>>
      %dma_wait3A_431 = tpu.memref_squeeze %dma_wait3A_430 : memref<1x1x200x256xf32, #tpu.memory_space<hbm>> -> memref<200x256xf32, #tpu.memory_space<hbm>>
      %dma_wait3A_432 = tpu.memref_slice %arg7[%dma_wait3A_423] : memref<2x!tpu.dma_semaphore, #tpu.memory_space<semaphore_mem>> -> memref<1x!tpu.dma_semaphore, #tpu.memory_space<semaphore_mem>>
      %dma_wait3A_433 = tpu.memref_squeeze %dma_wait3A_432 : memref<1x!tpu.dma_semaphore, #tpu.memory_space<semaphore_mem>> -> memref<!tpu.dma_semaphore, #tpu.memory_space<semaphore_mem>>
      %dma_wait3A_434 = arith.constant 0 : i32
      %dma_wait3A_435 = arith.constant 0 : i32
      %dma_wait3A_436 = tpu.memref_slice %arg4[%dma_wait3A_422, %add3A_28, %dma_wait3A_434, %dma_wait3A_435] : memref<8x200x200x256xf32, #tpu.memory_space<hbm>> -> memref<1x1x200x256xf32, #tpu.memory_space<hbm>>
      %dma_wait3A_437 = tpu.memref_squeeze %dma_wait3A_436 : memref<1x1x200x256xf32, #tpu.memory_space<hbm>> -> memref<200x256xf32, #tpu.memory_space<hbm>>
      %dma_wait3A_438 = arith.constant 0 : i32
      %dma_wait3A_439 = arith.constant 0 : i32
      %dma_wait3A_440 = tpu.memref_slice %arg5[%dma_wait3A_421, %dma_wait3A_438, %dma_wait3A_439] : memref<2x200x256xf32, #tpu.memory_space<vmem>> -> memref<1x200x256xf32, #tpu.memory_space<vmem>>
      %dma_wait3A_441 = tpu.memref_squeeze %dma_wait3A_440 : memref<1x200x256xf32, #tpu.memory_space<vmem>> -> memref<200x256xf32, #tpu.memory_space<vmem>>
      tpu.wait_dma2 semaphore(%dma_wait3A_433 : memref<!tpu.dma_semaphore, #tpu.memory_space<semaphore_mem>>) src(%dma_wait3A_441 : memref<200x256xf32, #tpu.memory_space<vmem>>) dst(%dma_wait3A_437 : memref<200x256xf32, #tpu.memory_space<hbm>>)
    } else {
    }
    %add3A_34 = arith.constant 160 : i32
    %add3A_35 = arith.addi %add3A, %add3A_34 : i32
    %lt3A_36 = arith.constant 200 : i32
    %lt3A_37 = arith.cmpi slt, %add3A_35, %lt3A_36 : i32
    %convert_element_type3A_38 = arith.extui %lt3A_37 : i1 to i32
    %cond3A_39 = arith.constant 0 : i32
    %cond3A_40 = arith.cmpi ne, %convert_element_type3A_38, %cond3A_39 : i32
    scf.if %cond3A_40 {
      "tpu.region"() ({
        %run_scoped3A_442 = tpu.sem_alloc : memref<!tpu.dma_semaphore, #tpu.memory_space<semaphore_mem>>
        %dma_start3A_443 = arith.constant 0 : i32
        %dma_start3A_444 = tpu.memref_slice %arg2[%add3A_35, %dma_start3A_443] : memref<200x128xf32, #tpu.memory_space<hbm>> -> memref<1x128xf32, #tpu.memory_space<hbm>>
        %dma_start3A_445 = arith.constant 0 : i32
        %dma_start3A_446 = tpu.memref_slice %arg2[%add3A_35, %dma_start3A_445] : memref<200x128xf32, #tpu.memory_space<hbm>> -> memref<1x128xf32, #tpu.memory_space<hbm>>
        tpu.enqueue_dma source(%dma_start3A_446 : memref<1x128xf32, #tpu.memory_space<hbm>>) target(%arg6 : memref<1x128xf32, #tpu.memory_space<vmem>>) target_semaphore(%run_scoped3A_442 : memref<!tpu.dma_semaphore, #tpu.memory_space<semaphore_mem>>)
        %dma_wait3A_447 = arith.constant 0 : i32
        %dma_wait3A_448 = tpu.memref_slice %arg2[%add3A_35, %dma_wait3A_447] : memref<200x128xf32, #tpu.memory_space<hbm>> -> memref<1x128xf32, #tpu.memory_space<hbm>>
        %dma_wait3A_449 = arith.constant 0 : i32
        %dma_wait3A_450 = tpu.memref_slice %arg2[%add3A_35, %dma_wait3A_449] : memref<200x128xf32, #tpu.memory_space<hbm>> -> memref<1x128xf32, #tpu.memory_space<hbm>>
        tpu.wait_dma2 semaphore(%run_scoped3A_442 : memref<!tpu.dma_semaphore, #tpu.memory_space<semaphore_mem>>) src(%dma_wait3A_450 : memref<1x128xf32, #tpu.memory_space<hbm>>) dst(%arg6 : memref<1x128xf32, #tpu.memory_space<vmem>>)
        tpu.yield
      }) : () -> ()
      %get3A = arith.constant 0 : i32
      %get3A_48 = arith.constant 0 : i32
      %get3A_49 = tpu.memref_slice %arg6[%get3A, %get3A_48] : memref<1x128xf32, #tpu.memory_space<vmem>> -> memref<1x128xf32, #tpu.memory_space<vmem>>
      %get3A_50 = tpu.memref_squeeze %get3A_49 : memref<1x128xf32, #tpu.memory_space<vmem>> -> memref<128xf32, #tpu.memory_space<vmem>>
      %get3A_51 = arith.constant 0 : index
      %get3A_52 = tpu.vector_load %get3A_50[%get3A_51] {strides = array<i32>} : memref<128xf32, #tpu.memory_space<vmem>>, vector<16xf32>,
      %get3A_53 = vector.shape_cast %get3A_52 : vector<16xf32> to vector<16xf32>
      %get3A_54 = arith.constant 0 : i32
      %get3A_55 = arith.constant 0 : i32
      %get3A_56 = tpu.memref_slice %arg6[%get3A_54, %get3A_55] : memref<1x128xf32, #tpu.memory_space<vmem>> -> memref<1x128xf32, #tpu.memory_space<vmem>>
      %get3A_57 = tpu.memref_squeeze %get3A_56 : memref<1x128xf32, #tpu.memory_space<vmem>> -> memref<128xf32, #tpu.memory_space<vmem>>
      %get3A_58 = arith.constant 16 : index
      %get3A_59 = tpu.vector_load %get3A_57[%get3A_58] {strides = array<i32>} : memref<128xf32, #tpu.memory_space<vmem>>, vector<16xf32>,
      %get3A_60 = vector.shape_cast %get3A_59 : vector<16xf32> to vector<16xf32>
      %get3A_61 = arith.constant 0 : i32
      %get3A_62 = arith.constant 0 : i32
      %get3A_63 = tpu.memref_slice %arg6[%get3A_61, %get3A_62] : memref<1x128xf32, #tpu.memory_space<vmem>> -> memref<1x128xf32, #tpu.memory_space<vmem>>
      %get3A_64 = tpu.memref_squeeze %get3A_63 : memref<1x128xf32, #tpu.memory_space<vmem>> -> memref<128xf32, #tpu.memory_space<vmem>>
      %get3A_65 = arith.constant 32 : index
      %get3A_66 = tpu.vector_load %get3A_64[%get3A_65] {strides = array<i32>} : memref<128xf32, #tpu.memory_space<vmem>>, vector<16xf32>,
      %get3A_67 = vector.shape_cast %get3A_66 : vector<16xf32> to vector<16xf32>
      %get3A_68 = arith.constant 0 : i32
      %get3A_69 = arith.constant 0 : i32
      %get3A_70 = tpu.memref_slice %arg6[%get3A_68, %get3A_69] : memref<1x128xf32, #tpu.memory_space<vmem>> -> memref<1x128xf32, #tpu.memory_space<vmem>>
      %get3A_71 = tpu.memref_squeeze %get3A_70 : memref<1x128xf32, #tpu.memory_space<vmem>> -> memref<128xf32, #tpu.memory_space<vmem>>
      %get3A_72 = arith.constant 48 : index
      %get3A_73 = tpu.vector_load %get3A_71[%get3A_72] {strides = array<i32>} : memref<128xf32, #tpu.memory_space<vmem>>, vector<16xf32>,
      %get3A_74 = vector.shape_cast %get3A_73 : vector<16xf32> to vector<16xf32>
      %get3A_75 = arith.constant 0 : i32
      %get3A_76 = arith.constant 0 : i32
      %get3A_77 = tpu.memref_slice %arg6[%get3A_75, %get3A_76] : memref<1x128xf32, #tpu.memory_space<vmem>> -> memref<1x128xf32, #tpu.memory_space<vmem>>
      %get3A_78 = tpu.memref_squeeze %get3A_77 : memref<1x128xf32, #tpu.memory_space<vmem>> -> memref<128xf32, #tpu.memory_space<vmem>>
      %get3A_79 = arith.constant 64 : index
      %get3A_80 = tpu.vector_load %get3A_78[%get3A_79] {strides = array<i32>} : memref<128xf32, #tpu.memory_space<vmem>>, vector<16xf32>,
      %get3A_81 = vector.shape_cast %get3A_80 : vector<16xf32> to vector<16xf32>
      %get3A_82 = arith.constant 0 : i32
      %get3A_83 = arith.constant 0 : i32
      %get3A_84 = tpu.memref_slice %arg6[%get3A_82, %get3A_83] : memref<1x128xf32, #tpu.memory_space<vmem>> -> memref<1x128xf32, #tpu.memory_space<vmem>>
      %get3A_85 = tpu.memref_squeeze %get3A_84 : memref<1x128xf32, #tpu.memory_space<vmem>> -> memref<128xf32, #tpu.memory_space<vmem>>
      %get3A_86 = arith.constant 80 : index
      %get3A_87 = tpu.vector_load %get3A_85[%get3A_86] {strides = array<i32>} : memref<128xf32, #tpu.memory_space<vmem>>, vector<16xf32>,
      %get3A_88 = vector.shape_cast %get3A_87 : vector<16xf32> to vector<16xf32>
      %get3A_89 = arith.constant 0 : i32
      %get3A_90 = arith.constant 0 : i32
      %get3A_91 = tpu.memref_slice %arg6[%get3A_89, %get3A_90] : memref<1x128xf32, #tpu.memory_space<vmem>> -> memref<1x128xf32, #tpu.memory_space<vmem>>
      %get3A_92 = tpu.memref_squeeze %get3A_91 : memref<1x128xf32, #tpu.memory_space<vmem>> -> memref<128xf32, #tpu.memory_space<vmem>>
      %get3A_93 = arith.constant 96 : index
      %get3A_94 = tpu.vector_load %get3A_92[%get3A_93] {strides = array<i32>} : memref<128xf32, #tpu.memory_space<vmem>>, vector<16xf32>,
      %get3A_95 = vector.shape_cast %get3A_94 : vector<16xf32> to vector<16xf32>
      %get3A_96 = arith.constant 0 : i32
      %get3A_97 = arith.constant 0 : i32
      %get3A_98 = tpu.memref_slice %arg6[%get3A_96, %get3A_97] : memref<1x128xf32, #tpu.memory_space<vmem>> -> memref<1x128xf32, #tpu.memory_space<vmem>>
      %get3A_99 = tpu.memref_squeeze %get3A_98 : memref<1x128xf32, #tpu.memory_space<vmem>> -> memref<128xf32, #tpu.memory_space<vmem>>
      %get3A_100 = arith.constant 112 : index
      %get3A_101 = tpu.vector_load %get3A_99[%get3A_100] {strides = array<i32>} : memref<128xf32, #tpu.memory_space<vmem>>, vector<16xf32>,
      %get3A_102 = vector.shape_cast %get3A_101 : vector<16xf32> to vector<16xf32>
      %scan3A = arith.constant 0 : i32
      %scan3A_103 = arith.constant 0 : i32
      %scan3A_104 = arith.constant 200 : i32
      %scan3A_105 = arith.addi %scan3A_103, %scan3A_104 : i32
      %scan3A_106 = arith.constant 1 : i32
      scf.for %scan3A_442 = %scan3A_103 to %scan3A_105 step %scan3A_106  : i32 {
        %swap3A = arith.constant 1 : i32
        %swap3A_443 = arith.constant 0 : i32
        %swap3A_444 = tpu.memref_slice %arg5[%swap3A, %scan3A_442, %swap3A_443] : memref<2x200x256xf32, #tpu.memory_space<vmem>> -> memref<1x1x256xf32, #tpu.memory_space<vmem>>
        %swap3A_445 = tpu.memref_squeeze %swap3A_444 : memref<1x1x256xf32, #tpu.memory_space<vmem>> -> memref<256xf32, #tpu.memory_space<vmem>>
        %swap3A_446 = arith.constant 128 : index
        %swap3A_447 = tpu.vector_load %swap3A_445[%swap3A_446] {strides = array<i32>} : memref<256xf32, #tpu.memory_space<vmem>>, vector<16xf32>,
        %swap3A_448 = vector.shape_cast %swap3A_447 : vector<16xf32> to vector<16xf32>
        %swap3A_449 = vector.shape_cast %get3A_53 : vector<16xf32> to vector<16xf32>
        tpu.vector_store %swap3A_445[%swap3A_446], %swap3A_449 {strides = array<i32>} : memref<256xf32, #tpu.memory_space<vmem>>, vector<16xf32>,
        %swap3A_450 = arith.constant 1 : i32
        %swap3A_451 = arith.constant 0 : i32
        %swap3A_452 = tpu.memref_slice %arg5[%swap3A_450, %scan3A_442, %swap3A_451] : memref<2x200x256xf32, #tpu.memory_space<vmem>> -> memref<1x1x256xf32, #tpu.memory_space<vmem>>
        %swap3A_453 = tpu.memref_squeeze %swap3A_452 : memref<1x1x256xf32, #tpu.memory_space<vmem>> -> memref<256xf32, #tpu.memory_space<vmem>>
        %swap3A_454 = arith.constant 144 : index
        %swap3A_455 = tpu.vector_load %swap3A_453[%swap3A_454] {strides = array<i32>} : memref<256xf32, #tpu.memory_space<vmem>>, vector<16xf32>,
        %swap3A_456 = vector.shape_cast %swap3A_455 : vector<16xf32> to vector<16xf32>
        %swap3A_457 = vector.shape_cast %get3A_60 : vector<16xf32> to vector<16xf32>
        tpu.vector_store %swap3A_453[%swap3A_454], %swap3A_457 {strides = array<i32>} : memref<256xf32, #tpu.memory_space<vmem>>, vector<16xf32>,
        %swap3A_458 = arith.constant 1 : i32
        %swap3A_459 = arith.constant 0 : i32
        %swap3A_460 = tpu.memref_slice %arg5[%swap3A_458, %scan3A_442, %swap3A_459] : memref<2x200x256xf32, #tpu.memory_space<vmem>> -> memref<1x1x256xf32, #tpu.memory_space<vmem>>
        %swap3A_461 = tpu.memref_squeeze %swap3A_460 : memref<1x1x256xf32, #tpu.memory_space<vmem>> -> memref<256xf32, #tpu.memory_space<vmem>>
        %swap3A_462 = arith.constant 160 : index
        %swap3A_463 = tpu.vector_load %swap3A_461[%swap3A_462] {strides = array<i32>} : memref<256xf32, #tpu.memory_space<vmem>>, vector<16xf32>,
        %swap3A_464 = vector.shape_cast %swap3A_463 : vector<16xf32> to vector<16xf32>
        %swap3A_465 = vector.shape_cast %get3A_67 : vector<16xf32> to vector<16xf32>
        tpu.vector_store %swap3A_461[%swap3A_462], %swap3A_465 {strides = array<i32>} : memref<256xf32, #tpu.memory_space<vmem>>, vector<16xf32>,
        %swap3A_466 = arith.constant 1 : i32
        %swap3A_467 = arith.constant 0 : i32
        %swap3A_468 = tpu.memref_slice %arg5[%swap3A_466, %scan3A_442, %swap3A_467] : memref<2x200x256xf32, #tpu.memory_space<vmem>> -> memref<1x1x256xf32, #tpu.memory_space<vmem>>
        %swap3A_469 = tpu.memref_squeeze %swap3A_468 : memref<1x1x256xf32, #tpu.memory_space<vmem>> -> memref<256xf32, #tpu.memory_space<vmem>>
        %swap3A_470 = arith.constant 176 : index
        %swap3A_471 = tpu.vector_load %swap3A_469[%swap3A_470] {strides = array<i32>} : memref<256xf32, #tpu.memory_space<vmem>>, vector<16xf32>,
        %swap3A_472 = vector.shape_cast %swap3A_471 : vector<16xf32> to vector<16xf32>
        %swap3A_473 = vector.shape_cast %get3A_74 : vector<16xf32> to vector<16xf32>
        tpu.vector_store %swap3A_469[%swap3A_470], %swap3A_473 {strides = array<i32>} : memref<256xf32, #tpu.memory_space<vmem>>, vector<16xf32>,
        %swap3A_474 = arith.constant 1 : i32
        %swap3A_475 = arith.constant 0 : i32
        %swap3A_476 = tpu.memref_slice %arg5[%swap3A_474, %scan3A_442, %swap3A_475] : memref<2x200x256xf32, #tpu.memory_space<vmem>> -> memref<1x1x256xf32, #tpu.memory_space<vmem>>
        %swap3A_477 = tpu.memref_squeeze %swap3A_476 : memref<1x1x256xf32, #tpu.memory_space<vmem>> -> memref<256xf32, #tpu.memory_space<vmem>>
        %swap3A_478 = arith.constant 192 : index
        %swap3A_479 = tpu.vector_load %swap3A_477[%swap3A_478] {strides = array<i32>} : memref<256xf32, #tpu.memory_space<vmem>>, vector<16xf32>,
        %swap3A_480 = vector.shape_cast %swap3A_479 : vector<16xf32> to vector<16xf32>
        %swap3A_481 = vector.shape_cast %get3A_81 : vector<16xf32> to vector<16xf32>
        tpu.vector_store %swap3A_477[%swap3A_478], %swap3A_481 {strides = array<i32>} : memref<256xf32, #tpu.memory_space<vmem>>, vector<16xf32>,
        %swap3A_482 = arith.constant 1 : i32
        %swap3A_483 = arith.constant 0 : i32
        %swap3A_484 = tpu.memref_slice %arg5[%swap3A_482, %scan3A_442, %swap3A_483] : memref<2x200x256xf32, #tpu.memory_space<vmem>> -> memref<1x1x256xf32, #tpu.memory_space<vmem>>
        %swap3A_485 = tpu.memref_squeeze %swap3A_484 : memref<1x1x256xf32, #tpu.memory_space<vmem>> -> memref<256xf32, #tpu.memory_space<vmem>>
        %swap3A_486 = arith.constant 208 : index
        %swap3A_487 = tpu.vector_load %swap3A_485[%swap3A_486] {strides = array<i32>} : memref<256xf32, #tpu.memory_space<vmem>>, vector<16xf32>,
        %swap3A_488 = vector.shape_cast %swap3A_487 : vector<16xf32> to vector<16xf32>
        %swap3A_489 = vector.shape_cast %get3A_88 : vector<16xf32> to vector<16xf32>
        tpu.vector_store %swap3A_485[%swap3A_486], %swap3A_489 {strides = array<i32>} : memref<256xf32, #tpu.memory_space<vmem>>, vector<16xf32>,
        %swap3A_490 = arith.constant 1 : i32
        %swap3A_491 = arith.constant 0 : i32
        %swap3A_492 = tpu.memref_slice %arg5[%swap3A_490, %scan3A_442, %swap3A_491] : memref<2x200x256xf32, #tpu.memory_space<vmem>> -> memref<1x1x256xf32, #tpu.memory_space<vmem>>
        %swap3A_493 = tpu.memref_squeeze %swap3A_492 : memref<1x1x256xf32, #tpu.memory_space<vmem>> -> memref<256xf32, #tpu.memory_space<vmem>>
        %swap3A_494 = arith.constant 224 : index
        %swap3A_495 = tpu.vector_load %swap3A_493[%swap3A_494] {strides = array<i32>} : memref<256xf32, #tpu.memory_space<vmem>>, vector<16xf32>,
        %swap3A_496 = vector.shape_cast %swap3A_495 : vector<16xf32> to vector<16xf32>
        %swap3A_497 = vector.shape_cast %get3A_95 : vector<16xf32> to vector<16xf32>
        tpu.vector_store %swap3A_493[%swap3A_494], %swap3A_497 {strides = array<i32>} : memref<256xf32, #tpu.memory_space<vmem>>, vector<16xf32>,
        %swap3A_498 = arith.constant 1 : i32
        %swap3A_499 = arith.constant 0 : i32
        %swap3A_500 = tpu.memref_slice %arg5[%swap3A_498, %scan3A_442, %swap3A_499] : memref<2x200x256xf32, #tpu.memory_space<vmem>> -> memref<1x1x256xf32, #tpu.memory_space<vmem>>
        %swap3A_501 = tpu.memref_squeeze %swap3A_500 : memref<1x1x256xf32, #tpu.memory_space<vmem>> -> memref<256xf32, #tpu.memory_space<vmem>>
        %swap3A_502 = arith.constant 240 : index
        %swap3A_503 = tpu.vector_load %swap3A_501[%swap3A_502] {strides = array<i32>} : memref<256xf32, #tpu.memory_space<vmem>>, vector<16xf32>,
        %swap3A_504 = vector.shape_cast %swap3A_503 : vector<16xf32> to vector<16xf32>
        %swap3A_505 = vector.shape_cast %get3A_102 : vector<16xf32> to vector<16xf32>
        tpu.vector_store %swap3A_501[%swap3A_502], %swap3A_505 {strides = array<i32>} : memref<256xf32, #tpu.memory_space<vmem>>, vector<16xf32>,
      }
      %scan3A_107 = arith.constant 200 : i32
      %dma_start3A = arith.constant 1 : i32
      %dma_start3A_108 = arith.constant 0 : i32
      %dma_start3A_109 = arith.constant 1 : i32
      %dma_start3A_110 = arith.constant 0 : i32
      %dma_start3A_111 = arith.constant 0 : i32
      %dma_start3A_112 = tpu.memref_slice %arg5[%dma_start3A, %dma_start3A_110, %dma_start3A_111] : memref<2x200x256xf32, #tpu.memory_space<vmem>> -> memref<1x200x256xf32, #tpu.memory_space<vmem>>
      %dma_start3A_113 = tpu.memref_squeeze %dma_start3A_112 : memref<1x200x256xf32, #tpu.memory_space<vmem>> -> memref<200x256xf32, #tpu.memory_space<vmem>>
      %dma_start3A_114 = arith.constant 0 : i32
      %dma_start3A_115 = arith.constant 0 : i32
      %dma_start3A_116 = tpu.memref_slice %arg4[%dma_start3A_108, %add3A_35, %dma_start3A_114, %dma_start3A_115] : memref<8x200x200x256xf32, #tpu.memory_space<hbm>> -> memref<1x1x200x256xf32, #tpu.memory_space<hbm>>
      %dma_start3A_117 = tpu.memref_squeeze %dma_start3A_116 : memref<1x1x200x256xf32, #tpu.memory_space<hbm>> -> memref<200x256xf32, #tpu.memory_space<hbm>>
      %dma_start3A_118 = tpu.memref_slice %arg7[%dma_start3A_109] : memref<2x!tpu.dma_semaphore, #tpu.memory_space<semaphore_mem>> -> memref<1x!tpu.dma_semaphore, #tpu.memory_space<semaphore_mem>>
      %dma_start3A_119 = tpu.memref_squeeze %dma_start3A_118 : memref<1x!tpu.dma_semaphore, #tpu.memory_space<semaphore_mem>> -> memref<!tpu.dma_semaphore, #tpu.memory_space<semaphore_mem>>
      %dma_start3A_120 = arith.constant 0 : i32
      %dma_start3A_121 = arith.constant 0 : i32
      %dma_start3A_122 = tpu.memref_slice %arg4[%dma_start3A_108, %add3A_35, %dma_start3A_120, %dma_start3A_121] : memref<8x200x200x256xf32, #tpu.memory_space<hbm>> -> memref<1x1x200x256xf32, #tpu.memory_space<hbm>>
      %dma_start3A_123 = tpu.memref_squeeze %dma_start3A_122 : memref<1x1x200x256xf32, #tpu.memory_space<hbm>> -> memref<200x256xf32, #tpu.memory_space<hbm>>
      %dma_start3A_124 = arith.constant 0 : i32
      %dma_start3A_125 = arith.constant 0 : i32
      %dma_start3A_126 = tpu.memref_slice %arg5[%dma_start3A, %dma_start3A_124, %dma_start3A_125] : memref<2x200x256xf32, #tpu.memory_space<vmem>> -> memref<1x200x256xf32, #tpu.memory_space<vmem>>
      %dma_start3A_127 = tpu.memref_squeeze %dma_start3A_126 : memref<1x200x256xf32, #tpu.memory_space<vmem>> -> memref<200x256xf32, #tpu.memory_space<vmem>>
      tpu.enqueue_dma source(%dma_start3A_127 : memref<200x256xf32, #tpu.memory_space<vmem>>) target(%dma_start3A_123 : memref<200x256xf32, #tpu.memory_space<hbm>>) target_semaphore(%dma_start3A_119 : memref<!tpu.dma_semaphore, #tpu.memory_space<semaphore_mem>>)
      %dma_start3A_128 = arith.constant 1 : i32
      %dma_start3A_129 = arith.constant 1 : i32
      %dma_start3A_130 = arith.constant 1 : i32
      %dma_start3A_131 = arith.constant 0 : i32
      %dma_start3A_132 = arith.constant 0 : i32
      %dma_start3A_133 = tpu.memref_slice %arg5[%dma_start3A_128, %dma_start3A_131, %dma_start3A_132] : memref<2x200x256xf32, #tpu.memory_space<vmem>> -> memref<1x200x256xf32, #tpu.memory_space<vmem>>
      %dma_start3A_134 = tpu.memref_squeeze %dma_start3A_133 : memref<1x200x256xf32, #tpu.memory_space<vmem>> -> memref<200x256xf32, #tpu.memory_space<vmem>>
      %dma_start3A_135 = arith.constant 0 : i32
      %dma_start3A_136 = arith.constant 0 : i32
      %dma_start3A_137 = tpu.memref_slice %arg4[%dma_start3A_129, %add3A_35, %dma_start3A_135, %dma_start3A_136] : memref<8x200x200x256xf32, #tpu.memory_space<hbm>> -> memref<1x1x200x256xf32, #tpu.memory_space<hbm>>
      %dma_start3A_138 = tpu.memref_squeeze %dma_start3A_137 : memref<1x1x200x256xf32, #tpu.memory_space<hbm>> -> memref<200x256xf32, #tpu.memory_space<hbm>>
      %dma_start3A_139 = tpu.memref_slice %arg7[%dma_start3A_130] : memref<2x!tpu.dma_semaphore, #tpu.memory_space<semaphore_mem>> -> memref<1x!tpu.dma_semaphore, #tpu.memory_space<semaphore_mem>>
      %dma_start3A_140 = tpu.memref_squeeze %dma_start3A_139 : memref<1x!tpu.dma_semaphore, #tpu.memory_space<semaphore_mem>> -> memref<!tpu.dma_semaphore, #tpu.memory_space<semaphore_mem>>
      %dma_start3A_141 = arith.constant 0 : i32
      %dma_start3A_142 = arith.constant 0 : i32
      %dma_start3A_143 = tpu.memref_slice %arg4[%dma_start3A_129, %add3A_35, %dma_start3A_141, %dma_start3A_142] : memref<8x200x200x256xf32, #tpu.memory_space<hbm>> -> memref<1x1x200x256xf32, #tpu.memory_space<hbm>>
      %dma_start3A_144 = tpu.memref_squeeze %dma_start3A_143 : memref<1x1x200x256xf32, #tpu.memory_space<hbm>> -> memref<200x256xf32, #tpu.memory_space<hbm>>
      %dma_start3A_145 = arith.constant 0 : i32
      %dma_start3A_146 = arith.constant 0 : i32
      %dma_start3A_147 = tpu.memref_slice %arg5[%dma_start3A_128, %dma_start3A_145, %dma_start3A_146] : memref<2x200x256xf32, #tpu.memory_space<vmem>> -> memref<1x200x256xf32, #tpu.memory_space<vmem>>
      %dma_start3A_148 = tpu.memref_squeeze %dma_start3A_147 : memref<1x200x256xf32, #tpu.memory_space<vmem>> -> memref<200x256xf32, #tpu.memory_space<vmem>>
      tpu.enqueue_dma source(%dma_start3A_148 : memref<200x256xf32, #tpu.memory_space<vmem>>) target(%dma_start3A_144 : memref<200x256xf32, #tpu.memory_space<hbm>>) target_semaphore(%dma_start3A_140 : memref<!tpu.dma_semaphore, #tpu.memory_space<semaphore_mem>>)
      %dma_start3A_149 = arith.constant 1 : i32
      %dma_start3A_150 = arith.constant 2 : i32
      %dma_start3A_151 = arith.constant 1 : i32
      %dma_start3A_152 = arith.constant 0 : i32
      %dma_start3A_153 = arith.constant 0 : i32
      %dma_start3A_154 = tpu.memref_slice %arg5[%dma_start3A_149, %dma_start3A_152, %dma_start3A_153] : memref<2x200x256xf32, #tpu.memory_space<vmem>> -> memref<1x200x256xf32, #tpu.memory_space<vmem>>
      %dma_start3A_155 = tpu.memref_squeeze %dma_start3A_154 : memref<1x200x256xf32, #tpu.memory_space<vmem>> -> memref<200x256xf32, #tpu.memory_space<vmem>>
      %dma_start3A_156 = arith.constant 0 : i32
      %dma_start3A_157 = arith.constant 0 : i32
      %dma_start3A_158 = tpu.memref_slice %arg4[%dma_start3A_150, %add3A_35, %dma_start3A_156, %dma_start3A_157] : memref<8x200x200x256xf32, #tpu.memory_space<hbm>> -> memref<1x1x200x256xf32, #tpu.memory_space<hbm>>
      %dma_start3A_159 = tpu.memref_squeeze %dma_start3A_158 : memref<1x1x200x256xf32, #tpu.memory_space<hbm>> -> memref<200x256xf32, #tpu.memory_space<hbm>>
      %dma_start3A_160 = tpu.memref_slice %arg7[%dma_start3A_151] : memref<2x!tpu.dma_semaphore, #tpu.memory_space<semaphore_mem>> -> memref<1x!tpu.dma_semaphore, #tpu.memory_space<semaphore_mem>>
      %dma_start3A_161 = tpu.memref_squeeze %dma_start3A_160 : memref<1x!tpu.dma_semaphore, #tpu.memory_space<semaphore_mem>> -> memref<!tpu.dma_semaphore, #tpu.memory_space<semaphore_mem>>
      %dma_start3A_162 = arith.constant 0 : i32
      %dma_start3A_163 = arith.constant 0 : i32
      %dma_start3A_164 = tpu.memref_slice %arg4[%dma_start3A_150, %add3A_35, %dma_start3A_162, %dma_start3A_163] : memref<8x200x200x256xf32, #tpu.memory_space<hbm>> -> memref<1x1x200x256xf32, #tpu.memory_space<hbm>>
      %dma_start3A_165 = tpu.memref_squeeze %dma_start3A_164 : memref<1x1x200x256xf32, #tpu.memory_space<hbm>> -> memref<200x256xf32, #tpu.memory_space<hbm>>
      %dma_start3A_166 = arith.constant 0 : i32
      %dma_start3A_167 = arith.constant 0 : i32
      %dma_start3A_168 = tpu.memref_slice %arg5[%dma_start3A_149, %dma_start3A_166, %dma_start3A_167] : memref<2x200x256xf32, #tpu.memory_space<vmem>> -> memref<1x200x256xf32, #tpu.memory_space<vmem>>
      %dma_start3A_169 = tpu.memref_squeeze %dma_start3A_168 : memref<1x200x256xf32, #tpu.memory_space<vmem>> -> memref<200x256xf32, #tpu.memory_space<vmem>>
      tpu.enqueue_dma source(%dma_start3A_169 : memref<200x256xf32, #tpu.memory_space<vmem>>) target(%dma_start3A_165 : memref<200x256xf32, #tpu.memory_space<hbm>>) target_semaphore(%dma_start3A_161 : memref<!tpu.dma_semaphore, #tpu.memory_space<semaphore_mem>>)
      %dma_start3A_170 = arith.constant 1 : i32
      %dma_start3A_171 = arith.constant 3 : i32
      %dma_start3A_172 = arith.constant 1 : i32
      %dma_start3A_173 = arith.constant 0 : i32
      %dma_start3A_174 = arith.constant 0 : i32
      %dma_start3A_175 = tpu.memref_slice %arg5[%dma_start3A_170, %dma_start3A_173, %dma_start3A_174] : memref<2x200x256xf32, #tpu.memory_space<vmem>> -> memref<1x200x256xf32, #tpu.memory_space<vmem>>
      %dma_start3A_176 = tpu.memref_squeeze %dma_start3A_175 : memref<1x200x256xf32, #tpu.memory_space<vmem>> -> memref<200x256xf32, #tpu.memory_space<vmem>>
      %dma_start3A_177 = arith.constant 0 : i32
      %dma_start3A_178 = arith.constant 0 : i32
      %dma_start3A_179 = tpu.memref_slice %arg4[%dma_start3A_171, %add3A_35, %dma_start3A_177, %dma_start3A_178] : memref<8x200x200x256xf32, #tpu.memory_space<hbm>> -> memref<1x1x200x256xf32, #tpu.memory_space<hbm>>
      %dma_start3A_180 = tpu.memref_squeeze %dma_start3A_179 : memref<1x1x200x256xf32, #tpu.memory_space<hbm>> -> memref<200x256xf32, #tpu.memory_space<hbm>>
      %dma_start3A_181 = tpu.memref_slice %arg7[%dma_start3A_172] : memref<2x!tpu.dma_semaphore, #tpu.memory_space<semaphore_mem>> -> memref<1x!tpu.dma_semaphore, #tpu.memory_space<semaphore_mem>>
      %dma_start3A_182 = tpu.memref_squeeze %dma_start3A_181 : memref<1x!tpu.dma_semaphore, #tpu.memory_space<semaphore_mem>> -> memref<!tpu.dma_semaphore, #tpu.memory_space<semaphore_mem>>
      %dma_start3A_183 = arith.constant 0 : i32
      %dma_start3A_184 = arith.constant 0 : i32
      %dma_start3A_185 = tpu.memref_slice %arg4[%dma_start3A_171, %add3A_35, %dma_start3A_183, %dma_start3A_184] : memref<8x200x200x256xf32, #tpu.memory_space<hbm>> -> memref<1x1x200x256xf32, #tpu.memory_space<hbm>>
      %dma_start3A_186 = tpu.memref_squeeze %dma_start3A_185 : memref<1x1x200x256xf32, #tpu.memory_space<hbm>> -> memref<200x256xf32, #tpu.memory_space<hbm>>
      %dma_start3A_187 = arith.constant 0 : i32
      %dma_start3A_188 = arith.constant 0 : i32
      %dma_start3A_189 = tpu.memref_slice %arg5[%dma_start3A_170, %dma_start3A_187, %dma_start3A_188] : memref<2x200x256xf32, #tpu.memory_space<vmem>> -> memref<1x200x256xf32, #tpu.memory_space<vmem>>
      %dma_start3A_190 = tpu.memref_squeeze %dma_start3A_189 : memref<1x200x256xf32, #tpu.memory_space<vmem>> -> memref<200x256xf32, #tpu.memory_space<vmem>>
      tpu.enqueue_dma source(%dma_start3A_190 : memref<200x256xf32, #tpu.memory_space<vmem>>) target(%dma_start3A_186 : memref<200x256xf32, #tpu.memory_space<hbm>>) target_semaphore(%dma_start3A_182 : memref<!tpu.dma_semaphore, #tpu.memory_space<semaphore_mem>>)
      %dma_start3A_191 = arith.constant 1 : i32
      %dma_start3A_192 = arith.constant 4 : i32
      %dma_start3A_193 = arith.constant 1 : i32
      %dma_start3A_194 = arith.constant 0 : i32
      %dma_start3A_195 = arith.constant 0 : i32
      %dma_start3A_196 = tpu.memref_slice %arg5[%dma_start3A_191, %dma_start3A_194, %dma_start3A_195] : memref<2x200x256xf32, #tpu.memory_space<vmem>> -> memref<1x200x256xf32, #tpu.memory_space<vmem>>
      %dma_start3A_197 = tpu.memref_squeeze %dma_start3A_196 : memref<1x200x256xf32, #tpu.memory_space<vmem>> -> memref<200x256xf32, #tpu.memory_space<vmem>>
      %dma_start3A_198 = arith.constant 0 : i32
      %dma_start3A_199 = arith.constant 0 : i32
      %dma_start3A_200 = tpu.memref_slice %arg4[%dma_start3A_192, %add3A_35, %dma_start3A_198, %dma_start3A_199] : memref<8x200x200x256xf32, #tpu.memory_space<hbm>> -> memref<1x1x200x256xf32, #tpu.memory_space<hbm>>
      %dma_start3A_201 = tpu.memref_squeeze %dma_start3A_200 : memref<1x1x200x256xf32, #tpu.memory_space<hbm>> -> memref<200x256xf32, #tpu.memory_space<hbm>>
      %dma_start3A_202 = tpu.memref_slice %arg7[%dma_start3A_193] : memref<2x!tpu.dma_semaphore, #tpu.memory_space<semaphore_mem>> -> memref<1x!tpu.dma_semaphore, #tpu.memory_space<semaphore_mem>>
      %dma_start3A_203 = tpu.memref_squeeze %dma_start3A_202 : memref<1x!tpu.dma_semaphore, #tpu.memory_space<semaphore_mem>> -> memref<!tpu.dma_semaphore, #tpu.memory_space<semaphore_mem>>
      %dma_start3A_204 = arith.constant 0 : i32
      %dma_start3A_205 = arith.constant 0 : i32
      %dma_start3A_206 = tpu.memref_slice %arg4[%dma_start3A_192, %add3A_35, %dma_start3A_204, %dma_start3A_205] : memref<8x200x200x256xf32, #tpu.memory_space<hbm>> -> memref<1x1x200x256xf32, #tpu.memory_space<hbm>>
      %dma_start3A_207 = tpu.memref_squeeze %dma_start3A_206 : memref<1x1x200x256xf32, #tpu.memory_space<hbm>> -> memref<200x256xf32, #tpu.memory_space<hbm>>
      %dma_start3A_208 = arith.constant 0 : i32
      %dma_start3A_209 = arith.constant 0 : i32
      %dma_start3A_210 = tpu.memref_slice %arg5[%dma_start3A_191, %dma_start3A_208, %dma_start3A_209] : memref<2x200x256xf32, #tpu.memory_space<vmem>> -> memref<1x200x256xf32, #tpu.memory_space<vmem>>
      %dma_start3A_211 = tpu.memref_squeeze %dma_start3A_210 : memref<1x200x256xf32, #tpu.memory_space<vmem>> -> memref<200x256xf32, #tpu.memory_space<vmem>>
      tpu.enqueue_dma source(%dma_start3A_211 : memref<200x256xf32, #tpu.memory_space<vmem>>) target(%dma_start3A_207 : memref<200x256xf32, #tpu.memory_space<hbm>>) target_semaphore(%dma_start3A_203 : memref<!tpu.dma_semaphore, #tpu.memory_space<semaphore_mem>>)
      %dma_start3A_212 = arith.constant 1 : i32
      %dma_start3A_213 = arith.constant 5 : i32
      %dma_start3A_214 = arith.constant 1 : i32
      %dma_start3A_215 = arith.constant 0 : i32
      %dma_start3A_216 = arith.constant 0 : i32
      %dma_start3A_217 = tpu.memref_slice %arg5[%dma_start3A_212, %dma_start3A_215, %dma_start3A_216] : memref<2x200x256xf32, #tpu.memory_space<vmem>> -> memref<1x200x256xf32, #tpu.memory_space<vmem>>
      %dma_start3A_218 = tpu.memref_squeeze %dma_start3A_217 : memref<1x200x256xf32, #tpu.memory_space<vmem>> -> memref<200x256xf32, #tpu.memory_space<vmem>>
      %dma_start3A_219 = arith.constant 0 : i32
      %dma_start3A_220 = arith.constant 0 : i32
      %dma_start3A_221 = tpu.memref_slice %arg4[%dma_start3A_213, %add3A_35, %dma_start3A_219, %dma_start3A_220] : memref<8x200x200x256xf32, #tpu.memory_space<hbm>> -> memref<1x1x200x256xf32, #tpu.memory_space<hbm>>
      %dma_start3A_222 = tpu.memref_squeeze %dma_start3A_221 : memref<1x1x200x256xf32, #tpu.memory_space<hbm>> -> memref<200x256xf32, #tpu.memory_space<hbm>>
      %dma_start3A_223 = tpu.memref_slice %arg7[%dma_start3A_214] : memref<2x!tpu.dma_semaphore, #tpu.memory_space<semaphore_mem>> -> memref<1x!tpu.dma_semaphore, #tpu.memory_space<semaphore_mem>>
      %dma_start3A_224 = tpu.memref_squeeze %dma_start3A_223 : memref<1x!tpu.dma_semaphore, #tpu.memory_space<semaphore_mem>> -> memref<!tpu.dma_semaphore, #tpu.memory_space<semaphore_mem>>
      %dma_start3A_225 = arith.constant 0 : i32
      %dma_start3A_226 = arith.constant 0 : i32
      %dma_start3A_227 = tpu.memref_slice %arg4[%dma_start3A_213, %add3A_35, %dma_start3A_225, %dma_start3A_226] : memref<8x200x200x256xf32, #tpu.memory_space<hbm>> -> memref<1x1x200x256xf32, #tpu.memory_space<hbm>>
      %dma_start3A_228 = tpu.memref_squeeze %dma_start3A_227 : memref<1x1x200x256xf32, #tpu.memory_space<hbm>> -> memref<200x256xf32, #tpu.memory_space<hbm>>
      %dma_start3A_229 = arith.constant 0 : i32
      %dma_start3A_230 = arith.constant 0 : i32
      %dma_start3A_231 = tpu.memref_slice %arg5[%dma_start3A_212, %dma_start3A_229, %dma_start3A_230] : memref<2x200x256xf32, #tpu.memory_space<vmem>> -> memref<1x200x256xf32, #tpu.memory_space<vmem>>
      %dma_start3A_232 = tpu.memref_squeeze %dma_start3A_231 : memref<1x200x256xf32, #tpu.memory_space<vmem>> -> memref<200x256xf32, #tpu.memory_space<vmem>>
      tpu.enqueue_dma source(%dma_start3A_232 : memref<200x256xf32, #tpu.memory_space<vmem>>) target(%dma_start3A_228 : memref<200x256xf32, #tpu.memory_space<hbm>>) target_semaphore(%dma_start3A_224 : memref<!tpu.dma_semaphore, #tpu.memory_space<semaphore_mem>>)
      %dma_start3A_233 = arith.constant 1 : i32
      %dma_start3A_234 = arith.constant 6 : i32
      %dma_start3A_235 = arith.constant 1 : i32
      %dma_start3A_236 = arith.constant 0 : i32
      %dma_start3A_237 = arith.constant 0 : i32
      %dma_start3A_238 = tpu.memref_slice %arg5[%dma_start3A_233, %dma_start3A_236, %dma_start3A_237] : memref<2x200x256xf32, #tpu.memory_space<vmem>> -> memref<1x200x256xf32, #tpu.memory_space<vmem>>
      %dma_start3A_239 = tpu.memref_squeeze %dma_start3A_238 : memref<1x200x256xf32, #tpu.memory_space<vmem>> -> memref<200x256xf32, #tpu.memory_space<vmem>>
      %dma_start3A_240 = arith.constant 0 : i32
      %dma_start3A_241 = arith.constant 0 : i32
      %dma_start3A_242 = tpu.memref_slice %arg4[%dma_start3A_234, %add3A_35, %dma_start3A_240, %dma_start3A_241] : memref<8x200x200x256xf32, #tpu.memory_space<hbm>> -> memref<1x1x200x256xf32, #tpu.memory_space<hbm>>
      %dma_start3A_243 = tpu.memref_squeeze %dma_start3A_242 : memref<1x1x200x256xf32, #tpu.memory_space<hbm>> -> memref<200x256xf32, #tpu.memory_space<hbm>>
      %dma_start3A_244 = tpu.memref_slice %arg7[%dma_start3A_235] : memref<2x!tpu.dma_semaphore, #tpu.memory_space<semaphore_mem>> -> memref<1x!tpu.dma_semaphore, #tpu.memory_space<semaphore_mem>>
      %dma_start3A_245 = tpu.memref_squeeze %dma_start3A_244 : memref<1x!tpu.dma_semaphore, #tpu.memory_space<semaphore_mem>> -> memref<!tpu.dma_semaphore, #tpu.memory_space<semaphore_mem>>
      %dma_start3A_246 = arith.constant 0 : i32
      %dma_start3A_247 = arith.constant 0 : i32
      %dma_start3A_248 = tpu.memref_slice %arg4[%dma_start3A_234, %add3A_35, %dma_start3A_246, %dma_start3A_247] : memref<8x200x200x256xf32, #tpu.memory_space<hbm>> -> memref<1x1x200x256xf32, #tpu.memory_space<hbm>>
      %dma_start3A_249 = tpu.memref_squeeze %dma_start3A_248 : memref<1x1x200x256xf32, #tpu.memory_space<hbm>> -> memref<200x256xf32, #tpu.memory_space<hbm>>
      %dma_start3A_250 = arith.constant 0 : i32
      %dma_start3A_251 = arith.constant 0 : i32
      %dma_start3A_252 = tpu.memref_slice %arg5[%dma_start3A_233, %dma_start3A_250, %dma_start3A_251] : memref<2x200x256xf32, #tpu.memory_space<vmem>> -> memref<1x200x256xf32, #tpu.memory_space<vmem>>
      %dma_start3A_253 = tpu.memref_squeeze %dma_start3A_252 : memref<1x200x256xf32, #tpu.memory_space<vmem>> -> memref<200x256xf32, #tpu.memory_space<vmem>>
      tpu.enqueue_dma source(%dma_start3A_253 : memref<200x256xf32, #tpu.memory_space<vmem>>) target(%dma_start3A_249 : memref<200x256xf32, #tpu.memory_space<hbm>>) target_semaphore(%dma_start3A_245 : memref<!tpu.dma_semaphore, #tpu.memory_space<semaphore_mem>>)
      %dma_start3A_254 = arith.constant 1 : i32
      %dma_start3A_255 = arith.constant 7 : i32
      %dma_start3A_256 = arith.constant 1 : i32
      %dma_start3A_257 = arith.constant 0 : i32
      %dma_start3A_258 = arith.constant 0 : i32
      %dma_start3A_259 = tpu.memref_slice %arg5[%dma_start3A_254, %dma_start3A_257, %dma_start3A_258] : memref<2x200x256xf32, #tpu.memory_space<vmem>> -> memref<1x200x256xf32, #tpu.memory_space<vmem>>
      %dma_start3A_260 = tpu.memref_squeeze %dma_start3A_259 : memref<1x200x256xf32, #tpu.memory_space<vmem>> -> memref<200x256xf32, #tpu.memory_space<vmem>>
      %dma_start3A_261 = arith.constant 0 : i32
      %dma_start3A_262 = arith.constant 0 : i32
      %dma_start3A_263 = tpu.memref_slice %arg4[%dma_start3A_255, %add3A_35, %dma_start3A_261, %dma_start3A_262] : memref<8x200x200x256xf32, #tpu.memory_space<hbm>> -> memref<1x1x200x256xf32, #tpu.memory_space<hbm>>
      %dma_start3A_264 = tpu.memref_squeeze %dma_start3A_263 : memref<1x1x200x256xf32, #tpu.memory_space<hbm>> -> memref<200x256xf32, #tpu.memory_space<hbm>>
      %dma_start3A_265 = tpu.memref_slice %arg7[%dma_start3A_256] : memref<2x!tpu.dma_semaphore, #tpu.memory_space<semaphore_mem>> -> memref<1x!tpu.dma_semaphore, #tpu.memory_space<semaphore_mem>>
      %dma_start3A_266 = tpu.memref_squeeze %dma_start3A_265 : memref<1x!tpu.dma_semaphore, #tpu.memory_space<semaphore_mem>> -> memref<!tpu.dma_semaphore, #tpu.memory_space<semaphore_mem>>
      %dma_start3A_267 = arith.constant 0 : i32
      %dma_start3A_268 = arith.constant 0 : i32
      %dma_start3A_269 = tpu.memref_slice %arg4[%dma_start3A_255, %add3A_35, %dma_start3A_267, %dma_start3A_268] : memref<8x200x200x256xf32, #tpu.memory_space<hbm>> -> memref<1x1x200x256xf32, #tpu.memory_space<hbm>>
      %dma_start3A_270 = tpu.memref_squeeze %dma_start3A_269 : memref<1x1x200x256xf32, #tpu.memory_space<hbm>> -> memref<200x256xf32, #tpu.memory_space<hbm>>
      %dma_start3A_271 = arith.constant 0 : i32
      %dma_start3A_272 = arith.constant 0 : i32
      %dma_start3A_273 = tpu.memref_slice %arg5[%dma_start3A_254, %dma_start3A_271, %dma_start3A_272] : memref<2x200x256xf32, #tpu.memory_space<vmem>> -> memref<1x200x256xf32, #tpu.memory_space<vmem>>
      %dma_start3A_274 = tpu.memref_squeeze %dma_start3A_273 : memref<1x200x256xf32, #tpu.memory_space<vmem>> -> memref<200x256xf32, #tpu.memory_space<vmem>>
      tpu.enqueue_dma source(%dma_start3A_274 : memref<200x256xf32, #tpu.memory_space<vmem>>) target(%dma_start3A_270 : memref<200x256xf32, #tpu.memory_space<hbm>>) target_semaphore(%dma_start3A_266 : memref<!tpu.dma_semaphore, #tpu.memory_space<semaphore_mem>>)
      %dma_wait3A = arith.constant 1 : i32
      %dma_wait3A_275 = arith.constant 0 : i32
      %dma_wait3A_276 = arith.constant 1 : i32
      %dma_wait3A_277 = arith.constant 0 : i32
      %dma_wait3A_278 = arith.constant 0 : i32
      %dma_wait3A_279 = tpu.memref_slice %arg5[%dma_wait3A, %dma_wait3A_277, %dma_wait3A_278] : memref<2x200x256xf32, #tpu.memory_space<vmem>> -> memref<1x200x256xf32, #tpu.memory_space<vmem>>
      %dma_wait3A_280 = tpu.memref_squeeze %dma_wait3A_279 : memref<1x200x256xf32, #tpu.memory_space<vmem>> -> memref<200x256xf32, #tpu.memory_space<vmem>>
      %dma_wait3A_281 = arith.constant 0 : i32
      %dma_wait3A_282 = arith.constant 0 : i32
      %dma_wait3A_283 = tpu.memref_slice %arg4[%dma_wait3A_275, %add3A_35, %dma_wait3A_281, %dma_wait3A_282] : memref<8x200x200x256xf32, #tpu.memory_space<hbm>> -> memref<1x1x200x256xf32, #tpu.memory_space<hbm>>
      %dma_wait3A_284 = tpu.memref_squeeze %dma_wait3A_283 : memref<1x1x200x256xf32, #tpu.memory_space<hbm>> -> memref<200x256xf32, #tpu.memory_space<hbm>>
      %dma_wait3A_285 = tpu.memref_slice %arg7[%dma_wait3A_276] : memref<2x!tpu.dma_semaphore, #tpu.memory_space<semaphore_mem>> -> memref<1x!tpu.dma_semaphore, #tpu.memory_space<semaphore_mem>>
      %dma_wait3A_286 = tpu.memref_squeeze %dma_wait3A_285 : memref<1x!tpu.dma_semaphore, #tpu.memory_space<semaphore_mem>> -> memref<!tpu.dma_semaphore, #tpu.memory_space<semaphore_mem>>
      %dma_wait3A_287 = arith.constant 0 : i32
      %dma_wait3A_288 = arith.constant 0 : i32
      %dma_wait3A_289 = tpu.memref_slice %arg4[%dma_wait3A_275, %add3A_35, %dma_wait3A_287, %dma_wait3A_288] : memref<8x200x200x256xf32, #tpu.memory_space<hbm>> -> memref<1x1x200x256xf32, #tpu.memory_space<hbm>>
      %dma_wait3A_290 = tpu.memref_squeeze %dma_wait3A_289 : memref<1x1x200x256xf32, #tpu.memory_space<hbm>> -> memref<200x256xf32, #tpu.memory_space<hbm>>
      %dma_wait3A_291 = arith.constant 0 : i32
      %dma_wait3A_292 = arith.constant 0 : i32
      %dma_wait3A_293 = tpu.memref_slice %arg5[%dma_wait3A, %dma_wait3A_291, %dma_wait3A_292] : memref<2x200x256xf32, #tpu.memory_space<vmem>> -> memref<1x200x256xf32, #tpu.memory_space<vmem>>
      %dma_wait3A_294 = tpu.memref_squeeze %dma_wait3A_293 : memref<1x200x256xf32, #tpu.memory_space<vmem>> -> memref<200x256xf32, #tpu.memory_space<vmem>>
      tpu.wait_dma2 semaphore(%dma_wait3A_286 : memref<!tpu.dma_semaphore, #tpu.memory_space<semaphore_mem>>) src(%dma_wait3A_294 : memref<200x256xf32, #tpu.memory_space<vmem>>) dst(%dma_wait3A_290 : memref<200x256xf32, #tpu.memory_space<hbm>>)
      %dma_wait3A_295 = arith.constant 1 : i32
      %dma_wait3A_296 = arith.constant 1 : i32
      %dma_wait3A_297 = arith.constant 1 : i32
      %dma_wait3A_298 = arith.constant 0 : i32
      %dma_wait3A_299 = arith.constant 0 : i32
      %dma_wait3A_300 = tpu.memref_slice %arg5[%dma_wait3A_295, %dma_wait3A_298, %dma_wait3A_299] : memref<2x200x256xf32, #tpu.memory_space<vmem>> -> memref<1x200x256xf32, #tpu.memory_space<vmem>>
      %dma_wait3A_301 = tpu.memref_squeeze %dma_wait3A_300 : memref<1x200x256xf32, #tpu.memory_space<vmem>> -> memref<200x256xf32, #tpu.memory_space<vmem>>
      %dma_wait3A_302 = arith.constant 0 : i32
      %dma_wait3A_303 = arith.constant 0 : i32
      %dma_wait3A_304 = tpu.memref_slice %arg4[%dma_wait3A_296, %add3A_35, %dma_wait3A_302, %dma_wait3A_303] : memref<8x200x200x256xf32, #tpu.memory_space<hbm>> -> memref<1x1x200x256xf32, #tpu.memory_space<hbm>>
      %dma_wait3A_305 = tpu.memref_squeeze %dma_wait3A_304 : memref<1x1x200x256xf32, #tpu.memory_space<hbm>> -> memref<200x256xf32, #tpu.memory_space<hbm>>
      %dma_wait3A_306 = tpu.memref_slice %arg7[%dma_wait3A_297] : memref<2x!tpu.dma_semaphore, #tpu.memory_space<semaphore_mem>> -> memref<1x!tpu.dma_semaphore, #tpu.memory_space<semaphore_mem>>
      %dma_wait3A_307 = tpu.memref_squeeze %dma_wait3A_306 : memref<1x!tpu.dma_semaphore, #tpu.memory_space<semaphore_mem>> -> memref<!tpu.dma_semaphore, #tpu.memory_space<semaphore_mem>>
      %dma_wait3A_308 = arith.constant 0 : i32
      %dma_wait3A_309 = arith.constant 0 : i32
      %dma_wait3A_310 = tpu.memref_slice %arg4[%dma_wait3A_296, %add3A_35, %dma_wait3A_308, %dma_wait3A_309] : memref<8x200x200x256xf32, #tpu.memory_space<hbm>> -> memref<1x1x200x256xf32, #tpu.memory_space<hbm>>
      %dma_wait3A_311 = tpu.memref_squeeze %dma_wait3A_310 : memref<1x1x200x256xf32, #tpu.memory_space<hbm>> -> memref<200x256xf32, #tpu.memory_space<hbm>>
      %dma_wait3A_312 = arith.constant 0 : i32
      %dma_wait3A_313 = arith.constant 0 : i32
      %dma_wait3A_314 = tpu.memref_slice %arg5[%dma_wait3A_295, %dma_wait3A_312, %dma_wait3A_313] : memref<2x200x256xf32, #tpu.memory_space<vmem>> -> memref<1x200x256xf32, #tpu.memory_space<vmem>>
      %dma_wait3A_315 = tpu.memref_squeeze %dma_wait3A_314 : memref<1x200x256xf32, #tpu.memory_space<vmem>> -> memref<200x256xf32, #tpu.memory_space<vmem>>
      tpu.wait_dma2 semaphore(%dma_wait3A_307 : memref<!tpu.dma_semaphore, #tpu.memory_space<semaphore_mem>>) src(%dma_wait3A_315 : memref<200x256xf32, #tpu.memory_space<vmem>>) dst(%dma_wait3A_311 : memref<200x256xf32, #tpu.memory_space<hbm>>)
      %dma_wait3A_316 = arith.constant 1 : i32
      %dma_wait3A_317 = arith.constant 2 : i32
      %dma_wait3A_318 = arith.constant 1 : i32
      %dma_wait3A_319 = arith.constant 0 : i32
      %dma_wait3A_320 = arith.constant 0 : i32
      %dma_wait3A_321 = tpu.memref_slice %arg5[%dma_wait3A_316, %dma_wait3A_319, %dma_wait3A_320] : memref<2x200x256xf32, #tpu.memory_space<vmem>> -> memref<1x200x256xf32, #tpu.memory_space<vmem>>
      %dma_wait3A_322 = tpu.memref_squeeze %dma_wait3A_321 : memref<1x200x256xf32, #tpu.memory_space<vmem>> -> memref<200x256xf32, #tpu.memory_space<vmem>>
      %dma_wait3A_323 = arith.constant 0 : i32
      %dma_wait3A_324 = arith.constant 0 : i32
      %dma_wait3A_325 = tpu.memref_slice %arg4[%dma_wait3A_317, %add3A_35, %dma_wait3A_323, %dma_wait3A_324] : memref<8x200x200x256xf32, #tpu.memory_space<hbm>> -> memref<1x1x200x256xf32, #tpu.memory_space<hbm>>
      %dma_wait3A_326 = tpu.memref_squeeze %dma_wait3A_325 : memref<1x1x200x256xf32, #tpu.memory_space<hbm>> -> memref<200x256xf32, #tpu.memory_space<hbm>>
      %dma_wait3A_327 = tpu.memref_slice %arg7[%dma_wait3A_318] : memref<2x!tpu.dma_semaphore, #tpu.memory_space<semaphore_mem>> -> memref<1x!tpu.dma_semaphore, #tpu.memory_space<semaphore_mem>>
      %dma_wait3A_328 = tpu.memref_squeeze %dma_wait3A_327 : memref<1x!tpu.dma_semaphore, #tpu.memory_space<semaphore_mem>> -> memref<!tpu.dma_semaphore, #tpu.memory_space<semaphore_mem>>
      %dma_wait3A_329 = arith.constant 0 : i32
      %dma_wait3A_330 = arith.constant 0 : i32
      %dma_wait3A_331 = tpu.memref_slice %arg4[%dma_wait3A_317, %add3A_35, %dma_wait3A_329, %dma_wait3A_330] : memref<8x200x200x256xf32, #tpu.memory_space<hbm>> -> memref<1x1x200x256xf32, #tpu.memory_space<hbm>>
      %dma_wait3A_332 = tpu.memref_squeeze %dma_wait3A_331 : memref<1x1x200x256xf32, #tpu.memory_space<hbm>> -> memref<200x256xf32, #tpu.memory_space<hbm>>
      %dma_wait3A_333 = arith.constant 0 : i32
      %dma_wait3A_334 = arith.constant 0 : i32
      %dma_wait3A_335 = tpu.memref_slice %arg5[%dma_wait3A_316, %dma_wait3A_333, %dma_wait3A_334] : memref<2x200x256xf32, #tpu.memory_space<vmem>> -> memref<1x200x256xf32, #tpu.memory_space<vmem>>
      %dma_wait3A_336 = tpu.memref_squeeze %dma_wait3A_335 : memref<1x200x256xf32, #tpu.memory_space<vmem>> -> memref<200x256xf32, #tpu.memory_space<vmem>>
      tpu.wait_dma2 semaphore(%dma_wait3A_328 : memref<!tpu.dma_semaphore, #tpu.memory_space<semaphore_mem>>) src(%dma_wait3A_336 : memref<200x256xf32, #tpu.memory_space<vmem>>) dst(%dma_wait3A_332 : memref<200x256xf32, #tpu.memory_space<hbm>>)
      %dma_wait3A_337 = arith.constant 1 : i32
      %dma_wait3A_338 = arith.constant 3 : i32
      %dma_wait3A_339 = arith.constant 1 : i32
      %dma_wait3A_340 = arith.constant 0 : i32
      %dma_wait3A_341 = arith.constant 0 : i32
      %dma_wait3A_342 = tpu.memref_slice %arg5[%dma_wait3A_337, %dma_wait3A_340, %dma_wait3A_341] : memref<2x200x256xf32, #tpu.memory_space<vmem>> -> memref<1x200x256xf32, #tpu.memory_space<vmem>>
      %dma_wait3A_343 = tpu.memref_squeeze %dma_wait3A_342 : memref<1x200x256xf32, #tpu.memory_space<vmem>> -> memref<200x256xf32, #tpu.memory_space<vmem>>
      %dma_wait3A_344 = arith.constant 0 : i32
      %dma_wait3A_345 = arith.constant 0 : i32
      %dma_wait3A_346 = tpu.memref_slice %arg4[%dma_wait3A_338, %add3A_35, %dma_wait3A_344, %dma_wait3A_345] : memref<8x200x200x256xf32, #tpu.memory_space<hbm>> -> memref<1x1x200x256xf32, #tpu.memory_space<hbm>>
      %dma_wait3A_347 = tpu.memref_squeeze %dma_wait3A_346 : memref<1x1x200x256xf32, #tpu.memory_space<hbm>> -> memref<200x256xf32, #tpu.memory_space<hbm>>
      %dma_wait3A_348 = tpu.memref_slice %arg7[%dma_wait3A_339] : memref<2x!tpu.dma_semaphore, #tpu.memory_space<semaphore_mem>> -> memref<1x!tpu.dma_semaphore, #tpu.memory_space<semaphore_mem>>
      %dma_wait3A_349 = tpu.memref_squeeze %dma_wait3A_348 : memref<1x!tpu.dma_semaphore, #tpu.memory_space<semaphore_mem>> -> memref<!tpu.dma_semaphore, #tpu.memory_space<semaphore_mem>>
      %dma_wait3A_350 = arith.constant 0 : i32
      %dma_wait3A_351 = arith.constant 0 : i32
      %dma_wait3A_352 = tpu.memref_slice %arg4[%dma_wait3A_338, %add3A_35, %dma_wait3A_350, %dma_wait3A_351] : memref<8x200x200x256xf32, #tpu.memory_space<hbm>> -> memref<1x1x200x256xf32, #tpu.memory_space<hbm>>
      %dma_wait3A_353 = tpu.memref_squeeze %dma_wait3A_352 : memref<1x1x200x256xf32, #tpu.memory_space<hbm>> -> memref<200x256xf32, #tpu.memory_space<hbm>>
      %dma_wait3A_354 = arith.constant 0 : i32
      %dma_wait3A_355 = arith.constant 0 : i32
      %dma_wait3A_356 = tpu.memref_slice %arg5[%dma_wait3A_337, %dma_wait3A_354, %dma_wait3A_355] : memref<2x200x256xf32, #tpu.memory_space<vmem>> -> memref<1x200x256xf32, #tpu.memory_space<vmem>>
      %dma_wait3A_357 = tpu.memref_squeeze %dma_wait3A_356 : memref<1x200x256xf32, #tpu.memory_space<vmem>> -> memref<200x256xf32, #tpu.memory_space<vmem>>
      tpu.wait_dma2 semaphore(%dma_wait3A_349 : memref<!tpu.dma_semaphore, #tpu.memory_space<semaphore_mem>>) src(%dma_wait3A_357 : memref<200x256xf32, #tpu.memory_space<vmem>>) dst(%dma_wait3A_353 : memref<200x256xf32, #tpu.memory_space<hbm>>)
      %dma_wait3A_358 = arith.constant 1 : i32
      %dma_wait3A_359 = arith.constant 4 : i32
      %dma_wait3A_360 = arith.constant 1 : i32
      %dma_wait3A_361 = arith.constant 0 : i32
      %dma_wait3A_362 = arith.constant 0 : i32
      %dma_wait3A_363 = tpu.memref_slice %arg5[%dma_wait3A_358, %dma_wait3A_361, %dma_wait3A_362] : memref<2x200x256xf32, #tpu.memory_space<vmem>> -> memref<1x200x256xf32, #tpu.memory_space<vmem>>
      %dma_wait3A_364 = tpu.memref_squeeze %dma_wait3A_363 : memref<1x200x256xf32, #tpu.memory_space<vmem>> -> memref<200x256xf32, #tpu.memory_space<vmem>>
      %dma_wait3A_365 = arith.constant 0 : i32
      %dma_wait3A_366 = arith.constant 0 : i32
      %dma_wait3A_367 = tpu.memref_slice %arg4[%dma_wait3A_359, %add3A_35, %dma_wait3A_365, %dma_wait3A_366] : memref<8x200x200x256xf32, #tpu.memory_space<hbm>> -> memref<1x1x200x256xf32, #tpu.memory_space<hbm>>
      %dma_wait3A_368 = tpu.memref_squeeze %dma_wait3A_367 : memref<1x1x200x256xf32, #tpu.memory_space<hbm>> -> memref<200x256xf32, #tpu.memory_space<hbm>>
      %dma_wait3A_369 = tpu.memref_slice %arg7[%dma_wait3A_360] : memref<2x!tpu.dma_semaphore, #tpu.memory_space<semaphore_mem>> -> memref<1x!tpu.dma_semaphore, #tpu.memory_space<semaphore_mem>>
      %dma_wait3A_370 = tpu.memref_squeeze %dma_wait3A_369 : memref<1x!tpu.dma_semaphore, #tpu.memory_space<semaphore_mem>> -> memref<!tpu.dma_semaphore, #tpu.memory_space<semaphore_mem>>
      %dma_wait3A_371 = arith.constant 0 : i32
      %dma_wait3A_372 = arith.constant 0 : i32
      %dma_wait3A_373 = tpu.memref_slice %arg4[%dma_wait3A_359, %add3A_35, %dma_wait3A_371, %dma_wait3A_372] : memref<8x200x200x256xf32, #tpu.memory_space<hbm>> -> memref<1x1x200x256xf32, #tpu.memory_space<hbm>>
      %dma_wait3A_374 = tpu.memref_squeeze %dma_wait3A_373 : memref<1x1x200x256xf32, #tpu.memory_space<hbm>> -> memref<200x256xf32, #tpu.memory_space<hbm>>
      %dma_wait3A_375 = arith.constant 0 : i32
      %dma_wait3A_376 = arith.constant 0 : i32
      %dma_wait3A_377 = tpu.memref_slice %arg5[%dma_wait3A_358, %dma_wait3A_375, %dma_wait3A_376] : memref<2x200x256xf32, #tpu.memory_space<vmem>> -> memref<1x200x256xf32, #tpu.memory_space<vmem>>
      %dma_wait3A_378 = tpu.memref_squeeze %dma_wait3A_377 : memref<1x200x256xf32, #tpu.memory_space<vmem>> -> memref<200x256xf32, #tpu.memory_space<vmem>>
      tpu.wait_dma2 semaphore(%dma_wait3A_370 : memref<!tpu.dma_semaphore, #tpu.memory_space<semaphore_mem>>) src(%dma_wait3A_378 : memref<200x256xf32, #tpu.memory_space<vmem>>) dst(%dma_wait3A_374 : memref<200x256xf32, #tpu.memory_space<hbm>>)
      %dma_wait3A_379 = arith.constant 1 : i32
      %dma_wait3A_380 = arith.constant 5 : i32
      %dma_wait3A_381 = arith.constant 1 : i32
      %dma_wait3A_382 = arith.constant 0 : i32
      %dma_wait3A_383 = arith.constant 0 : i32
      %dma_wait3A_384 = tpu.memref_slice %arg5[%dma_wait3A_379, %dma_wait3A_382, %dma_wait3A_383] : memref<2x200x256xf32, #tpu.memory_space<vmem>> -> memref<1x200x256xf32, #tpu.memory_space<vmem>>
      %dma_wait3A_385 = tpu.memref_squeeze %dma_wait3A_384 : memref<1x200x256xf32, #tpu.memory_space<vmem>> -> memref<200x256xf32, #tpu.memory_space<vmem>>
      %dma_wait3A_386 = arith.constant 0 : i32
      %dma_wait3A_387 = arith.constant 0 : i32
      %dma_wait3A_388 = tpu.memref_slice %arg4[%dma_wait3A_380, %add3A_35, %dma_wait3A_386, %dma_wait3A_387] : memref<8x200x200x256xf32, #tpu.memory_space<hbm>> -> memref<1x1x200x256xf32, #tpu.memory_space<hbm>>
      %dma_wait3A_389 = tpu.memref_squeeze %dma_wait3A_388 : memref<1x1x200x256xf32, #tpu.memory_space<hbm>> -> memref<200x256xf32, #tpu.memory_space<hbm>>
      %dma_wait3A_390 = tpu.memref_slice %arg7[%dma_wait3A_381] : memref<2x!tpu.dma_semaphore, #tpu.memory_space<semaphore_mem>> -> memref<1x!tpu.dma_semaphore, #tpu.memory_space<semaphore_mem>>
      %dma_wait3A_391 = tpu.memref_squeeze %dma_wait3A_390 : memref<1x!tpu.dma_semaphore, #tpu.memory_space<semaphore_mem>> -> memref<!tpu.dma_semaphore, #tpu.memory_space<semaphore_mem>>
      %dma_wait3A_392 = arith.constant 0 : i32
      %dma_wait3A_393 = arith.constant 0 : i32
      %dma_wait3A_394 = tpu.memref_slice %arg4[%dma_wait3A_380, %add3A_35, %dma_wait3A_392, %dma_wait3A_393] : memref<8x200x200x256xf32, #tpu.memory_space<hbm>> -> memref<1x1x200x256xf32, #tpu.memory_space<hbm>>
      %dma_wait3A_395 = tpu.memref_squeeze %dma_wait3A_394 : memref<1x1x200x256xf32, #tpu.memory_space<hbm>> -> memref<200x256xf32, #tpu.memory_space<hbm>>
      %dma_wait3A_396 = arith.constant 0 : i32
      %dma_wait3A_397 = arith.constant 0 : i32
      %dma_wait3A_398 = tpu.memref_slice %arg5[%dma_wait3A_379, %dma_wait3A_396, %dma_wait3A_397] : memref<2x200x256xf32, #tpu.memory_space<vmem>> -> memref<1x200x256xf32, #tpu.memory_space<vmem>>
      %dma_wait3A_399 = tpu.memref_squeeze %dma_wait3A_398 : memref<1x200x256xf32, #tpu.memory_space<vmem>> -> memref<200x256xf32, #tpu.memory_space<vmem>>
      tpu.wait_dma2 semaphore(%dma_wait3A_391 : memref<!tpu.dma_semaphore, #tpu.memory_space<semaphore_mem>>) src(%dma_wait3A_399 : memref<200x256xf32, #tpu.memory_space<vmem>>) dst(%dma_wait3A_395 : memref<200x256xf32, #tpu.memory_space<hbm>>)
      %dma_wait3A_400 = arith.constant 1 : i32
      %dma_wait3A_401 = arith.constant 6 : i32
      %dma_wait3A_402 = arith.constant 1 : i32
      %dma_wait3A_403 = arith.constant 0 : i32
      %dma_wait3A_404 = arith.constant 0 : i32
      %dma_wait3A_405 = tpu.memref_slice %arg5[%dma_wait3A_400, %dma_wait3A_403, %dma_wait3A_404] : memref<2x200x256xf32, #tpu.memory_space<vmem>> -> memref<1x200x256xf32, #tpu.memory_space<vmem>>
      %dma_wait3A_406 = tpu.memref_squeeze %dma_wait3A_405 : memref<1x200x256xf32, #tpu.memory_space<vmem>> -> memref<200x256xf32, #tpu.memory_space<vmem>>
      %dma_wait3A_407 = arith.constant 0 : i32
      %dma_wait3A_408 = arith.constant 0 : i32
      %dma_wait3A_409 = tpu.memref_slice %arg4[%dma_wait3A_401, %add3A_35, %dma_wait3A_407, %dma_wait3A_408] : memref<8x200x200x256xf32, #tpu.memory_space<hbm>> -> memref<1x1x200x256xf32, #tpu.memory_space<hbm>>
      %dma_wait3A_410 = tpu.memref_squeeze %dma_wait3A_409 : memref<1x1x200x256xf32, #tpu.memory_space<hbm>> -> memref<200x256xf32, #tpu.memory_space<hbm>>
      %dma_wait3A_411 = tpu.memref_slice %arg7[%dma_wait3A_402] : memref<2x!tpu.dma_semaphore, #tpu.memory_space<semaphore_mem>> -> memref<1x!tpu.dma_semaphore, #tpu.memory_space<semaphore_mem>>
      %dma_wait3A_412 = tpu.memref_squeeze %dma_wait3A_411 : memref<1x!tpu.dma_semaphore, #tpu.memory_space<semaphore_mem>> -> memref<!tpu.dma_semaphore, #tpu.memory_space<semaphore_mem>>
      %dma_wait3A_413 = arith.constant 0 : i32
      %dma_wait3A_414 = arith.constant 0 : i32
      %dma_wait3A_415 = tpu.memref_slice %arg4[%dma_wait3A_401, %add3A_35, %dma_wait3A_413, %dma_wait3A_414] : memref<8x200x200x256xf32, #tpu.memory_space<hbm>> -> memref<1x1x200x256xf32, #tpu.memory_space<hbm>>
      %dma_wait3A_416 = tpu.memref_squeeze %dma_wait3A_415 : memref<1x1x200x256xf32, #tpu.memory_space<hbm>> -> memref<200x256xf32, #tpu.memory_space<hbm>>
      %dma_wait3A_417 = arith.constant 0 : i32
      %dma_wait3A_418 = arith.constant 0 : i32
      %dma_wait3A_419 = tpu.memref_slice %arg5[%dma_wait3A_400, %dma_wait3A_417, %dma_wait3A_418] : memref<2x200x256xf32, #tpu.memory_space<vmem>> -> memref<1x200x256xf32, #tpu.memory_space<vmem>>
      %dma_wait3A_420 = tpu.memref_squeeze %dma_wait3A_419 : memref<1x200x256xf32, #tpu.memory_space<vmem>> -> memref<200x256xf32, #tpu.memory_space<vmem>>
      tpu.wait_dma2 semaphore(%dma_wait3A_412 : memref<!tpu.dma_semaphore, #tpu.memory_space<semaphore_mem>>) src(%dma_wait3A_420 : memref<200x256xf32, #tpu.memory_space<vmem>>) dst(%dma_wait3A_416 : memref<200x256xf32, #tpu.memory_space<hbm>>)
      %dma_wait3A_421 = arith.constant 1 : i32
      %dma_wait3A_422 = arith.constant 7 : i32
      %dma_wait3A_423 = arith.constant 1 : i32
      %dma_wait3A_424 = arith.constant 0 : i32
      %dma_wait3A_425 = arith.constant 0 : i32
      %dma_wait3A_426 = tpu.memref_slice %arg5[%dma_wait3A_421, %dma_wait3A_424, %dma_wait3A_425] : memref<2x200x256xf32, #tpu.memory_space<vmem>> -> memref<1x200x256xf32, #tpu.memory_space<vmem>>
      %dma_wait3A_427 = tpu.memref_squeeze %dma_wait3A_426 : memref<1x200x256xf32, #tpu.memory_space<vmem>> -> memref<200x256xf32, #tpu.memory_space<vmem>>
      %dma_wait3A_428 = arith.constant 0 : i32
      %dma_wait3A_429 = arith.constant 0 : i32
      %dma_wait3A_430 = tpu.memref_slice %arg4[%dma_wait3A_422, %add3A_35, %dma_wait3A_428, %dma_wait3A_429] : memref<8x200x200x256xf32, #tpu.memory_space<hbm>> -> memref<1x1x200x256xf32, #tpu.memory_space<hbm>>
      %dma_wait3A_431 = tpu.memref_squeeze %dma_wait3A_430 : memref<1x1x200x256xf32, #tpu.memory_space<hbm>> -> memref<200x256xf32, #tpu.memory_space<hbm>>
      %dma_wait3A_432 = tpu.memref_slice %arg7[%dma_wait3A_423] : memref<2x!tpu.dma_semaphore, #tpu.memory_space<semaphore_mem>> -> memref<1x!tpu.dma_semaphore, #tpu.memory_space<semaphore_mem>>
      %dma_wait3A_433 = tpu.memref_squeeze %dma_wait3A_432 : memref<1x!tpu.dma_semaphore, #tpu.memory_space<semaphore_mem>> -> memref<!tpu.dma_semaphore, #tpu.memory_space<semaphore_mem>>
      %dma_wait3A_434 = arith.constant 0 : i32
      %dma_wait3A_435 = arith.constant 0 : i32
      %dma_wait3A_436 = tpu.memref_slice %arg4[%dma_wait3A_422, %add3A_35, %dma_wait3A_434, %dma_wait3A_435] : memref<8x200x200x256xf32, #tpu.memory_space<hbm>> -> memref<1x1x200x256xf32, #tpu.memory_space<hbm>>
      %dma_wait3A_437 = tpu.memref_squeeze %dma_wait3A_436 : memref<1x1x200x256xf32, #tpu.memory_space<hbm>> -> memref<200x256xf32, #tpu.memory_space<hbm>>
      %dma_wait3A_438 = arith.constant 0 : i32
      %dma_wait3A_439 = arith.constant 0 : i32
      %dma_wait3A_440 = tpu.memref_slice %arg5[%dma_wait3A_421, %dma_wait3A_438, %dma_wait3A_439] : memref<2x200x256xf32, #tpu.memory_space<vmem>> -> memref<1x200x256xf32, #tpu.memory_space<vmem>>
      %dma_wait3A_441 = tpu.memref_squeeze %dma_wait3A_440 : memref<1x200x256xf32, #tpu.memory_space<vmem>> -> memref<200x256xf32, #tpu.memory_space<vmem>>
      tpu.wait_dma2 semaphore(%dma_wait3A_433 : memref<!tpu.dma_semaphore, #tpu.memory_space<semaphore_mem>>) src(%dma_wait3A_441 : memref<200x256xf32, #tpu.memory_space<vmem>>) dst(%dma_wait3A_437 : memref<200x256xf32, #tpu.memory_space<hbm>>)
    } else {
    }
    %add3A_41 = arith.constant 192 : i32
    %add3A_42 = arith.addi %add3A, %add3A_41 : i32
    %lt3A_43 = arith.constant 200 : i32
    %lt3A_44 = arith.cmpi slt, %add3A_42, %lt3A_43 : i32
    %convert_element_type3A_45 = arith.extui %lt3A_44 : i1 to i32
    %cond3A_46 = arith.constant 0 : i32
    %cond3A_47 = arith.cmpi ne, %convert_element_type3A_45, %cond3A_46 : i32
    scf.if %cond3A_47 {
      "tpu.region"() ({
        %run_scoped3A_442 = tpu.sem_alloc : memref<!tpu.dma_semaphore, #tpu.memory_space<semaphore_mem>>
        %dma_start3A_443 = arith.constant 0 : i32
        %dma_start3A_444 = tpu.memref_slice %arg2[%add3A_42, %dma_start3A_443] : memref<200x128xf32, #tpu.memory_space<hbm>> -> memref<1x128xf32, #tpu.memory_space<hbm>>
        %dma_start3A_445 = arith.constant 0 : i32
        %dma_start3A_446 = tpu.memref_slice %arg2[%add3A_42, %dma_start3A_445] : memref<200x128xf32, #tpu.memory_space<hbm>> -> memref<1x128xf32, #tpu.memory_space<hbm>>
        tpu.enqueue_dma source(%dma_start3A_446 : memref<1x128xf32, #tpu.memory_space<hbm>>) target(%arg6 : memref<1x128xf32, #tpu.memory_space<vmem>>) target_semaphore(%run_scoped3A_442 : memref<!tpu.dma_semaphore, #tpu.memory_space<semaphore_mem>>)
        %dma_wait3A_447 = arith.constant 0 : i32
        %dma_wait3A_448 = tpu.memref_slice %arg2[%add3A_42, %dma_wait3A_447] : memref<200x128xf32, #tpu.memory_space<hbm>> -> memref<1x128xf32, #tpu.memory_space<hbm>>
        %dma_wait3A_449 = arith.constant 0 : i32
        %dma_wait3A_450 = tpu.memref_slice %arg2[%add3A_42, %dma_wait3A_449] : memref<200x128xf32, #tpu.memory_space<hbm>> -> memref<1x128xf32, #tpu.memory_space<hbm>>
        tpu.wait_dma2 semaphore(%run_scoped3A_442 : memref<!tpu.dma_semaphore, #tpu.memory_space<semaphore_mem>>) src(%dma_wait3A_450 : memref<1x128xf32, #tpu.memory_space<hbm>>) dst(%arg6 : memref<1x128xf32, #tpu.memory_space<vmem>>)
        tpu.yield
      }) : () -> ()
      %get3A = arith.constant 0 : i32
      %get3A_48 = arith.constant 0 : i32
      %get3A_49 = tpu.memref_slice %arg6[%get3A, %get3A_48] : memref<1x128xf32, #tpu.memory_space<vmem>> -> memref<1x128xf32, #tpu.memory_space<vmem>>
      %get3A_50 = tpu.memref_squeeze %get3A_49 : memref<1x128xf32, #tpu.memory_space<vmem>> -> memref<128xf32, #tpu.memory_space<vmem>>
      %get3A_51 = arith.constant 0 : index
      %get3A_52 = tpu.vector_load %get3A_50[%get3A_51] {strides = array<i32>} : memref<128xf32, #tpu.memory_space<vmem>>, vector<16xf32>,
      %get3A_53 = vector.shape_cast %get3A_52 : vector<16xf32> to vector<16xf32>
      %get3A_54 = arith.constant 0 : i32
      %get3A_55 = arith.constant 0 : i32
      %get3A_56 = tpu.memref_slice %arg6[%get3A_54, %get3A_55] : memref<1x128xf32, #tpu.memory_space<vmem>> -> memref<1x128xf32, #tpu.memory_space<vmem>>
      %get3A_57 = tpu.memref_squeeze %get3A_56 : memref<1x128xf32, #tpu.memory_space<vmem>> -> memref<128xf32, #tpu.memory_space<vmem>>
      %get3A_58 = arith.constant 16 : index
      %get3A_59 = tpu.vector_load %get3A_57[%get3A_58] {strides = array<i32>} : memref<128xf32, #tpu.memory_space<vmem>>, vector<16xf32>,
      %get3A_60 = vector.shape_cast %get3A_59 : vector<16xf32> to vector<16xf32>
      %get3A_61 = arith.constant 0 : i32
      %get3A_62 = arith.constant 0 : i32
      %get3A_63 = tpu.memref_slice %arg6[%get3A_61, %get3A_62] : memref<1x128xf32, #tpu.memory_space<vmem>> -> memref<1x128xf32, #tpu.memory_space<vmem>>
      %get3A_64 = tpu.memref_squeeze %get3A_63 : memref<1x128xf32, #tpu.memory_space<vmem>> -> memref<128xf32, #tpu.memory_space<vmem>>
      %get3A_65 = arith.constant 32 : index
      %get3A_66 = tpu.vector_load %get3A_64[%get3A_65] {strides = array<i32>} : memref<128xf32, #tpu.memory_space<vmem>>, vector<16xf32>,
      %get3A_67 = vector.shape_cast %get3A_66 : vector<16xf32> to vector<16xf32>
      %get3A_68 = arith.constant 0 : i32
      %get3A_69 = arith.constant 0 : i32
      %get3A_70 = tpu.memref_slice %arg6[%get3A_68, %get3A_69] : memref<1x128xf32, #tpu.memory_space<vmem>> -> memref<1x128xf32, #tpu.memory_space<vmem>>
      %get3A_71 = tpu.memref_squeeze %get3A_70 : memref<1x128xf32, #tpu.memory_space<vmem>> -> memref<128xf32, #tpu.memory_space<vmem>>
      %get3A_72 = arith.constant 48 : index
      %get3A_73 = tpu.vector_load %get3A_71[%get3A_72] {strides = array<i32>} : memref<128xf32, #tpu.memory_space<vmem>>, vector<16xf32>,
      %get3A_74 = vector.shape_cast %get3A_73 : vector<16xf32> to vector<16xf32>
      %get3A_75 = arith.constant 0 : i32
      %get3A_76 = arith.constant 0 : i32
      %get3A_77 = tpu.memref_slice %arg6[%get3A_75, %get3A_76] : memref<1x128xf32, #tpu.memory_space<vmem>> -> memref<1x128xf32, #tpu.memory_space<vmem>>
      %get3A_78 = tpu.memref_squeeze %get3A_77 : memref<1x128xf32, #tpu.memory_space<vmem>> -> memref<128xf32, #tpu.memory_space<vmem>>
      %get3A_79 = arith.constant 64 : index
      %get3A_80 = tpu.vector_load %get3A_78[%get3A_79] {strides = array<i32>} : memref<128xf32, #tpu.memory_space<vmem>>, vector<16xf32>,
      %get3A_81 = vector.shape_cast %get3A_80 : vector<16xf32> to vector<16xf32>
      %get3A_82 = arith.constant 0 : i32
      %get3A_83 = arith.constant 0 : i32
      %get3A_84 = tpu.memref_slice %arg6[%get3A_82, %get3A_83] : memref<1x128xf32, #tpu.memory_space<vmem>> -> memref<1x128xf32, #tpu.memory_space<vmem>>
      %get3A_85 = tpu.memref_squeeze %get3A_84 : memref<1x128xf32, #tpu.memory_space<vmem>> -> memref<128xf32, #tpu.memory_space<vmem>>
      %get3A_86 = arith.constant 80 : index
      %get3A_87 = tpu.vector_load %get3A_85[%get3A_86] {strides = array<i32>} : memref<128xf32, #tpu.memory_space<vmem>>, vector<16xf32>,
      %get3A_88 = vector.shape_cast %get3A_87 : vector<16xf32> to vector<16xf32>
      %get3A_89 = arith.constant 0 : i32
      %get3A_90 = arith.constant 0 : i32
      %get3A_91 = tpu.memref_slice %arg6[%get3A_89, %get3A_90] : memref<1x128xf32, #tpu.memory_space<vmem>> -> memref<1x128xf32, #tpu.memory_space<vmem>>
      %get3A_92 = tpu.memref_squeeze %get3A_91 : memref<1x128xf32, #tpu.memory_space<vmem>> -> memref<128xf32, #tpu.memory_space<vmem>>
      %get3A_93 = arith.constant 96 : index
      %get3A_94 = tpu.vector_load %get3A_92[%get3A_93] {strides = array<i32>} : memref<128xf32, #tpu.memory_space<vmem>>, vector<16xf32>,
      %get3A_95 = vector.shape_cast %get3A_94 : vector<16xf32> to vector<16xf32>
      %get3A_96 = arith.constant 0 : i32
      %get3A_97 = arith.constant 0 : i32
      %get3A_98 = tpu.memref_slice %arg6[%get3A_96, %get3A_97] : memref<1x128xf32, #tpu.memory_space<vmem>> -> memref<1x128xf32, #tpu.memory_space<vmem>>
      %get3A_99 = tpu.memref_squeeze %get3A_98 : memref<1x128xf32, #tpu.memory_space<vmem>> -> memref<128xf32, #tpu.memory_space<vmem>>
      %get3A_100 = arith.constant 112 : index
      %get3A_101 = tpu.vector_load %get3A_99[%get3A_100] {strides = array<i32>} : memref<128xf32, #tpu.memory_space<vmem>>, vector<16xf32>,
      %get3A_102 = vector.shape_cast %get3A_101 : vector<16xf32> to vector<16xf32>
      %scan3A = arith.constant 0 : i32
      %scan3A_103 = arith.constant 0 : i32
      %scan3A_104 = arith.constant 200 : i32
      %scan3A_105 = arith.addi %scan3A_103, %scan3A_104 : i32
      %scan3A_106 = arith.constant 1 : i32
      scf.for %scan3A_442 = %scan3A_103 to %scan3A_105 step %scan3A_106  : i32 {
        %swap3A = arith.constant 0 : i32
        %swap3A_443 = arith.constant 0 : i32
        %swap3A_444 = tpu.memref_slice %arg5[%swap3A, %scan3A_442, %swap3A_443] : memref<2x200x256xf32, #tpu.memory_space<vmem>> -> memref<1x1x256xf32, #tpu.memory_space<vmem>>
        %swap3A_445 = tpu.memref_squeeze %swap3A_444 : memref<1x1x256xf32, #tpu.memory_space<vmem>> -> memref<256xf32, #tpu.memory_space<vmem>>
        %swap3A_446 = arith.constant 128 : index
        %swap3A_447 = tpu.vector_load %swap3A_445[%swap3A_446] {strides = array<i32>} : memref<256xf32, #tpu.memory_space<vmem>>, vector<16xf32>,
        %swap3A_448 = vector.shape_cast %swap3A_447 : vector<16xf32> to vector<16xf32>
        %swap3A_449 = vector.shape_cast %get3A_53 : vector<16xf32> to vector<16xf32>
        tpu.vector_store %swap3A_445[%swap3A_446], %swap3A_449 {strides = array<i32>} : memref<256xf32, #tpu.memory_space<vmem>>, vector<16xf32>,
        %swap3A_450 = arith.constant 0 : i32
        %swap3A_451 = arith.constant 0 : i32
        %swap3A_452 = tpu.memref_slice %arg5[%swap3A_450, %scan3A_442, %swap3A_451] : memref<2x200x256xf32, #tpu.memory_space<vmem>> -> memref<1x1x256xf32, #tpu.memory_space<vmem>>
        %swap3A_453 = tpu.memref_squeeze %swap3A_452 : memref<1x1x256xf32, #tpu.memory_space<vmem>> -> memref<256xf32, #tpu.memory_space<vmem>>
        %swap3A_454 = arith.constant 144 : index
        %swap3A_455 = tpu.vector_load %swap3A_453[%swap3A_454] {strides = array<i32>} : memref<256xf32, #tpu.memory_space<vmem>>, vector<16xf32>,
        %swap3A_456 = vector.shape_cast %swap3A_455 : vector<16xf32> to vector<16xf32>
        %swap3A_457 = vector.shape_cast %get3A_60 : vector<16xf32> to vector<16xf32>
        tpu.vector_store %swap3A_453[%swap3A_454], %swap3A_457 {strides = array<i32>} : memref<256xf32, #tpu.memory_space<vmem>>, vector<16xf32>,
        %swap3A_458 = arith.constant 0 : i32
        %swap3A_459 = arith.constant 0 : i32
        %swap3A_460 = tpu.memref_slice %arg5[%swap3A_458, %scan3A_442, %swap3A_459] : memref<2x200x256xf32, #tpu.memory_space<vmem>> -> memref<1x1x256xf32, #tpu.memory_space<vmem>>
        %swap3A_461 = tpu.memref_squeeze %swap3A_460 : memref<1x1x256xf32, #tpu.memory_space<vmem>> -> memref<256xf32, #tpu.memory_space<vmem>>
        %swap3A_462 = arith.constant 160 : index
        %swap3A_463 = tpu.vector_load %swap3A_461[%swap3A_462] {strides = array<i32>} : memref<256xf32, #tpu.memory_space<vmem>>, vector<16xf32>,
        %swap3A_464 = vector.shape_cast %swap3A_463 : vector<16xf32> to vector<16xf32>
        %swap3A_465 = vector.shape_cast %get3A_67 : vector<16xf32> to vector<16xf32>
        tpu.vector_store %swap3A_461[%swap3A_462], %swap3A_465 {strides = array<i32>} : memref<256xf32, #tpu.memory_space<vmem>>, vector<16xf32>,
        %swap3A_466 = arith.constant 0 : i32
        %swap3A_467 = arith.constant 0 : i32
        %swap3A_468 = tpu.memref_slice %arg5[%swap3A_466, %scan3A_442, %swap3A_467] : memref<2x200x256xf32, #tpu.memory_space<vmem>> -> memref<1x1x256xf32, #tpu.memory_space<vmem>>
        %swap3A_469 = tpu.memref_squeeze %swap3A_468 : memref<1x1x256xf32, #tpu.memory_space<vmem>> -> memref<256xf32, #tpu.memory_space<vmem>>
        %swap3A_470 = arith.constant 176 : index
        %swap3A_471 = tpu.vector_load %swap3A_469[%swap3A_470] {strides = array<i32>} : memref<256xf32, #tpu.memory_space<vmem>>, vector<16xf32>,
        %swap3A_472 = vector.shape_cast %swap3A_471 : vector<16xf32> to vector<16xf32>
        %swap3A_473 = vector.shape_cast %get3A_74 : vector<16xf32> to vector<16xf32>
        tpu.vector_store %swap3A_469[%swap3A_470], %swap3A_473 {strides = array<i32>} : memref<256xf32, #tpu.memory_space<vmem>>, vector<16xf32>,
        %swap3A_474 = arith.constant 0 : i32
        %swap3A_475 = arith.constant 0 : i32
        %swap3A_476 = tpu.memref_slice %arg5[%swap3A_474, %scan3A_442, %swap3A_475] : memref<2x200x256xf32, #tpu.memory_space<vmem>> -> memref<1x1x256xf32, #tpu.memory_space<vmem>>
        %swap3A_477 = tpu.memref_squeeze %swap3A_476 : memref<1x1x256xf32, #tpu.memory_space<vmem>> -> memref<256xf32, #tpu.memory_space<vmem>>
        %swap3A_478 = arith.constant 192 : index
        %swap3A_479 = tpu.vector_load %swap3A_477[%swap3A_478] {strides = array<i32>} : memref<256xf32, #tpu.memory_space<vmem>>, vector<16xf32>,
        %swap3A_480 = vector.shape_cast %swap3A_479 : vector<16xf32> to vector<16xf32>
        %swap3A_481 = vector.shape_cast %get3A_81 : vector<16xf32> to vector<16xf32>
        tpu.vector_store %swap3A_477[%swap3A_478], %swap3A_481 {strides = array<i32>} : memref<256xf32, #tpu.memory_space<vmem>>, vector<16xf32>,
        %swap3A_482 = arith.constant 0 : i32
        %swap3A_483 = arith.constant 0 : i32
        %swap3A_484 = tpu.memref_slice %arg5[%swap3A_482, %scan3A_442, %swap3A_483] : memref<2x200x256xf32, #tpu.memory_space<vmem>> -> memref<1x1x256xf32, #tpu.memory_space<vmem>>
        %swap3A_485 = tpu.memref_squeeze %swap3A_484 : memref<1x1x256xf32, #tpu.memory_space<vmem>> -> memref<256xf32, #tpu.memory_space<vmem>>
        %swap3A_486 = arith.constant 208 : index
        %swap3A_487 = tpu.vector_load %swap3A_485[%swap3A_486] {strides = array<i32>} : memref<256xf32, #tpu.memory_space<vmem>>, vector<16xf32>,
        %swap3A_488 = vector.shape_cast %swap3A_487 : vector<16xf32> to vector<16xf32>
        %swap3A_489 = vector.shape_cast %get3A_88 : vector<16xf32> to vector<16xf32>
        tpu.vector_store %swap3A_485[%swap3A_486], %swap3A_489 {strides = array<i32>} : memref<256xf32, #tpu.memory_space<vmem>>, vector<16xf32>,
        %swap3A_490 = arith.constant 0 : i32
        %swap3A_491 = arith.constant 0 : i32
        %swap3A_492 = tpu.memref_slice %arg5[%swap3A_490, %scan3A_442, %swap3A_491] : memref<2x200x256xf32, #tpu.memory_space<vmem>> -> memref<1x1x256xf32, #tpu.memory_space<vmem>>
        %swap3A_493 = tpu.memref_squeeze %swap3A_492 : memref<1x1x256xf32, #tpu.memory_space<vmem>> -> memref<256xf32, #tpu.memory_space<vmem>>
        %swap3A_494 = arith.constant 224 : index
        %swap3A_495 = tpu.vector_load %swap3A_493[%swap3A_494] {strides = array<i32>} : memref<256xf32, #tpu.memory_space<vmem>>, vector<16xf32>,
        %swap3A_496 = vector.shape_cast %swap3A_495 : vector<16xf32> to vector<16xf32>
        %swap3A_497 = vector.shape_cast %get3A_95 : vector<16xf32> to vector<16xf32>
        tpu.vector_store %swap3A_493[%swap3A_494], %swap3A_497 {strides = array<i32>} : memref<256xf32, #tpu.memory_space<vmem>>, vector<16xf32>,
        %swap3A_498 = arith.constant 0 : i32
        %swap3A_499 = arith.constant 0 : i32
        %swap3A_500 = tpu.memref_slice %arg5[%swap3A_498, %scan3A_442, %swap3A_499] : memref<2x200x256xf32, #tpu.memory_space<vmem>> -> memref<1x1x256xf32, #tpu.memory_space<vmem>>
        %swap3A_501 = tpu.memref_squeeze %swap3A_500 : memref<1x1x256xf32, #tpu.memory_space<vmem>> -> memref<256xf32, #tpu.memory_space<vmem>>
        %swap3A_502 = arith.constant 240 : index
        %swap3A_503 = tpu.vector_load %swap3A_501[%swap3A_502] {strides = array<i32>} : memref<256xf32, #tpu.memory_space<vmem>>, vector<16xf32>,
        %swap3A_504 = vector.shape_cast %swap3A_503 : vector<16xf32> to vector<16xf32>
        %swap3A_505 = vector.shape_cast %get3A_102 : vector<16xf32> to vector<16xf32>
        tpu.vector_store %swap3A_501[%swap3A_502], %swap3A_505 {strides = array<i32>} : memref<256xf32, #tpu.memory_space<vmem>>, vector<16xf32>,
      }
      %scan3A_107 = arith.constant 200 : i32
      %dma_start3A = arith.constant 0 : i32
      %dma_start3A_108 = arith.constant 0 : i32
      %dma_start3A_109 = arith.constant 0 : i32
      %dma_start3A_110 = arith.constant 0 : i32
      %dma_start3A_111 = arith.constant 0 : i32
      %dma_start3A_112 = tpu.memref_slice %arg5[%dma_start3A, %dma_start3A_110, %dma_start3A_111] : memref<2x200x256xf32, #tpu.memory_space<vmem>> -> memref<1x200x256xf32, #tpu.memory_space<vmem>>
      %dma_start3A_113 = tpu.memref_squeeze %dma_start3A_112 : memref<1x200x256xf32, #tpu.memory_space<vmem>> -> memref<200x256xf32, #tpu.memory_space<vmem>>
      %dma_start3A_114 = arith.constant 0 : i32
      %dma_start3A_115 = arith.constant 0 : i32
      %dma_start3A_116 = tpu.memref_slice %arg4[%dma_start3A_108, %add3A_42, %dma_start3A_114, %dma_start3A_115] : memref<8x200x200x256xf32, #tpu.memory_space<hbm>> -> memref<1x1x200x256xf32, #tpu.memory_space<hbm>>
      %dma_start3A_117 = tpu.memref_squeeze %dma_start3A_116 : memref<1x1x200x256xf32, #tpu.memory_space<hbm>> -> memref<200x256xf32, #tpu.memory_space<hbm>>
      %dma_start3A_118 = tpu.memref_slice %arg7[%dma_start3A_109] : memref<2x!tpu.dma_semaphore, #tpu.memory_space<semaphore_mem>> -> memref<1x!tpu.dma_semaphore, #tpu.memory_space<semaphore_mem>>
      %dma_start3A_119 = tpu.memref_squeeze %dma_start3A_118 : memref<1x!tpu.dma_semaphore, #tpu.memory_space<semaphore_mem>> -> memref<!tpu.dma_semaphore, #tpu.memory_space<semaphore_mem>>
      %dma_start3A_120 = arith.constant 0 : i32
      %dma_start3A_121 = arith.constant 0 : i32
      %dma_start3A_122 = tpu.memref_slice %arg4[%dma_start3A_108, %add3A_42, %dma_start3A_120, %dma_start3A_121] : memref<8x200x200x256xf32, #tpu.memory_space<hbm>> -> memref<1x1x200x256xf32, #tpu.memory_space<hbm>>
      %dma_start3A_123 = tpu.memref_squeeze %dma_start3A_122 : memref<1x1x200x256xf32, #tpu.memory_space<hbm>> -> memref<200x256xf32, #tpu.memory_space<hbm>>
      %dma_start3A_124 = arith.constant 0 : i32
      %dma_start3A_125 = arith.constant 0 : i32
      %dma_start3A_126 = tpu.memref_slice %arg5[%dma_start3A, %dma_start3A_124, %dma_start3A_125] : memref<2x200x256xf32, #tpu.memory_space<vmem>> -> memref<1x200x256xf32, #tpu.memory_space<vmem>>
      %dma_start3A_127 = tpu.memref_squeeze %dma_start3A_126 : memref<1x200x256xf32, #tpu.memory_space<vmem>> -> memref<200x256xf32, #tpu.memory_space<vmem>>
      tpu.enqueue_dma source(%dma_start3A_127 : memref<200x256xf32, #tpu.memory_space<vmem>>) target(%dma_start3A_123 : memref<200x256xf32, #tpu.memory_space<hbm>>) target_semaphore(%dma_start3A_119 : memref<!tpu.dma_semaphore, #tpu.memory_space<semaphore_mem>>)
      %dma_start3A_128 = arith.constant 0 : i32
      %dma_start3A_129 = arith.constant 1 : i32
      %dma_start3A_130 = arith.constant 0 : i32
      %dma_start3A_131 = arith.constant 0 : i32
      %dma_start3A_132 = arith.constant 0 : i32
      %dma_start3A_133 = tpu.memref_slice %arg5[%dma_start3A_128, %dma_start3A_131, %dma_start3A_132] : memref<2x200x256xf32, #tpu.memory_space<vmem>> -> memref<1x200x256xf32, #tpu.memory_space<vmem>>
      %dma_start3A_134 = tpu.memref_squeeze %dma_start3A_133 : memref<1x200x256xf32, #tpu.memory_space<vmem>> -> memref<200x256xf32, #tpu.memory_space<vmem>>
      %dma_start3A_135 = arith.constant 0 : i32
      %dma_start3A_136 = arith.constant 0 : i32
      %dma_start3A_137 = tpu.memref_slice %arg4[%dma_start3A_129, %add3A_42, %dma_start3A_135, %dma_start3A_136] : memref<8x200x200x256xf32, #tpu.memory_space<hbm>> -> memref<1x1x200x256xf32, #tpu.memory_space<hbm>>
      %dma_start3A_138 = tpu.memref_squeeze %dma_start3A_137 : memref<1x1x200x256xf32, #tpu.memory_space<hbm>> -> memref<200x256xf32, #tpu.memory_space<hbm>>
      %dma_start3A_139 = tpu.memref_slice %arg7[%dma_start3A_130] : memref<2x!tpu.dma_semaphore, #tpu.memory_space<semaphore_mem>> -> memref<1x!tpu.dma_semaphore, #tpu.memory_space<semaphore_mem>>
      %dma_start3A_140 = tpu.memref_squeeze %dma_start3A_139 : memref<1x!tpu.dma_semaphore, #tpu.memory_space<semaphore_mem>> -> memref<!tpu.dma_semaphore, #tpu.memory_space<semaphore_mem>>
      %dma_start3A_141 = arith.constant 0 : i32
      %dma_start3A_142 = arith.constant 0 : i32
      %dma_start3A_143 = tpu.memref_slice %arg4[%dma_start3A_129, %add3A_42, %dma_start3A_141, %dma_start3A_142] : memref<8x200x200x256xf32, #tpu.memory_space<hbm>> -> memref<1x1x200x256xf32, #tpu.memory_space<hbm>>
      %dma_start3A_144 = tpu.memref_squeeze %dma_start3A_143 : memref<1x1x200x256xf32, #tpu.memory_space<hbm>> -> memref<200x256xf32, #tpu.memory_space<hbm>>
      %dma_start3A_145 = arith.constant 0 : i32
      %dma_start3A_146 = arith.constant 0 : i32
      %dma_start3A_147 = tpu.memref_slice %arg5[%dma_start3A_128, %dma_start3A_145, %dma_start3A_146] : memref<2x200x256xf32, #tpu.memory_space<vmem>> -> memref<1x200x256xf32, #tpu.memory_space<vmem>>
      %dma_start3A_148 = tpu.memref_squeeze %dma_start3A_147 : memref<1x200x256xf32, #tpu.memory_space<vmem>> -> memref<200x256xf32, #tpu.memory_space<vmem>>
      tpu.enqueue_dma source(%dma_start3A_148 : memref<200x256xf32, #tpu.memory_space<vmem>>) target(%dma_start3A_144 : memref<200x256xf32, #tpu.memory_space<hbm>>) target_semaphore(%dma_start3A_140 : memref<!tpu.dma_semaphore, #tpu.memory_space<semaphore_mem>>)
      %dma_start3A_149 = arith.constant 0 : i32
      %dma_start3A_150 = arith.constant 2 : i32
      %dma_start3A_151 = arith.constant 0 : i32
      %dma_start3A_152 = arith.constant 0 : i32
      %dma_start3A_153 = arith.constant 0 : i32
      %dma_start3A_154 = tpu.memref_slice %arg5[%dma_start3A_149, %dma_start3A_152, %dma_start3A_153] : memref<2x200x256xf32, #tpu.memory_space<vmem>> -> memref<1x200x256xf32, #tpu.memory_space<vmem>>
      %dma_start3A_155 = tpu.memref_squeeze %dma_start3A_154 : memref<1x200x256xf32, #tpu.memory_space<vmem>> -> memref<200x256xf32, #tpu.memory_space<vmem>>
      %dma_start3A_156 = arith.constant 0 : i32
      %dma_start3A_157 = arith.constant 0 : i32
      %dma_start3A_158 = tpu.memref_slice %arg4[%dma_start3A_150, %add3A_42, %dma_start3A_156, %dma_start3A_157] : memref<8x200x200x256xf32, #tpu.memory_space<hbm>> -> memref<1x1x200x256xf32, #tpu.memory_space<hbm>>
      %dma_start3A_159 = tpu.memref_squeeze %dma_start3A_158 : memref<1x1x200x256xf32, #tpu.memory_space<hbm>> -> memref<200x256xf32, #tpu.memory_space<hbm>>
      %dma_start3A_160 = tpu.memref_slice %arg7[%dma_start3A_151] : memref<2x!tpu.dma_semaphore, #tpu.memory_space<semaphore_mem>> -> memref<1x!tpu.dma_semaphore, #tpu.memory_space<semaphore_mem>>
      %dma_start3A_161 = tpu.memref_squeeze %dma_start3A_160 : memref<1x!tpu.dma_semaphore, #tpu.memory_space<semaphore_mem>> -> memref<!tpu.dma_semaphore, #tpu.memory_space<semaphore_mem>>
      %dma_start3A_162 = arith.constant 0 : i32
      %dma_start3A_163 = arith.constant 0 : i32
      %dma_start3A_164 = tpu.memref_slice %arg4[%dma_start3A_150, %add3A_42, %dma_start3A_162, %dma_start3A_163] : memref<8x200x200x256xf32, #tpu.memory_space<hbm>> -> memref<1x1x200x256xf32, #tpu.memory_space<hbm>>
      %dma_start3A_165 = tpu.memref_squeeze %dma_start3A_164 : memref<1x1x200x256xf32, #tpu.memory_space<hbm>> -> memref<200x256xf32, #tpu.memory_space<hbm>>
      %dma_start3A_166 = arith.constant 0 : i32
      %dma_start3A_167 = arith.constant 0 : i32
      %dma_start3A_168 = tpu.memref_slice %arg5[%dma_start3A_149, %dma_start3A_166, %dma_start3A_167] : memref<2x200x256xf32, #tpu.memory_space<vmem>> -> memref<1x200x256xf32, #tpu.memory_space<vmem>>
      %dma_start3A_169 = tpu.memref_squeeze %dma_start3A_168 : memref<1x200x256xf32, #tpu.memory_space<vmem>> -> memref<200x256xf32, #tpu.memory_space<vmem>>
      tpu.enqueue_dma source(%dma_start3A_169 : memref<200x256xf32, #tpu.memory_space<vmem>>) target(%dma_start3A_165 : memref<200x256xf32, #tpu.memory_space<hbm>>) target_semaphore(%dma_start3A_161 : memref<!tpu.dma_semaphore, #tpu.memory_space<semaphore_mem>>)
      %dma_start3A_170 = arith.constant 0 : i32
      %dma_start3A_171 = arith.constant 3 : i32
      %dma_start3A_172 = arith.constant 0 : i32
      %dma_start3A_173 = arith.constant 0 : i32
      %dma_start3A_174 = arith.constant 0 : i32
      %dma_start3A_175 = tpu.memref_slice %arg5[%dma_start3A_170, %dma_start3A_173, %dma_start3A_174] : memref<2x200x256xf32, #tpu.memory_space<vmem>> -> memref<1x200x256xf32, #tpu.memory_space<vmem>>
      %dma_start3A_176 = tpu.memref_squeeze %dma_start3A_175 : memref<1x200x256xf32, #tpu.memory_space<vmem>> -> memref<200x256xf32, #tpu.memory_space<vmem>>
      %dma_start3A_177 = arith.constant 0 : i32
      %dma_start3A_178 = arith.constant 0 : i32
      %dma_start3A_179 = tpu.memref_slice %arg4[%dma_start3A_171, %add3A_42, %dma_start3A_177, %dma_start3A_178] : memref<8x200x200x256xf32, #tpu.memory_space<hbm>> -> memref<1x1x200x256xf32, #tpu.memory_space<hbm>>
      %dma_start3A_180 = tpu.memref_squeeze %dma_start3A_179 : memref<1x1x200x256xf32, #tpu.memory_space<hbm>> -> memref<200x256xf32, #tpu.memory_space<hbm>>
      %dma_start3A_181 = tpu.memref_slice %arg7[%dma_start3A_172] : memref<2x!tpu.dma_semaphore, #tpu.memory_space<semaphore_mem>> -> memref<1x!tpu.dma_semaphore, #tpu.memory_space<semaphore_mem>>
      %dma_start3A_182 = tpu.memref_squeeze %dma_start3A_181 : memref<1x!tpu.dma_semaphore, #tpu.memory_space<semaphore_mem>> -> memref<!tpu.dma_semaphore, #tpu.memory_space<semaphore_mem>>
      %dma_start3A_183 = arith.constant 0 : i32
      %dma_start3A_184 = arith.constant 0 : i32
      %dma_start3A_185 = tpu.memref_slice %arg4[%dma_start3A_171, %add3A_42, %dma_start3A_183, %dma_start3A_184] : memref<8x200x200x256xf32, #tpu.memory_space<hbm>> -> memref<1x1x200x256xf32, #tpu.memory_space<hbm>>
      %dma_start3A_186 = tpu.memref_squeeze %dma_start3A_185 : memref<1x1x200x256xf32, #tpu.memory_space<hbm>> -> memref<200x256xf32, #tpu.memory_space<hbm>>
      %dma_start3A_187 = arith.constant 0 : i32
      %dma_start3A_188 = arith.constant 0 : i32
      %dma_start3A_189 = tpu.memref_slice %arg5[%dma_start3A_170, %dma_start3A_187, %dma_start3A_188] : memref<2x200x256xf32, #tpu.memory_space<vmem>> -> memref<1x200x256xf32, #tpu.memory_space<vmem>>
      %dma_start3A_190 = tpu.memref_squeeze %dma_start3A_189 : memref<1x200x256xf32, #tpu.memory_space<vmem>> -> memref<200x256xf32, #tpu.memory_space<vmem>>
      tpu.enqueue_dma source(%dma_start3A_190 : memref<200x256xf32, #tpu.memory_space<vmem>>) target(%dma_start3A_186 : memref<200x256xf32, #tpu.memory_space<hbm>>) target_semaphore(%dma_start3A_182 : memref<!tpu.dma_semaphore, #tpu.memory_space<semaphore_mem>>)
      %dma_start3A_191 = arith.constant 0 : i32
      %dma_start3A_192 = arith.constant 4 : i32
      %dma_start3A_193 = arith.constant 0 : i32
      %dma_start3A_194 = arith.constant 0 : i32
      %dma_start3A_195 = arith.constant 0 : i32
      %dma_start3A_196 = tpu.memref_slice %arg5[%dma_start3A_191, %dma_start3A_194, %dma_start3A_195] : memref<2x200x256xf32, #tpu.memory_space<vmem>> -> memref<1x200x256xf32, #tpu.memory_space<vmem>>
      %dma_start3A_197 = tpu.memref_squeeze %dma_start3A_196 : memref<1x200x256xf32, #tpu.memory_space<vmem>> -> memref<200x256xf32, #tpu.memory_space<vmem>>
      %dma_start3A_198 = arith.constant 0 : i32
      %dma_start3A_199 = arith.constant 0 : i32
      %dma_start3A_200 = tpu.memref_slice %arg4[%dma_start3A_192, %add3A_42, %dma_start3A_198, %dma_start3A_199] : memref<8x200x200x256xf32, #tpu.memory_space<hbm>> -> memref<1x1x200x256xf32, #tpu.memory_space<hbm>>
      %dma_start3A_201 = tpu.memref_squeeze %dma_start3A_200 : memref<1x1x200x256xf32, #tpu.memory_space<hbm>> -> memref<200x256xf32, #tpu.memory_space<hbm>>
      %dma_start3A_202 = tpu.memref_slice %arg7[%dma_start3A_193] : memref<2x!tpu.dma_semaphore, #tpu.memory_space<semaphore_mem>> -> memref<1x!tpu.dma_semaphore, #tpu.memory_space<semaphore_mem>>
      %dma_start3A_203 = tpu.memref_squeeze %dma_start3A_202 : memref<1x!tpu.dma_semaphore, #tpu.memory_space<semaphore_mem>> -> memref<!tpu.dma_semaphore, #tpu.memory_space<semaphore_mem>>
      %dma_start3A_204 = arith.constant 0 : i32
      %dma_start3A_205 = arith.constant 0 : i32
      %dma_start3A_206 = tpu.memref_slice %arg4[%dma_start3A_192, %add3A_42, %dma_start3A_204, %dma_start3A_205] : memref<8x200x200x256xf32, #tpu.memory_space<hbm>> -> memref<1x1x200x256xf32, #tpu.memory_space<hbm>>
      %dma_start3A_207 = tpu.memref_squeeze %dma_start3A_206 : memref<1x1x200x256xf32, #tpu.memory_space<hbm>> -> memref<200x256xf32, #tpu.memory_space<hbm>>
      %dma_start3A_208 = arith.constant 0 : i32
      %dma_start3A_209 = arith.constant 0 : i32
      %dma_start3A_210 = tpu.memref_slice %arg5[%dma_start3A_191, %dma_start3A_208, %dma_start3A_209] : memref<2x200x256xf32, #tpu.memory_space<vmem>> -> memref<1x200x256xf32, #tpu.memory_space<vmem>>
      %dma_start3A_211 = tpu.memref_squeeze %dma_start3A_210 : memref<1x200x256xf32, #tpu.memory_space<vmem>> -> memref<200x256xf32, #tpu.memory_space<vmem>>
      tpu.enqueue_dma source(%dma_start3A_211 : memref<200x256xf32, #tpu.memory_space<vmem>>) target(%dma_start3A_207 : memref<200x256xf32, #tpu.memory_space<hbm>>) target_semaphore(%dma_start3A_203 : memref<!tpu.dma_semaphore, #tpu.memory_space<semaphore_mem>>)
      %dma_start3A_212 = arith.constant 0 : i32
      %dma_start3A_213 = arith.constant 5 : i32
      %dma_start3A_214 = arith.constant 0 : i32
      %dma_start3A_215 = arith.constant 0 : i32
      %dma_start3A_216 = arith.constant 0 : i32
      %dma_start3A_217 = tpu.memref_slice %arg5[%dma_start3A_212, %dma_start3A_215, %dma_start3A_216] : memref<2x200x256xf32, #tpu.memory_space<vmem>> -> memref<1x200x256xf32, #tpu.memory_space<vmem>>
      %dma_start3A_218 = tpu.memref_squeeze %dma_start3A_217 : memref<1x200x256xf32, #tpu.memory_space<vmem>> -> memref<200x256xf32, #tpu.memory_space<vmem>>
      %dma_start3A_219 = arith.constant 0 : i32
      %dma_start3A_220 = arith.constant 0 : i32
      %dma_start3A_221 = tpu.memref_slice %arg4[%dma_start3A_213, %add3A_42, %dma_start3A_219, %dma_start3A_220] : memref<8x200x200x256xf32, #tpu.memory_space<hbm>> -> memref<1x1x200x256xf32, #tpu.memory_space<hbm>>
      %dma_start3A_222 = tpu.memref_squeeze %dma_start3A_221 : memref<1x1x200x256xf32, #tpu.memory_space<hbm>> -> memref<200x256xf32, #tpu.memory_space<hbm>>
      %dma_start3A_223 = tpu.memref_slice %arg7[%dma_start3A_214] : memref<2x!tpu.dma_semaphore, #tpu.memory_space<semaphore_mem>> -> memref<1x!tpu.dma_semaphore, #tpu.memory_space<semaphore_mem>>
      %dma_start3A_224 = tpu.memref_squeeze %dma_start3A_223 : memref<1x!tpu.dma_semaphore, #tpu.memory_space<semaphore_mem>> -> memref<!tpu.dma_semaphore, #tpu.memory_space<semaphore_mem>>
      %dma_start3A_225 = arith.constant 0 : i32
      %dma_start3A_226 = arith.constant 0 : i32
      %dma_start3A_227 = tpu.memref_slice %arg4[%dma_start3A_213, %add3A_42, %dma_start3A_225, %dma_start3A_226] : memref<8x200x200x256xf32, #tpu.memory_space<hbm>> -> memref<1x1x200x256xf32, #tpu.memory_space<hbm>>
      %dma_start3A_228 = tpu.memref_squeeze %dma_start3A_227 : memref<1x1x200x256xf32, #tpu.memory_space<hbm>> -> memref<200x256xf32, #tpu.memory_space<hbm>>
      %dma_start3A_229 = arith.constant 0 : i32
      %dma_start3A_230 = arith.constant 0 : i32
      %dma_start3A_231 = tpu.memref_slice %arg5[%dma_start3A_212, %dma_start3A_229, %dma_start3A_230] : memref<2x200x256xf32, #tpu.memory_space<vmem>> -> memref<1x200x256xf32, #tpu.memory_space<vmem>>
      %dma_start3A_232 = tpu.memref_squeeze %dma_start3A_231 : memref<1x200x256xf32, #tpu.memory_space<vmem>> -> memref<200x256xf32, #tpu.memory_space<vmem>>
      tpu.enqueue_dma source(%dma_start3A_232 : memref<200x256xf32, #tpu.memory_space<vmem>>) target(%dma_start3A_228 : memref<200x256xf32, #tpu.memory_space<hbm>>) target_semaphore(%dma_start3A_224 : memref<!tpu.dma_semaphore, #tpu.memory_space<semaphore_mem>>)
      %dma_start3A_233 = arith.constant 0 : i32
      %dma_start3A_234 = arith.constant 6 : i32
      %dma_start3A_235 = arith.constant 0 : i32
      %dma_start3A_236 = arith.constant 0 : i32
      %dma_start3A_237 = arith.constant 0 : i32
      %dma_start3A_238 = tpu.memref_slice %arg5[%dma_start3A_233, %dma_start3A_236, %dma_start3A_237] : memref<2x200x256xf32, #tpu.memory_space<vmem>> -> memref<1x200x256xf32, #tpu.memory_space<vmem>>
      %dma_start3A_239 = tpu.memref_squeeze %dma_start3A_238 : memref<1x200x256xf32, #tpu.memory_space<vmem>> -> memref<200x256xf32, #tpu.memory_space<vmem>>
      %dma_start3A_240 = arith.constant 0 : i32
      %dma_start3A_241 = arith.constant 0 : i32
      %dma_start3A_242 = tpu.memref_slice %arg4[%dma_start3A_234, %add3A_42, %dma_start3A_240, %dma_start3A_241] : memref<8x200x200x256xf32, #tpu.memory_space<hbm>> -> memref<1x1x200x256xf32, #tpu.memory_space<hbm>>
      %dma_start3A_243 = tpu.memref_squeeze %dma_start3A_242 : memref<1x1x200x256xf32, #tpu.memory_space<hbm>> -> memref<200x256xf32, #tpu.memory_space<hbm>>
      %dma_start3A_244 = tpu.memref_slice %arg7[%dma_start3A_235] : memref<2x!tpu.dma_semaphore, #tpu.memory_space<semaphore_mem>> -> memref<1x!tpu.dma_semaphore, #tpu.memory_space<semaphore_mem>>
      %dma_start3A_245 = tpu.memref_squeeze %dma_start3A_244 : memref<1x!tpu.dma_semaphore, #tpu.memory_space<semaphore_mem>> -> memref<!tpu.dma_semaphore, #tpu.memory_space<semaphore_mem>>
      %dma_start3A_246 = arith.constant 0 : i32
      %dma_start3A_247 = arith.constant 0 : i32
      %dma_start3A_248 = tpu.memref_slice %arg4[%dma_start3A_234, %add3A_42, %dma_start3A_246, %dma_start3A_247] : memref<8x200x200x256xf32, #tpu.memory_space<hbm>> -> memref<1x1x200x256xf32, #tpu.memory_space<hbm>>
      %dma_start3A_249 = tpu.memref_squeeze %dma_start3A_248 : memref<1x1x200x256xf32, #tpu.memory_space<hbm>> -> memref<200x256xf32, #tpu.memory_space<hbm>>
      %dma_start3A_250 = arith.constant 0 : i32
      %dma_start3A_251 = arith.constant 0 : i32
      %dma_start3A_252 = tpu.memref_slice %arg5[%dma_start3A_233, %dma_start3A_250, %dma_start3A_251] : memref<2x200x256xf32, #tpu.memory_space<vmem>> -> memref<1x200x256xf32, #tpu.memory_space<vmem>>
      %dma_start3A_253 = tpu.memref_squeeze %dma_start3A_252 : memref<1x200x256xf32, #tpu.memory_space<vmem>> -> memref<200x256xf32, #tpu.memory_space<vmem>>
      tpu.enqueue_dma source(%dma_start3A_253 : memref<200x256xf32, #tpu.memory_space<vmem>>) target(%dma_start3A_249 : memref<200x256xf32, #tpu.memory_space<hbm>>) target_semaphore(%dma_start3A_245 : memref<!tpu.dma_semaphore, #tpu.memory_space<semaphore_mem>>)
      %dma_start3A_254 = arith.constant 0 : i32
      %dma_start3A_255 = arith.constant 7 : i32
      %dma_start3A_256 = arith.constant 0 : i32
      %dma_start3A_257 = arith.constant 0 : i32
      %dma_start3A_258 = arith.constant 0 : i32
      %dma_start3A_259 = tpu.memref_slice %arg5[%dma_start3A_254, %dma_start3A_257, %dma_start3A_258] : memref<2x200x256xf32, #tpu.memory_space<vmem>> -> memref<1x200x256xf32, #tpu.memory_space<vmem>>
      %dma_start3A_260 = tpu.memref_squeeze %dma_start3A_259 : memref<1x200x256xf32, #tpu.memory_space<vmem>> -> memref<200x256xf32, #tpu.memory_space<vmem>>
      %dma_start3A_261 = arith.constant 0 : i32
      %dma_start3A_262 = arith.constant 0 : i32
      %dma_start3A_263 = tpu.memref_slice %arg4[%dma_start3A_255, %add3A_42, %dma_start3A_261, %dma_start3A_262] : memref<8x200x200x256xf32, #tpu.memory_space<hbm>> -> memref<1x1x200x256xf32, #tpu.memory_space<hbm>>
      %dma_start3A_264 = tpu.memref_squeeze %dma_start3A_263 : memref<1x1x200x256xf32, #tpu.memory_space<hbm>> -> memref<200x256xf32, #tpu.memory_space<hbm>>
      %dma_start3A_265 = tpu.memref_slice %arg7[%dma_start3A_256] : memref<2x!tpu.dma_semaphore, #tpu.memory_space<semaphore_mem>> -> memref<1x!tpu.dma_semaphore, #tpu.memory_space<semaphore_mem>>
      %dma_start3A_266 = tpu.memref_squeeze %dma_start3A_265 : memref<1x!tpu.dma_semaphore, #tpu.memory_space<semaphore_mem>> -> memref<!tpu.dma_semaphore, #tpu.memory_space<semaphore_mem>>
      %dma_start3A_267 = arith.constant 0 : i32
      %dma_start3A_268 = arith.constant 0 : i32
      %dma_start3A_269 = tpu.memref_slice %arg4[%dma_start3A_255, %add3A_42, %dma_start3A_267, %dma_start3A_268] : memref<8x200x200x256xf32, #tpu.memory_space<hbm>> -> memref<1x1x200x256xf32, #tpu.memory_space<hbm>>
      %dma_start3A_270 = tpu.memref_squeeze %dma_start3A_269 : memref<1x1x200x256xf32, #tpu.memory_space<hbm>> -> memref<200x256xf32, #tpu.memory_space<hbm>>
      %dma_start3A_271 = arith.constant 0 : i32
      %dma_start3A_272 = arith.constant 0 : i32
      %dma_start3A_273 = tpu.memref_slice %arg5[%dma_start3A_254, %dma_start3A_271, %dma_start3A_272] : memref<2x200x256xf32, #tpu.memory_space<vmem>> -> memref<1x200x256xf32, #tpu.memory_space<vmem>>
      %dma_start3A_274 = tpu.memref_squeeze %dma_start3A_273 : memref<1x200x256xf32, #tpu.memory_space<vmem>> -> memref<200x256xf32, #tpu.memory_space<vmem>>
      tpu.enqueue_dma source(%dma_start3A_274 : memref<200x256xf32, #tpu.memory_space<vmem>>) target(%dma_start3A_270 : memref<200x256xf32, #tpu.memory_space<hbm>>) target_semaphore(%dma_start3A_266 : memref<!tpu.dma_semaphore, #tpu.memory_space<semaphore_mem>>)
      %dma_wait3A = arith.constant 0 : i32
      %dma_wait3A_275 = arith.constant 0 : i32
      %dma_wait3A_276 = arith.constant 0 : i32
      %dma_wait3A_277 = arith.constant 0 : i32
      %dma_wait3A_278 = arith.constant 0 : i32
      %dma_wait3A_279 = tpu.memref_slice %arg5[%dma_wait3A, %dma_wait3A_277, %dma_wait3A_278] : memref<2x200x256xf32, #tpu.memory_space<vmem>> -> memref<1x200x256xf32, #tpu.memory_space<vmem>>
      %dma_wait3A_280 = tpu.memref_squeeze %dma_wait3A_279 : memref<1x200x256xf32, #tpu.memory_space<vmem>> -> memref<200x256xf32, #tpu.memory_space<vmem>>
      %dma_wait3A_281 = arith.constant 0 : i32
      %dma_wait3A_282 = arith.constant 0 : i32
      %dma_wait3A_283 = tpu.memref_slice %arg4[%dma_wait3A_275, %add3A_42, %dma_wait3A_281, %dma_wait3A_282] : memref<8x200x200x256xf32, #tpu.memory_space<hbm>> -> memref<1x1x200x256xf32, #tpu.memory_space<hbm>>
      %dma_wait3A_284 = tpu.memref_squeeze %dma_wait3A_283 : memref<1x1x200x256xf32, #tpu.memory_space<hbm>> -> memref<200x256xf32, #tpu.memory_space<hbm>>
      %dma_wait3A_285 = tpu.memref_slice %arg7[%dma_wait3A_276] : memref<2x!tpu.dma_semaphore, #tpu.memory_space<semaphore_mem>> -> memref<1x!tpu.dma_semaphore, #tpu.memory_space<semaphore_mem>>
      %dma_wait3A_286 = tpu.memref_squeeze %dma_wait3A_285 : memref<1x!tpu.dma_semaphore, #tpu.memory_space<semaphore_mem>> -> memref<!tpu.dma_semaphore, #tpu.memory_space<semaphore_mem>>
      %dma_wait3A_287 = arith.constant 0 : i32
      %dma_wait3A_288 = arith.constant 0 : i32
      %dma_wait3A_289 = tpu.memref_slice %arg4[%dma_wait3A_275, %add3A_42, %dma_wait3A_287, %dma_wait3A_288] : memref<8x200x200x256xf32, #tpu.memory_space<hbm>> -> memref<1x1x200x256xf32, #tpu.memory_space<hbm>>
      %dma_wait3A_290 = tpu.memref_squeeze %dma_wait3A_289 : memref<1x1x200x256xf32, #tpu.memory_space<hbm>> -> memref<200x256xf32, #tpu.memory_space<hbm>>
      %dma_wait3A_291 = arith.constant 0 : i32
      %dma_wait3A_292 = arith.constant 0 : i32
      %dma_wait3A_293 = tpu.memref_slice %arg5[%dma_wait3A, %dma_wait3A_291, %dma_wait3A_292] : memref<2x200x256xf32, #tpu.memory_space<vmem>> -> memref<1x200x256xf32, #tpu.memory_space<vmem>>
      %dma_wait3A_294 = tpu.memref_squeeze %dma_wait3A_293 : memref<1x200x256xf32, #tpu.memory_space<vmem>> -> memref<200x256xf32, #tpu.memory_space<vmem>>
      tpu.wait_dma2 semaphore(%dma_wait3A_286 : memref<!tpu.dma_semaphore, #tpu.memory_space<semaphore_mem>>) src(%dma_wait3A_294 : memref<200x256xf32, #tpu.memory_space<vmem>>) dst(%dma_wait3A_290 : memref<200x256xf32, #tpu.memory_space<hbm>>)
      %dma_wait3A_295 = arith.constant 0 : i32
      %dma_wait3A_296 = arith.constant 1 : i32
      %dma_wait3A_297 = arith.constant 0 : i32
      %dma_wait3A_298 = arith.constant 0 : i32
      %dma_wait3A_299 = arith.constant 0 : i32
      %dma_wait3A_300 = tpu.memref_slice %arg5[%dma_wait3A_295, %dma_wait3A_298, %dma_wait3A_299] : memref<2x200x256xf32, #tpu.memory_space<vmem>> -> memref<1x200x256xf32, #tpu.memory_space<vmem>>
      %dma_wait3A_301 = tpu.memref_squeeze %dma_wait3A_300 : memref<1x200x256xf32, #tpu.memory_space<vmem>> -> memref<200x256xf32, #tpu.memory_space<vmem>>
      %dma_wait3A_302 = arith.constant 0 : i32
      %dma_wait3A_303 = arith.constant 0 : i32
      %dma_wait3A_304 = tpu.memref_slice %arg4[%dma_wait3A_296, %add3A_42, %dma_wait3A_302, %dma_wait3A_303] : memref<8x200x200x256xf32, #tpu.memory_space<hbm>> -> memref<1x1x200x256xf32, #tpu.memory_space<hbm>>
      %dma_wait3A_305 = tpu.memref_squeeze %dma_wait3A_304 : memref<1x1x200x256xf32, #tpu.memory_space<hbm>> -> memref<200x256xf32, #tpu.memory_space<hbm>>
      %dma_wait3A_306 = tpu.memref_slice %arg7[%dma_wait3A_297] : memref<2x!tpu.dma_semaphore, #tpu.memory_space<semaphore_mem>> -> memref<1x!tpu.dma_semaphore, #tpu.memory_space<semaphore_mem>>
      %dma_wait3A_307 = tpu.memref_squeeze %dma_wait3A_306 : memref<1x!tpu.dma_semaphore, #tpu.memory_space<semaphore_mem>> -> memref<!tpu.dma_semaphore, #tpu.memory_space<semaphore_mem>>
      %dma_wait3A_308 = arith.constant 0 : i32
      %dma_wait3A_309 = arith.constant 0 : i32
      %dma_wait3A_310 = tpu.memref_slice %arg4[%dma_wait3A_296, %add3A_42, %dma_wait3A_308, %dma_wait3A_309] : memref<8x200x200x256xf32, #tpu.memory_space<hbm>> -> memref<1x1x200x256xf32, #tpu.memory_space<hbm>>
      %dma_wait3A_311 = tpu.memref_squeeze %dma_wait3A_310 : memref<1x1x200x256xf32, #tpu.memory_space<hbm>> -> memref<200x256xf32, #tpu.memory_space<hbm>>
      %dma_wait3A_312 = arith.constant 0 : i32
      %dma_wait3A_313 = arith.constant 0 : i32
      %dma_wait3A_314 = tpu.memref_slice %arg5[%dma_wait3A_295, %dma_wait3A_312, %dma_wait3A_313] : memref<2x200x256xf32, #tpu.memory_space<vmem>> -> memref<1x200x256xf32, #tpu.memory_space<vmem>>
      %dma_wait3A_315 = tpu.memref_squeeze %dma_wait3A_314 : memref<1x200x256xf32, #tpu.memory_space<vmem>> -> memref<200x256xf32, #tpu.memory_space<vmem>>
      tpu.wait_dma2 semaphore(%dma_wait3A_307 : memref<!tpu.dma_semaphore, #tpu.memory_space<semaphore_mem>>) src(%dma_wait3A_315 : memref<200x256xf32, #tpu.memory_space<vmem>>) dst(%dma_wait3A_311 : memref<200x256xf32, #tpu.memory_space<hbm>>)
      %dma_wait3A_316 = arith.constant 0 : i32
      %dma_wait3A_317 = arith.constant 2 : i32
      %dma_wait3A_318 = arith.constant 0 : i32
      %dma_wait3A_319 = arith.constant 0 : i32
      %dma_wait3A_320 = arith.constant 0 : i32
      %dma_wait3A_321 = tpu.memref_slice %arg5[%dma_wait3A_316, %dma_wait3A_319, %dma_wait3A_320] : memref<2x200x256xf32, #tpu.memory_space<vmem>> -> memref<1x200x256xf32, #tpu.memory_space<vmem>>
      %dma_wait3A_322 = tpu.memref_squeeze %dma_wait3A_321 : memref<1x200x256xf32, #tpu.memory_space<vmem>> -> memref<200x256xf32, #tpu.memory_space<vmem>>
      %dma_wait3A_323 = arith.constant 0 : i32
      %dma_wait3A_324 = arith.constant 0 : i32
      %dma_wait3A_325 = tpu.memref_slice %arg4[%dma_wait3A_317, %add3A_42, %dma_wait3A_323, %dma_wait3A_324] : memref<8x200x200x256xf32, #tpu.memory_space<hbm>> -> memref<1x1x200x256xf32, #tpu.memory_space<hbm>>
      %dma_wait3A_326 = tpu.memref_squeeze %dma_wait3A_325 : memref<1x1x200x256xf32, #tpu.memory_space<hbm>> -> memref<200x256xf32, #tpu.memory_space<hbm>>
      %dma_wait3A_327 = tpu.memref_slice %arg7[%dma_wait3A_318] : memref<2x!tpu.dma_semaphore, #tpu.memory_space<semaphore_mem>> -> memref<1x!tpu.dma_semaphore, #tpu.memory_space<semaphore_mem>>
      %dma_wait3A_328 = tpu.memref_squeeze %dma_wait3A_327 : memref<1x!tpu.dma_semaphore, #tpu.memory_space<semaphore_mem>> -> memref<!tpu.dma_semaphore, #tpu.memory_space<semaphore_mem>>
      %dma_wait3A_329 = arith.constant 0 : i32
      %dma_wait3A_330 = arith.constant 0 : i32
      %dma_wait3A_331 = tpu.memref_slice %arg4[%dma_wait3A_317, %add3A_42, %dma_wait3A_329, %dma_wait3A_330] : memref<8x200x200x256xf32, #tpu.memory_space<hbm>> -> memref<1x1x200x256xf32, #tpu.memory_space<hbm>>
      %dma_wait3A_332 = tpu.memref_squeeze %dma_wait3A_331 : memref<1x1x200x256xf32, #tpu.memory_space<hbm>> -> memref<200x256xf32, #tpu.memory_space<hbm>>
      %dma_wait3A_333 = arith.constant 0 : i32
      %dma_wait3A_334 = arith.constant 0 : i32
      %dma_wait3A_335 = tpu.memref_slice %arg5[%dma_wait3A_316, %dma_wait3A_333, %dma_wait3A_334] : memref<2x200x256xf32, #tpu.memory_space<vmem>> -> memref<1x200x256xf32, #tpu.memory_space<vmem>>
      %dma_wait3A_336 = tpu.memref_squeeze %dma_wait3A_335 : memref<1x200x256xf32, #tpu.memory_space<vmem>> -> memref<200x256xf32, #tpu.memory_space<vmem>>
      tpu.wait_dma2 semaphore(%dma_wait3A_328 : memref<!tpu.dma_semaphore, #tpu.memory_space<semaphore_mem>>) src(%dma_wait3A_336 : memref<200x256xf32, #tpu.memory_space<vmem>>) dst(%dma_wait3A_332 : memref<200x256xf32, #tpu.memory_space<hbm>>)
      %dma_wait3A_337 = arith.constant 0 : i32
      %dma_wait3A_338 = arith.constant 3 : i32
      %dma_wait3A_339 = arith.constant 0 : i32
      %dma_wait3A_340 = arith.constant 0 : i32
      %dma_wait3A_341 = arith.constant 0 : i32
      %dma_wait3A_342 = tpu.memref_slice %arg5[%dma_wait3A_337, %dma_wait3A_340, %dma_wait3A_341] : memref<2x200x256xf32, #tpu.memory_space<vmem>> -> memref<1x200x256xf32, #tpu.memory_space<vmem>>
      %dma_wait3A_343 = tpu.memref_squeeze %dma_wait3A_342 : memref<1x200x256xf32, #tpu.memory_space<vmem>> -> memref<200x256xf32, #tpu.memory_space<vmem>>
      %dma_wait3A_344 = arith.constant 0 : i32
      %dma_wait3A_345 = arith.constant 0 : i32
      %dma_wait3A_346 = tpu.memref_slice %arg4[%dma_wait3A_338, %add3A_42, %dma_wait3A_344, %dma_wait3A_345] : memref<8x200x200x256xf32, #tpu.memory_space<hbm>> -> memref<1x1x200x256xf32, #tpu.memory_space<hbm>>
      %dma_wait3A_347 = tpu.memref_squeeze %dma_wait3A_346 : memref<1x1x200x256xf32, #tpu.memory_space<hbm>> -> memref<200x256xf32, #tpu.memory_space<hbm>>
      %dma_wait3A_348 = tpu.memref_slice %arg7[%dma_wait3A_339] : memref<2x!tpu.dma_semaphore, #tpu.memory_space<semaphore_mem>> -> memref<1x!tpu.dma_semaphore, #tpu.memory_space<semaphore_mem>>
      %dma_wait3A_349 = tpu.memref_squeeze %dma_wait3A_348 : memref<1x!tpu.dma_semaphore, #tpu.memory_space<semaphore_mem>> -> memref<!tpu.dma_semaphore, #tpu.memory_space<semaphore_mem>>
      %dma_wait3A_350 = arith.constant 0 : i32
      %dma_wait3A_351 = arith.constant 0 : i32
      %dma_wait3A_352 = tpu.memref_slice %arg4[%dma_wait3A_338, %add3A_42, %dma_wait3A_350, %dma_wait3A_351] : memref<8x200x200x256xf32, #tpu.memory_space<hbm>> -> memref<1x1x200x256xf32, #tpu.memory_space<hbm>>
      %dma_wait3A_353 = tpu.memref_squeeze %dma_wait3A_352 : memref<1x1x200x256xf32, #tpu.memory_space<hbm>> -> memref<200x256xf32, #tpu.memory_space<hbm>>
      %dma_wait3A_354 = arith.constant 0 : i32
      %dma_wait3A_355 = arith.constant 0 : i32
      %dma_wait3A_356 = tpu.memref_slice %arg5[%dma_wait3A_337, %dma_wait3A_354, %dma_wait3A_355] : memref<2x200x256xf32, #tpu.memory_space<vmem>> -> memref<1x200x256xf32, #tpu.memory_space<vmem>>
      %dma_wait3A_357 = tpu.memref_squeeze %dma_wait3A_356 : memref<1x200x256xf32, #tpu.memory_space<vmem>> -> memref<200x256xf32, #tpu.memory_space<vmem>>
      tpu.wait_dma2 semaphore(%dma_wait3A_349 : memref<!tpu.dma_semaphore, #tpu.memory_space<semaphore_mem>>) src(%dma_wait3A_357 : memref<200x256xf32, #tpu.memory_space<vmem>>) dst(%dma_wait3A_353 : memref<200x256xf32, #tpu.memory_space<hbm>>)
      %dma_wait3A_358 = arith.constant 0 : i32
      %dma_wait3A_359 = arith.constant 4 : i32
      %dma_wait3A_360 = arith.constant 0 : i32
      %dma_wait3A_361 = arith.constant 0 : i32
      %dma_wait3A_362 = arith.constant 0 : i32
      %dma_wait3A_363 = tpu.memref_slice %arg5[%dma_wait3A_358, %dma_wait3A_361, %dma_wait3A_362] : memref<2x200x256xf32, #tpu.memory_space<vmem>> -> memref<1x200x256xf32, #tpu.memory_space<vmem>>
      %dma_wait3A_364 = tpu.memref_squeeze %dma_wait3A_363 : memref<1x200x256xf32, #tpu.memory_space<vmem>> -> memref<200x256xf32, #tpu.memory_space<vmem>>
      %dma_wait3A_365 = arith.constant 0 : i32
      %dma_wait3A_366 = arith.constant 0 : i32
      %dma_wait3A_367 = tpu.memref_slice %arg4[%dma_wait3A_359, %add3A_42, %dma_wait3A_365, %dma_wait3A_366] : memref<8x200x200x256xf32, #tpu.memory_space<hbm>> -> memref<1x1x200x256xf32, #tpu.memory_space<hbm>>
      %dma_wait3A_368 = tpu.memref_squeeze %dma_wait3A_367 : memref<1x1x200x256xf32, #tpu.memory_space<hbm>> -> memref<200x256xf32, #tpu.memory_space<hbm>>
      %dma_wait3A_369 = tpu.memref_slice %arg7[%dma_wait3A_360] : memref<2x!tpu.dma_semaphore, #tpu.memory_space<semaphore_mem>> -> memref<1x!tpu.dma_semaphore, #tpu.memory_space<semaphore_mem>>
      %dma_wait3A_370 = tpu.memref_squeeze %dma_wait3A_369 : memref<1x!tpu.dma_semaphore, #tpu.memory_space<semaphore_mem>> -> memref<!tpu.dma_semaphore, #tpu.memory_space<semaphore_mem>>
      %dma_wait3A_371 = arith.constant 0 : i32
      %dma_wait3A_372 = arith.constant 0 : i32
      %dma_wait3A_373 = tpu.memref_slice %arg4[%dma_wait3A_359, %add3A_42, %dma_wait3A_371, %dma_wait3A_372] : memref<8x200x200x256xf32, #tpu.memory_space<hbm>> -> memref<1x1x200x256xf32, #tpu.memory_space<hbm>>
      %dma_wait3A_374 = tpu.memref_squeeze %dma_wait3A_373 : memref<1x1x200x256xf32, #tpu.memory_space<hbm>> -> memref<200x256xf32, #tpu.memory_space<hbm>>
      %dma_wait3A_375 = arith.constant 0 : i32
      %dma_wait3A_376 = arith.constant 0 : i32
      %dma_wait3A_377 = tpu.memref_slice %arg5[%dma_wait3A_358, %dma_wait3A_375, %dma_wait3A_376] : memref<2x200x256xf32, #tpu.memory_space<vmem>> -> memref<1x200x256xf32, #tpu.memory_space<vmem>>
      %dma_wait3A_378 = tpu.memref_squeeze %dma_wait3A_377 : memref<1x200x256xf32, #tpu.memory_space<vmem>> -> memref<200x256xf32, #tpu.memory_space<vmem>>
      tpu.wait_dma2 semaphore(%dma_wait3A_370 : memref<!tpu.dma_semaphore, #tpu.memory_space<semaphore_mem>>) src(%dma_wait3A_378 : memref<200x256xf32, #tpu.memory_space<vmem>>) dst(%dma_wait3A_374 : memref<200x256xf32, #tpu.memory_space<hbm>>)
      %dma_wait3A_379 = arith.constant 0 : i32
      %dma_wait3A_380 = arith.constant 5 : i32
      %dma_wait3A_381 = arith.constant 0 : i32
      %dma_wait3A_382 = arith.constant 0 : i32
      %dma_wait3A_383 = arith.constant 0 : i32
      %dma_wait3A_384 = tpu.memref_slice %arg5[%dma_wait3A_379, %dma_wait3A_382, %dma_wait3A_383] : memref<2x200x256xf32, #tpu.memory_space<vmem>> -> memref<1x200x256xf32, #tpu.memory_space<vmem>>
      %dma_wait3A_385 = tpu.memref_squeeze %dma_wait3A_384 : memref<1x200x256xf32, #tpu.memory_space<vmem>> -> memref<200x256xf32, #tpu.memory_space<vmem>>
      %dma_wait3A_386 = arith.constant 0 : i32
      %dma_wait3A_387 = arith.constant 0 : i32
      %dma_wait3A_388 = tpu.memref_slice %arg4[%dma_wait3A_380, %add3A_42, %dma_wait3A_386, %dma_wait3A_387] : memref<8x200x200x256xf32, #tpu.memory_space<hbm>> -> memref<1x1x200x256xf32, #tpu.memory_space<hbm>>
      %dma_wait3A_389 = tpu.memref_squeeze %dma_wait3A_388 : memref<1x1x200x256xf32, #tpu.memory_space<hbm>> -> memref<200x256xf32, #tpu.memory_space<hbm>>
      %dma_wait3A_390 = tpu.memref_slice %arg7[%dma_wait3A_381] : memref<2x!tpu.dma_semaphore, #tpu.memory_space<semaphore_mem>> -> memref<1x!tpu.dma_semaphore, #tpu.memory_space<semaphore_mem>>
      %dma_wait3A_391 = tpu.memref_squeeze %dma_wait3A_390 : memref<1x!tpu.dma_semaphore, #tpu.memory_space<semaphore_mem>> -> memref<!tpu.dma_semaphore, #tpu.memory_space<semaphore_mem>>
      %dma_wait3A_392 = arith.constant 0 : i32
      %dma_wait3A_393 = arith.constant 0 : i32
      %dma_wait3A_394 = tpu.memref_slice %arg4[%dma_wait3A_380, %add3A_42, %dma_wait3A_392, %dma_wait3A_393] : memref<8x200x200x256xf32, #tpu.memory_space<hbm>> -> memref<1x1x200x256xf32, #tpu.memory_space<hbm>>
      %dma_wait3A_395 = tpu.memref_squeeze %dma_wait3A_394 : memref<1x1x200x256xf32, #tpu.memory_space<hbm>> -> memref<200x256xf32, #tpu.memory_space<hbm>>
      %dma_wait3A_396 = arith.constant 0 : i32
      %dma_wait3A_397 = arith.constant 0 : i32
      %dma_wait3A_398 = tpu.memref_slice %arg5[%dma_wait3A_379, %dma_wait3A_396, %dma_wait3A_397] : memref<2x200x256xf32, #tpu.memory_space<vmem>> -> memref<1x200x256xf32, #tpu.memory_space<vmem>>
      %dma_wait3A_399 = tpu.memref_squeeze %dma_wait3A_398 : memref<1x200x256xf32, #tpu.memory_space<vmem>> -> memref<200x256xf32, #tpu.memory_space<vmem>>
      tpu.wait_dma2 semaphore(%dma_wait3A_391 : memref<!tpu.dma_semaphore, #tpu.memory_space<semaphore_mem>>) src(%dma_wait3A_399 : memref<200x256xf32, #tpu.memory_space<vmem>>) dst(%dma_wait3A_395 : memref<200x256xf32, #tpu.memory_space<hbm>>)
      %dma_wait3A_400 = arith.constant 0 : i32
      %dma_wait3A_401 = arith.constant 6 : i32
      %dma_wait3A_402 = arith.constant 0 : i32
      %dma_wait3A_403 = arith.constant 0 : i32
      %dma_wait3A_404 = arith.constant 0 : i32
      %dma_wait3A_405 = tpu.memref_slice %arg5[%dma_wait3A_400, %dma_wait3A_403, %dma_wait3A_404] : memref<2x200x256xf32, #tpu.memory_space<vmem>> -> memref<1x200x256xf32, #tpu.memory_space<vmem>>
      %dma_wait3A_406 = tpu.memref_squeeze %dma_wait3A_405 : memref<1x200x256xf32, #tpu.memory_space<vmem>> -> memref<200x256xf32, #tpu.memory_space<vmem>>
      %dma_wait3A_407 = arith.constant 0 : i32
      %dma_wait3A_408 = arith.constant 0 : i32
      %dma_wait3A_409 = tpu.memref_slice %arg4[%dma_wait3A_401, %add3A_42, %dma_wait3A_407, %dma_wait3A_408] : memref<8x200x200x256xf32, #tpu.memory_space<hbm>> -> memref<1x1x200x256xf32, #tpu.memory_space<hbm>>
      %dma_wait3A_410 = tpu.memref_squeeze %dma_wait3A_409 : memref<1x1x200x256xf32, #tpu.memory_space<hbm>> -> memref<200x256xf32, #tpu.memory_space<hbm>>
      %dma_wait3A_411 = tpu.memref_slice %arg7[%dma_wait3A_402] : memref<2x!tpu.dma_semaphore, #tpu.memory_space<semaphore_mem>> -> memref<1x!tpu.dma_semaphore, #tpu.memory_space<semaphore_mem>>
      %dma_wait3A_412 = tpu.memref_squeeze %dma_wait3A_411 : memref<1x!tpu.dma_semaphore, #tpu.memory_space<semaphore_mem>> -> memref<!tpu.dma_semaphore, #tpu.memory_space<semaphore_mem>>
      %dma_wait3A_413 = arith.constant 0 : i32
      %dma_wait3A_414 = arith.constant 0 : i32
      %dma_wait3A_415 = tpu.memref_slice %arg4[%dma_wait3A_401, %add3A_42, %dma_wait3A_413, %dma_wait3A_414] : memref<8x200x200x256xf32, #tpu.memory_space<hbm>> -> memref<1x1x200x256xf32, #tpu.memory_space<hbm>>
      %dma_wait3A_416 = tpu.memref_squeeze %dma_wait3A_415 : memref<1x1x200x256xf32, #tpu.memory_space<hbm>> -> memref<200x256xf32, #tpu.memory_space<hbm>>
      %dma_wait3A_417 = arith.constant 0 : i32
      %dma_wait3A_418 = arith.constant 0 : i32
      %dma_wait3A_419 = tpu.memref_slice %arg5[%dma_wait3A_400, %dma_wait3A_417, %dma_wait3A_418] : memref<2x200x256xf32, #tpu.memory_space<vmem>> -> memref<1x200x256xf32, #tpu.memory_space<vmem>>
      %dma_wait3A_420 = tpu.memref_squeeze %dma_wait3A_419 : memref<1x200x256xf32, #tpu.memory_space<vmem>> -> memref<200x256xf32, #tpu.memory_space<vmem>>
      tpu.wait_dma2 semaphore(%dma_wait3A_412 : memref<!tpu.dma_semaphore, #tpu.memory_space<semaphore_mem>>) src(%dma_wait3A_420 : memref<200x256xf32, #tpu.memory_space<vmem>>) dst(%dma_wait3A_416 : memref<200x256xf32, #tpu.memory_space<hbm>>)
      %dma_wait3A_421 = arith.constant 0 : i32
      %dma_wait3A_422 = arith.constant 7 : i32
      %dma_wait3A_423 = arith.constant 0 : i32
      %dma_wait3A_424 = arith.constant 0 : i32
      %dma_wait3A_425 = arith.constant 0 : i32
      %dma_wait3A_426 = tpu.memref_slice %arg5[%dma_wait3A_421, %dma_wait3A_424, %dma_wait3A_425] : memref<2x200x256xf32, #tpu.memory_space<vmem>> -> memref<1x200x256xf32, #tpu.memory_space<vmem>>
      %dma_wait3A_427 = tpu.memref_squeeze %dma_wait3A_426 : memref<1x200x256xf32, #tpu.memory_space<vmem>> -> memref<200x256xf32, #tpu.memory_space<vmem>>
      %dma_wait3A_428 = arith.constant 0 : i32
      %dma_wait3A_429 = arith.constant 0 : i32
      %dma_wait3A_430 = tpu.memref_slice %arg4[%dma_wait3A_422, %add3A_42, %dma_wait3A_428, %dma_wait3A_429] : memref<8x200x200x256xf32, #tpu.memory_space<hbm>> -> memref<1x1x200x256xf32, #tpu.memory_space<hbm>>
      %dma_wait3A_431 = tpu.memref_squeeze %dma_wait3A_430 : memref<1x1x200x256xf32, #tpu.memory_space<hbm>> -> memref<200x256xf32, #tpu.memory_space<hbm>>
      %dma_wait3A_432 = tpu.memref_slice %arg7[%dma_wait3A_423] : memref<2x!tpu.dma_semaphore, #tpu.memory_space<semaphore_mem>> -> memref<1x!tpu.dma_semaphore, #tpu.memory_space<semaphore_mem>>
      %dma_wait3A_433 = tpu.memref_squeeze %dma_wait3A_432 : memref<1x!tpu.dma_semaphore, #tpu.memory_space<semaphore_mem>> -> memref<!tpu.dma_semaphore, #tpu.memory_space<semaphore_mem>>
      %dma_wait3A_434 = arith.constant 0 : i32
      %dma_wait3A_435 = arith.constant 0 : i32
      %dma_wait3A_436 = tpu.memref_slice %arg4[%dma_wait3A_422, %add3A_42, %dma_wait3A_434, %dma_wait3A_435] : memref<8x200x200x256xf32, #tpu.memory_space<hbm>> -> memref<1x1x200x256xf32, #tpu.memory_space<hbm>>
      %dma_wait3A_437 = tpu.memref_squeeze %dma_wait3A_436 : memref<1x1x200x256xf32, #tpu.memory_space<hbm>> -> memref<200x256xf32, #tpu.memory_space<hbm>>
      %dma_wait3A_438 = arith.constant 0 : i32
      %dma_wait3A_439 = arith.constant 0 : i32
      %dma_wait3A_440 = tpu.memref_slice %arg5[%dma_wait3A_421, %dma_wait3A_438, %dma_wait3A_439] : memref<2x200x256xf32, #tpu.memory_space<vmem>> -> memref<1x200x256xf32, #tpu.memory_space<vmem>>
      %dma_wait3A_441 = tpu.memref_squeeze %dma_wait3A_440 : memref<1x200x256xf32, #tpu.memory_space<vmem>> -> memref<200x256xf32, #tpu.memory_space<vmem>>
      tpu.wait_dma2 semaphore(%dma_wait3A_433 : memref<!tpu.dma_semaphore, #tpu.memory_space<semaphore_mem>>) src(%dma_wait3A_441 : memref<200x256xf32, #tpu.memory_space<vmem>>) dst(%dma_wait3A_437 : memref<200x256xf32, #tpu.memory_space<hbm>>)
    } else {
    }
    return
  }
}

</mosaic_0001>

<sc_bundles>
// kernel: kernel.3.cloned.1.call-start
scs
__scs_entry_jumppad:
0x0: {  	(pc) =	sbr.rel $0x88, $3  }
0x1: {  	(tag) =	ssettag $0x0;
	lr =	simm.s32 $0x1  }
0x2: {  	[smem:$0x3F9F] =	sst lr;
	_ =	strace $0xD0000000  }
0x3: {  	_ = 	snop  }
0x4: {  	_ = 	snop  }
0x5: {  	_ = 	snop  }
0x6: {  	_ = 	snop  }
0x7: {  	_ = 	snop  }
__scs_overlays_trampoline_lowered:
0x8: {  	[smem:$0x3FAE] =	sst s0  }
0x9: {  	[smem:$0x3FAF] =	sst s1  }
0xa: {  	[smem:$0x3FB0] =	sst s2  }
0xb: {  	[smem:$0x3FB1] =	sst s3  }
0xc: {  	[smem:$0x3FB2] =	sst s4  }
0xd: {  	[smem:$0x3FB3] =	sst s5  }
0xe: {  	[smem:$0x3FB4] =	sst s6  }
0xf: {  	[smem:$0x3FB5] =	sst s7  }
0x10: {  	[smem:$0x3FB6] =	sst s8  }
0x11: {  	[smem:$0x3FB7] =	sst s9;
	s0 =	simm.s32 @!p0 $0x0  }
0x12: {  	s1 =	sld [smem:$0x3F9D];
	s0 =	simm.s32 @p0 $0x1  }
0x13: {  	[smem:$0x3FB8] =	sst s0;
	s0 =	simm.s32 @!p1 $0x0  }
0x14: {  	s2 =	sld [smem:$0x3F9C];
	s0 =	simm.s32 @p1 $0x1  }
0x15: {  	[smem:$0x3FB9] =	sst s0;
	s0 =	simm.s32 @!p2 $0x0  }
0x16: {  	s3 =	sld [smem:$0x3FDB];
	s0 =	simm.s32 @p2 $0x1  }
0x17: {  	s4 =	simm.s32 $0x1BF5;
	[smem:$0x3FBB] =	sst s0  }
0x18: {  	s0 =	sld [smem:$0x3F9E];
	_ =	swait.ge [sflag:s4], $0x0  }
0x19: {  	s7 =	sld [smem:$0x3F9F]  }
0x1a: {  	s8 =	sadd.s32 $0xFFFFE003, lr  }
0x1b: {  	s9 =	sadd.s32 $0xFFFFFEF7, lr;
	s5 =	simm.s32 $0xFFFFFFFF;
	p2 =	slt.u32 s8, $0xFFFFF086  }
0x1c: {  	p1 =	slt.u32 s9, $0xF7A;
	s5 =	simm.s32 @!p2 $0x0  }
0x1d: {  	s5 =	simm.s32 @p1 $0x1;
	p0 =	seq.s32 s7, s2  }
0x1e: {  	s7 =	smul.u32 @!p0 $0xF7A, s2;
	p2 =	seq.s32 @!p0 s5, $0x0  }
0x1f: {  	s9 =	smul.u32 $0xF7A, s1;
	s8 =	simm.s32 @!p0 $0x1BF5;
	p2 =	por !p2, p0  }
0x20: {  	[sflag:s8] =	ssyncset.s32 @!p0 $0xFFFFF086;
	s6 =	sadd.s32 @!p0 s3, s7;
	s7 =	simm.s32 @!p0 $0x108  }
0x21: {  	s3 =	sadd.s32 s3, s9;
	s6 =	sadd.s32 @!p0 $0x88, s6;
	s7 =	simm.s32 @p2 $0x1082  }
0x22: {  	[simem:s7], [sflag:s8] =	dma.local @!p0 [hbm:s6], $0xF7A  }
0x23: {  	s9 =	sor.u32 $0xD0000000, s2;
	s6 =	simm.s32 $0x108;
	_ =	swait.ge @!p0 [sflag:s8], $0x0  }
0x24: {  	s3 =	sadd.s32 $0x88, s3;
	s6 =	simm.s32 @!p1 $0x1082;
	[sflag:s4] =	ssyncset.s32 $0xFFFFF086  }
0x25: {  	[simem:s6], [sflag:s4] =	dma.local [hbm:s3], $0xF7A  }
0x26: {  	[smem:$0x3F9F] =	sst s1;
	(tag) =	ssettag s2;
	_ =	strace s9  }
0x27: {  	s1 =	sld [smem:$0x3FAF]  }
0x28: {  	s2 =	sld [smem:$0x3FB0]  }
0x29: {  	s4 =	sld [smem:$0x3FB2]  }
0x2a: {  	p0 =	seq.s32 s5, $0x0;
	s5 =	sld [smem:$0x3FB3]  }
0x2b: {  	s6 =	sld [smem:$0x3FB4]  }
0x2c: {  	s7 =	sld [smem:$0x3FB5]  }
0x2d: {  	s3 =	simm.s32 $0x108;
	s8 =	sld [smem:$0x3FB6]  }
0x2e: {  	s3 =	simm.s32 @!p0 $0x1082;
	s9 =	sld [smem:$0x3FB7]  }
0x2f: {  	lr =	sadd.s32 s0, s3;
	s0 =	sld [smem:$0x3FAE]  }
0x30: {  	s3 =	sld [smem:$0x3FB1]  }
0x31: {  	[smem:$0x3FBA] =	sst s10  }
0x32: {  	s10 =	sld [smem:$0x3FB8];
	_ =	sdelay $0x3  }
0x33: {  	p0 =	seq.s32 s10, $0x1;
	s10 =	sld [smem:$0x3FBA];
	_ =	sdelay $0x3  }
0x34: {  	[smem:$0x3FBA] =	sst s10  }
0x35: {  	s10 =	sld [smem:$0x3FB9];
	_ =	sdelay $0x3  }
0x36: {  	p1 =	seq.s32 s10, $0x1;
	s10 =	sld [smem:$0x3FBA];
	_ =	sdelay $0x3  }
0x37: {  	[smem:$0x3FBA] =	sst s10  }
0x38: {  	s10 =	sld [smem:$0x3FBB]  }
0x39: {  	_ = 	snop;
	(pc) =	sbr.ind lr, $3  }
0x3a: {  	_ = 	snop  }
0x3b: {  	_ = 	snop  }
0x3c: {  	p2 =	seq.s32 s10, $0x1;
	s10 =	sld [smem:$0x3FBA]  }
0x3d: {  	_ =	shalt  }
0x3e: {  	_ =	shalt  }
0x3f: {  	_ =	shalt  }
0x40: {  	_ =	shalt  }
0x41: {  	_ =	shalt  }
0x42: {  	_ =	shalt  }
0x43: {  	_ =	shalt  }
0x44: {  	_ =	shalt  }
0x45: {  	_ =	shalt  }
0x46: {  	_ =	shalt  }
0x47: {  	_ =	shalt  }
0x48: {  	_ =	shalt  }
0x49: {  	_ =	shalt  }
0x4a: {  	_ =	shalt  }
0x4b: {  	_ =	shalt  }
0x4c: {  	_ =	shalt  }
0x4d: {  	_ =	shalt  }
0x4e: {  	_ =	shalt  }
0x4f: {  	_ =	shalt  }
0x50: {  	_ =	shalt  }
0x51: {  	_ =	shalt  }
0x52: {  	_ =	shalt  }
0x53: {  	_ =	shalt  }
0x54: {  	_ =	shalt  }
0x55: {  	_ =	shalt  }
0x56: {  	_ =	shalt  }
0x57: {  	_ =	shalt  }
0x58: {  	_ =	shalt  }
0x59: {  	_ =	shalt  }
0x5a: {  	_ =	shalt  }
0x5b: {  	_ =	shalt  }
0x5c: {  	_ =	shalt  }
0x5d: {  	_ =	shalt  }
0x5e: {  	_ =	shalt  }
0x5f: {  	_ =	shalt  }
0x60: {  	_ =	shalt  }
0x61: {  	_ =	shalt  }
0x62: {  	_ =	shalt  }
0x63: {  	_ =	shalt  }
0x64: {  	_ =	shalt  }
0x65: {  	_ =	shalt  }
0x66: {  	_ =	shalt  }
0x67: {  	_ =	shalt  }
0x68: {  	_ =	shalt  }
0x69: {  	_ =	shalt  }
0x6a: {  	_ =	shalt  }
0x6b: {  	_ =	shalt  }
0x6c: {  	_ =	shalt  }
0x6d: {  	_ =	shalt  }
0x6e: {  	_ =	shalt  }
0x6f: {  	_ =	shalt  }
0x70: {  	_ =	shalt  }
0x71: {  	_ =	shalt  }
0x72: {  	_ =	shalt  }
0x73: {  	_ =	shalt  }
0x74: {  	_ =	shalt  }
0x75: {  	_ =	shalt  }
0x76: {  	_ =	shalt  }
0x77: {  	_ =	shalt  }
0x78: {  	_ =	shalt  }
0x79: {  	_ =	shalt  }
0x7a: {  	_ =	shalt  }
0x7b: {  	_ =	shalt  }
0x7c: {  	_ =	shalt  }
0x7d: {  	_ =	shalt  }
0x7e: {  	_ =	shalt  }
0x7f: {  	_ =	shalt  }
0x80: {  	_ =	shalt  }
0x81: {  	_ =	shalt  }
0x82: {  	_ =	shalt  }
0x83: {  	_ =	shalt  }
0x84: {  	_ =	shalt  }
0x85: {  	_ =	shalt  }
0x86: {  	_ =	shalt  }
0x87: {  	_ =	shalt  }
.Lfunc_end0:
.L_simem_size_0:
called_computation_lowered:
.L_overlay_start_0:
0x88: {  	s2 =	sld [smem:$0x3FD9]  }
0x89: {  	s3 =	sld [smem:$0x3FFE];
	_ =	sdelay $0x1  }
0x8a: {  	s1 =	srdreg.scid  }
0x8b: {  	s0 =	sand.u32 $0x1, s1  }
0x8c: {  	s18 =	sshll.u32 s0, $0xA;
	s2 =	sadd.s32 s3, s2  }
0x8d: {  	s2 =	sadd.s32 s2, s18  }
0x8e: {  	[smem:$0x3FC6] =	sst s2  }
0x8f: {  	_ = 	snop  }
0x90: {  	s2 =	sld [smem:$0x3FC9]  }
0x91: {  	s19 =	sld [smem:$0x3FC8]  }
0x92: {  	s4 =	sld [smem:$0x3FD0];
	(tm) =	ssettm $0x1  }
0x93: {  	s5 =	sld [smem:$0x3FFB];
	_ =	sdelay $0x3  }
0x94: {  	_ =	strace s5  }
0x95: {  	s5 =	sld [smem:$0x3FFC];
	_ =	sdelay $0x3  }
0x96: {  	_ =	strace s5  }
0x97: {  	s5 =	sld [smem:$0x3FFD];
	_ =	sdelay $0x3  }
0x98: {  	_ =	strace s5  }
0x99: {  	_ =	strace $0x8FFFFFFF  }
0x9a: {  	s20 =	sld [smem:$0x3FDB];
	_ =	sdelay $0x1  }
0x9b: {  	s6 =	simm.s32 $_scs_section_size  }
0x9c: {  	s7 =	simm.s32 $_size__tile_overlayer_lowered;
	s8 =	simm.s32 $_tile_overlayer_lowered  }
0x9d: {  	s23 =	simm.s32 $0x1BFF;
	s22 =	sshll.u32 s8, $0x1;
	s5 =	sadd.s32 s6, s20  }
0x9e: {  	s9 =	simm.s32 $0x0;
	s21 =	sshll.u32 s7, $0x1;
	s7 =	sadd.s32 s22, s5  }
0x9f: {  	[timem:s9], [sflag:s23] =	dma.local [hbm:s7], s21  }
0xa0: {  	_ =	swait.ge [sflag:s23], s21  }
0xa1: {  	s6 =	ssub.s32 $0x0, s21;
	[sflag:s23] =	ssyncset.done $0x0  }
0xa2: {  	[sflag:s23] =	ssyncadd.s32 s6;
	_ =	sdelay $0x1  }
0xa3: {  	s24 =	simm.s32 $0x1B8B  }
0xa4: {  	_ =	swait.ge [sflag:s24], $0x1  }
0xa5: {  	[sflag:s24] =	ssyncset.done $0x0  }
0xa6: {  	s25 =	simm.s32 $0x1B8E;
	[sflag:s24] =	ssyncadd.s32 $0xFFFFFFFF  }
0xa7: {  	s26 =	simm.s32 $execute0_lowered;
	[smem:$0x3FD2] =	sst s25  }
0xa8: {  	s6 =	sshll.u32 s26, $0x1;
	_ =	strace $0x80000046;
	[dreg:$0x1] =	wrdreg $0xFFFFFFFF  }
0xa9: {  	s28 =	simm.s32 $_size_execute0_lowered;
	s5 =	sadd.s32 s5, s6;
	[dreg:$0x0] =	wrdreg $0x0  }
0xaa: {  	s6 =	sshll.u32 s28, $0x1;
	[dreg:$0x2] =	wrdreg s5  }
0xab: {  	[dreg:$0x3] =	wrdreg s6  }
0xac: {  	[dreg:$0x4] =	wrdreg $0xC0  }
0xad: {  	_ =	task [dreg:s9], $0x5FFFF  }
0xae: {  	[dreg:$0x1] =	wrdreg $0xFFFFFFFF  }
0xaf: {  	[dreg:$0x0] =	wrdreg $0x60  }
0xb0: {  	[dreg:$0x2] =	wrdreg s2  }
0xb1: {  	[dreg:$0x3] =	wrdreg s19  }
0xb2: {  	[dreg:$0x4] =	wrdreg s4  }
0xb3: {  	[dreg:$0x5] =	wrdreg $0x9  }
0xb4: {  	_ =	task.clear_ibuf [dreg:s9], $0x6FFFF;
	_ =	strace $0x90000046  }
0xb5: {  	s29 =	simm.s32 $0x9;
	_ =	strace $0x80000048  }
0xb6: {  	_ =	swait.ge [sflag:s29], $0x1  }
0xb7: {  	[sflag:s29] =	ssyncadd.s32 $0xFFFFFFFF  }
0xb8: {  	_ =	strace $0x90000048  }
0xb9: {  	_ =	sfence  }
0xba: {  	s30 =	sld [smem:$0x0];
	_ =	sdelay $0x2  }
0xbb: {  	s31 =	sshll.u32 s1, $0xD;
	s1 =	sshrl.u32 s1, $0x2  }
0xbc: {  	s3 =	sand.u32 $0x4000, s31;
	s1 =	sadd.s32 s1, s30  }
0xbd: {  	s0 =	sor.u32 s3, s0;
	s1 =	sshll.u32 s1, $0x11  }
0xbe: {  	s0 =	sor.u32 s1, s0  }
0xbf: {  	s0 =	sadd.s32 $0x8F2B, s0  }
0xc0: {  	[sflag:s0] =	ssyncadd.remote.s32 $0x1  }
0xc1: {  	_ =	sfence.sel $0xFFFF  }
0xc2: {  	[dreg:$0x0] =	wrdreg $0xFFFFFFFF;
	(pc) =	sbr.abs _section_cstart, $3  }
0xc3: {  	[dreg:$0x1] =	wrdreg $0xFFFFFFFF  }
0xc4: {  	_ =	task.clear_ibuf [dreg:s9], $0x2FFFF;
	_ =	strace $0x9FFFFFFF  }
0xc5: {  	(tm) =	ssettm $0x7FFFFFFF  }
tec
execute0_lowered:
.L_overlay_start_1:
0x0: {  	(tag) =	ssettag $0x1  }
0x1: {  	s1 =	rddreg [dreg:$0x0]  }
0x2: {  	s2 =	rddreg [dreg:$0x1];
	s3 =	srdreg.scid  }
0x3: {  	s16 =	stileid.u32;
	s0 =	rddreg [dreg:$0x2];
	s4 =	sand.u32 $0x1, s3  }
0x4: {  	s5 =	sshll.u32 s16, $0x1;
	s3 =	simm.s32 $0x0;
	p0 =	sgt.u32 s16, $0x3  }
0x5: {  	s5 =	sor.u32 s4, s5;
	[smem:$0x7FF] =	sst s3;
	s4 =	ssub.s32 $0x2, s4  }
0x6: {  	s6 =	smul.u32 $0xC800, s5;
	_ =	strace $0x80000047;
	s7 =	sshrl.u32 s4, $0x1  }
0x7: {  	s14 =	sshll.u32 s5, $0x7;
	s9 =	sshll.u32 s5, $0x4;
	s20 =	sor.u32 $0x20, s5  }
0x8: {  	s10 =	sor.u32 $0x40, s5;
	s25 =	sor.u32 $0x60, s5;
	s26 =	sor.u32 $0x80, s5  }
0x9: {  	s5 =	sor.u32 $0xA0, s5;
	s7 =	ssub.s32 s4, s7;
	s8 =	sand.u32 $0x380, s14  }
0xa: {  	s17 =	sadd.s32 s1, s9;
	s22 =	sshll.u32 s20, $0x7;
	s11 =	sshll.u32 s10, $0x7  }
0xb: {  	s24 =	smul.u32 $0xC800, s10;
	s14 =	sshll.u32 s26, $0x7;
	s6 =	sshrl.u32 s6, $0x3  }
0xc: {  	s10 =	smul.u32 $0xC800, s25;
	s9 =	sand.u32 $0x1C00, s22;
	s4 =	sadd.s32 s0, s6  }
0xd: {  	s11 =	sand.u32 $0x2C00, s11;
	s14 =	sand.u32 $0x4C00, s14;
	s6 =	sadd.s32 $0x138800, s4  }
0xe: {  	s9 =	sor.u32 s8, s9;
	s15 =	sadd.s32 $0x271000, s4;
	[dreg:$0x4] =	wrdreg s6  }
0xf: {  	s11 =	sor.u32 s8, s11;
	s18 =	sadd.s32 $0x3A9800, s4;
	[dreg:$0x5] =	wrdreg s15  }
0x10: {  	s14 =	sor.u32 s8, s14;
	s19 =	sadd.s32 $0x4E2000, s4;
	[dreg:$0x6] =	wrdreg s18  }
0x11: {  	s21 =	sadd.s32 $0x61A800, s4;
	s12 =	sadd.s32 $0x753000, s4;
	[dreg:$0x7] =	wrdreg s19  }
0x12: {  	s9 =	sshrl.u32 s9, $0x3;
	s23 =	sshrl.u32 s11, $0x3;
	[dreg:$0x8] =	wrdreg s21  }
0x13: {  	s11 =	smul.u32 $0xC800, s26;
	s26 =	smax.u32 s7, $0x1;
	[dreg:$0x9] =	wrdreg s12  }
0x14: {  	s16 =	sadd.s32 $0x746800, s4;
	s6 =	smul.u32 $0xC800, s20;
	[dreg:$0x12] =	wrdreg s26  }
0x15: {  	s9 =	sadd.s32 s1, s9;
	s15 =	sshll.u32 s25, $0x7;
	[smem:$0x7FA] =	sst s16  }
0x16: {  	s19 =	sshrl.u32 s24, $0x3;
	s21 =	sshrl.u32 s14, $0x3;
	[dreg:$0xa] =	wrdreg s9  }
0x17: {  	s12 =	sand.u32 $0x3C00, s15;
	s15 =	sshll.u32 s5, $0x7;
	s6 =	sshrl.u32 s6, $0x3  }
0x18: {  	s12 =	sor.u32 s8, s12;
	s13 =	sadd.s32 s0, s6;
	s6 =	sadd.s32 s1, s23  }
0x19: {  	s20 =	sshrl.u32 s12, $0x3;
	s18 =	sadd.s32 $0x138800, s13;
	[dreg:$0xc] =	wrdreg s6  }
0x1a: {  	s5 =	smul.u32 $0xC800, s5;
	s9 =	sadd.s32 s1, s20;
	[dreg:$0xb] =	wrdreg s18  }
0x1b: {  	s15 =	sand.u32 $0x5C00, s15;
	s22 =	sadd.s32 $0x271000, s13;
	[dreg:$0xd] =	wrdreg s9  }
0x1c: {  	s8 =	sor.u32 s8, s15;
	s25 =	sadd.s32 $0x3A9800, s13;
	[dreg:$0x10] =	wrdreg s22  }
0x1d: {  	s23 =	sshrl.u32 s10, $0x3;
	s6 =	sadd.s32 $0x61A800, s13;
	[dreg:$0x11] =	wrdreg s25  }
0x1e: {  	s5 =	sshrl.u32 s5, $0x3;
	s7 =	sadd.s32 $0x88B800, s13;
	[dreg:$0x15] =	wrdreg s6  }
0x1f: {  	s8 =	sshrl.u32 s8, $0x3;
	s9 =	sadd.s32 s1, s21;
	[dreg:$0x16] =	wrdreg s7  }
0x20: {  	s1 =	sadd.s32 s1, s8;
	s21 =	sadd.s32 s0, s23;
	[dreg:$0xe] =	wrdreg s9  }
0x21: {  	s23 =	sadd.s32 s0, s5;
	s5 =	sadd.s32 $0x88B800, s4;
	[dreg:$0xf] =	wrdreg s1  }
0x22: {  	s20 =	sadd.s32 s0, s19;
	s8 =	sadd.s32 $0x753000, s13;
	[dreg:$0x14] =	wrdreg s5  }
0x23: {  	s10 =	sadd.s32 $0x271000, s20;
	[dreg:$0x17] =	wrdreg s8  }
0x24: {  	s24 =	sshrl.u32 s11, $0x3;
	s11 =	sadd.s32 $0x4E2000, s20;
	[dreg:$0x19] =	wrdreg s10  }
0x25: {  	s12 =	sadd.s32 $0x61A800, s20;
	[dreg:$0x1a] =	wrdreg s11  }
0x26: {  	s14 =	sadd.s32 $0x753000, s20;
	[dreg:$0x1b] =	wrdreg s12  }
0x27: {  	s15 =	sadd.s32 $0x3A9800, s20;
	[dreg:$0x1c] =	wrdreg s14  }
0x28: {  	s18 =	sadd.s32 $0x88B800, s20;
	[dreg:$0x1d] =	wrdreg s15  }
0x29: {  	s1 =	sadd.s32 $0x4E2000, s13;
	[dreg:$0x1e] =	wrdreg s18  }
0x2a: {  	s9 =	sadd.s32 $0x138800, s20;
	[dreg:$0x13] =	wrdreg s1  }
0x2b: {  	s22 =	sadd.s32 s0, s24;
	s19 =	sadd.s32 $0x3A9800, s21;
	[dreg:$0x18] =	wrdreg s9  }
0x2c: {  	s24 =	sadd.s32 $0x271000, s21;
	s26 =	sadd.s32 $0x61A800, s21;
	[dreg:$0x1f] =	wrdreg s19  }
0x2d: {  	s25 =	sadd.s32 $0x4E2000, s21;
	s6 =	sadd.s32 $0x138800, s22;
	[smem:$0x7EC] =	sst s24  }
0x2e: {  	s5 =	sadd.s32 $0x88B800, s21;
	s28 =	sadd.s32 $0x88B800, s22;
	[smem:$0x7ED] =	sst s25  }
0x2f: {  	s7 =	sadd.s32 $0x753000, s21;
	s29 =	sadd.s32 $0x3A9800, s22;
	[smem:$0x7EE] =	sst s26  }
0x30: {  	s8 =	sadd.s32 $0x271000, s22;
	s30 =	sadd.s32 $0x138800, s23;
	[smem:$0x7F0] =	sst s5  }
0x31: {  	s31 =	sadd.s32 $0x3A9800, s23;
	s0 =	sadd.s32 $0x4E2000, s23;
	[smem:$0x7F1] =	sst s6  }
0x32: {  	s10 =	sadd.s32 $0xC00, s17;
	s12 =	sadd.s32 $0x264800, s4;
	[smem:$0x7F2] =	sst s7  }
0x33: {  	s11 =	sadd.s32 $0x12C000, s4;
	s15 =	sadd.s32 $0x4D5800, s4;
	[smem:$0x7F3] =	sst s8  }
0x34: {  	s14 =	sadd.s32 $0x39D000, s4;
	s1 =	sadd.s32 $0x138800, s21;
	[smem:$0x7F5] =	sst s10  }
0x35: {  	s18 =	sadd.s32 $0x87F000, s4;
	s9 =	sadd.s32 $0x61A800, s22;
	[smem:$0x7F6] =	sst s11  }
0x36: {  	s25 =	sadd.s32 $0x4E2000, s22;
	s26 =	sadd.s32 $0x753000, s22;
	[smem:$0x7F7] =	sst s12  }
0x37: {  	s6 =	sadd.s32 $0x61A800, s23;
	s7 =	sadd.s32 $0x753000, s23;
	[smem:$0x7F8] =	sst s14  }
0x38: {  	s8 =	sadd.s32 $0x88B800, s23;
	s24 =	smov.u32 s17;
	[smem:$0x7F9] =	sst s15  }
.Ltmp0:
0x39: {  	s17 =	sadd.s32 $0x60E000, s4;
	[smem:$0x7FC] =	sst s18;
	(pc) =	sbr.rel .LBB2_1-.Ltmp0, $4  }
0x3a: {  	s19 =	sadd.s32 $0x9B7800, s4;
	s10 =	simm.s32 $0x19000;
	[smem:$0x7EF] =	sst s1  }
0x3b: {  	s11 =	simm.s32 $0x1;
	s12 =	simm.s32 $0xC800;
	[smem:$0x7F4] =	sst s9  }
0x3c: {  	s5 =	simm.s32 $0x2;
	s14 =	simm.s32 $0x0;
	[smem:$0x7FB] =	sst s17  }
0x3d: {  	s1 =	sadd.s32 $0x271000, s23;
	[smem:$0x7FD] =	sst s19;
	s9 =	simm.s32 $0x3  }
.LBB2_20:
0x3e: {  	s16 =	sor.u32 s19, s18;
	[tilespmem:s15+$0x460] =	vst v6  }
0x3f: {  	[tilespmem:s16+$0x470] =	vst v7  }
0x40: {  	[tilespmem:s16+$0x400] =	vst v0  }
0x41: {  	[tilespmem:s16+$0x410] =	vst v1  }
0x42: {  	[tilespmem:s16+$0x420] =	vst v2  }
0x43: {  	[tilespmem:s16+$0x430] =	vst v3  }
0x44: {  	[tilespmem:s16+$0x440] =	vst v4  }
0x45: {  	[tilespmem:s16+$0x450] =	vst v5  }
0x46: {  	[tilespmem:s16+$0x460] =	vst v6;
	s16 =	sld [smem:$0x7F6];
	_ =	sdelay $0x1  }
0x47: {  	s17 =	sld [smem:$0x7F7]  }
0x48: {  	[hbm4b:s16+s3] =	stream.linear.scatter [tilespmem:s3], [sflag:$0x1], $0xC800, $0x38;
	[tilespmem:$0x19080] =	vst v63  }
0x49: {  	s18 =	sld [smem:$0x7F8]  }
0x4a: {  	[hbm4b:s17+s3] =	stream.linear.scatter [tilespmem:s3], [sflag:$0x1], $0xC800, $0x38;
	[tilespmem:$0x19080] =	vst v63  }
0x4b: {  	s19 =	sld [smem:$0x7F9]  }
0x4c: {  	[hbm4b:s18+s3] =	stream.linear.scatter [tilespmem:s3], [sflag:$0x1], $0xC800, $0x38;
	[tilespmem:$0x19080] =	vst v63  }
0x4d: {  	s16 =	sld [smem:$0x7FB]  }
0x4e: {  	[hbm4b:s19+s3] =	stream.linear.scatter [tilespmem:s3], [sflag:$0x1], $0xC800, $0x38;
	[tilespmem:$0x19080] =	vst v63  }
0x4f: {  	s17 =	sld [smem:$0x7FA]  }
0x50: {  	[hbm4b:s16+s3] =	stream.linear.scatter [tilespmem:s3], [sflag:$0x1], $0xC800, $0x38;
	[tilespmem:$0x19080] =	vst v63  }
0x51: {  	s18 =	sld [smem:$0x7FC]  }
0x52: {  	[hbm4b:s17+s3] =	stream.linear.scatter [tilespmem:s3], [sflag:$0x1], $0xC800, $0x38;
	[tilespmem:$0x19080] =	vst v63  }
0x53: {  	s19 =	sld [smem:$0x7FD]  }
0x54: {  	[hbm4b:s18+s3] =	stream.linear.scatter [tilespmem:s3], [sflag:$0x1], $0xC800, $0x38;
	[tilespmem:$0x19080] =	vst v63  }
0x55: {  	_ = 	snop  }
0x56: {  	[hbm4b:s19+s3] =	stream.linear.scatter [tilespmem:s3], [sflag:$0x1], $0xC800, $0x38;
	[tilespmem:$0x19080] =	vst v63  }
0x57: {  	_ =	swait.ge [sflag:s11], $0xC800  }
0x58: {  	[sflag:s11] =	ssyncset.done $0x0  }
0x59: {  	[sflag:s11] =	ssyncadd.s32 $0xFFFF3800  }
0x5a: {  	_ =	swait.ge [sflag:s11], $0xC800  }
0x5b: {  	[sflag:s11] =	ssyncset.done $0x0  }
0x5c: {  	[sflag:s11] =	ssyncadd.s32 $0xFFFF3800  }
0x5d: {  	_ =	swait.ge [sflag:s11], $0xC800  }
0x5e: {  	[sflag:s11] =	ssyncset.done $0x0  }
0x5f: {  	[sflag:s11] =	ssyncadd.s32 $0xFFFF3800  }
0x60: {  	_ =	swait.ge [sflag:s11], $0xC800  }
0x61: {  	[sflag:s11] =	ssyncset.done $0x0  }
0x62: {  	[sflag:s11] =	ssyncadd.s32 $0xFFFF3800  }
0x63: {  	_ =	swait.ge [sflag:s11], $0xC800  }
0x64: {  	[sflag:s11] =	ssyncset.done $0x0  }
0x65: {  	[sflag:s11] =	ssyncadd.s32 $0xFFFF3800  }
0x66: {  	_ =	swait.ge [sflag:s11], $0xC800  }
0x67: {  	[sflag:s11] =	ssyncset.done $0x0  }
0x68: {  	[sflag:s11] =	ssyncadd.s32 $0xFFFF3800  }
0x69: {  	_ =	swait.ge [sflag:s11], $0xC800  }
0x6a: {  	[sflag:s11] =	ssyncset.done $0x0  }
0x6b: {  	[sflag:s11] =	ssyncadd.s32 $0xFFFF3800  }
0x6c: {  	_ =	swait.ge [sflag:s11], $0xC800  }
0x6d: {  	[sflag:s11] =	ssyncset.done $0x0  }
0x6e: {  	[sflag:s11] =	ssyncadd.s32 $0xFFFF3800  }
.LBB2_21:
0x6f: {  	s14 =	sadd.s32 $0x1, s14;
	s15 =	rddreg [dreg:$0x12]  }
0x70: {  	p1 =	sne.s32 s14, s15  }
.Ltmp1:
0x71: {  	_ = 	snop;
	(pc) =	sbr.rel @!p1 .LBB2_22-.Ltmp1, $1  }
0x72: {  	_ =	sdelay $0x3  }
.LBB2_1:
0x73: {  	s15 =	simm.s32 $0x80  }
0x74: {  	s18 =	sadd.s32 $0x0, s2;
	s16 =	simm.s32 $0x800;
	s17 =	simm.s32 $0x0  }
.LBB2_2:
0x75: {  	[tilespmem:s17], [sflag:$0x3] =	stream.linear.gather [hbm4b:s18+s3], $0x400, $0x38;
	[tilespmem:$0x19080] =	vst v63  }
0x76: {  	s18 =	smov.u32 s15;
	s17 =	smov.u32 s16;
	p1 =	sne.s32 s15, $0xC00  }
.Ltmp2:
0x77: {  	s15 =	sadd.s32 $0x80, s15;
	(pc) =	sbr.rel @p1 .LBB2_2-.Ltmp2, $2  }
0x78: {  	_ =	sdelay $0x2  }
0x79: {  	s16 =	sadd.s32 $0x800, s16;
	s18 =	sadd.s32 s18, s2  }
0x7a: {  	[tilespmem:s17], [sflag:$0x3] =	stream.linear.gather [hbm4b:s18+s3], $0x400, $0x38;
	[tilespmem:$0x19080] =	vst v63  }
0x7b: {  	_ =	swait.ge [sflag:s9], $0x6400  }
0x7c: {  	s15 =	simm.s32 $0xC800;
	s16 =	simm.s32 $0x80;
	[sflag:s9] =	ssyncset.done $0x0  }
0x7d: {  	s18 =	sadd.s32 $0x0, s2;
	s17 =	simm.s32 $0xD000;
	[sflag:s9] =	ssyncadd.s32 $0xFFFF9C00  }
.LBB2_4:
0x7e: {  	[tilespmem:s15], [sflag:$0x3] =	stream.linear.gather [hbm4b:s18+s3], $0x400, $0x38;
	[tilespmem:$0x19080] =	vst v63  }
0x7f: {  	s18 =	smov.u32 s16;
	s15 =	smov.u32 s17;
	p1 =	sne.s32 s16, $0xC00  }
.Ltmp3:
0x80: {  	s16 =	sadd.s32 $0x80, s16;
	(pc) =	sbr.rel @p1 .LBB2_4-.Ltmp3, $2  }
0x81: {  	_ =	sdelay $0x2  }
0x82: {  	s17 =	sadd.s32 $0x800, s17;
	s18 =	sadd.s32 s18, s2  }
0x83: {  	[tilespmem:s15], [sflag:$0x3] =	stream.linear.gather [hbm4b:s18+s3], $0x400, $0x38;
	[tilespmem:$0x19080] =	vst v63  }
0x84: {  	_ =	swait.ge [sflag:s9], $0x6400  }
0x85: {  	[sflag:s9] =	ssyncset.done $0x0  }
0x86: {  	s19 =	simm.s32 $0x0;
	[sflag:s9] =	ssyncadd.s32 $0xFFFF9C00  }
0x87: {  	[tilespmem:s10], [sflag:$0x3] =	stream.linear.gather [hbm4b:s24+s19], $0x80, $0x38;
	[tilespmem:$0x19080] =	vst v63  }
0x88: {  	_ =	swait.ge [sflag:s9], $0x80  }
0x89: {  	[sflag:s9] =	ssyncset.done $0x0  }
0x8a: {  	[sflag:s9] =	ssyncadd.s32 $0xFFFFFF80  }
0x8b: {  	v0 =	vld [tilespmem:$0x19000]  }
0x8c: {  	v1 =	vld [tilespmem:$0x19010]  }
0x8d: {  	v7 =	vld [tilespmem:$0x19070]  }
0x8e: {  	v2 =	vld [tilespmem:$0x19020]  }
0x8f: {  	v3 =	vld [tilespmem:$0x19030]  }
0x90: {  	s16 =	sand.u32 $0xF800, s19;
	s15 =	sand.u32 $0x380, s19;
	v4 =	vld [tilespmem:$0x19040]  }
0x91: {  	s15 =	sor.u32 s15, s16;
	v5 =	vld [tilespmem:$0x19050]  }
0x92: {  	v6 =	vld [tilespmem:$0x19060];
	[tilespmem:s15+$0x470] =	vst v7  }
0x93: {  	[tilespmem:s15+$0x400] =	vst v0  }
0x94: {  	[tilespmem:s15+$0x410] =	vst v1  }
0x95: {  	[tilespmem:s15+$0x420] =	vst v2  }
0x96: {  	[tilespmem:s15+$0x430] =	vst v3  }
0x97: {  	s17 =	simm.s32 $0x100;
	s16 =	simm.s32 $0x80;
	[tilespmem:s15+$0x440] =	vst v4  }
0x98: {  	s18 =	sand.u32 $0xF800, s17;
	s17 =	simm.s32 $0x200;
	s19 =	sand.u32 $0x380, s16;
	[tilespmem:s15+$0x450] =	vst v5  }
.LBB2_6:
0x99: {  	p1 =	sne.s32 s17, $0xC700;
	[tilespmem:s15+$0x460] =	vst v6;
	s15 =	sor.u32 s19, s18  }
0x9a: {  	[tilespmem:s15+$0x470] =	vst v7  }
0x9b: {  	[tilespmem:s15+$0x400] =	vst v0  }
.Ltmp4:
0x9c: {  	[tilespmem:s15+$0x410] =	vst v1;
	(pc) =	sbr.rel @p1 .LBB2_6-.Ltmp4, $4  }
0x9d: {  	[tilespmem:s15+$0x420] =	vst v2  }
0x9e: {  	[tilespmem:s15+$0x430] =	vst v3  }
0x9f: {  	s16 =	sadd.s32 $0x80, s16;
	[tilespmem:s15+$0x440] =	vst v4  }
0xa0: {  	s18 =	sand.u32 $0xF800, s17;
	s17 =	sadd.s32 $0x100, s17;
	s19 =	sand.u32 $0x380, s16;
	[tilespmem:s15+$0x450] =	vst v5  }
0xa1: {  	s16 =	sor.u32 s19, s18;
	[tilespmem:s15+$0x460] =	vst v6  }
0xa2: {  	[tilespmem:s16+$0x470] =	vst v7  }
0xa3: {  	[tilespmem:s16+$0x400] =	vst v0  }
0xa4: {  	[tilespmem:s16+$0x410] =	vst v1  }
0xa5: {  	[tilespmem:s16+$0x420] =	vst v2  }
0xa6: {  	[tilespmem:s16+$0x430] =	vst v3  }
0xa7: {  	[tilespmem:s16+$0x440] =	vst v4  }
0xa8: {  	[tilespmem:s16+$0x450] =	vst v5  }
0xa9: {  	s15 =	simm.s32 $0x0;
	[tilespmem:s16+$0x460] =	vst v6  }
0xaa: {  	[hbm4b:s4+s15] =	stream.linear.scatter [tilespmem:s15], [sflag:$0x1], $0xC800, $0x38;
	[tilespmem:$0x19080] =	vst v63  }
0xab: {  	s17 =	rddreg [dreg:$0x4]  }
0xac: {  	[hbm4b:s17+s15] =	stream.linear.scatter [tilespmem:s15], [sflag:$0x1], $0xC800, $0x38;
	[tilespmem:$0x19080] =	vst v63  }
0xad: {  	s18 =	rddreg [dreg:$0x5]  }
0xae: {  	[hbm4b:s18+s15] =	stream.linear.scatter [tilespmem:s15], [sflag:$0x1], $0xC800, $0x38;
	[tilespmem:$0x19080] =	vst v63  }
0xaf: {  	s19 =	rddreg [dreg:$0x6]  }
0xb0: {  	[hbm4b:s19+s15] =	stream.linear.scatter [tilespmem:s15], [sflag:$0x1], $0xC800, $0x38;
	[tilespmem:$0x19080] =	vst v63  }
0xb1: {  	s17 =	rddreg [dreg:$0x7]  }
0xb2: {  	[hbm4b:s17+s15] =	stream.linear.scatter [tilespmem:s15], [sflag:$0x1], $0xC800, $0x38;
	[tilespmem:$0x19080] =	vst v63  }
0xb3: {  	s18 =	rddreg [dreg:$0x8]  }
0xb4: {  	[hbm4b:s18+s15] =	stream.linear.scatter [tilespmem:s15], [sflag:$0x1], $0xC800, $0x38;
	[tilespmem:$0x19080] =	vst v63  }
0xb5: {  	s19 =	rddreg [dreg:$0x9]  }
0xb6: {  	[hbm4b:s19+s15] =	stream.linear.scatter [tilespmem:s15], [sflag:$0x1], $0xC800, $0x38;
	[tilespmem:$0x19080] =	vst v63  }
0xb7: {  	s17 =	rddreg [dreg:$0x14]  }
0xb8: {  	[hbm4b:s17+s15] =	stream.linear.scatter [tilespmem:s15], [sflag:$0x1], $0xC800, $0x38;
	[tilespmem:$0x19080] =	vst v63  }
0xb9: {  	_ =	swait.ge [sflag:s11], $0xC800  }
0xba: {  	[sflag:s11] =	ssyncset.done $0x0  }
0xbb: {  	[sflag:s11] =	ssyncadd.s32 $0xFFFF3800  }
0xbc: {  	_ =	swait.ge [sflag:s11], $0xC800  }
0xbd: {  	[sflag:s11] =	ssyncset.done $0x0  }
0xbe: {  	[sflag:s11] =	ssyncadd.s32 $0xFFFF3800  }
0xbf: {  	_ =	swait.ge [sflag:s11], $0xC800  }
0xc0: {  	[sflag:s11] =	ssyncset.done $0x0  }
0xc1: {  	[sflag:s11] =	ssyncadd.s32 $0xFFFF3800  }
0xc2: {  	_ =	swait.ge [sflag:s11], $0xC800  }
0xc3: {  	[sflag:s11] =	ssyncset.done $0x0  }
0xc4: {  	[sflag:s11] =	ssyncadd.s32 $0xFFFF3800  }
0xc5: {  	_ =	swait.ge [sflag:s11], $0xC800  }
0xc6: {  	[sflag:s11] =	ssyncset.done $0x0  }
0xc7: {  	[sflag:s11] =	ssyncadd.s32 $0xFFFF3800  }
0xc8: {  	_ =	swait.ge [sflag:s11], $0xC800  }
0xc9: {  	[sflag:s11] =	ssyncset.done $0x0  }
0xca: {  	[sflag:s11] =	ssyncadd.s32 $0xFFFF3800  }
0xcb: {  	_ =	swait.ge [sflag:s11], $0xC800  }
0xcc: {  	[sflag:s11] =	ssyncset.done $0x0  }
0xcd: {  	[sflag:s11] =	ssyncadd.s32 $0xFFFF3800  }
0xce: {  	_ =	swait.ge [sflag:s11], $0xC800  }
0xcf: {  	[sflag:s11] =	ssyncset.done $0x0  }
0xd0: {  	s18 =	rddreg [dreg:$0xa];
	[sflag:s11] =	ssyncadd.s32 $0xFFFF3800  }
0xd1: {  	[tilespmem:s10], [sflag:$0x3] =	stream.linear.gather [hbm4b:s18+s15], $0x80, $0x38;
	[tilespmem:$0x19080] =	vst v63  }
0xd2: {  	_ =	swait.ge [sflag:s9], $0x80  }
0xd3: {  	[sflag:s9] =	ssyncset.done $0x0  }
0xd4: {  	[sflag:s9] =	ssyncadd.s32 $0xFFFFFF80  }
0xd5: {  	v0 =	vld [tilespmem:$0x19000]  }
0xd6: {  	v1 =	vld [tilespmem:$0x19010]  }
0xd7: {  	v7 =	vld [tilespmem:$0x19070]  }
0xd8: {  	v2 =	vld [tilespmem:$0x19020]  }
0xd9: {  	v3 =	vld [tilespmem:$0x19030]  }
0xda: {  	s19 =	sand.u32 $0xF800, s15;
	s15 =	sand.u32 $0x380, s15;
	v4 =	vld [tilespmem:$0x19040]  }
0xdb: {  	s15 =	sor.u32 s15, s19;
	v5 =	vld [tilespmem:$0x19050]  }
0xdc: {  	v6 =	vld [tilespmem:$0x19060];
	[tilespmem:s15+$0xCC70] =	vst v7  }
0xdd: {  	[tilespmem:s15+$0xCC00] =	vst v0  }
0xde: {  	[tilespmem:s15+$0xCC10] =	vst v1  }
0xdf: {  	[tilespmem:s15+$0xCC20] =	vst v2  }
0xe0: {  	[tilespmem:s15+$0xCC30] =	vst v3  }
0xe1: {  	s16 =	simm.s32 $0x80;
	s17 =	simm.s32 $0x100;
	[tilespmem:s15+$0xCC40] =	vst v4  }
0xe2: {  	s18 =	sand.u32 $0xF800, s17;
	s17 =	simm.s32 $0x200;
	s19 =	sand.u32 $0x380, s16;
	[tilespmem:s15+$0xCC50] =	vst v5  }
.LBB2_8:
0xe3: {  	p1 =	sne.s32 s17, $0xC700;
	[tilespmem:s15+$0xCC60] =	vst v6;
	s15 =	sor.u32 s19, s18  }
0xe4: {  	[tilespmem:s15+$0xCC70] =	vst v7  }
0xe5: {  	[tilespmem:s15+$0xCC00] =	vst v0  }
.Ltmp5:
0xe6: {  	[tilespmem:s15+$0xCC10] =	vst v1;
	(pc) =	sbr.rel @p1 .LBB2_8-.Ltmp5, $4  }
0xe7: {  	[tilespmem:s15+$0xCC20] =	vst v2  }
0xe8: {  	[tilespmem:s15+$0xCC30] =	vst v3  }
0xe9: {  	s16 =	sadd.s32 $0x80, s16;
	[tilespmem:s15+$0xCC40] =	vst v4  }
0xea: {  	s18 =	sand.u32 $0xF800, s17;
	s17 =	sadd.s32 $0x100, s17;
	s19 =	sand.u32 $0x380, s16;
	[tilespmem:s15+$0xCC50] =	vst v5  }
0xeb: {  	s16 =	sor.u32 s19, s18;
	[tilespmem:s15+$0xCC60] =	vst v6  }
0xec: {  	[tilespmem:s16+$0xCC70] =	vst v7  }
0xed: {  	[tilespmem:s16+$0xCC00] =	vst v0  }
0xee: {  	[tilespmem:s16+$0xCC10] =	vst v1  }
0xef: {  	[tilespmem:s16+$0xCC20] =	vst v2  }
0xf0: {  	[tilespmem:s16+$0xCC30] =	vst v3  }
0xf1: {  	[tilespmem:s16+$0xCC40] =	vst v4  }
0xf2: {  	[tilespmem:s16+$0xCC50] =	vst v5  }
0xf3: {  	s15 =	simm.s32 $0x0;
	[tilespmem:s16+$0xCC60] =	vst v6  }
0xf4: {  	[hbm4b:s13+s15] =	stream.linear.scatter [tilespmem:s12], [sflag:$0x2], $0xC800, $0x38;
	[tilespmem:$0x19080] =	vst v63  }
0xf5: {  	s17 =	rddreg [dreg:$0xb]  }
0xf6: {  	[hbm4b:s17+s15] =	stream.linear.scatter [tilespmem:s12], [sflag:$0x2], $0xC800, $0x38;
	[tilespmem:$0x19080] =	vst v63  }
0xf7: {  	s18 =	rddreg [dreg:$0x10]  }
0xf8: {  	[hbm4b:s18+s15] =	stream.linear.scatter [tilespmem:s12], [sflag:$0x2], $0xC800, $0x38;
	[tilespmem:$0x19080] =	vst v63  }
0xf9: {  	s19 =	rddreg [dreg:$0x11]  }
0xfa: {  	[hbm4b:s19+s15] =	stream.linear.scatter [tilespmem:s12], [sflag:$0x2], $0xC800, $0x38;
	[tilespmem:$0x19080] =	vst v63  }
0xfb: {  	s17 =	rddreg [dreg:$0x13]  }
0xfc: {  	[hbm4b:s17+s15] =	stream.linear.scatter [tilespmem:s12], [sflag:$0x2], $0xC800, $0x38;
	[tilespmem:$0x19080] =	vst v63  }
0xfd: {  	s18 =	rddreg [dreg:$0x15]  }
0xfe: {  	[hbm4b:s18+s15] =	stream.linear.scatter [tilespmem:s12], [sflag:$0x2], $0xC800, $0x38;
	[tilespmem:$0x19080] =	vst v63  }
0xff: {  	s19 =	rddreg [dreg:$0x17]  }
0x100: {  	[hbm4b:s19+s15] =	stream.linear.scatter [tilespmem:s12], [sflag:$0x2], $0xC800, $0x38;
	[tilespmem:$0x19080] =	vst v63  }
0x101: {  	s17 =	rddreg [dreg:$0x16]  }
0x102: {  	[hbm4b:s17+s15] =	stream.linear.scatter [tilespmem:s12], [sflag:$0x2], $0xC800, $0x38;
	[tilespmem:$0x19080] =	vst v63  }
0x103: {  	_ =	swait.ge [sflag:s5], $0xC800  }
0x104: {  	[sflag:s5] =	ssyncset.done $0x0  }
0x105: {  	[sflag:s5] =	ssyncadd.s32 $0xFFFF3800  }
0x106: {  	_ =	swait.ge [sflag:s5], $0xC800  }
0x107: {  	[sflag:s5] =	ssyncset.done $0x0  }
0x108: {  	[sflag:s5] =	ssyncadd.s32 $0xFFFF3800  }
0x109: {  	_ =	swait.ge [sflag:s5], $0xC800  }
0x10a: {  	[sflag:s5] =	ssyncset.done $0x0  }
0x10b: {  	[sflag:s5] =	ssyncadd.s32 $0xFFFF3800  }
0x10c: {  	_ =	swait.ge [sflag:s5], $0xC800  }
0x10d: {  	[sflag:s5] =	ssyncset.done $0x0  }
0x10e: {  	[sflag:s5] =	ssyncadd.s32 $0xFFFF3800  }
0x10f: {  	_ =	swait.ge [sflag:s5], $0xC800  }
0x110: {  	[sflag:s5] =	ssyncset.done $0x0  }
0x111: {  	[sflag:s5] =	ssyncadd.s32 $0xFFFF3800  }
0x112: {  	_ =	swait.ge [sflag:s5], $0xC800  }
0x113: {  	[sflag:s5] =	ssyncset.done $0x0  }
0x114: {  	[sflag:s5] =	ssyncadd.s32 $0xFFFF3800  }
0x115: {  	_ =	swait.ge [sflag:s5], $0xC800  }
0x116: {  	[sflag:s5] =	ssyncset.done $0x0  }
0x117: {  	[sflag:s5] =	ssyncadd.s32 $0xFFFF3800  }
0x118: {  	_ =	swait.ge [sflag:s5], $0xC800  }
0x119: {  	[sflag:s5] =	ssyncset.done $0x0  }
0x11a: {  	s18 =	rddreg [dreg:$0xc];
	[sflag:s5] =	ssyncadd.s32 $0xFFFF3800  }
0x11b: {  	[tilespmem:s10], [sflag:$0x3] =	stream.linear.gather [hbm4b:s18+s15], $0x80, $0x38;
	[tilespmem:$0x19080] =	vst v63  }
0x11c: {  	_ =	swait.ge [sflag:s9], $0x80  }
0x11d: {  	[sflag:s9] =	ssyncset.done $0x0  }
0x11e: {  	[sflag:s9] =	ssyncadd.s32 $0xFFFFFF80  }
0x11f: {  	v0 =	vld [tilespmem:$0x19000]  }
0x120: {  	v1 =	vld [tilespmem:$0x19010]  }
0x121: {  	v7 =	vld [tilespmem:$0x19070]  }
0x122: {  	v2 =	vld [tilespmem:$0x19020]  }
0x123: {  	v3 =	vld [tilespmem:$0x19030]  }
0x124: {  	s19 =	sand.u32 $0xF800, s15;
	s15 =	sand.u32 $0x380, s15;
	v4 =	vld [tilespmem:$0x19040]  }
0x125: {  	s15 =	sor.u32 s15, s19;
	v5 =	vld [tilespmem:$0x19050]  }
0x126: {  	v6 =	vld [tilespmem:$0x19060];
	[tilespmem:s15+$0x470] =	vst v7  }
0x127: {  	[tilespmem:s15+$0x400] =	vst v0  }
0x128: {  	[tilespmem:s15+$0x410] =	vst v1  }
0x129: {  	[tilespmem:s15+$0x420] =	vst v2  }
0x12a: {  	[tilespmem:s15+$0x430] =	vst v3  }
0x12b: {  	s16 =	simm.s32 $0x80;
	s17 =	simm.s32 $0x100;
	[tilespmem:s15+$0x440] =	vst v4  }
0x12c: {  	s18 =	sand.u32 $0xF800, s17;
	s17 =	simm.s32 $0x200;
	s19 =	sand.u32 $0x380, s16;
	[tilespmem:s15+$0x450] =	vst v5  }
.LBB2_10:
0x12d: {  	p1 =	sne.s32 s17, $0xC700;
	[tilespmem:s15+$0x460] =	vst v6;
	s15 =	sor.u32 s19, s18  }
0x12e: {  	[tilespmem:s15+$0x470] =	vst v7  }
0x12f: {  	[tilespmem:s15+$0x400] =	vst v0  }
.Ltmp6:
0x130: {  	[tilespmem:s15+$0x410] =	vst v1;
	(pc) =	sbr.rel @p1 .LBB2_10-.Ltmp6, $4  }
0x131: {  	[tilespmem:s15+$0x420] =	vst v2  }
0x132: {  	[tilespmem:s15+$0x430] =	vst v3  }
0x133: {  	s16 =	sadd.s32 $0x80, s16;
	[tilespmem:s15+$0x440] =	vst v4  }
0x134: {  	s18 =	sand.u32 $0xF800, s17;
	s17 =	sadd.s32 $0x100, s17;
	s19 =	sand.u32 $0x380, s16;
	[tilespmem:s15+$0x450] =	vst v5  }
0x135: {  	s16 =	sor.u32 s19, s18;
	[tilespmem:s15+$0x460] =	vst v6  }
0x136: {  	[tilespmem:s16+$0x470] =	vst v7  }
0x137: {  	[tilespmem:s16+$0x400] =	vst v0  }
0x138: {  	[tilespmem:s16+$0x410] =	vst v1  }
0x139: {  	[tilespmem:s16+$0x420] =	vst v2  }
0x13a: {  	[tilespmem:s16+$0x430] =	vst v3  }
0x13b: {  	[tilespmem:s16+$0x440] =	vst v4  }
0x13c: {  	[tilespmem:s16+$0x450] =	vst v5  }
0x13d: {  	s15 =	simm.s32 $0x0;
	[tilespmem:s16+$0x460] =	vst v6  }
0x13e: {  	[hbm4b:s20+s15] =	stream.linear.scatter [tilespmem:s15], [sflag:$0x1], $0xC800, $0x38;
	[tilespmem:$0x19080] =	vst v63  }
0x13f: {  	s17 =	rddreg [dreg:$0x18]  }
0x140: {  	[hbm4b:s17+s15] =	stream.linear.scatter [tilespmem:s15], [sflag:$0x1], $0xC800, $0x38;
	[tilespmem:$0x19080] =	vst v63  }
0x141: {  	s18 =	rddreg [dreg:$0x19]  }
0x142: {  	[hbm4b:s18+s15] =	stream.linear.scatter [tilespmem:s15], [sflag:$0x1], $0xC800, $0x38;
	[tilespmem:$0x19080] =	vst v63  }
0x143: {  	s19 =	rddreg [dreg:$0x1d]  }
0x144: {  	[hbm4b:s19+s15] =	stream.linear.scatter [tilespmem:s15], [sflag:$0x1], $0xC800, $0x38;
	[tilespmem:$0x19080] =	vst v63  }
0x145: {  	s17 =	rddreg [dreg:$0x1a]  }
0x146: {  	[hbm4b:s17+s15] =	stream.linear.scatter [tilespmem:s15], [sflag:$0x1], $0xC800, $0x38;
	[tilespmem:$0x19080] =	vst v63  }
0x147: {  	s18 =	rddreg [dreg:$0x1b]  }
0x148: {  	[hbm4b:s18+s15] =	stream.linear.scatter [tilespmem:s15], [sflag:$0x1], $0xC800, $0x38;
	[tilespmem:$0x19080] =	vst v63  }
0x149: {  	s19 =	rddreg [dreg:$0x1c]  }
0x14a: {  	[hbm4b:s19+s15] =	stream.linear.scatter [tilespmem:s15], [sflag:$0x1], $0xC800, $0x38;
	[tilespmem:$0x19080] =	vst v63  }
0x14b: {  	s17 =	rddreg [dreg:$0x1e]  }
0x14c: {  	[hbm4b:s17+s15] =	stream.linear.scatter [tilespmem:s15], [sflag:$0x1], $0xC800, $0x38;
	[tilespmem:$0x19080] =	vst v63  }
0x14d: {  	_ =	swait.ge [sflag:s11], $0xC800  }
0x14e: {  	[sflag:s11] =	ssyncset.done $0x0  }
0x14f: {  	[sflag:s11] =	ssyncadd.s32 $0xFFFF3800  }
0x150: {  	_ =	swait.ge [sflag:s11], $0xC800  }
0x151: {  	[sflag:s11] =	ssyncset.done $0x0  }
0x152: {  	[sflag:s11] =	ssyncadd.s32 $0xFFFF3800  }
0x153: {  	_ =	swait.ge [sflag:s11], $0xC800  }
0x154: {  	[sflag:s11] =	ssyncset.done $0x0  }
0x155: {  	[sflag:s11] =	ssyncadd.s32 $0xFFFF3800  }
0x156: {  	_ =	swait.ge [sflag:s11], $0xC800  }
0x157: {  	[sflag:s11] =	ssyncset.done $0x0  }
0x158: {  	[sflag:s11] =	ssyncadd.s32 $0xFFFF3800  }
0x159: {  	_ =	swait.ge [sflag:s11], $0xC800  }
0x15a: {  	[sflag:s11] =	ssyncset.done $0x0  }
0x15b: {  	[sflag:s11] =	ssyncadd.s32 $0xFFFF3800  }
0x15c: {  	_ =	swait.ge [sflag:s11], $0xC800  }
0x15d: {  	[sflag:s11] =	ssyncset.done $0x0  }
0x15e: {  	[sflag:s11] =	ssyncadd.s32 $0xFFFF3800  }
0x15f: {  	_ =	swait.ge [sflag:s11], $0xC800  }
0x160: {  	[sflag:s11] =	ssyncset.done $0x0  }
0x161: {  	[sflag:s11] =	ssyncadd.s32 $0xFFFF3800  }
0x162: {  	_ =	swait.ge [sflag:s11], $0xC800  }
0x163: {  	[sflag:s11] =	ssyncset.done $0x0  }
0x164: {  	s18 =	rddreg [dreg:$0xd];
	[sflag:s11] =	ssyncadd.s32 $0xFFFF3800  }
0x165: {  	[tilespmem:s10], [sflag:$0x3] =	stream.linear.gather [hbm4b:s18+s15], $0x80, $0x38;
	[tilespmem:$0x19080] =	vst v63  }
0x166: {  	_ =	swait.ge [sflag:s9], $0x80  }
0x167: {  	[sflag:s9] =	ssyncset.done $0x0  }
0x168: {  	[sflag:s9] =	ssyncadd.s32 $0xFFFFFF80  }
0x169: {  	v0 =	vld [tilespmem:$0x19000]  }
0x16a: {  	v1 =	vld [tilespmem:$0x19010]  }
0x16b: {  	v7 =	vld [tilespmem:$0x19070]  }
0x16c: {  	v2 =	vld [tilespmem:$0x19020]  }
0x16d: {  	v3 =	vld [tilespmem:$0x19030]  }
0x16e: {  	s19 =	sand.u32 $0xF800, s15;
	s15 =	sand.u32 $0x380, s15;
	v4 =	vld [tilespmem:$0x19040]  }
0x16f: {  	s15 =	sor.u32 s15, s19;
	v5 =	vld [tilespmem:$0x19050]  }
0x170: {  	v6 =	vld [tilespmem:$0x19060];
	[tilespmem:s15+$0xCC70] =	vst v7  }
0x171: {  	[tilespmem:s15+$0xCC00] =	vst v0  }
0x172: {  	[tilespmem:s15+$0xCC10] =	vst v1  }
0x173: {  	[tilespmem:s15+$0xCC20] =	vst v2  }
0x174: {  	[tilespmem:s15+$0xCC30] =	vst v3  }
0x175: {  	s16 =	simm.s32 $0x80;
	s17 =	simm.s32 $0x100;
	[tilespmem:s15+$0xCC40] =	vst v4  }
0x176: {  	s18 =	sand.u32 $0xF800, s17;
	s17 =	simm.s32 $0x200;
	s19 =	sand.u32 $0x380, s16;
	[tilespmem:s15+$0xCC50] =	vst v5  }
.LBB2_12:
0x177: {  	p1 =	sne.s32 s17, $0xC700;
	[tilespmem:s15+$0xCC60] =	vst v6;
	s15 =	sor.u32 s19, s18  }
0x178: {  	[tilespmem:s15+$0xCC70] =	vst v7  }
0x179: {  	[tilespmem:s15+$0xCC00] =	vst v0  }
.Ltmp7:
0x17a: {  	[tilespmem:s15+$0xCC10] =	vst v1;
	(pc) =	sbr.rel @p1 .LBB2_12-.Ltmp7, $4  }
0x17b: {  	[tilespmem:s15+$0xCC20] =	vst v2  }
0x17c: {  	[tilespmem:s15+$0xCC30] =	vst v3  }
0x17d: {  	s16 =	sadd.s32 $0x80, s16;
	[tilespmem:s15+$0xCC40] =	vst v4  }
0x17e: {  	s18 =	sand.u32 $0xF800, s17;
	s17 =	sadd.s32 $0x100, s17;
	s19 =	sand.u32 $0x380, s16;
	[tilespmem:s15+$0xCC50] =	vst v5  }
0x17f: {  	s16 =	sor.u32 s19, s18;
	[tilespmem:s15+$0xCC60] =	vst v6  }
0x180: {  	[tilespmem:s16+$0xCC70] =	vst v7  }
0x181: {  	[tilespmem:s16+$0xCC00] =	vst v0  }
0x182: {  	[tilespmem:s16+$0xCC10] =	vst v1  }
0x183: {  	[tilespmem:s16+$0xCC20] =	vst v2  }
0x184: {  	[tilespmem:s16+$0xCC30] =	vst v3  }
0x185: {  	[tilespmem:s16+$0xCC40] =	vst v4  }
0x186: {  	[tilespmem:s16+$0xCC50] =	vst v5  }
0x187: {  	s15 =	simm.s32 $0x0;
	s17 =	sld [smem:$0x7EF];
	[tilespmem:s16+$0xCC60] =	vst v6  }
0x188: {  	[hbm4b:s21+s15] =	stream.linear.scatter [tilespmem:s12], [sflag:$0x2], $0xC800, $0x38;
	[tilespmem:$0x19080] =	vst v63  }
0x189: {  	s18 =	sld [smem:$0x7EC]  }
0x18a: {  	[hbm4b:s17+s15] =	stream.linear.scatter [tilespmem:s12], [sflag:$0x2], $0xC800, $0x38;
	[tilespmem:$0x19080] =	vst v63  }
0x18b: {  	s19 =	rddreg [dreg:$0x1f]  }
0x18c: {  	[hbm4b:s18+s15] =	stream.linear.scatter [tilespmem:s12], [sflag:$0x2], $0xC800, $0x38;
	[tilespmem:$0x19080] =	vst v63  }
0x18d: {  	s17 =	sld [smem:$0x7ED]  }
0x18e: {  	[hbm4b:s19+s15] =	stream.linear.scatter [tilespmem:s12], [sflag:$0x2], $0xC800, $0x38;
	[tilespmem:$0x19080] =	vst v63  }
0x18f: {  	s18 =	sld [smem:$0x7EE]  }
0x190: {  	[hbm4b:s17+s15] =	stream.linear.scatter [tilespmem:s12], [sflag:$0x2], $0xC800, $0x38;
	[tilespmem:$0x19080] =	vst v63  }
0x191: {  	s19 =	sld [smem:$0x7F2]  }
0x192: {  	[hbm4b:s18+s15] =	stream.linear.scatter [tilespmem:s12], [sflag:$0x2], $0xC800, $0x38;
	[tilespmem:$0x19080] =	vst v63  }
0x193: {  	s17 =	sld [smem:$0x7F0]  }
0x194: {  	[hbm4b:s19+s15] =	stream.linear.scatter [tilespmem:s12], [sflag:$0x2], $0xC800, $0x38;
	[tilespmem:$0x19080] =	vst v63  }
0x195: {  	_ = 	snop  }
0x196: {  	[hbm4b:s17+s15] =	stream.linear.scatter [tilespmem:s12], [sflag:$0x2], $0xC800, $0x38;
	[tilespmem:$0x19080] =	vst v63  }
0x197: {  	_ =	swait.ge [sflag:s5], $0xC800  }
0x198: {  	[sflag:s5] =	ssyncset.done $0x0  }
0x199: {  	[sflag:s5] =	ssyncadd.s32 $0xFFFF3800  }
0x19a: {  	_ =	swait.ge [sflag:s5], $0xC800  }
0x19b: {  	[sflag:s5] =	ssyncset.done $0x0  }
0x19c: {  	[sflag:s5] =	ssyncadd.s32 $0xFFFF3800  }
0x19d: {  	_ =	swait.ge [sflag:s5], $0xC800  }
0x19e: {  	[sflag:s5] =	ssyncset.done $0x0  }
0x19f: {  	[sflag:s5] =	ssyncadd.s32 $0xFFFF3800  }
0x1a0: {  	_ =	swait.ge [sflag:s5], $0xC800  }
0x1a1: {  	[sflag:s5] =	ssyncset.done $0x0  }
0x1a2: {  	[sflag:s5] =	ssyncadd.s32 $0xFFFF3800  }
0x1a3: {  	_ =	swait.ge [sflag:s5], $0xC800  }
0x1a4: {  	[sflag:s5] =	ssyncset.done $0x0  }
0x1a5: {  	[sflag:s5] =	ssyncadd.s32 $0xFFFF3800  }
0x1a6: {  	_ =	swait.ge [sflag:s5], $0xC800  }
0x1a7: {  	[sflag:s5] =	ssyncset.done $0x0  }
0x1a8: {  	[sflag:s5] =	ssyncadd.s32 $0xFFFF3800  }
0x1a9: {  	_ =	swait.ge [sflag:s5], $0xC800  }
0x1aa: {  	[sflag:s5] =	ssyncset.done $0x0  }
0x1ab: {  	[sflag:s5] =	ssyncadd.s32 $0xFFFF3800  }
0x1ac: {  	_ =	swait.ge [sflag:s5], $0xC800  }
0x1ad: {  	[sflag:s5] =	ssyncset.done $0x0  }
0x1ae: {  	s18 =	rddreg [dreg:$0xe];
	[sflag:s5] =	ssyncadd.s32 $0xFFFF3800  }
0x1af: {  	[tilespmem:s10], [sflag:$0x3] =	stream.linear.gather [hbm4b:s18+s15], $0x80, $0x38;
	[tilespmem:$0x19080] =	vst v63  }
0x1b0: {  	_ =	swait.ge [sflag:s9], $0x80  }
0x1b1: {  	[sflag:s9] =	ssyncset.done $0x0  }
0x1b2: {  	[sflag:s9] =	ssyncadd.s32 $0xFFFFFF80  }
0x1b3: {  	v0 =	vld [tilespmem:$0x19000]  }
0x1b4: {  	v1 =	vld [tilespmem:$0x19010]  }
0x1b5: {  	v7 =	vld [tilespmem:$0x19070]  }
0x1b6: {  	v2 =	vld [tilespmem:$0x19020]  }
0x1b7: {  	v3 =	vld [tilespmem:$0x19030]  }
0x1b8: {  	s19 =	sand.u32 $0xF800, s15;
	s15 =	sand.u32 $0x380, s15;
	v4 =	vld [tilespmem:$0x19040]  }
0x1b9: {  	s15 =	sor.u32 s15, s19;
	v5 =	vld [tilespmem:$0x19050]  }
0x1ba: {  	v6 =	vld [tilespmem:$0x19060];
	[tilespmem:s15+$0x470] =	vst v7  }
0x1bb: {  	[tilespmem:s15+$0x400] =	vst v0  }
0x1bc: {  	[tilespmem:s15+$0x410] =	vst v1  }
0x1bd: {  	[tilespmem:s15+$0x420] =	vst v2  }
0x1be: {  	[tilespmem:s15+$0x430] =	vst v3  }
0x1bf: {  	s16 =	simm.s32 $0x80;
	s17 =	simm.s32 $0x100;
	[tilespmem:s15+$0x440] =	vst v4  }
0x1c0: {  	s18 =	sand.u32 $0xF800, s17;
	s17 =	simm.s32 $0x200;
	s19 =	sand.u32 $0x380, s16;
	[tilespmem:s15+$0x450] =	vst v5  }
.LBB2_14:
0x1c1: {  	p1 =	sne.s32 s17, $0xC700;
	[tilespmem:s15+$0x460] =	vst v6;
	s15 =	sor.u32 s19, s18  }
0x1c2: {  	[tilespmem:s15+$0x470] =	vst v7  }
0x1c3: {  	[tilespmem:s15+$0x400] =	vst v0  }
.Ltmp8:
0x1c4: {  	[tilespmem:s15+$0x410] =	vst v1;
	(pc) =	sbr.rel @p1 .LBB2_14-.Ltmp8, $4  }
0x1c5: {  	[tilespmem:s15+$0x420] =	vst v2  }
0x1c6: {  	[tilespmem:s15+$0x430] =	vst v3  }
0x1c7: {  	s16 =	sadd.s32 $0x80, s16;
	[tilespmem:s15+$0x440] =	vst v4  }
0x1c8: {  	s18 =	sand.u32 $0xF800, s17;
	s17 =	sadd.s32 $0x100, s17;
	s19 =	sand.u32 $0x380, s16;
	[tilespmem:s15+$0x450] =	vst v5  }
0x1c9: {  	s16 =	sor.u32 s19, s18;
	[tilespmem:s15+$0x460] =	vst v6  }
0x1ca: {  	[tilespmem:s16+$0x470] =	vst v7  }
0x1cb: {  	[tilespmem:s16+$0x400] =	vst v0  }
0x1cc: {  	[tilespmem:s16+$0x410] =	vst v1  }
0x1cd: {  	[tilespmem:s16+$0x420] =	vst v2  }
0x1ce: {  	[tilespmem:s16+$0x430] =	vst v3  }
0x1cf: {  	[tilespmem:s16+$0x440] =	vst v4  }
0x1d0: {  	[tilespmem:s16+$0x450] =	vst v5  }
0x1d1: {  	s15 =	simm.s32 $0x0;
	s18 =	sld [smem:$0x7F1];
	[tilespmem:s16+$0x460] =	vst v6  }
0x1d2: {  	[hbm4b:s22+s15] =	stream.linear.scatter [tilespmem:s15], [sflag:$0x1], $0xC800, $0x38;
	[tilespmem:$0x19080] =	vst v63  }
0x1d3: {  	s19 =	sld [smem:$0x7F3]  }
0x1d4: {  	[hbm4b:s18+s15] =	stream.linear.scatter [tilespmem:s15], [sflag:$0x1], $0xC800, $0x38;
	[tilespmem:$0x19080] =	vst v63  }
0x1d5: {  	_ = 	snop  }
0x1d6: {  	[hbm4b:s19+s15] =	stream.linear.scatter [tilespmem:s15], [sflag:$0x1], $0xC800, $0x38;
	[tilespmem:$0x19080] =	vst v63  }
0x1d7: {  	_ = 	snop  }
0x1d8: {  	[hbm4b:s29+s15] =	stream.linear.scatter [tilespmem:s15], [sflag:$0x1], $0xC800, $0x38;
	[tilespmem:$0x19080] =	vst v63  }
0x1d9: {  	s17 =	sld [smem:$0x7F4]  }
0x1da: {  	[hbm4b:s25+s15] =	stream.linear.scatter [tilespmem:s15], [sflag:$0x1], $0xC800, $0x38;
	[tilespmem:$0x19080] =	vst v63  }
0x1db: {  	_ = 	snop  }
0x1dc: {  	[hbm4b:s17+s15] =	stream.linear.scatter [tilespmem:s15], [sflag:$0x1], $0xC800, $0x38;
	[tilespmem:$0x19080] =	vst v63  }
0x1dd: {  	_ = 	snop  }
0x1de: {  	[hbm4b:s26+s15] =	stream.linear.scatter [tilespmem:s15], [sflag:$0x1], $0xC800, $0x38;
	[tilespmem:$0x19080] =	vst v63  }
0x1df: {  	_ = 	snop  }
0x1e0: {  	[hbm4b:s28+s15] =	stream.linear.scatter [tilespmem:s15], [sflag:$0x1], $0xC800, $0x38;
	[tilespmem:$0x19080] =	vst v63  }
0x1e1: {  	_ =	swait.ge [sflag:s11], $0xC800  }
0x1e2: {  	[sflag:s11] =	ssyncset.done $0x0  }
0x1e3: {  	[sflag:s11] =	ssyncadd.s32 $0xFFFF3800  }
0x1e4: {  	_ =	swait.ge [sflag:s11], $0xC800  }
0x1e5: {  	[sflag:s11] =	ssyncset.done $0x0  }
0x1e6: {  	[sflag:s11] =	ssyncadd.s32 $0xFFFF3800  }
0x1e7: {  	_ =	swait.ge [sflag:s11], $0xC800  }
0x1e8: {  	[sflag:s11] =	ssyncset.done $0x0  }
0x1e9: {  	[sflag:s11] =	ssyncadd.s32 $0xFFFF3800  }
0x1ea: {  	_ =	swait.ge [sflag:s11], $0xC800  }
0x1eb: {  	[sflag:s11] =	ssyncset.done $0x0  }
0x1ec: {  	[sflag:s11] =	ssyncadd.s32 $0xFFFF3800  }
0x1ed: {  	_ =	swait.ge [sflag:s11], $0xC800  }
0x1ee: {  	[sflag:s11] =	ssyncset.done $0x0  }
0x1ef: {  	[sflag:s11] =	ssyncadd.s32 $0xFFFF3800  }
0x1f0: {  	_ =	swait.ge [sflag:s11], $0xC800  }
0x1f1: {  	[sflag:s11] =	ssyncset.done $0x0  }
0x1f2: {  	[sflag:s11] =	ssyncadd.s32 $0xFFFF3800  }
0x1f3: {  	_ =	swait.ge [sflag:s11], $0xC800  }
0x1f4: {  	[sflag:s11] =	ssyncset.done $0x0  }
0x1f5: {  	[sflag:s11] =	ssyncadd.s32 $0xFFFF3800  }
0x1f6: {  	_ =	swait.ge [sflag:s11], $0xC800  }
0x1f7: {  	[sflag:s11] =	ssyncset.done $0x0  }
0x1f8: {  	s18 =	rddreg [dreg:$0xf];
	[sflag:s11] =	ssyncadd.s32 $0xFFFF3800  }
0x1f9: {  	[tilespmem:s10], [sflag:$0x3] =	stream.linear.gather [hbm4b:s18+s15], $0x80, $0x38;
	[tilespmem:$0x19080] =	vst v63  }
0x1fa: {  	_ =	swait.ge [sflag:s9], $0x80  }
0x1fb: {  	[sflag:s9] =	ssyncset.done $0x0  }
0x1fc: {  	[sflag:s9] =	ssyncadd.s32 $0xFFFFFF80  }
0x1fd: {  	v0 =	vld [tilespmem:$0x19000]  }
0x1fe: {  	v1 =	vld [tilespmem:$0x19010]  }
0x1ff: {  	v7 =	vld [tilespmem:$0x19070]  }
0x200: {  	v2 =	vld [tilespmem:$0x19020]  }
0x201: {  	v3 =	vld [tilespmem:$0x19030]  }
0x202: {  	s19 =	sand.u32 $0xF800, s15;
	s15 =	sand.u32 $0x380, s15;
	v4 =	vld [tilespmem:$0x19040]  }
0x203: {  	s15 =	sor.u32 s15, s19;
	v5 =	vld [tilespmem:$0x19050]  }
0x204: {  	v6 =	vld [tilespmem:$0x19060];
	[tilespmem:s15+$0xCC70] =	vst v7  }
0x205: {  	[tilespmem:s15+$0xCC00] =	vst v0  }
0x206: {  	[tilespmem:s15+$0xCC10] =	vst v1  }
0x207: {  	[tilespmem:s15+$0xCC20] =	vst v2  }
0x208: {  	[tilespmem:s15+$0xCC30] =	vst v3  }
0x209: {  	s16 =	simm.s32 $0x80;
	s17 =	simm.s32 $0x100;
	[tilespmem:s15+$0xCC40] =	vst v4  }
0x20a: {  	s18 =	sand.u32 $0xF800, s17;
	s17 =	simm.s32 $0x200;
	s19 =	sand.u32 $0x380, s16;
	[tilespmem:s15+$0xCC50] =	vst v5  }
.LBB2_16:
0x20b: {  	p1 =	sne.s32 s17, $0xC700;
	[tilespmem:s15+$0xCC60] =	vst v6;
	s15 =	sor.u32 s19, s18  }
0x20c: {  	[tilespmem:s15+$0xCC70] =	vst v7  }
0x20d: {  	[tilespmem:s15+$0xCC00] =	vst v0  }
.Ltmp9:
0x20e: {  	[tilespmem:s15+$0xCC10] =	vst v1;
	(pc) =	sbr.rel @p1 .LBB2_16-.Ltmp9, $4  }
0x20f: {  	[tilespmem:s15+$0xCC20] =	vst v2  }
0x210: {  	[tilespmem:s15+$0xCC30] =	vst v3  }
0x211: {  	s16 =	sadd.s32 $0x80, s16;
	[tilespmem:s15+$0xCC40] =	vst v4  }
0x212: {  	s18 =	sand.u32 $0xF800, s17;
	s17 =	sadd.s32 $0x100, s17;
	s19 =	sand.u32 $0x380, s16;
	[tilespmem:s15+$0xCC50] =	vst v5  }
0x213: {  	s16 =	sor.u32 s19, s18;
	[tilespmem:s15+$0xCC60] =	vst v6  }
0x214: {  	[tilespmem:s16+$0xCC70] =	vst v7  }
0x215: {  	[tilespmem:s16+$0xCC00] =	vst v0  }
0x216: {  	[tilespmem:s16+$0xCC10] =	vst v1  }
0x217: {  	[tilespmem:s16+$0xCC20] =	vst v2  }
0x218: {  	[tilespmem:s16+$0xCC30] =	vst v3  }
0x219: {  	[tilespmem:s16+$0xCC40] =	vst v4  }
0x21a: {  	[tilespmem:s16+$0xCC50] =	vst v5  }
0x21b: {  	[tilespmem:s16+$0xCC60] =	vst v6  }
0x21c: {  	[hbm4b:s23+s3] =	stream.linear.scatter [tilespmem:s12], [sflag:$0x2], $0xC800, $0x38;
	[tilespmem:$0x19080] =	vst v63  }
0x21d: {  	_ = 	snop  }
0x21e: {  	[hbm4b:s30+s3] =	stream.linear.scatter [tilespmem:s12], [sflag:$0x2], $0xC800, $0x38;
	[tilespmem:$0x19080] =	vst v63  }
0x21f: {  	_ = 	snop  }
0x220: {  	[hbm4b:s1+s3] =	stream.linear.scatter [tilespmem:s12], [sflag:$0x2], $0xC800, $0x38;
	[tilespmem:$0x19080] =	vst v63  }
0x221: {  	_ = 	snop  }
0x222: {  	[hbm4b:s31+s3] =	stream.linear.scatter [tilespmem:s12], [sflag:$0x2], $0xC800, $0x38;
	[tilespmem:$0x19080] =	vst v63  }
0x223: {  	_ = 	snop  }
0x224: {  	[hbm4b:s0+s3] =	stream.linear.scatter [tilespmem:s12], [sflag:$0x2], $0xC800, $0x38;
	[tilespmem:$0x19080] =	vst v63  }
0x225: {  	_ = 	snop  }
0x226: {  	[hbm4b:s6+s3] =	stream.linear.scatter [tilespmem:s12], [sflag:$0x2], $0xC800, $0x38;
	[tilespmem:$0x19080] =	vst v63  }
0x227: {  	_ = 	snop  }
0x228: {  	[hbm4b:s7+s3] =	stream.linear.scatter [tilespmem:s12], [sflag:$0x2], $0xC800, $0x38;
	[tilespmem:$0x19080] =	vst v63  }
0x229: {  	_ = 	snop  }
0x22a: {  	[hbm4b:s8+s3] =	stream.linear.scatter [tilespmem:s12], [sflag:$0x2], $0xC800, $0x38;
	[tilespmem:$0x19080] =	vst v63  }
0x22b: {  	_ =	swait.ge [sflag:s5], $0xC800  }
0x22c: {  	[sflag:s5] =	ssyncset.done $0x0  }
0x22d: {  	[sflag:s5] =	ssyncadd.s32 $0xFFFF3800  }
0x22e: {  	_ =	swait.ge [sflag:s5], $0xC800  }
0x22f: {  	[sflag:s5] =	ssyncset.done $0x0  }
0x230: {  	[sflag:s5] =	ssyncadd.s32 $0xFFFF3800  }
0x231: {  	_ =	swait.ge [sflag:s5], $0xC800  }
0x232: {  	[sflag:s5] =	ssyncset.done $0x0  }
0x233: {  	[sflag:s5] =	ssyncadd.s32 $0xFFFF3800  }
0x234: {  	_ =	swait.ge [sflag:s5], $0xC800  }
0x235: {  	[sflag:s5] =	ssyncset.done $0x0  }
0x236: {  	[sflag:s5] =	ssyncadd.s32 $0xFFFF3800  }
0x237: {  	_ =	swait.ge [sflag:s5], $0xC800  }
0x238: {  	[sflag:s5] =	ssyncset.done $0x0  }
0x239: {  	[sflag:s5] =	ssyncadd.s32 $0xFFFF3800  }
0x23a: {  	_ =	swait.ge [sflag:s5], $0xC800  }
0x23b: {  	[sflag:s5] =	ssyncset.done $0x0  }
0x23c: {  	[sflag:s5] =	ssyncadd.s32 $0xFFFF3800  }
0x23d: {  	_ =	swait.ge [sflag:s5], $0xC800  }
.Ltmp10:
0x23e: {  	[sflag:s5] =	ssyncset.done $0x0;
	(pc) =	sbr.rel @p0 .LBB2_21-.Ltmp10, $4  }
0x23f: {  	[sflag:s5] =	ssyncadd.s32 $0xFFFF3800  }
0x240: {  	_ =	swait.ge [sflag:s5], $0xC800  }
0x241: {  	[sflag:s5] =	ssyncset.done $0x0  }
0x242: {  	[sflag:s5] =	ssyncadd.s32 $0xFFFF3800  }
0x243: {  	s16 =	sld [smem:$0x7F5];
	_ =	sdelay $0x1  }
0x244: {  	s15 =	simm.s32 $0x0  }
0x245: {  	[tilespmem:s10], [sflag:$0x3] =	stream.linear.gather [hbm4b:s16+s15], $0x80, $0x38;
	[tilespmem:$0x19080] =	vst v63  }
0x246: {  	_ =	swait.ge [sflag:s9], $0x80  }
0x247: {  	[sflag:s9] =	ssyncset.done $0x0  }
0x248: {  	[sflag:s9] =	ssyncadd.s32 $0xFFFFFF80  }
0x249: {  	v0 =	vld [tilespmem:$0x19000]  }
0x24a: {  	v1 =	vld [tilespmem:$0x19010]  }
0x24b: {  	v7 =	vld [tilespmem:$0x19070]  }
0x24c: {  	v2 =	vld [tilespmem:$0x19020]  }
0x24d: {  	v3 =	vld [tilespmem:$0x19030]  }
0x24e: {  	s19 =	sand.u32 $0xF800, s15;
	s15 =	sand.u32 $0x380, s15;
	v4 =	vld [tilespmem:$0x19040]  }
0x24f: {  	s15 =	sor.u32 s15, s19;
	v5 =	vld [tilespmem:$0x19050]  }
0x250: {  	v6 =	vld [tilespmem:$0x19060];
	[tilespmem:s15+$0x470] =	vst v7  }
0x251: {  	[tilespmem:s15+$0x400] =	vst v0  }
0x252: {  	[tilespmem:s15+$0x410] =	vst v1  }
0x253: {  	[tilespmem:s15+$0x420] =	vst v2  }
0x254: {  	[tilespmem:s15+$0x430] =	vst v3  }
0x255: {  	s17 =	simm.s32 $0x100;
	s16 =	simm.s32 $0x80;
	[tilespmem:s15+$0x440] =	vst v4  }
0x256: {  	s18 =	sand.u32 $0xF800, s17;
	s17 =	simm.s32 $0x200;
	s19 =	sand.u32 $0x380, s16;
	[tilespmem:s15+$0x450] =	vst v5  }
.LBB2_19:
0x257: {  	p1 =	sne.s32 s17, $0xC700;
	[tilespmem:s15+$0x460] =	vst v6;
	s15 =	sor.u32 s19, s18  }
0x258: {  	[tilespmem:s15+$0x470] =	vst v7  }
0x259: {  	[tilespmem:s15+$0x400] =	vst v0  }
.Ltmp11:
0x25a: {  	[tilespmem:s15+$0x410] =	vst v1;
	(pc) =	sbr.rel @p1 .LBB2_19-.Ltmp11, $4  }
0x25b: {  	[tilespmem:s15+$0x420] =	vst v2  }
0x25c: {  	[tilespmem:s15+$0x430] =	vst v3  }
0x25d: {  	s16 =	sadd.s32 $0x80, s16;
	[tilespmem:s15+$0x440] =	vst v4  }
0x25e: {  	s18 =	sand.u32 $0xF800, s17;
	s17 =	sadd.s32 $0x100, s17;
	s19 =	sand.u32 $0x380, s16;
	[tilespmem:s15+$0x450] =	vst v5  }
.Ltmp12:
0x25f: {  	_ = 	snop;
	(pc) =	sbr.rel .LBB2_20-.Ltmp12, $1  }
0x260: {  	_ =	sdelay $0x3  }
.LBB2_22:
0x261: {  	_ =	sfence.sel $0x180000  }
0x262: {  	[bflag:$0x0] =	sbarrier.arrive $0xFFFF  }
0x263: {  	_ =	strace $0x90000047  }
0x264: {  	s0 =	stileid.u32;
	[bflag:$0x2] =	sbarrier.arrive $0xFFFF  }
0x265: {  	p0 =	sne.s32 s0, $0x0;
	s0 =	rddreg [dreg:$0x3]  }
0x266: {  	s0 =	sadd.s32 @!p0 $0x100000, s0  }
0x267: {  	[sflag:s0] =	ssyncadd.tile.s32 @!p0 $0x1;
	_ =	shalt  }
.Lfunc_end2:
_tile_overlayer_lowered:
.L_overlay_start_2:
0x268: {  	(tag) =	ssettag $0x2  }
0x269: {  	s0 =	rddreg [dreg:$0x0];
	s2 =	stileid.u32  }
0x26a: {  	s1 =	rddreg [dreg:$0x1];
	p0 =	sne.s32 s2, $0x0  }
0x26b: {  	s3 =	rddreg [dreg:$0x2];
	[bflag:$0x3] =	sbarrier.arrive $0xFFFF;
	s2 =	simm.s32 @!p0 $0x1C03  }
0x26c: {  	[timem:s3], [sflag:s2] =	dma.local @!p0 [hbm:s0], s1  }
0x26d: {  	s0 =	simm.s32 @!p0 $0x3  }
0x26e: {  	_ =	swait.ge @!p0 [sflag:s0], s1  }
0x26f: {  	s1 =	ssub.s32 @!p0 $0x0, s1;
	[sflag:s0] =	ssyncset.done @!p0 $0x0  }
0x270: {  	[sflag:s0] =	ssyncadd.s32 @!p0 s1  }
0x271: {  	[bflag:$0x3] =	sbarrier.arrive $0xFFFF  }
0x272: {  	_ =	shalt  }

</sc_bundles>
